<compile_context>
chip_gen: v7x
topology: tpu7x:2x2x1
jax: 0.10.2.dev20260603
libtpu: 0.0.44.dev20260713+nightly
codegen_flags: <defaults>
</compile_context>

<pallas_src>
import functools

import jax
import jax.numpy as jnp
from jax import lax
from jax.experimental import pallas as pl
from jax.experimental.pallas import tpu as pltpu
from jax.experimental.pallas import tpu_sc as plsc

K = 32
N = 50000
D = 256
G = 64
BR = 1024
NB = (N + BR - 1) // BR
NPAD = NB * BR
WROWS = 8
WCOLS = 512
W = WROWS * WCOLS
KROWS = 106
KPAD = KROWS * WCOLS
SE_PAD = 160
L = 16
BIGI = 2**30




def _tc_kernel(x_ref, b_ref, keys_ref, se_ref, cnt_ref):
    i = pl.program_id(0)
    x = x_ref[...]
    s = jnp.sum(x * x, axis=1)
    keys_ref[0, 0, :] = jnp.sqrt(s)

    @pl.when(i == 0)
    def _init():
        cnt_ref[...] = jnp.zeros_like(cnt_ref)

    b = b_ref[0, 0, :]
    ids = lax.broadcasted_iota(jnp.int32, (G, BR), 0)
    onehot = (b[None, :] == ids).astype(jnp.float32)
    cnt_ref[...] += jnp.sum(onehot, axis=1)[None, :]

    @pl.when(i == NB - 1)
    def _fin():
        c = cnt_ref[...]
        lane = lax.broadcasted_iota(jnp.int32, (1, G), 1)
        incl = c
        sh = 1
        while sh < G:
            rolled = pltpu.roll(incl, sh, 1)
            incl = incl + jnp.where(lane >= sh, rolled, 0.0)
            sh *= 2
        starts = incl - c
        ends = incl
        se_ref[0, :] = jnp.concatenate(
            [starts[0, :], ends[0, :], jnp.zeros((SE_PAD - 2 * G,))]
        ).astype(jnp.int32)


def _tc_stage(x, batch_pad):
    keys, se = pl.pallas_call(
        _tc_kernel,
        grid=(NB,),
        in_specs=[
            pl.BlockSpec((BR, D), lambda i: (i, 0)),
            pl.BlockSpec((1, 1, BR), lambda i: (i, 0, 0)),
        ],
        out_specs=[
            pl.BlockSpec((1, 1, BR), lambda i: (i, 0, 0)),
            pl.BlockSpec((1, SE_PAD), lambda i: (0, 0)),
        ],
        out_shape=[
            jax.ShapeDtypeStruct((NB, 1, BR), jnp.float32),
            jax.ShapeDtypeStruct((1, SE_PAD), jnp.int32),
        ],
        scratch_shapes=[pltpu.VMEM((1, G), jnp.float32)],
    )(x, batch_pad)
    return keys, se




def _sel_kernel(se_ref, keys_ref, idx_ref, val_ref):
    g = pl.program_id(0)
    seg_s = se_ref[0, g]
    seg_e = se_ref[0, G + g]
    r0 = pl.multiple_of((seg_s // W) * WROWS, WROWS)
    nch = jnp.where(
        seg_e > seg_s, (seg_e - r0 * WCOLS + (W - 1)) // W, 0
    )

    lane32 = lax.broadcasted_iota(jnp.int32, (1, K), 1)
    neg_inf = jnp.float32(-jnp.inf)

    def chunk_body(c, carry):
        best_v, best_i = carry
        wb = (r0 + c * WROWS) * WCOLS
        win = keys_ref[pl.ds(r0 + c * WROWS, WROWS), :]
        gidx = (
            wb
            + lax.broadcasted_iota(jnp.int32, (WROWS, WCOLS), 0) * WCOLS
            + lax.broadcasted_iota(jnp.int32, (WROWS, WCOLS), 1)
        )
        inseg = (gidx >= seg_s) & (gidx < seg_e)
        wm = jnp.where(inseg, win, neg_inf)

        ct_v = jnp.full((1, K), neg_inf)
        ct_i = BIGI + K + lane32
        for t in range(K):
            mval = jnp.max(wm)
            fidx = jnp.min(jnp.where(wm == mval, gidx, BIGI))
            ct_v = jnp.where(lane32 == t, mval, ct_v)
            ct_i = jnp.where(
                lane32 == t,
                jnp.where(mval > neg_inf, fidx, BIGI + K + t),
                ct_i,
            )
            wm = jnp.where(gidx == fidx, neg_inf, wm)

        comb_v = jnp.concatenate([best_v, ct_v], axis=1)
        comb_i = jnp.concatenate([best_i, ct_i], axis=1)
        nb_v = jnp.full((1, K), neg_inf)
        nb_i = BIGI + 2 * K + lane32
        for t in range(K):
            mval = jnp.max(comb_v)
            fidx = jnp.min(jnp.where(comb_v == mval, comb_i, 2**31 - 1))
            nb_v = jnp.where(lane32 == t, mval, nb_v)
            nb_i = jnp.where(lane32 == t, fidx, nb_i)
            comb_v = jnp.where(comb_i == fidx, neg_inf, comb_v)
        return (nb_v, nb_i)

    init = (jnp.full((1, K), neg_inf), BIGI + lane32)
    best_v, best_i = lax.fori_loop(0, nch, chunk_body, init)
    valid = (best_v > neg_inf).astype(jnp.int32)
    idx_ref[0, 0, :] = jnp.where(valid > 0, best_i, 0)[0, :]
    val_ref[0, 0, :] = valid[0, :]


def _sel_stage(se, keys_flat2d):
    idx, val = pl.pallas_call(
        _sel_kernel,
        grid=(G,),
        in_specs=[
            pl.BlockSpec(memory_space=pltpu.SMEM),
            pl.BlockSpec((KROWS, WCOLS), lambda g: (0, 0)),
        ],
        out_specs=[
            pl.BlockSpec((1, 1, K), lambda g: (g, 0, 0)),
            pl.BlockSpec((1, 1, K), lambda g: (g, 0, 0)),
        ],
        out_shape=[
            jax.ShapeDtypeStruct((G, 1, K), jnp.int32),
            jax.ShapeDtypeStruct((G, 1, K), jnp.int32),
        ],
    )(se, keys_flat2d)
    return idx.reshape(-1), val.reshape(-1)




def _sc_body(idx_hbm, val_hbm, x_hbm, out_hbm,
             idx0, idx1, val_v, rows0, rows1, sem):
    wid = lax.axis_index("s") * 2 + lax.axis_index("c")
    base = wid * 2 * K
    pltpu.sync_copy(idx_hbm.at[pl.ds(base, K)], idx0)
    pltpu.sync_copy(idx_hbm.at[pl.ds(base + K, K)], idx1)
    pltpu.sync_copy(val_hbm.at[pl.ds(base, 2 * K)], val_v.at[pl.ds(0, 2 * K)])
    pltpu.async_copy(x_hbm.at[idx0], rows0, sem).wait()
    pltpu.async_copy(x_hbm.at[idx1], rows1, sem).wait()

    def scal(ref, i):
        return ref[pl.ds(i, L)][0]

    rows_refs = (rows0, rows1)
    for gl in range(2):
        def zero_body(r, carry, gl=gl):
            @pl.when(scal(val_v, r + K * gl) == 0)
            def _z():
                for c in range(D // L):
                    rows_refs[gl][r, pl.ds(c * L, L)] = jnp.zeros(
                        (L,), jnp.float32
                    )
            return carry

        lax.fori_loop(0, K, zero_body, 0)

    pltpu.sync_copy(rows0, out_hbm.at[2 * wid])
    pltpu.sync_copy(rows1, out_hbm.at[2 * wid + 1])


def _sc_stage(idx, val, x):
    mesh = plsc.VectorSubcoreMesh(core_axis_name="c", subcore_axis_name="s")
    run = functools.partial(
        pl.kernel,
        mesh=mesh,
        compiler_params=pltpu.CompilerParams(use_tc_tiling_on_sc=False),
        out_type=jax.ShapeDtypeStruct((G, K, D), jnp.float32),
        scratch_types=[
            pltpu.VMEM((K,), jnp.int32),
            pltpu.VMEM((K,), jnp.int32),
            pltpu.VMEM((2 * K + L,), jnp.int32),
            pltpu.VMEM((K, D), jnp.float32),
            pltpu.VMEM((K, D), jnp.float32),
            pltpu.SemaphoreType.DMA,
        ],
    )(_sc_body)
    return run(idx, val, x)


def kernel(x, batch):
    batch_pad = jnp.pad(batch, (0, NPAD - N), constant_values=G).reshape(
        NB, 1, BR
    )
    keys, se = _tc_stage(x, batch_pad)
    keys_flat2d = jnp.pad(
        keys.reshape(-1), (0, KPAD - NPAD), constant_values=-jnp.inf
    ).reshape(KROWS, WCOLS)
    idx, val = _sel_stage(se, keys_flat2d)
    out = _sc_stage(idx, val, x)
    return out.reshape(G, K * D)

# --- scband reference (transcript-rebuilt; emitter-appended) ---
"""Pipeline reference for scband-patchy-sanpooling-90271622627425 (READ-ONLY COPY).

The authoritative reference and input builder live on the scoring server;
editing this copy changes nothing except your own understanding.
"""

import jax, jax.numpy as jnp
import numpy as np

K = 32
N = 50000
D = 256
NUM_GRAPHS = 64

def setup_inputs(seed: int = 0):
    key = jax.random.key(seed)
    k1, k2 = jax.random.split(key)
    x = jax.random.normal(k1, (N, D), dtype=jnp.float32)
    batch = jnp.sort(jax.random.randint(k2, (N,), 0, NUM_GRAPHS, dtype=jnp.int32))
    return {"x": x, "batch": batch}

def reference(x, batch):
    degrees = jnp.linalg.norm(x, ord=2, axis=1)
    graph_ids = jnp.arange(NUM_GRAPHS, dtype=batch.dtype)

    def pool_one(i):
        mask = batch == i
        masked_degrees = jnp.where(mask, degrees, -jnp.inf)
        _, topi = jax.lax.top_k(masked_degrees, K)
        valid = mask[topi]
        patch = jnp.where(valid[:, None], x[topi], jnp.zeros((), dtype=x.dtype))
        return patch.reshape(-1)

    return jax.vmap(pool_one)(graph_ids)

if __name__ == "__main__":
    import jax
    _d = setup_inputs()
    print(jax.jit(kernel)(*tuple(_d.values())))

</pallas_src>

<mosaic_0001>
#map = affine_map<(d0, d1) -> (0)>
#map1 = affine_map<(d0, d1) -> (0, 0)>
#map2 = affine_map<(d0, d1) -> (0, 0, 0)>
module attributes {stable_mosaic.version = 14 : i64} {
  func.func @_sc_body(%arg0: i32, %arg1: i32, %arg2: memref<2048xi32, #tpu.memory_space<hbm>>, %arg3: memref<2048xi32, #tpu.memory_space<hbm>>, %arg4: memref<50000x256xf32, #tpu.memory_space<hbm>>, %arg5: memref<64x32x256xf32, #tpu.memory_space<hbm>>, %arg6: memref<32xi32, #tpu.memory_space<vmem>>, %arg7: memref<32xi32, #tpu.memory_space<vmem>>, %arg8: memref<80xi32, #tpu.memory_space<vmem>>, %arg9: memref<32x256xf32, #tpu.memory_space<vmem>>, %arg10: memref<32x256xf32, #tpu.memory_space<vmem>>, %arg11: memref<!tpu.dma_semaphore, #tpu.memory_space<semaphore_mem>>) attributes {dimension_semantics = [#tpu.dimension_semantics<core_parallel>, #tpu.dimension_semantics<subcore_parallel>], iteration_bounds = array<i64: 2, 16>, scalar_prefetch = 0 : i64, scratch_operands = 6 : i64, tpu.core_type = #tpu.core_type<sc_vector_subcore>, window_params = [{transform_indices = #map}, {transform_indices = #map}, {transform_indices = #map1}, {transform_indices = #map2}]} {
    %mul3A = arith.constant 2 : i32
    %mul3A_0 = arith.muli %arg1, %mul3A : i32
    %add3A = arith.addi %mul3A_0, %arg0 : i32
    %mul3A_1 = arith.constant 2 : i32
    %mul3A_2 = arith.muli %add3A, %mul3A_1 : i32
    %mul3A_3 = arith.constant 32 : i32
    %mul3A_4 = arith.muli %mul3A_2, %mul3A_3 : i32
    "tpu.region"() ({
      %run_scoped3A = tpu.sem_alloc : memref<!tpu.dma_semaphore, #tpu.memory_space<semaphore_mem>>
      %dma_start3A_34 = tpu.memref_slice %arg2[%mul3A_4] : memref<2048xi32, #tpu.memory_space<hbm>> -> memref<32xi32, #tpu.memory_space<hbm>>
      %dma_start3A_35 = tpu.memref_slice %arg2[%mul3A_4] : memref<2048xi32, #tpu.memory_space<hbm>> -> memref<32xi32, #tpu.memory_space<hbm>>
      tpu.enqueue_dma source(%dma_start3A_35 : memref<32xi32, #tpu.memory_space<hbm>>) target(%arg6 : memref<32xi32, #tpu.memory_space<vmem>>) target_semaphore(%run_scoped3A : memref<!tpu.dma_semaphore, #tpu.memory_space<semaphore_mem>>)
      %dma_wait3A_36 = tpu.memref_slice %arg2[%mul3A_4] : memref<2048xi32, #tpu.memory_space<hbm>> -> memref<32xi32, #tpu.memory_space<hbm>>
      %dma_wait3A_37 = tpu.memref_slice %arg2[%mul3A_4] : memref<2048xi32, #tpu.memory_space<hbm>> -> memref<32xi32, #tpu.memory_space<hbm>>
      tpu.wait_dma2 semaphore(%run_scoped3A : memref<!tpu.dma_semaphore, #tpu.memory_space<semaphore_mem>>) src(%dma_wait3A_37 : memref<32xi32, #tpu.memory_space<hbm>>) dst(%arg6 : memref<32xi32, #tpu.memory_space<vmem>>)
      tpu.yield
    }) : () -> ()
    %add3A_5 = arith.constant 32 : i32
    %add3A_6 = arith.addi %mul3A_4, %add3A_5 : i32
    "tpu.region"() ({
      %run_scoped3A = tpu.sem_alloc : memref<!tpu.dma_semaphore, #tpu.memory_space<semaphore_mem>>
      %dma_start3A_34 = tpu.memref_slice %arg2[%add3A_6] : memref<2048xi32, #tpu.memory_space<hbm>> -> memref<32xi32, #tpu.memory_space<hbm>>
      %dma_start3A_35 = tpu.memref_slice %arg2[%add3A_6] : memref<2048xi32, #tpu.memory_space<hbm>> -> memref<32xi32, #tpu.memory_space<hbm>>
      tpu.enqueue_dma source(%dma_start3A_35 : memref<32xi32, #tpu.memory_space<hbm>>) target(%arg7 : memref<32xi32, #tpu.memory_space<vmem>>) target_semaphore(%run_scoped3A : memref<!tpu.dma_semaphore, #tpu.memory_space<semaphore_mem>>)
      %dma_wait3A_36 = tpu.memref_slice %arg2[%add3A_6] : memref<2048xi32, #tpu.memory_space<hbm>> -> memref<32xi32, #tpu.memory_space<hbm>>
      %dma_wait3A_37 = tpu.memref_slice %arg2[%add3A_6] : memref<2048xi32, #tpu.memory_space<hbm>> -> memref<32xi32, #tpu.memory_space<hbm>>
      tpu.wait_dma2 semaphore(%run_scoped3A : memref<!tpu.dma_semaphore, #tpu.memory_space<semaphore_mem>>) src(%dma_wait3A_37 : memref<32xi32, #tpu.memory_space<hbm>>) dst(%arg7 : memref<32xi32, #tpu.memory_space<vmem>>)
      tpu.yield
    }) : () -> ()
    "tpu.region"() ({
      %run_scoped3A = tpu.sem_alloc : memref<!tpu.dma_semaphore, #tpu.memory_space<semaphore_mem>>
      %dma_start3A_34 = arith.constant 0 : i32
      %dma_start3A_35 = tpu.memref_slice %arg8[%dma_start3A_34] : memref<80xi32, #tpu.memory_space<vmem>> -> memref<64xi32, #tpu.memory_space<vmem>>
      %dma_start3A_36 = tpu.memref_slice %arg3[%mul3A_4] : memref<2048xi32, #tpu.memory_space<hbm>> -> memref<64xi32, #tpu.memory_space<hbm>>
      %dma_start3A_37 = arith.constant 0 : i32
      %dma_start3A_38 = tpu.memref_slice %arg8[%dma_start3A_37] : memref<80xi32, #tpu.memory_space<vmem>> -> memref<64xi32, #tpu.memory_space<vmem>>
      %dma_start3A_39 = tpu.memref_slice %arg3[%mul3A_4] : memref<2048xi32, #tpu.memory_space<hbm>> -> memref<64xi32, #tpu.memory_space<hbm>>
      tpu.enqueue_dma source(%dma_start3A_39 : memref<64xi32, #tpu.memory_space<hbm>>) target(%dma_start3A_38 : memref<64xi32, #tpu.memory_space<vmem>>) target_semaphore(%run_scoped3A : memref<!tpu.dma_semaphore, #tpu.memory_space<semaphore_mem>>)
      %dma_wait3A_40 = arith.constant 0 : i32
      %dma_wait3A_41 = tpu.memref_slice %arg8[%dma_wait3A_40] : memref<80xi32, #tpu.memory_space<vmem>> -> memref<64xi32, #tpu.memory_space<vmem>>
      %dma_wait3A_42 = tpu.memref_slice %arg3[%mul3A_4] : memref<2048xi32, #tpu.memory_space<hbm>> -> memref<64xi32, #tpu.memory_space<hbm>>
      %dma_wait3A_43 = arith.constant 0 : i32
      %dma_wait3A_44 = tpu.memref_slice %arg8[%dma_wait3A_43] : memref<80xi32, #tpu.memory_space<vmem>> -> memref<64xi32, #tpu.memory_space<vmem>>
      %dma_wait3A_45 = tpu.memref_slice %arg3[%mul3A_4] : memref<2048xi32, #tpu.memory_space<hbm>> -> memref<64xi32, #tpu.memory_space<hbm>>
      tpu.wait_dma2 semaphore(%run_scoped3A : memref<!tpu.dma_semaphore, #tpu.memory_space<semaphore_mem>>) src(%dma_wait3A_45 : memref<64xi32, #tpu.memory_space<hbm>>) dst(%dma_wait3A_44 : memref<64xi32, #tpu.memory_space<vmem>>)
      tpu.yield
    }) : () -> ()
    %dma_start3A = arith.constant 0 : i32
    %dma_start3A_7 = arith.constant 0 : i32
    %dma_start3A_8 = tpu.memref_slice %arg4[%dma_start3A, %dma_start3A_7] : memref<50000x256xf32, #tpu.memory_space<hbm>> -> memref<50000x256xf32, #tpu.memory_space<hbm>>
    tpu.enqueue_indirect_dma source(%dma_start3A_8 : memref<50000x256xf32, #tpu.memory_space<hbm>>) target(%arg9 : memref<32x256xf32, #tpu.memory_space<vmem>>) offsets(%arg6 : memref<32xi32, #tpu.memory_space<vmem>>) semaphore(%arg11 : memref<!tpu.dma_semaphore, #tpu.memory_space<semaphore_mem>>)
    %dma_wait3A = arith.constant 0 : i32
    %dma_wait3A_9 = arith.constant 0 : i32
    %dma_wait3A_10 = tpu.memref_slice %arg4[%dma_wait3A, %dma_wait3A_9] : memref<50000x256xf32, #tpu.memory_space<hbm>> -> memref<50000x256xf32, #tpu.memory_space<hbm>>
    tpu.wait_indirect_dma semaphore(%arg11 : memref<!tpu.dma_semaphore, #tpu.memory_space<semaphore_mem>>) src(%dma_wait3A_10 : memref<50000x256xf32, #tpu.memory_space<hbm>>) dst(%arg9 : memref<32x256xf32, #tpu.memory_space<vmem>>)
    %dma_start3A_11 = arith.constant 0 : i32
    %dma_start3A_12 = arith.constant 0 : i32
    %dma_start3A_13 = tpu.memref_slice %arg4[%dma_start3A_11, %dma_start3A_12] : memref<50000x256xf32, #tpu.memory_space<hbm>> -> memref<50000x256xf32, #tpu.memory_space<hbm>>
    tpu.enqueue_indirect_dma source(%dma_start3A_13 : memref<50000x256xf32, #tpu.memory_space<hbm>>) target(%arg10 : memref<32x256xf32, #tpu.memory_space<vmem>>) offsets(%arg7 : memref<32xi32, #tpu.memory_space<vmem>>) semaphore(%arg11 : memref<!tpu.dma_semaphore, #tpu.memory_space<semaphore_mem>>)
    %dma_wait3A_14 = arith.constant 0 : i32
    %dma_wait3A_15 = arith.constant 0 : i32
    %dma_wait3A_16 = tpu.memref_slice %arg4[%dma_wait3A_14, %dma_wait3A_15] : memref<50000x256xf32, #tpu.memory_space<hbm>> -> memref<50000x256xf32, #tpu.memory_space<hbm>>
    tpu.wait_indirect_dma semaphore(%arg11 : memref<!tpu.dma_semaphore, #tpu.memory_space<semaphore_mem>>) src(%dma_wait3A_16 : memref<50000x256xf32, #tpu.memory_space<hbm>>) dst(%arg10 : memref<32x256xf32, #tpu.memory_space<vmem>>)
    %scan3A = arith.constant 0 : i32
    %scan3A_17 = arith.constant 0 : i32
    %scan3A_18 = arith.constant 32 : i32
    %scan3A_19 = arith.addi %scan3A_17, %scan3A_18 : i32
    %scan3A_20 = arith.constant 1 : i32
    scf.for %scan3A_34 = %scan3A_17 to %scan3A_19 step %scan3A_20  : i32 {
      %add3A_35 = arith.constant 0 : i32
      %add3A_36 = arith.addi %scan3A_34, %add3A_35 : i32
      %get3A = arith.index_cast %add3A_36 : i32 to index
      %get3A_37 = tpu.vector_load %arg8[%get3A] {strides = array<i32>} : memref<80xi32, #tpu.memory_space<vmem>>, vector<16xi32>,
      %get3A_38 = vector.shape_cast %get3A_37 : vector<16xi32> to vector<16xi32>
      %slice3A = vector.extract_strided_slice %get3A_38 {offsets = [0], sizes = [1], strides = [1]} : vector<16xi32> to vector<1xi32>
      %squeeze3A = vector.extract %slice3A[0] : i32 from vector<1xi32>
      %eq3A = arith.constant 0 : i32
      %eq3A_39 = arith.cmpi eq, %squeeze3A, %eq3A : i32
      %convert_element_type3A = arith.extui %eq3A_39 : i1 to i32
      %cond3A = arith.constant 0 : i32
      %cond3A_40 = arith.cmpi ne, %convert_element_type3A, %cond3A : i32
      scf.if %cond3A_40 {
        %broadcast_in_dim3A = arith.constant 0.000000e+00 : f32
        %broadcast_in_dim3A_41 = vector.broadcast %broadcast_in_dim3A : f32 to vector<16xf32>
        %swap3A = arith.index_cast %scan3A_34 : i32 to index
        %swap3A_42 = arith.constant 0 : index
        %swap3A_43 = tpu.vector_load %arg9[%swap3A, %swap3A_42] {strides = array<i32>} : memref<32x256xf32, #tpu.memory_space<vmem>>, vector<1x16xf32>,
        %swap3A_44 = vector.shape_cast %swap3A_43 : vector<1x16xf32> to vector<16xf32>
        %swap3A_45 = vector.shape_cast %broadcast_in_dim3A_41 : vector<16xf32> to vector<1x16xf32>
        tpu.vector_store %arg9[%swap3A, %swap3A_42], %swap3A_45 {strides = array<i32>} : memref<32x256xf32, #tpu.memory_space<vmem>>, vector<1x16xf32>,
        %broadcast_in_dim3A_46 = arith.constant 0.000000e+00 : f32
        %broadcast_in_dim3A_47 = vector.broadcast %broadcast_in_dim3A_46 : f32 to vector<16xf32>
        %swap3A_48 = arith.index_cast %scan3A_34 : i32 to index
        %swap3A_49 = arith.constant 16 : index
        %swap3A_50 = tpu.vector_load %arg9[%swap3A_48, %swap3A_49] {strides = array<i32>} : memref<32x256xf32, #tpu.memory_space<vmem>>, vector<1x16xf32>,
        %swap3A_51 = vector.shape_cast %swap3A_50 : vector<1x16xf32> to vector<16xf32>
        %swap3A_52 = vector.shape_cast %broadcast_in_dim3A_47 : vector<16xf32> to vector<1x16xf32>
        tpu.vector_store %arg9[%swap3A_48, %swap3A_49], %swap3A_52 {strides = array<i32>} : memref<32x256xf32, #tpu.memory_space<vmem>>, vector<1x16xf32>,
        %broadcast_in_dim3A_53 = arith.constant 0.000000e+00 : f32
        %broadcast_in_dim3A_54 = vector.broadcast %broadcast_in_dim3A_53 : f32 to vector<16xf32>
        %swap3A_55 = arith.index_cast %scan3A_34 : i32 to index
        %swap3A_56 = arith.constant 32 : index
        %swap3A_57 = tpu.vector_load %arg9[%swap3A_55, %swap3A_56] {strides = array<i32>} : memref<32x256xf32, #tpu.memory_space<vmem>>, vector<1x16xf32>,
        %swap3A_58 = vector.shape_cast %swap3A_57 : vector<1x16xf32> to vector<16xf32>
        %swap3A_59 = vector.shape_cast %broadcast_in_dim3A_54 : vector<16xf32> to vector<1x16xf32>
        tpu.vector_store %arg9[%swap3A_55, %swap3A_56], %swap3A_59 {strides = array<i32>} : memref<32x256xf32, #tpu.memory_space<vmem>>, vector<1x16xf32>,
        %broadcast_in_dim3A_60 = arith.constant 0.000000e+00 : f32
        %broadcast_in_dim3A_61 = vector.broadcast %broadcast_in_dim3A_60 : f32 to vector<16xf32>
        %swap3A_62 = arith.index_cast %scan3A_34 : i32 to index
        %swap3A_63 = arith.constant 48 : index
        %swap3A_64 = tpu.vector_load %arg9[%swap3A_62, %swap3A_63] {strides = array<i32>} : memref<32x256xf32, #tpu.memory_space<vmem>>, vector<1x16xf32>,
        %swap3A_65 = vector.shape_cast %swap3A_64 : vector<1x16xf32> to vector<16xf32>
        %swap3A_66 = vector.shape_cast %broadcast_in_dim3A_61 : vector<16xf32> to vector<1x16xf32>
        tpu.vector_store %arg9[%swap3A_62, %swap3A_63], %swap3A_66 {strides = array<i32>} : memref<32x256xf32, #tpu.memory_space<vmem>>, vector<1x16xf32>,
        %broadcast_in_dim3A_67 = arith.constant 0.000000e+00 : f32
        %broadcast_in_dim3A_68 = vector.broadcast %broadcast_in_dim3A_67 : f32 to vector<16xf32>
        %swap3A_69 = arith.index_cast %scan3A_34 : i32 to index
        %swap3A_70 = arith.constant 64 : index
        %swap3A_71 = tpu.vector_load %arg9[%swap3A_69, %swap3A_70] {strides = array<i32>} : memref<32x256xf32, #tpu.memory_space<vmem>>, vector<1x16xf32>,
        %swap3A_72 = vector.shape_cast %swap3A_71 : vector<1x16xf32> to vector<16xf32>
        %swap3A_73 = vector.shape_cast %broadcast_in_dim3A_68 : vector<16xf32> to vector<1x16xf32>
        tpu.vector_store %arg9[%swap3A_69, %swap3A_70], %swap3A_73 {strides = array<i32>} : memref<32x256xf32, #tpu.memory_space<vmem>>, vector<1x16xf32>,
        %broadcast_in_dim3A_74 = arith.constant 0.000000e+00 : f32
        %broadcast_in_dim3A_75 = vector.broadcast %broadcast_in_dim3A_74 : f32 to vector<16xf32>
        %swap3A_76 = arith.index_cast %scan3A_34 : i32 to index
        %swap3A_77 = arith.constant 80 : index
        %swap3A_78 = tpu.vector_load %arg9[%swap3A_76, %swap3A_77] {strides = array<i32>} : memref<32x256xf32, #tpu.memory_space<vmem>>, vector<1x16xf32>,
        %swap3A_79 = vector.shape_cast %swap3A_78 : vector<1x16xf32> to vector<16xf32>
        %swap3A_80 = vector.shape_cast %broadcast_in_dim3A_75 : vector<16xf32> to vector<1x16xf32>
        tpu.vector_store %arg9[%swap3A_76, %swap3A_77], %swap3A_80 {strides = array<i32>} : memref<32x256xf32, #tpu.memory_space<vmem>>, vector<1x16xf32>,
        %broadcast_in_dim3A_81 = arith.constant 0.000000e+00 : f32
        %broadcast_in_dim3A_82 = vector.broadcast %broadcast_in_dim3A_81 : f32 to vector<16xf32>
        %swap3A_83 = arith.index_cast %scan3A_34 : i32 to index
        %swap3A_84 = arith.constant 96 : index
        %swap3A_85 = tpu.vector_load %arg9[%swap3A_83, %swap3A_84] {strides = array<i32>} : memref<32x256xf32, #tpu.memory_space<vmem>>, vector<1x16xf32>,
        %swap3A_86 = vector.shape_cast %swap3A_85 : vector<1x16xf32> to vector<16xf32>
        %swap3A_87 = vector.shape_cast %broadcast_in_dim3A_82 : vector<16xf32> to vector<1x16xf32>
        tpu.vector_store %arg9[%swap3A_83, %swap3A_84], %swap3A_87 {strides = array<i32>} : memref<32x256xf32, #tpu.memory_space<vmem>>, vector<1x16xf32>,
        %broadcast_in_dim3A_88 = arith.constant 0.000000e+00 : f32
        %broadcast_in_dim3A_89 = vector.broadcast %broadcast_in_dim3A_88 : f32 to vector<16xf32>
        %swap3A_90 = arith.index_cast %scan3A_34 : i32 to index
        %swap3A_91 = arith.constant 112 : index
        %swap3A_92 = tpu.vector_load %arg9[%swap3A_90, %swap3A_91] {strides = array<i32>} : memref<32x256xf32, #tpu.memory_space<vmem>>, vector<1x16xf32>,
        %swap3A_93 = vector.shape_cast %swap3A_92 : vector<1x16xf32> to vector<16xf32>
        %swap3A_94 = vector.shape_cast %broadcast_in_dim3A_89 : vector<16xf32> to vector<1x16xf32>
        tpu.vector_store %arg9[%swap3A_90, %swap3A_91], %swap3A_94 {strides = array<i32>} : memref<32x256xf32, #tpu.memory_space<vmem>>, vector<1x16xf32>,
        %broadcast_in_dim3A_95 = arith.constant 0.000000e+00 : f32
        %broadcast_in_dim3A_96 = vector.broadcast %broadcast_in_dim3A_95 : f32 to vector<16xf32>
        %swap3A_97 = arith.index_cast %scan3A_34 : i32 to index
        %swap3A_98 = arith.constant 128 : index
        %swap3A_99 = tpu.vector_load %arg9[%swap3A_97, %swap3A_98] {strides = array<i32>} : memref<32x256xf32, #tpu.memory_space<vmem>>, vector<1x16xf32>,
        %swap3A_100 = vector.shape_cast %swap3A_99 : vector<1x16xf32> to vector<16xf32>
        %swap3A_101 = vector.shape_cast %broadcast_in_dim3A_96 : vector<16xf32> to vector<1x16xf32>
        tpu.vector_store %arg9[%swap3A_97, %swap3A_98], %swap3A_101 {strides = array<i32>} : memref<32x256xf32, #tpu.memory_space<vmem>>, vector<1x16xf32>,
        %broadcast_in_dim3A_102 = arith.constant 0.000000e+00 : f32
        %broadcast_in_dim3A_103 = vector.broadcast %broadcast_in_dim3A_102 : f32 to vector<16xf32>
        %swap3A_104 = arith.index_cast %scan3A_34 : i32 to index
        %swap3A_105 = arith.constant 144 : index
        %swap3A_106 = tpu.vector_load %arg9[%swap3A_104, %swap3A_105] {strides = array<i32>} : memref<32x256xf32, #tpu.memory_space<vmem>>, vector<1x16xf32>,
        %swap3A_107 = vector.shape_cast %swap3A_106 : vector<1x16xf32> to vector<16xf32>
        %swap3A_108 = vector.shape_cast %broadcast_in_dim3A_103 : vector<16xf32> to vector<1x16xf32>
        tpu.vector_store %arg9[%swap3A_104, %swap3A_105], %swap3A_108 {strides = array<i32>} : memref<32x256xf32, #tpu.memory_space<vmem>>, vector<1x16xf32>,
        %broadcast_in_dim3A_109 = arith.constant 0.000000e+00 : f32
        %broadcast_in_dim3A_110 = vector.broadcast %broadcast_in_dim3A_109 : f32 to vector<16xf32>
        %swap3A_111 = arith.index_cast %scan3A_34 : i32 to index
        %swap3A_112 = arith.constant 160 : index
        %swap3A_113 = tpu.vector_load %arg9[%swap3A_111, %swap3A_112] {strides = array<i32>} : memref<32x256xf32, #tpu.memory_space<vmem>>, vector<1x16xf32>,
        %swap3A_114 = vector.shape_cast %swap3A_113 : vector<1x16xf32> to vector<16xf32>
        %swap3A_115 = vector.shape_cast %broadcast_in_dim3A_110 : vector<16xf32> to vector<1x16xf32>
        tpu.vector_store %arg9[%swap3A_111, %swap3A_112], %swap3A_115 {strides = array<i32>} : memref<32x256xf32, #tpu.memory_space<vmem>>, vector<1x16xf32>,
        %broadcast_in_dim3A_116 = arith.constant 0.000000e+00 : f32
        %broadcast_in_dim3A_117 = vector.broadcast %broadcast_in_dim3A_116 : f32 to vector<16xf32>
        %swap3A_118 = arith.index_cast %scan3A_34 : i32 to index
        %swap3A_119 = arith.constant 176 : index
        %swap3A_120 = tpu.vector_load %arg9[%swap3A_118, %swap3A_119] {strides = array<i32>} : memref<32x256xf32, #tpu.memory_space<vmem>>, vector<1x16xf32>,
        %swap3A_121 = vector.shape_cast %swap3A_120 : vector<1x16xf32> to vector<16xf32>
        %swap3A_122 = vector.shape_cast %broadcast_in_dim3A_117 : vector<16xf32> to vector<1x16xf32>
        tpu.vector_store %arg9[%swap3A_118, %swap3A_119], %swap3A_122 {strides = array<i32>} : memref<32x256xf32, #tpu.memory_space<vmem>>, vector<1x16xf32>,
        %broadcast_in_dim3A_123 = arith.constant 0.000000e+00 : f32
        %broadcast_in_dim3A_124 = vector.broadcast %broadcast_in_dim3A_123 : f32 to vector<16xf32>
        %swap3A_125 = arith.index_cast %scan3A_34 : i32 to index
        %swap3A_126 = arith.constant 192 : index
        %swap3A_127 = tpu.vector_load %arg9[%swap3A_125, %swap3A_126] {strides = array<i32>} : memref<32x256xf32, #tpu.memory_space<vmem>>, vector<1x16xf32>,
        %swap3A_128 = vector.shape_cast %swap3A_127 : vector<1x16xf32> to vector<16xf32>
        %swap3A_129 = vector.shape_cast %broadcast_in_dim3A_124 : vector<16xf32> to vector<1x16xf32>
        tpu.vector_store %arg9[%swap3A_125, %swap3A_126], %swap3A_129 {strides = array<i32>} : memref<32x256xf32, #tpu.memory_space<vmem>>, vector<1x16xf32>,
        %broadcast_in_dim3A_130 = arith.constant 0.000000e+00 : f32
        %broadcast_in_dim3A_131 = vector.broadcast %broadcast_in_dim3A_130 : f32 to vector<16xf32>
        %swap3A_132 = arith.index_cast %scan3A_34 : i32 to index
        %swap3A_133 = arith.constant 208 : index
        %swap3A_134 = tpu.vector_load %arg9[%swap3A_132, %swap3A_133] {strides = array<i32>} : memref<32x256xf32, #tpu.memory_space<vmem>>, vector<1x16xf32>,
        %swap3A_135 = vector.shape_cast %swap3A_134 : vector<1x16xf32> to vector<16xf32>
        %swap3A_136 = vector.shape_cast %broadcast_in_dim3A_131 : vector<16xf32> to vector<1x16xf32>
        tpu.vector_store %arg9[%swap3A_132, %swap3A_133], %swap3A_136 {strides = array<i32>} : memref<32x256xf32, #tpu.memory_space<vmem>>, vector<1x16xf32>,
        %broadcast_in_dim3A_137 = arith.constant 0.000000e+00 : f32
        %broadcast_in_dim3A_138 = vector.broadcast %broadcast_in_dim3A_137 : f32 to vector<16xf32>
        %swap3A_139 = arith.index_cast %scan3A_34 : i32 to index
        %swap3A_140 = arith.constant 224 : index
        %swap3A_141 = tpu.vector_load %arg9[%swap3A_139, %swap3A_140] {strides = array<i32>} : memref<32x256xf32, #tpu.memory_space<vmem>>, vector<1x16xf32>,
        %swap3A_142 = vector.shape_cast %swap3A_141 : vector<1x16xf32> to vector<16xf32>
        %swap3A_143 = vector.shape_cast %broadcast_in_dim3A_138 : vector<16xf32> to vector<1x16xf32>
        tpu.vector_store %arg9[%swap3A_139, %swap3A_140], %swap3A_143 {strides = array<i32>} : memref<32x256xf32, #tpu.memory_space<vmem>>, vector<1x16xf32>,
        %broadcast_in_dim3A_144 = arith.constant 0.000000e+00 : f32
        %broadcast_in_dim3A_145 = vector.broadcast %broadcast_in_dim3A_144 : f32 to vector<16xf32>
        %swap3A_146 = arith.index_cast %scan3A_34 : i32 to index
        %swap3A_147 = arith.constant 240 : index
        %swap3A_148 = tpu.vector_load %arg9[%swap3A_146, %swap3A_147] {strides = array<i32>} : memref<32x256xf32, #tpu.memory_space<vmem>>, vector<1x16xf32>,
        %swap3A_149 = vector.shape_cast %swap3A_148 : vector<1x16xf32> to vector<16xf32>
        %swap3A_150 = vector.shape_cast %broadcast_in_dim3A_145 : vector<16xf32> to vector<1x16xf32>
        tpu.vector_store %arg9[%swap3A_146, %swap3A_147], %swap3A_150 {strides = array<i32>} : memref<32x256xf32, #tpu.memory_space<vmem>>, vector<1x16xf32>,
      } else {
      }
    }
    %scan3A_21 = arith.constant 32 : i32
    %scan3A_22 = arith.constant 0 : i32
    %scan3A_23 = arith.constant 0 : i32
    %scan3A_24 = arith.constant 32 : i32
    %scan3A_25 = arith.addi %scan3A_23, %scan3A_24 : i32
    %scan3A_26 = arith.constant 1 : i32
    scf.for %scan3A_34 = %scan3A_23 to %scan3A_25 step %scan3A_26  : i32 {
      %add3A_35 = arith.constant 32 : i32
      %add3A_36 = arith.addi %scan3A_34, %add3A_35 : i32
      %get3A = arith.index_cast %add3A_36 : i32 to index
      %get3A_37 = tpu.vector_load %arg8[%get3A] {strides = array<i32>} : memref<80xi32, #tpu.memory_space<vmem>>, vector<16xi32>,
      %get3A_38 = vector.shape_cast %get3A_37 : vector<16xi32> to vector<16xi32>
      %slice3A = vector.extract_strided_slice %get3A_38 {offsets = [0], sizes = [1], strides = [1]} : vector<16xi32> to vector<1xi32>
      %squeeze3A = vector.extract %slice3A[0] : i32 from vector<1xi32>
      %eq3A = arith.constant 0 : i32
      %eq3A_39 = arith.cmpi eq, %squeeze3A, %eq3A : i32
      %convert_element_type3A = arith.extui %eq3A_39 : i1 to i32
      %cond3A = arith.constant 0 : i32
      %cond3A_40 = arith.cmpi ne, %convert_element_type3A, %cond3A : i32
      scf.if %cond3A_40 {
        %broadcast_in_dim3A = arith.constant 0.000000e+00 : f32
        %broadcast_in_dim3A_41 = vector.broadcast %broadcast_in_dim3A : f32 to vector<16xf32>
        %swap3A = arith.index_cast %scan3A_34 : i32 to index
        %swap3A_42 = arith.constant 0 : index
        %swap3A_43 = tpu.vector_load %arg10[%swap3A, %swap3A_42] {strides = array<i32>} : memref<32x256xf32, #tpu.memory_space<vmem>>, vector<1x16xf32>,
        %swap3A_44 = vector.shape_cast %swap3A_43 : vector<1x16xf32> to vector<16xf32>
        %swap3A_45 = vector.shape_cast %broadcast_in_dim3A_41 : vector<16xf32> to vector<1x16xf32>
        tpu.vector_store %arg10[%swap3A, %swap3A_42], %swap3A_45 {strides = array<i32>} : memref<32x256xf32, #tpu.memory_space<vmem>>, vector<1x16xf32>,
        %broadcast_in_dim3A_46 = arith.constant 0.000000e+00 : f32
        %broadcast_in_dim3A_47 = vector.broadcast %broadcast_in_dim3A_46 : f32 to vector<16xf32>
        %swap3A_48 = arith.index_cast %scan3A_34 : i32 to index
        %swap3A_49 = arith.constant 16 : index
        %swap3A_50 = tpu.vector_load %arg10[%swap3A_48, %swap3A_49] {strides = array<i32>} : memref<32x256xf32, #tpu.memory_space<vmem>>, vector<1x16xf32>,
        %swap3A_51 = vector.shape_cast %swap3A_50 : vector<1x16xf32> to vector<16xf32>
        %swap3A_52 = vector.shape_cast %broadcast_in_dim3A_47 : vector<16xf32> to vector<1x16xf32>
        tpu.vector_store %arg10[%swap3A_48, %swap3A_49], %swap3A_52 {strides = array<i32>} : memref<32x256xf32, #tpu.memory_space<vmem>>, vector<1x16xf32>,
        %broadcast_in_dim3A_53 = arith.constant 0.000000e+00 : f32
        %broadcast_in_dim3A_54 = vector.broadcast %broadcast_in_dim3A_53 : f32 to vector<16xf32>
        %swap3A_55 = arith.index_cast %scan3A_34 : i32 to index
        %swap3A_56 = arith.constant 32 : index
        %swap3A_57 = tpu.vector_load %arg10[%swap3A_55, %swap3A_56] {strides = array<i32>} : memref<32x256xf32, #tpu.memory_space<vmem>>, vector<1x16xf32>,
        %swap3A_58 = vector.shape_cast %swap3A_57 : vector<1x16xf32> to vector<16xf32>
        %swap3A_59 = vector.shape_cast %broadcast_in_dim3A_54 : vector<16xf32> to vector<1x16xf32>
        tpu.vector_store %arg10[%swap3A_55, %swap3A_56], %swap3A_59 {strides = array<i32>} : memref<32x256xf32, #tpu.memory_space<vmem>>, vector<1x16xf32>,
        %broadcast_in_dim3A_60 = arith.constant 0.000000e+00 : f32
        %broadcast_in_dim3A_61 = vector.broadcast %broadcast_in_dim3A_60 : f32 to vector<16xf32>
        %swap3A_62 = arith.index_cast %scan3A_34 : i32 to index
        %swap3A_63 = arith.constant 48 : index
        %swap3A_64 = tpu.vector_load %arg10[%swap3A_62, %swap3A_63] {strides = array<i32>} : memref<32x256xf32, #tpu.memory_space<vmem>>, vector<1x16xf32>,
        %swap3A_65 = vector.shape_cast %swap3A_64 : vector<1x16xf32> to vector<16xf32>
        %swap3A_66 = vector.shape_cast %broadcast_in_dim3A_61 : vector<16xf32> to vector<1x16xf32>
        tpu.vector_store %arg10[%swap3A_62, %swap3A_63], %swap3A_66 {strides = array<i32>} : memref<32x256xf32, #tpu.memory_space<vmem>>, vector<1x16xf32>,
        %broadcast_in_dim3A_67 = arith.constant 0.000000e+00 : f32
        %broadcast_in_dim3A_68 = vector.broadcast %broadcast_in_dim3A_67 : f32 to vector<16xf32>
        %swap3A_69 = arith.index_cast %scan3A_34 : i32 to index
        %swap3A_70 = arith.constant 64 : index
        %swap3A_71 = tpu.vector_load %arg10[%swap3A_69, %swap3A_70] {strides = array<i32>} : memref<32x256xf32, #tpu.memory_space<vmem>>, vector<1x16xf32>,
        %swap3A_72 = vector.shape_cast %swap3A_71 : vector<1x16xf32> to vector<16xf32>
        %swap3A_73 = vector.shape_cast %broadcast_in_dim3A_68 : vector<16xf32> to vector<1x16xf32>
        tpu.vector_store %arg10[%swap3A_69, %swap3A_70], %swap3A_73 {strides = array<i32>} : memref<32x256xf32, #tpu.memory_space<vmem>>, vector<1x16xf32>,
        %broadcast_in_dim3A_74 = arith.constant 0.000000e+00 : f32
        %broadcast_in_dim3A_75 = vector.broadcast %broadcast_in_dim3A_74 : f32 to vector<16xf32>
        %swap3A_76 = arith.index_cast %scan3A_34 : i32 to index
        %swap3A_77 = arith.constant 80 : index
        %swap3A_78 = tpu.vector_load %arg10[%swap3A_76, %swap3A_77] {strides = array<i32>} : memref<32x256xf32, #tpu.memory_space<vmem>>, vector<1x16xf32>,
        %swap3A_79 = vector.shape_cast %swap3A_78 : vector<1x16xf32> to vector<16xf32>
        %swap3A_80 = vector.shape_cast %broadcast_in_dim3A_75 : vector<16xf32> to vector<1x16xf32>
        tpu.vector_store %arg10[%swap3A_76, %swap3A_77], %swap3A_80 {strides = array<i32>} : memref<32x256xf32, #tpu.memory_space<vmem>>, vector<1x16xf32>,
        %broadcast_in_dim3A_81 = arith.constant 0.000000e+00 : f32
        %broadcast_in_dim3A_82 = vector.broadcast %broadcast_in_dim3A_81 : f32 to vector<16xf32>
        %swap3A_83 = arith.index_cast %scan3A_34 : i32 to index
        %swap3A_84 = arith.constant 96 : index
        %swap3A_85 = tpu.vector_load %arg10[%swap3A_83, %swap3A_84] {strides = array<i32>} : memref<32x256xf32, #tpu.memory_space<vmem>>, vector<1x16xf32>,
        %swap3A_86 = vector.shape_cast %swap3A_85 : vector<1x16xf32> to vector<16xf32>
        %swap3A_87 = vector.shape_cast %broadcast_in_dim3A_82 : vector<16xf32> to vector<1x16xf32>
        tpu.vector_store %arg10[%swap3A_83, %swap3A_84], %swap3A_87 {strides = array<i32>} : memref<32x256xf32, #tpu.memory_space<vmem>>, vector<1x16xf32>,
        %broadcast_in_dim3A_88 = arith.constant 0.000000e+00 : f32
        %broadcast_in_dim3A_89 = vector.broadcast %broadcast_in_dim3A_88 : f32 to vector<16xf32>
        %swap3A_90 = arith.index_cast %scan3A_34 : i32 to index
        %swap3A_91 = arith.constant 112 : index
        %swap3A_92 = tpu.vector_load %arg10[%swap3A_90, %swap3A_91] {strides = array<i32>} : memref<32x256xf32, #tpu.memory_space<vmem>>, vector<1x16xf32>,
        %swap3A_93 = vector.shape_cast %swap3A_92 : vector<1x16xf32> to vector<16xf32>
        %swap3A_94 = vector.shape_cast %broadcast_in_dim3A_89 : vector<16xf32> to vector<1x16xf32>
        tpu.vector_store %arg10[%swap3A_90, %swap3A_91], %swap3A_94 {strides = array<i32>} : memref<32x256xf32, #tpu.memory_space<vmem>>, vector<1x16xf32>,
        %broadcast_in_dim3A_95 = arith.constant 0.000000e+00 : f32
        %broadcast_in_dim3A_96 = vector.broadcast %broadcast_in_dim3A_95 : f32 to vector<16xf32>
        %swap3A_97 = arith.index_cast %scan3A_34 : i32 to index
        %swap3A_98 = arith.constant 128 : index
        %swap3A_99 = tpu.vector_load %arg10[%swap3A_97, %swap3A_98] {strides = array<i32>} : memref<32x256xf32, #tpu.memory_space<vmem>>, vector<1x16xf32>,
        %swap3A_100 = vector.shape_cast %swap3A_99 : vector<1x16xf32> to vector<16xf32>
        %swap3A_101 = vector.shape_cast %broadcast_in_dim3A_96 : vector<16xf32> to vector<1x16xf32>
        tpu.vector_store %arg10[%swap3A_97, %swap3A_98], %swap3A_101 {strides = array<i32>} : memref<32x256xf32, #tpu.memory_space<vmem>>, vector<1x16xf32>,
        %broadcast_in_dim3A_102 = arith.constant 0.000000e+00 : f32
        %broadcast_in_dim3A_103 = vector.broadcast %broadcast_in_dim3A_102 : f32 to vector<16xf32>
        %swap3A_104 = arith.index_cast %scan3A_34 : i32 to index
        %swap3A_105 = arith.constant 144 : index
        %swap3A_106 = tpu.vector_load %arg10[%swap3A_104, %swap3A_105] {strides = array<i32>} : memref<32x256xf32, #tpu.memory_space<vmem>>, vector<1x16xf32>,
        %swap3A_107 = vector.shape_cast %swap3A_106 : vector<1x16xf32> to vector<16xf32>
        %swap3A_108 = vector.shape_cast %broadcast_in_dim3A_103 : vector<16xf32> to vector<1x16xf32>
        tpu.vector_store %arg10[%swap3A_104, %swap3A_105], %swap3A_108 {strides = array<i32>} : memref<32x256xf32, #tpu.memory_space<vmem>>, vector<1x16xf32>,
        %broadcast_in_dim3A_109 = arith.constant 0.000000e+00 : f32
        %broadcast_in_dim3A_110 = vector.broadcast %broadcast_in_dim3A_109 : f32 to vector<16xf32>
        %swap3A_111 = arith.index_cast %scan3A_34 : i32 to index
        %swap3A_112 = arith.constant 160 : index
        %swap3A_113 = tpu.vector_load %arg10[%swap3A_111, %swap3A_112] {strides = array<i32>} : memref<32x256xf32, #tpu.memory_space<vmem>>, vector<1x16xf32>,
        %swap3A_114 = vector.shape_cast %swap3A_113 : vector<1x16xf32> to vector<16xf32>
        %swap3A_115 = vector.shape_cast %broadcast_in_dim3A_110 : vector<16xf32> to vector<1x16xf32>
        tpu.vector_store %arg10[%swap3A_111, %swap3A_112], %swap3A_115 {strides = array<i32>} : memref<32x256xf32, #tpu.memory_space<vmem>>, vector<1x16xf32>,
        %broadcast_in_dim3A_116 = arith.constant 0.000000e+00 : f32
        %broadcast_in_dim3A_117 = vector.broadcast %broadcast_in_dim3A_116 : f32 to vector<16xf32>
        %swap3A_118 = arith.index_cast %scan3A_34 : i32 to index
        %swap3A_119 = arith.constant 176 : index
        %swap3A_120 = tpu.vector_load %arg10[%swap3A_118, %swap3A_119] {strides = array<i32>} : memref<32x256xf32, #tpu.memory_space<vmem>>, vector<1x16xf32>,
        %swap3A_121 = vector.shape_cast %swap3A_120 : vector<1x16xf32> to vector<16xf32>
        %swap3A_122 = vector.shape_cast %broadcast_in_dim3A_117 : vector<16xf32> to vector<1x16xf32>
        tpu.vector_store %arg10[%swap3A_118, %swap3A_119], %swap3A_122 {strides = array<i32>} : memref<32x256xf32, #tpu.memory_space<vmem>>, vector<1x16xf32>,
        %broadcast_in_dim3A_123 = arith.constant 0.000000e+00 : f32
        %broadcast_in_dim3A_124 = vector.broadcast %broadcast_in_dim3A_123 : f32 to vector<16xf32>
        %swap3A_125 = arith.index_cast %scan3A_34 : i32 to index
        %swap3A_126 = arith.constant 192 : index
        %swap3A_127 = tpu.vector_load %arg10[%swap3A_125, %swap3A_126] {strides = array<i32>} : memref<32x256xf32, #tpu.memory_space<vmem>>, vector<1x16xf32>,
        %swap3A_128 = vector.shape_cast %swap3A_127 : vector<1x16xf32> to vector<16xf32>
        %swap3A_129 = vector.shape_cast %broadcast_in_dim3A_124 : vector<16xf32> to vector<1x16xf32>
        tpu.vector_store %arg10[%swap3A_125, %swap3A_126], %swap3A_129 {strides = array<i32>} : memref<32x256xf32, #tpu.memory_space<vmem>>, vector<1x16xf32>,
        %broadcast_in_dim3A_130 = arith.constant 0.000000e+00 : f32
        %broadcast_in_dim3A_131 = vector.broadcast %broadcast_in_dim3A_130 : f32 to vector<16xf32>
        %swap3A_132 = arith.index_cast %scan3A_34 : i32 to index
        %swap3A_133 = arith.constant 208 : index
        %swap3A_134 = tpu.vector_load %arg10[%swap3A_132, %swap3A_133] {strides = array<i32>} : memref<32x256xf32, #tpu.memory_space<vmem>>, vector<1x16xf32>,
        %swap3A_135 = vector.shape_cast %swap3A_134 : vector<1x16xf32> to vector<16xf32>
        %swap3A_136 = vector.shape_cast %broadcast_in_dim3A_131 : vector<16xf32> to vector<1x16xf32>
        tpu.vector_store %arg10[%swap3A_132, %swap3A_133], %swap3A_136 {strides = array<i32>} : memref<32x256xf32, #tpu.memory_space<vmem>>, vector<1x16xf32>,
        %broadcast_in_dim3A_137 = arith.constant 0.000000e+00 : f32
        %broadcast_in_dim3A_138 = vector.broadcast %broadcast_in_dim3A_137 : f32 to vector<16xf32>
        %swap3A_139 = arith.index_cast %scan3A_34 : i32 to index
        %swap3A_140 = arith.constant 224 : index
        %swap3A_141 = tpu.vector_load %arg10[%swap3A_139, %swap3A_140] {strides = array<i32>} : memref<32x256xf32, #tpu.memory_space<vmem>>, vector<1x16xf32>,
        %swap3A_142 = vector.shape_cast %swap3A_141 : vector<1x16xf32> to vector<16xf32>
        %swap3A_143 = vector.shape_cast %broadcast_in_dim3A_138 : vector<16xf32> to vector<1x16xf32>
        tpu.vector_store %arg10[%swap3A_139, %swap3A_140], %swap3A_143 {strides = array<i32>} : memref<32x256xf32, #tpu.memory_space<vmem>>, vector<1x16xf32>,
        %broadcast_in_dim3A_144 = arith.constant 0.000000e+00 : f32
        %broadcast_in_dim3A_145 = vector.broadcast %broadcast_in_dim3A_144 : f32 to vector<16xf32>
        %swap3A_146 = arith.index_cast %scan3A_34 : i32 to index
        %swap3A_147 = arith.constant 240 : index
        %swap3A_148 = tpu.vector_load %arg10[%swap3A_146, %swap3A_147] {strides = array<i32>} : memref<32x256xf32, #tpu.memory_space<vmem>>, vector<1x16xf32>,
        %swap3A_149 = vector.shape_cast %swap3A_148 : vector<1x16xf32> to vector<16xf32>
        %swap3A_150 = vector.shape_cast %broadcast_in_dim3A_145 : vector<16xf32> to vector<1x16xf32>
        tpu.vector_store %arg10[%swap3A_146, %swap3A_147], %swap3A_150 {strides = array<i32>} : memref<32x256xf32, #tpu.memory_space<vmem>>, vector<1x16xf32>,
      } else {
      }
    }
    %scan3A_27 = arith.constant 32 : i32
    %mul3A_28 = arith.constant 2 : i32
    %mul3A_29 = arith.muli %mul3A_28, %add3A : i32
    "tpu.region"() ({
      %run_scoped3A = tpu.sem_alloc : memref<!tpu.dma_semaphore, #tpu.memory_space<semaphore_mem>>
      %dma_start3A_34 = arith.constant 0 : i32
      %dma_start3A_35 = arith.constant 0 : i32
      %dma_start3A_36 = tpu.memref_slice %arg5[%mul3A_29, %dma_start3A_34, %dma_start3A_35] : memref<64x32x256xf32, #tpu.memory_space<hbm>> -> memref<1x32x256xf32, #tpu.memory_space<hbm>>
      %dma_start3A_37 = tpu.memref_squeeze %dma_start3A_36 : memref<1x32x256xf32, #tpu.memory_space<hbm>> -> memref<32x256xf32, #tpu.memory_space<hbm>>
      %dma_start3A_38 = arith.constant 0 : i32
      %dma_start3A_39 = arith.constant 0 : i32
      %dma_start3A_40 = tpu.memref_slice %arg5[%mul3A_29, %dma_start3A_38, %dma_start3A_39] : memref<64x32x256xf32, #tpu.memory_space<hbm>> -> memref<1x32x256xf32, #tpu.memory_space<hbm>>
      %dma_start3A_41 = tpu.memref_squeeze %dma_start3A_40 : memref<1x32x256xf32, #tpu.memory_space<hbm>> -> memref<32x256xf32, #tpu.memory_space<hbm>>
      tpu.enqueue_dma source(%arg9 : memref<32x256xf32, #tpu.memory_space<vmem>>) target(%dma_start3A_41 : memref<32x256xf32, #tpu.memory_space<hbm>>) target_semaphore(%run_scoped3A : memref<!tpu.dma_semaphore, #tpu.memory_space<semaphore_mem>>)
      %dma_wait3A_42 = arith.constant 0 : i32
      %dma_wait3A_43 = arith.constant 0 : i32
      %dma_wait3A_44 = tpu.memref_slice %arg5[%mul3A_29, %dma_wait3A_42, %dma_wait3A_43] : memref<64x32x256xf32, #tpu.memory_space<hbm>> -> memref<1x32x256xf32, #tpu.memory_space<hbm>>
      %dma_wait3A_45 = tpu.memref_squeeze %dma_wait3A_44 : memref<1x32x256xf32, #tpu.memory_space<hbm>> -> memref<32x256xf32, #tpu.memory_space<hbm>>
      %dma_wait3A_46 = arith.constant 0 : i32
      %dma_wait3A_47 = arith.constant 0 : i32
      %dma_wait3A_48 = tpu.memref_slice %arg5[%mul3A_29, %dma_wait3A_46, %dma_wait3A_47] : memref<64x32x256xf32, #tpu.memory_space<hbm>> -> memref<1x32x256xf32, #tpu.memory_space<hbm>>
      %dma_wait3A_49 = tpu.memref_squeeze %dma_wait3A_48 : memref<1x32x256xf32, #tpu.memory_space<hbm>> -> memref<32x256xf32, #tpu.memory_space<hbm>>
      tpu.wait_dma2 semaphore(%run_scoped3A : memref<!tpu.dma_semaphore, #tpu.memory_space<semaphore_mem>>) src(%arg9 : memref<32x256xf32, #tpu.memory_space<vmem>>) dst(%dma_wait3A_49 : memref<32x256xf32, #tpu.memory_space<hbm>>)
      tpu.yield
    }) : () -> ()
    %mul3A_30 = arith.constant 2 : i32
    %mul3A_31 = arith.muli %mul3A_30, %add3A : i32
    %add3A_32 = arith.constant 1 : i32
    %add3A_33 = arith.addi %mul3A_31, %add3A_32 : i32
    "tpu.region"() ({
      %run_scoped3A = tpu.sem_alloc : memref<!tpu.dma_semaphore, #tpu.memory_space<semaphore_mem>>
      %dma_start3A_34 = arith.constant 0 : i32
      %dma_start3A_35 = arith.constant 0 : i32
      %dma_start3A_36 = tpu.memref_slice %arg5[%add3A_33, %dma_start3A_34, %dma_start3A_35] : memref<64x32x256xf32, #tpu.memory_space<hbm>> -> memref<1x32x256xf32, #tpu.memory_space<hbm>>
      %dma_start3A_37 = tpu.memref_squeeze %dma_start3A_36 : memref<1x32x256xf32, #tpu.memory_space<hbm>> -> memref<32x256xf32, #tpu.memory_space<hbm>>
      %dma_start3A_38 = arith.constant 0 : i32
      %dma_start3A_39 = arith.constant 0 : i32
      %dma_start3A_40 = tpu.memref_slice %arg5[%add3A_33, %dma_start3A_38, %dma_start3A_39] : memref<64x32x256xf32, #tpu.memory_space<hbm>> -> memref<1x32x256xf32, #tpu.memory_space<hbm>>
      %dma_start3A_41 = tpu.memref_squeeze %dma_start3A_40 : memref<1x32x256xf32, #tpu.memory_space<hbm>> -> memref<32x256xf32, #tpu.memory_space<hbm>>
      tpu.enqueue_dma source(%arg10 : memref<32x256xf32, #tpu.memory_space<vmem>>) target(%dma_start3A_41 : memref<32x256xf32, #tpu.memory_space<hbm>>) target_semaphore(%run_scoped3A : memref<!tpu.dma_semaphore, #tpu.memory_space<semaphore_mem>>)
      %dma_wait3A_42 = arith.constant 0 : i32
      %dma_wait3A_43 = arith.constant 0 : i32
      %dma_wait3A_44 = tpu.memref_slice %arg5[%add3A_33, %dma_wait3A_42, %dma_wait3A_43] : memref<64x32x256xf32, #tpu.memory_space<hbm>> -> memref<1x32x256xf32, #tpu.memory_space<hbm>>
      %dma_wait3A_45 = tpu.memref_squeeze %dma_wait3A_44 : memref<1x32x256xf32, #tpu.memory_space<hbm>> -> memref<32x256xf32, #tpu.memory_space<hbm>>
      %dma_wait3A_46 = arith.constant 0 : i32
      %dma_wait3A_47 = arith.constant 0 : i32
      %dma_wait3A_48 = tpu.memref_slice %arg5[%add3A_33, %dma_wait3A_46, %dma_wait3A_47] : memref<64x32x256xf32, #tpu.memory_space<hbm>> -> memref<1x32x256xf32, #tpu.memory_space<hbm>>
      %dma_wait3A_49 = tpu.memref_squeeze %dma_wait3A_48 : memref<1x32x256xf32, #tpu.memory_space<hbm>> -> memref<32x256xf32, #tpu.memory_space<hbm>>
      tpu.wait_dma2 semaphore(%run_scoped3A : memref<!tpu.dma_semaphore, #tpu.memory_space<semaphore_mem>>) src(%arg10 : memref<32x256xf32, #tpu.memory_space<vmem>>) dst(%dma_wait3A_49 : memref<32x256xf32, #tpu.memory_space<hbm>>)
      tpu.yield
    }) : () -> ()
    return
  }
}

module attributes {stable_mosaic.version = 14 : i64} {
  func.func @_tc_kernel(%arg0: i32, %arg1: memref<1024x256xf32, #tpu.memory_space<vmem>>, %arg2: memref<1x1x1024xi32, #tpu.memory_space<vmem>>, %arg3: memref<1x1x1024xf32, #tpu.memory_space<vmem>>, %arg4: memref<1x160xi32, #tpu.memory_space<vmem>>, %arg5: memref<1x64xf32, #tpu.memory_space<vmem>>) attributes {dimension_semantics = [#tpu.dimension_semantics<arbitrary>], iteration_bounds = array<i64: 49>, scalar_prefetch = 0 : i64, scratch_operands = 1 : i64, tpu.core_type = #tpu.core_type<tc>, window_params = [{transform_indices = @transform_0, window_bounds = array<i64: 1024, 256>}, {transform_indices = @transform_1, window_bounds = array<i64: 1, 1, 1024>}, {transform_indices = @transform_2, window_bounds = array<i64: 1, 1, 1024>}, {pipeline_mode = #tpu.pipeline_mode<synchronous>, transform_indices = @transform_3, window_bounds = array<i64: 1, 160>}]} {
    %get3A = arith.constant 0 : index
    %get3A_0 = arith.constant 0 : index
    %get3A_1 = vector.load %arg1[%get3A, %get3A_0] : memref<1024x256xf32, #tpu.memory_space<vmem>>, vector<1024x256xf32>
    %mul3A = arith.mulf %get3A_1, %get3A_1 : vector<1024x256xf32>
    %reduce_sum3A = arith.constant dense<0.000000e+00> : vector<1024xf32>
    %reduce_sum3A_2 = vector.multi_reduction <add>, %mul3A, %reduce_sum3A [1] : vector<1024x256xf32> to vector<1024xf32>
    %sqrt3A = math.sqrt %reduce_sum3A_2 : vector<1024xf32>
    %swap3A = arith.constant 0 : index
    %swap3A_3 = arith.constant 0 : index
    %swap3A_4 = arith.constant 0 : index
    %swap3A_5 = vector.load %arg3[%swap3A, %swap3A_3, %swap3A_4] : memref<1x1x1024xf32, #tpu.memory_space<vmem>>, vector<1x1x1024xf32>
    %swap3A_6 = vector.shape_cast %swap3A_5 : vector<1x1x1024xf32> to vector<1024xf32>
    %swap3A_7 = vector.shape_cast %sqrt3A : vector<1024xf32> to vector<1x1x1024xf32>
    tpu.vector_store %arg3[%swap3A, %swap3A_3, %swap3A_4], %swap3A_7 {strides = array<i32>} : memref<1x1x1024xf32, #tpu.memory_space<vmem>>, vector<1x1x1024xf32>,
    %eq3A = arith.constant 0 : i32
    %eq3A_8 = arith.cmpi eq, %arg0, %eq3A : i32
    %convert_element_type3A = arith.extui %eq3A_8 : i1 to i32
    %cond3A = arith.constant 0 : i32
    %cond3A_9 = arith.cmpi ne, %convert_element_type3A, %cond3A : i32
    scf.if %cond3A_9 {
      %broadcast_in_dim3A_33 = arith.constant 0.000000e+00 : f32
      %broadcast_in_dim3A_34 = vector.broadcast %broadcast_in_dim3A_33 : f32 to vector<1x64xf32>
      %swap3A_35 = arith.constant 0 : index
      %swap3A_36 = arith.constant 0 : index
      %swap3A_37 = vector.load %arg5[%swap3A_35, %swap3A_36] : memref<1x64xf32, #tpu.memory_space<vmem>>, vector<1x64xf32>
      tpu.vector_store %arg5[%swap3A_35, %swap3A_36], %broadcast_in_dim3A_34 {strides = array<i32>} : memref<1x64xf32, #tpu.memory_space<vmem>>, vector<1x64xf32>,
    } else {
    }
    %get3A_10 = arith.constant 0 : index
    %get3A_11 = arith.constant 0 : index
    %get3A_12 = arith.constant 0 : index
    %get3A_13 = vector.load %arg2[%get3A_10, %get3A_11, %get3A_12] : memref<1x1x1024xi32, #tpu.memory_space<vmem>>, vector<1x1x1024xi32>
    %get3A_14 = vector.shape_cast %get3A_13 : vector<1x1x1024xi32> to vector<1024xi32>
    %iota3A = tpu.iota {dimensions = array<i32: 0>} : vector<64x1024xi32>
    %broadcast_in_dim3A = vector.shape_cast %get3A_14 : vector<1024xi32> to vector<1x1024xi32>
    %eq3A_15 = vector.broadcast %broadcast_in_dim3A : vector<1x1024xi32> to vector<64x1024xi32>
    %eq3A_16 = arith.cmpi eq, %eq3A_15, %iota3A : vector<64x1024xi32>
    %convert_element_type3A_17 = arith.extui %eq3A_16 : vector<64x1024xi1> to vector<64x1024xi32>
    %convert_element_type3A_18 = arith.sitofp %convert_element_type3A_17 : vector<64x1024xi32> to vector<64x1024xf32>
    %get3A_19 = arith.constant 0 : index
    %get3A_20 = arith.constant 0 : index
    %get3A_21 = vector.load %arg5[%get3A_19, %get3A_20] : memref<1x64xf32, #tpu.memory_space<vmem>>, vector<1x64xf32>
    %reduce_sum3A_22 = arith.constant dense<0.000000e+00> : vector<64xf32>
    %reduce_sum3A_23 = vector.multi_reduction <add>, %convert_element_type3A_18, %reduce_sum3A_22 [1] : vector<64x1024xf32> to vector<64xf32>
    %broadcast_in_dim3A_24 = vector.shape_cast %reduce_sum3A_23 : vector<64xf32> to vector<1x64xf32>
    %add3A = arith.addf %get3A_21, %broadcast_in_dim3A_24 : vector<1x64xf32>
    %swap3A_25 = arith.constant 0 : index
    %swap3A_26 = arith.constant 0 : index
    %swap3A_27 = vector.load %arg5[%swap3A_25, %swap3A_26] : memref<1x64xf32, #tpu.memory_space<vmem>>, vector<1x64xf32>
    tpu.vector_store %arg5[%swap3A_25, %swap3A_26], %add3A {strides = array<i32>} : memref<1x64xf32, #tpu.memory_space<vmem>>, vector<1x64xf32>,
    %eq3A_28 = arith.constant 48 : i32
    %eq3A_29 = arith.cmpi eq, %arg0, %eq3A_28 : i32
    %convert_element_type3A_30 = arith.extui %eq3A_29 : i1 to i32
    %cond3A_31 = arith.constant 0 : i32
    %cond3A_32 = arith.cmpi ne, %convert_element_type3A_30, %cond3A_31 : i32
    scf.if %cond3A_32 {
      %get3A_33 = arith.constant 0 : index
      %get3A_34 = arith.constant 0 : index
      %get3A_35 = vector.load %arg5[%get3A_33, %get3A_34] : memref<1x64xf32, #tpu.memory_space<vmem>>, vector<1x64xf32>
      %iota3A_36 = tpu.iota {dimensions = array<i32: 1>} : vector<1x64xi32>
      %roll3A = arith.constant 1 : i32
      %roll3A_37 = tpu.dynamic_rotate %get3A_35 by %roll3A dim 1 : vector<1x64xf32>, i32 -> vector<1x64xf32>
      %ge3A = arith.constant 1 : i32
      %ge3A_38 = vector.broadcast %ge3A : i32 to vector<1x64xi32>
      %ge3A_39 = arith.cmpi sge, %iota3A_36, %ge3A_38 : vector<1x64xi32>
      %jit3A = arith.constant 0.000000e+00 : f32
      %broadcast_in_dim3A_40 = vector.broadcast %jit3A : f32 to vector<1x64xf32>
      %select_n3A = arith.select %ge3A_39, %roll3A_37, %broadcast_in_dim3A_40 : vector<1x64xi1>, vector<1x64xf32>
      %add3A_41 = arith.addf %get3A_35, %select_n3A : vector<1x64xf32>
      %roll3A_42 = arith.constant 2 : i32
      %roll3A_43 = tpu.dynamic_rotate %add3A_41 by %roll3A_42 dim 1 : vector<1x64xf32>, i32 -> vector<1x64xf32>
      %ge3A_44 = arith.constant 2 : i32
      %ge3A_45 = vector.broadcast %ge3A_44 : i32 to vector<1x64xi32>
      %ge3A_46 = arith.cmpi sge, %iota3A_36, %ge3A_45 : vector<1x64xi32>
      %jit3A_47 = arith.constant 0.000000e+00 : f32
      %broadcast_in_dim3A_48 = vector.broadcast %jit3A_47 : f32 to vector<1x64xf32>
      %select_n3A_49 = arith.select %ge3A_46, %roll3A_43, %broadcast_in_dim3A_48 : vector<1x64xi1>, vector<1x64xf32>
      %add3A_50 = arith.addf %add3A_41, %select_n3A_49 : vector<1x64xf32>
      %roll3A_51 = arith.constant 4 : i32
      %roll3A_52 = tpu.dynamic_rotate %add3A_50 by %roll3A_51 dim 1 : vector<1x64xf32>, i32 -> vector<1x64xf32>
      %ge3A_53 = arith.constant 4 : i32
      %ge3A_54 = vector.broadcast %ge3A_53 : i32 to vector<1x64xi32>
      %ge3A_55 = arith.cmpi sge, %iota3A_36, %ge3A_54 : vector<1x64xi32>
      %jit3A_56 = arith.constant 0.000000e+00 : f32
      %broadcast_in_dim3A_57 = vector.broadcast %jit3A_56 : f32 to vector<1x64xf32>
      %select_n3A_58 = arith.select %ge3A_55, %roll3A_52, %broadcast_in_dim3A_57 : vector<1x64xi1>, vector<1x64xf32>
      %add3A_59 = arith.addf %add3A_50, %select_n3A_58 : vector<1x64xf32>
      %roll3A_60 = arith.constant 8 : i32
      %roll3A_61 = tpu.dynamic_rotate %add3A_59 by %roll3A_60 dim 1 : vector<1x64xf32>, i32 -> vector<1x64xf32>
      %ge3A_62 = arith.constant 8 : i32
      %ge3A_63 = vector.broadcast %ge3A_62 : i32 to vector<1x64xi32>
      %ge3A_64 = arith.cmpi sge, %iota3A_36, %ge3A_63 : vector<1x64xi32>
      %jit3A_65 = arith.constant 0.000000e+00 : f32
      %broadcast_in_dim3A_66 = vector.broadcast %jit3A_65 : f32 to vector<1x64xf32>
      %select_n3A_67 = arith.select %ge3A_64, %roll3A_61, %broadcast_in_dim3A_66 : vector<1x64xi1>, vector<1x64xf32>
      %add3A_68 = arith.addf %add3A_59, %select_n3A_67 : vector<1x64xf32>
      %roll3A_69 = arith.constant 16 : i32
      %roll3A_70 = tpu.dynamic_rotate %add3A_68 by %roll3A_69 dim 1 : vector<1x64xf32>, i32 -> vector<1x64xf32>
      %ge3A_71 = arith.constant 16 : i32
      %ge3A_72 = vector.broadcast %ge3A_71 : i32 to vector<1x64xi32>
      %ge3A_73 = arith.cmpi sge, %iota3A_36, %ge3A_72 : vector<1x64xi32>
      %jit3A_74 = arith.constant 0.000000e+00 : f32
      %broadcast_in_dim3A_75 = vector.broadcast %jit3A_74 : f32 to vector<1x64xf32>
      %select_n3A_76 = arith.select %ge3A_73, %roll3A_70, %broadcast_in_dim3A_75 : vector<1x64xi1>, vector<1x64xf32>
      %add3A_77 = arith.addf %add3A_68, %select_n3A_76 : vector<1x64xf32>
      %roll3A_78 = arith.constant 32 : i32
      %roll3A_79 = tpu.dynamic_rotate %add3A_77 by %roll3A_78 dim 1 : vector<1x64xf32>, i32 -> vector<1x64xf32>
      %ge3A_80 = arith.constant 32 : i32
      %ge3A_81 = vector.broadcast %ge3A_80 : i32 to vector<1x64xi32>
      %ge3A_82 = arith.cmpi sge, %iota3A_36, %ge3A_81 : vector<1x64xi32>
      %jit3A_83 = arith.constant 0.000000e+00 : f32
      %broadcast_in_dim3A_84 = vector.broadcast %jit3A_83 : f32 to vector<1x64xf32>
      %select_n3A_85 = arith.select %ge3A_82, %roll3A_79, %broadcast_in_dim3A_84 : vector<1x64xi1>, vector<1x64xf32>
      %add3A_86 = arith.addf %add3A_77, %select_n3A_85 : vector<1x64xf32>
      %sub3A = arith.subf %add3A_86, %get3A_35 : vector<1x64xf32>
      %squeeze3A = vector.shape_cast %sub3A : vector<1x64xf32> to vector<64xf32>
      %squeeze3A_87 = vector.shape_cast %add3A_86 : vector<1x64xf32> to vector<64xf32>
      %broadcast_in_dim3A_88 = arith.constant 0.000000e+00 : f32
      %broadcast_in_dim3A_89 = vector.broadcast %broadcast_in_dim3A_88 : f32 to vector<32xf32>
      %concatenate3A = tpu.concatenate %squeeze3A, %squeeze3A_87, %broadcast_in_dim3A_89 in 0 : vector<64xf32>, vector<64xf32>, vector<32xf32> -> vector<160xf32>
      %convert_element_type3A_90 = arith.fptosi %concatenate3A : vector<160xf32> to vector<160xi32>
      %swap3A_91 = arith.constant 0 : index
      %swap3A_92 = arith.constant 0 : index
      %swap3A_93 = vector.load %arg4[%swap3A_91, %swap3A_92] : memref<1x160xi32, #tpu.memory_space<vmem>>, vector<1x160xi32>
      %swap3A_94 = vector.shape_cast %swap3A_93 : vector<1x160xi32> to vector<160xi32>
      %swap3A_95 = vector.shape_cast %convert_element_type3A_90 : vector<160xi32> to vector<1x160xi32>
      tpu.vector_store %arg4[%swap3A_91, %swap3A_92], %swap3A_95 {strides = array<i32>} : memref<1x160xi32, #tpu.memory_space<vmem>>, vector<1x160xi32>,
    } else {
    }
    return
  }
  func.func @transform_0(%arg0: i32) -> (i32, i32) {
    %c0_i32 = arith.constant 0 : i32
    %c0_i32_0 = arith.constant 0 : i32
    return %arg0, %c0_i32 : i32, i32
  }
  func.func @transform_1(%arg0: i32) -> (i32, i32, i32) {
    %c0_i32 = arith.constant 0 : i32
    %c0_i32_0 = arith.constant 0 : i32
    %c0_i32_1 = arith.constant 0 : i32
    return %arg0, %c0_i32, %c0_i32_0 : i32, i32, i32
  }
  func.func @transform_2(%arg0: i32) -> (i32, i32, i32) {
    %c0_i32 = arith.constant 0 : i32
    %c0_i32_0 = arith.constant 0 : i32
    %c0_i32_1 = arith.constant 0 : i32
    return %arg0, %c0_i32, %c0_i32_0 : i32, i32, i32
  }
  func.func @transform_3(%arg0: i32) -> (i32, i32) {
    %c0_i32 = arith.constant 0 : i32
    %c0_i32_0 = arith.constant 0 : i32
    %c0_i32_1 = arith.constant 0 : i32
    return %c0_i32, %c0_i32_0 : i32, i32
  }
}

module attributes {stable_mosaic.version = 14 : i64} {
  func.func @_sel_kernel(%arg0: i32, %arg1: memref<1x160xi32, #tpu.memory_space<smem>>, %arg2: memref<106x512xf32, #tpu.memory_space<vmem>>, %arg3: memref<1x1x32xi32, #tpu.memory_space<vmem>>, %arg4: memref<1x1x32xi32, #tpu.memory_space<vmem>>) attributes {dimension_semantics = [#tpu.dimension_semantics<arbitrary>], iteration_bounds = array<i64: 64>, scalar_prefetch = 0 : i64, scratch_operands = 0 : i64, tpu.core_type = #tpu.core_type<tc>, window_params = [{transform_indices = @transform_0, window_bounds = array<i64: 1, 160>}, {pipeline_mode = #tpu.pipeline_mode<synchronous>, transform_indices = @transform_1, window_bounds = array<i64: 106, 512>}, {transform_indices = @transform_2, window_bounds = array<i64: 1, 1, 32>}, {transform_indices = @transform_3, window_bounds = array<i64: 1, 1, 32>}]} {
    %get3A = arith.constant 0 : index
    %get3A_0 = arith.index_cast %arg0 : i32 to index
    %get3A_1 = memref.load %arg1[%get3A, %get3A_0] : memref<1x160xi32, #tpu.memory_space<smem>>
    %add3A = arith.constant 64 : i32
    %add3A_2 = arith.addi %add3A, %arg0 : i32
    %get3A_3 = arith.constant 0 : index
    %get3A_4 = arith.index_cast %add3A_2 : i32 to index
    %get3A_5 = memref.load %arg1[%get3A_3, %get3A_4] : memref<1x160xi32, #tpu.memory_space<smem>>
    %jit3A = arith.constant 4096 : i32
    %div3A = arith.divsi %get3A_1, %jit3A : i32
    %sign3A = arith.constant 0 : i32
    %sign3A_6 = arith.cmpi sgt, %get3A_1, %sign3A : i32
    %sign3A_7 = arith.extui %sign3A_6 : i1 to i32
    %sign3A_8 = arith.constant 0 : i32
    %sign3A_9 = arith.cmpi slt, %get3A_1, %sign3A_8 : i32
    %sign3A_10 = arith.extui %sign3A_9 : i1 to i32
    %sign3A_11 = arith.subi %sign3A_7, %sign3A_10 : i32
    %sign3A_12 = arith.constant 0 : i32
    %sign3A_13 = arith.cmpi sgt, %jit3A, %sign3A_12 : i32
    %sign3A_14 = arith.extui %sign3A_13 : i1 to i32
    %sign3A_15 = arith.constant 0 : i32
    %sign3A_16 = arith.cmpi slt, %jit3A, %sign3A_15 : i32
    %sign3A_17 = arith.extui %sign3A_16 : i1 to i32
    %sign3A_18 = arith.subi %sign3A_14, %sign3A_17 : i32
    %ne3A = arith.cmpi ne, %sign3A_11, %sign3A_18 : i32
    %rem3A = arith.remsi %get3A_1, %jit3A : i32
    %ne3A_19 = arith.constant 0 : i32
    %ne3A_20 = arith.cmpi ne, %rem3A, %ne3A_19 : i32
    %and3A = arith.andi %ne3A, %ne3A_20 : i1
    %sub3A = arith.constant 1 : i32
    %sub3A_21 = arith.subi %div3A, %sub3A : i32
    %select_n3A = arith.select %and3A, %sub3A_21, %div3A : i32
    %mul3A = arith.constant 8 : i32
    %mul3A_22 = arith.muli %select_n3A, %mul3A : i32
    %multiple_of3A = tpu.assume_multiple %mul3A_22, 8 : i32
    %gt3A = arith.cmpi sgt, %get3A_5, %get3A_1 : i32
    %mul3A_23 = arith.constant 512 : i32
    %mul3A_24 = arith.muli %multiple_of3A, %mul3A_23 : i32
    %sub3A_25 = arith.subi %get3A_5, %mul3A_24 : i32
    %add3A_26 = arith.constant 4095 : i32
    %add3A_27 = arith.addi %sub3A_25, %add3A_26 : i32
    %jit3A_28 = arith.constant 4096 : i32
    %div3A_29 = arith.divsi %add3A_27, %jit3A_28 : i32
    %sign3A_30 = arith.constant 0 : i32
    %sign3A_31 = arith.cmpi sgt, %add3A_27, %sign3A_30 : i32
    %sign3A_32 = arith.extui %sign3A_31 : i1 to i32
    %sign3A_33 = arith.constant 0 : i32
    %sign3A_34 = arith.cmpi slt, %add3A_27, %sign3A_33 : i32
    %sign3A_35 = arith.extui %sign3A_34 : i1 to i32
    %sign3A_36 = arith.subi %sign3A_32, %sign3A_35 : i32
    %sign3A_37 = arith.constant 0 : i32
    %sign3A_38 = arith.cmpi sgt, %jit3A_28, %sign3A_37 : i32
    %sign3A_39 = arith.extui %sign3A_38 : i1 to i32
    %sign3A_40 = arith.constant 0 : i32
    %sign3A_41 = arith.cmpi slt, %jit3A_28, %sign3A_40 : i32
    %sign3A_42 = arith.extui %sign3A_41 : i1 to i32
    %sign3A_43 = arith.subi %sign3A_39, %sign3A_42 : i32
    %ne3A_44 = arith.cmpi ne, %sign3A_36, %sign3A_43 : i32
    %rem3A_45 = arith.remsi %add3A_27, %jit3A_28 : i32
    %ne3A_46 = arith.constant 0 : i32
    %ne3A_47 = arith.cmpi ne, %rem3A_45, %ne3A_46 : i32
    %and3A_48 = arith.andi %ne3A_44, %ne3A_47 : i1
    %sub3A_49 = arith.constant 1 : i32
    %sub3A_50 = arith.subi %div3A_29, %sub3A_49 : i32
    %select_n3A_51 = arith.select %and3A_48, %sub3A_50, %div3A_29 : i32
    %jit3A_52 = arith.constant 0 : i32
    %select_n3A_53 = arith.select %gt3A, %select_n3A_51, %jit3A_52 : i32
    %iota3A = tpu.iota {dimensions = array<i32: 1>} : vector<1x32xi32>
    %broadcast_in_dim3A = arith.constant 0xFF800000 : f32
    %broadcast_in_dim3A_54 = vector.broadcast %broadcast_in_dim3A : f32 to vector<1x32xf32>
    %add3A_55 = arith.constant 1073741824 : i32
    %add3A_56 = vector.broadcast %add3A_55 : i32 to vector<1x32xi32>
    %add3A_57 = arith.addi %add3A_56, %iota3A : vector<1x32xi32>
    %while3A = arith.constant 0xFF800000 : f32
    %while3A_58 = arith.constant 0 : i32
    %while3A_59 = arith.subi %select_n3A_53, %while3A_58 : i32
    %while3A_60 = arith.addi %while3A_58, %while3A_59 : i32
    %while3A_61 = arith.constant 1 : i32
    %while3A_62 = arith.divsi %while3A_59, %while3A_61 : i32
    %while3A_63 = arith.muli %while3A_62, %while3A_61 : i32
    %while3A_64 = arith.addi %while3A_58, %while3A_63 : i32
    %while3A_65 = arith.constant 1 : i32
    %while3A_66:2 = scf.for %while3A_90 = %while3A_58 to %while3A_64 step %while3A_65 iter_args(%while3A_91 = %broadcast_in_dim3A_54, %while3A_92 = %add3A_57) -> (vector<1x32xf32>, vector<1x32xi32>)  : i32 {
      %mul3A_93 = arith.constant 8 : i32
      %mul3A_94 = arith.muli %while3A_90, %mul3A_93 : i32
      %add3A_95 = arith.addi %multiple_of3A, %mul3A_94 : i32
      %mul3A_96 = arith.constant 512 : i32
      %mul3A_97 = arith.muli %add3A_95, %mul3A_96 : i32
      %mul3A_98 = arith.constant 8 : i32
      %mul3A_99 = arith.muli %while3A_90, %mul3A_98 : i32
      %add3A_100 = arith.addi %multiple_of3A, %mul3A_99 : i32
      %get3A_101 = arith.index_cast %add3A_100 : i32 to index
      %get3A_102 = arith.constant 0 : index
      %get3A_103 = vector.load %arg2[%get3A_101, %get3A_102] : memref<106x512xf32, #tpu.memory_space<vmem>>, vector<8x512xf32>
      %iota3A_104 = tpu.iota {dimensions = array<i32: 0>} : vector<8x512xi32>
      %mul3A_105 = arith.constant 512 : i32
      %mul3A_106 = vector.broadcast %mul3A_105 : i32 to vector<8x512xi32>
      %mul3A_107 = arith.muli %iota3A_104, %mul3A_106 : vector<8x512xi32>
      %add3A_108 = vector.broadcast %mul3A_97 : i32 to vector<8x512xi32>
      %add3A_109 = arith.addi %add3A_108, %mul3A_107 : vector<8x512xi32>
      %iota3A_110 = tpu.iota {dimensions = array<i32: 1>} : vector<8x512xi32>
      %add3A_111 = arith.addi %add3A_109, %iota3A_110 : vector<8x512xi32>
      %ge3A = vector.broadcast %get3A_1 : i32 to vector<8x512xi32>
      %ge3A_112 = arith.cmpi sge, %add3A_111, %ge3A : vector<8x512xi32>
      %lt3A = vector.broadcast %get3A_5 : i32 to vector<8x512xi32>
      %lt3A_113 = arith.cmpi slt, %add3A_111, %lt3A : vector<8x512xi32>
      %and3A_114 = arith.andi %ge3A_112, %lt3A_113 : vector<8x512xi1>
      %broadcast_in_dim3A_115 = vector.broadcast %while3A : f32 to vector<8x512xf32>
      %select_n3A_116 = arith.select %and3A_114, %get3A_103, %broadcast_in_dim3A_115 : vector<8x512xi1>, vector<8x512xf32>
      %broadcast_in_dim3A_117 = vector.broadcast %while3A : f32 to vector<1x32xf32>
      %add3A_118 = arith.constant 1073741856 : i32
      %add3A_119 = vector.broadcast %add3A_118 : i32 to vector<1x32xi32>
      %add3A_120 = arith.addi %add3A_119, %iota3A : vector<1x32xi32>
      %reduce_max3A = vector.shape_cast %select_n3A_116 : vector<8x512xf32> to vector<1x8x512xf32>
      %reduce_max3A_121 = arith.constant dense<0xFF800000> : vector<1xf32>
      %reduce_max3A_122 = vector.multi_reduction <maximumf>, %reduce_max3A, %reduce_max3A_121 [1, 2] : vector<1x8x512xf32> to vector<1xf32>
      %reduce_max3A_123 = vector.shape_cast %reduce_max3A_122 : vector<1xf32> to vector<1x1x1xf32>
      %reduce_max3A_124 = vector.extract %reduce_max3A_123[0, 0, 0] : f32 from vector<1x1x1xf32>
      %eq3A = vector.broadcast %reduce_max3A_124 : f32 to vector<8x512xf32>
      %eq3A_125 = arith.cmpf oeq, %select_n3A_116, %eq3A : vector<8x512xf32>
      %jit3A_126 = arith.constant 1073741824 : i32
      %broadcast_in_dim3A_127 = vector.broadcast %jit3A_126 : i32 to vector<8x512xi32>
      %select_n3A_128 = arith.select %eq3A_125, %add3A_111, %broadcast_in_dim3A_127 : vector<8x512xi1>, vector<8x512xi32>
      %reduce_min3A = vector.shape_cast %select_n3A_128 : vector<8x512xi32> to vector<1x8x512xi32>
      %reduce_min3A_129 = arith.constant dense<2147483647> : vector<1xi32>
      %reduce_min3A_130 = vector.multi_reduction <minsi>, %reduce_min3A, %reduce_min3A_129 [1, 2] : vector<1x8x512xi32> to vector<1xi32>
      %reduce_min3A_131 = vector.shape_cast %reduce_min3A_130 : vector<1xi32> to vector<1x1x1xi32>
      %reduce_min3A_132 = vector.extract %reduce_min3A_131[0, 0, 0] : i32 from vector<1x1x1xi32>
      %eq3A_133 = arith.constant 0 : i32
      %eq3A_134 = vector.broadcast %eq3A_133 : i32 to vector<1x32xi32>
      %eq3A_135 = arith.cmpi eq, %iota3A, %eq3A_134 : vector<1x32xi32>
      %broadcast_in_dim3A_136 = vector.broadcast %reduce_max3A_124 : f32 to vector<1x32xf32>
      %select_n3A_137 = arith.select %eq3A_135, %broadcast_in_dim3A_136, %broadcast_in_dim3A_117 : vector<1x32xi1>, vector<1x32xf32>
      %eq3A_138 = arith.constant 0 : i32
      %eq3A_139 = vector.broadcast %eq3A_138 : i32 to vector<1x32xi32>
      %eq3A_140 = arith.cmpi eq, %iota3A, %eq3A_139 : vector<1x32xi32>
      %gt3A_141 = arith.cmpf ogt, %reduce_max3A_124, %while3A : f32
      %jit3A_142 = arith.constant 1073741856 : i32
      %select_n3A_143 = arith.select %gt3A_141, %reduce_min3A_132, %jit3A_142 : i32
      %broadcast_in_dim3A_144 = vector.broadcast %select_n3A_143 : i32 to vector<1x32xi32>
      %select_n3A_145 = arith.select %eq3A_140, %broadcast_in_dim3A_144, %add3A_120 : vector<1x32xi1>, vector<1x32xi32>
      %eq3A_146 = vector.broadcast %reduce_min3A_132 : i32 to vector<8x512xi32>
      %eq3A_147 = arith.cmpi eq, %add3A_111, %eq3A_146 : vector<8x512xi32>
      %broadcast_in_dim3A_148 = vector.broadcast %while3A : f32 to vector<8x512xf32>
      %select_n3A_149 = arith.select %eq3A_147, %broadcast_in_dim3A_148, %select_n3A_116 : vector<8x512xi1>, vector<8x512xf32>
      %reduce_max3A_150 = vector.shape_cast %select_n3A_149 : vector<8x512xf32> to vector<1x8x512xf32>
      %reduce_max3A_151 = arith.constant dense<0xFF800000> : vector<1xf32>
      %reduce_max3A_152 = vector.multi_reduction <maximumf>, %reduce_max3A_150, %reduce_max3A_151 [1, 2] : vector<1x8x512xf32> to vector<1xf32>
      %reduce_max3A_153 = vector.shape_cast %reduce_max3A_152 : vector<1xf32> to vector<1x1x1xf32>
      %reduce_max3A_154 = vector.extract %reduce_max3A_153[0, 0, 0] : f32 from vector<1x1x1xf32>
      %eq3A_155 = vector.broadcast %reduce_max3A_154 : f32 to vector<8x512xf32>
      %eq3A_156 = arith.cmpf oeq, %select_n3A_149, %eq3A_155 : vector<8x512xf32>
      %jit3A_157 = arith.constant 1073741824 : i32
      %broadcast_in_dim3A_158 = vector.broadcast %jit3A_157 : i32 to vector<8x512xi32>
      %select_n3A_159 = arith.select %eq3A_156, %add3A_111, %broadcast_in_dim3A_158 : vector<8x512xi1>, vector<8x512xi32>
      %reduce_min3A_160 = vector.shape_cast %select_n3A_159 : vector<8x512xi32> to vector<1x8x512xi32>
      %reduce_min3A_161 = arith.constant dense<2147483647> : vector<1xi32>
      %reduce_min3A_162 = vector.multi_reduction <minsi>, %reduce_min3A_160, %reduce_min3A_161 [1, 2] : vector<1x8x512xi32> to vector<1xi32>
      %reduce_min3A_163 = vector.shape_cast %reduce_min3A_162 : vector<1xi32> to vector<1x1x1xi32>
      %reduce_min3A_164 = vector.extract %reduce_min3A_163[0, 0, 0] : i32 from vector<1x1x1xi32>
      %eq3A_165 = arith.constant 1 : i32
      %eq3A_166 = vector.broadcast %eq3A_165 : i32 to vector<1x32xi32>
      %eq3A_167 = arith.cmpi eq, %iota3A, %eq3A_166 : vector<1x32xi32>
      %broadcast_in_dim3A_168 = vector.broadcast %reduce_max3A_154 : f32 to vector<1x32xf32>
      %select_n3A_169 = arith.select %eq3A_167, %broadcast_in_dim3A_168, %select_n3A_137 : vector<1x32xi1>, vector<1x32xf32>
      %eq3A_170 = arith.constant 1 : i32
      %eq3A_171 = vector.broadcast %eq3A_170 : i32 to vector<1x32xi32>
      %eq3A_172 = arith.cmpi eq, %iota3A, %eq3A_171 : vector<1x32xi32>
      %gt3A_173 = arith.cmpf ogt, %reduce_max3A_154, %while3A : f32
      %jit3A_174 = arith.constant 1073741857 : i32
      %select_n3A_175 = arith.select %gt3A_173, %reduce_min3A_164, %jit3A_174 : i32
      %broadcast_in_dim3A_176 = vector.broadcast %select_n3A_175 : i32 to vector<1x32xi32>
      %select_n3A_177 = arith.select %eq3A_172, %broadcast_in_dim3A_176, %select_n3A_145 : vector<1x32xi1>, vector<1x32xi32>
      %eq3A_178 = vector.broadcast %reduce_min3A_164 : i32 to vector<8x512xi32>
      %eq3A_179 = arith.cmpi eq, %add3A_111, %eq3A_178 : vector<8x512xi32>
      %broadcast_in_dim3A_180 = vector.broadcast %while3A : f32 to vector<8x512xf32>
      %select_n3A_181 = arith.select %eq3A_179, %broadcast_in_dim3A_180, %select_n3A_149 : vector<8x512xi1>, vector<8x512xf32>
      %reduce_max3A_182 = vector.shape_cast %select_n3A_181 : vector<8x512xf32> to vector<1x8x512xf32>
      %reduce_max3A_183 = arith.constant dense<0xFF800000> : vector<1xf32>
      %reduce_max3A_184 = vector.multi_reduction <maximumf>, %reduce_max3A_182, %reduce_max3A_183 [1, 2] : vector<1x8x512xf32> to vector<1xf32>
      %reduce_max3A_185 = vector.shape_cast %reduce_max3A_184 : vector<1xf32> to vector<1x1x1xf32>
      %reduce_max3A_186 = vector.extract %reduce_max3A_185[0, 0, 0] : f32 from vector<1x1x1xf32>
      %eq3A_187 = vector.broadcast %reduce_max3A_186 : f32 to vector<8x512xf32>
      %eq3A_188 = arith.cmpf oeq, %select_n3A_181, %eq3A_187 : vector<8x512xf32>
      %jit3A_189 = arith.constant 1073741824 : i32
      %broadcast_in_dim3A_190 = vector.broadcast %jit3A_189 : i32 to vector<8x512xi32>
      %select_n3A_191 = arith.select %eq3A_188, %add3A_111, %broadcast_in_dim3A_190 : vector<8x512xi1>, vector<8x512xi32>
      %reduce_min3A_192 = vector.shape_cast %select_n3A_191 : vector<8x512xi32> to vector<1x8x512xi32>
      %reduce_min3A_193 = arith.constant dense<2147483647> : vector<1xi32>
      %reduce_min3A_194 = vector.multi_reduction <minsi>, %reduce_min3A_192, %reduce_min3A_193 [1, 2] : vector<1x8x512xi32> to vector<1xi32>
      %reduce_min3A_195 = vector.shape_cast %reduce_min3A_194 : vector<1xi32> to vector<1x1x1xi32>
      %reduce_min3A_196 = vector.extract %reduce_min3A_195[0, 0, 0] : i32 from vector<1x1x1xi32>
      %eq3A_197 = arith.constant 2 : i32
      %eq3A_198 = vector.broadcast %eq3A_197 : i32 to vector<1x32xi32>
      %eq3A_199 = arith.cmpi eq, %iota3A, %eq3A_198 : vector<1x32xi32>
      %broadcast_in_dim3A_200 = vector.broadcast %reduce_max3A_186 : f32 to vector<1x32xf32>
      %select_n3A_201 = arith.select %eq3A_199, %broadcast_in_dim3A_200, %select_n3A_169 : vector<1x32xi1>, vector<1x32xf32>
      %eq3A_202 = arith.constant 2 : i32
      %eq3A_203 = vector.broadcast %eq3A_202 : i32 to vector<1x32xi32>
      %eq3A_204 = arith.cmpi eq, %iota3A, %eq3A_203 : vector<1x32xi32>
      %gt3A_205 = arith.cmpf ogt, %reduce_max3A_186, %while3A : f32
      %jit3A_206 = arith.constant 1073741858 : i32
      %select_n3A_207 = arith.select %gt3A_205, %reduce_min3A_196, %jit3A_206 : i32
      %broadcast_in_dim3A_208 = vector.broadcast %select_n3A_207 : i32 to vector<1x32xi32>
      %select_n3A_209 = arith.select %eq3A_204, %broadcast_in_dim3A_208, %select_n3A_177 : vector<1x32xi1>, vector<1x32xi32>
      %eq3A_210 = vector.broadcast %reduce_min3A_196 : i32 to vector<8x512xi32>
      %eq3A_211 = arith.cmpi eq, %add3A_111, %eq3A_210 : vector<8x512xi32>
      %broadcast_in_dim3A_212 = vector.broadcast %while3A : f32 to vector<8x512xf32>
      %select_n3A_213 = arith.select %eq3A_211, %broadcast_in_dim3A_212, %select_n3A_181 : vector<8x512xi1>, vector<8x512xf32>
      %reduce_max3A_214 = vector.shape_cast %select_n3A_213 : vector<8x512xf32> to vector<1x8x512xf32>
      %reduce_max3A_215 = arith.constant dense<0xFF800000> : vector<1xf32>
      %reduce_max3A_216 = vector.multi_reduction <maximumf>, %reduce_max3A_214, %reduce_max3A_215 [1, 2] : vector<1x8x512xf32> to vector<1xf32>
      %reduce_max3A_217 = vector.shape_cast %reduce_max3A_216 : vector<1xf32> to vector<1x1x1xf32>
      %reduce_max3A_218 = vector.extract %reduce_max3A_217[0, 0, 0] : f32 from vector<1x1x1xf32>
      %eq3A_219 = vector.broadcast %reduce_max3A_218 : f32 to vector<8x512xf32>
      %eq3A_220 = arith.cmpf oeq, %select_n3A_213, %eq3A_219 : vector<8x512xf32>
      %jit3A_221 = arith.constant 1073741824 : i32
      %broadcast_in_dim3A_222 = vector.broadcast %jit3A_221 : i32 to vector<8x512xi32>
      %select_n3A_223 = arith.select %eq3A_220, %add3A_111, %broadcast_in_dim3A_222 : vector<8x512xi1>, vector<8x512xi32>
      %reduce_min3A_224 = vector.shape_cast %select_n3A_223 : vector<8x512xi32> to vector<1x8x512xi32>
      %reduce_min3A_225 = arith.constant dense<2147483647> : vector<1xi32>
      %reduce_min3A_226 = vector.multi_reduction <minsi>, %reduce_min3A_224, %reduce_min3A_225 [1, 2] : vector<1x8x512xi32> to vector<1xi32>
      %reduce_min3A_227 = vector.shape_cast %reduce_min3A_226 : vector<1xi32> to vector<1x1x1xi32>
      %reduce_min3A_228 = vector.extract %reduce_min3A_227[0, 0, 0] : i32 from vector<1x1x1xi32>
      %eq3A_229 = arith.constant 3 : i32
      %eq3A_230 = vector.broadcast %eq3A_229 : i32 to vector<1x32xi32>
      %eq3A_231 = arith.cmpi eq, %iota3A, %eq3A_230 : vector<1x32xi32>
      %broadcast_in_dim3A_232 = vector.broadcast %reduce_max3A_218 : f32 to vector<1x32xf32>
      %select_n3A_233 = arith.select %eq3A_231, %broadcast_in_dim3A_232, %select_n3A_201 : vector<1x32xi1>, vector<1x32xf32>
      %eq3A_234 = arith.constant 3 : i32
      %eq3A_235 = vector.broadcast %eq3A_234 : i32 to vector<1x32xi32>
      %eq3A_236 = arith.cmpi eq, %iota3A, %eq3A_235 : vector<1x32xi32>
      %gt3A_237 = arith.cmpf ogt, %reduce_max3A_218, %while3A : f32
      %jit3A_238 = arith.constant 1073741859 : i32
      %select_n3A_239 = arith.select %gt3A_237, %reduce_min3A_228, %jit3A_238 : i32
      %broadcast_in_dim3A_240 = vector.broadcast %select_n3A_239 : i32 to vector<1x32xi32>
      %select_n3A_241 = arith.select %eq3A_236, %broadcast_in_dim3A_240, %select_n3A_209 : vector<1x32xi1>, vector<1x32xi32>
      %eq3A_242 = vector.broadcast %reduce_min3A_228 : i32 to vector<8x512xi32>
      %eq3A_243 = arith.cmpi eq, %add3A_111, %eq3A_242 : vector<8x512xi32>
      %broadcast_in_dim3A_244 = vector.broadcast %while3A : f32 to vector<8x512xf32>
      %select_n3A_245 = arith.select %eq3A_243, %broadcast_in_dim3A_244, %select_n3A_213 : vector<8x512xi1>, vector<8x512xf32>
      %reduce_max3A_246 = vector.shape_cast %select_n3A_245 : vector<8x512xf32> to vector<1x8x512xf32>
      %reduce_max3A_247 = arith.constant dense<0xFF800000> : vector<1xf32>
      %reduce_max3A_248 = vector.multi_reduction <maximumf>, %reduce_max3A_246, %reduce_max3A_247 [1, 2] : vector<1x8x512xf32> to vector<1xf32>
      %reduce_max3A_249 = vector.shape_cast %reduce_max3A_248 : vector<1xf32> to vector<1x1x1xf32>
      %reduce_max3A_250 = vector.extract %reduce_max3A_249[0, 0, 0] : f32 from vector<1x1x1xf32>
      %eq3A_251 = vector.broadcast %reduce_max3A_250 : f32 to vector<8x512xf32>
      %eq3A_252 = arith.cmpf oeq, %select_n3A_245, %eq3A_251 : vector<8x512xf32>
      %jit3A_253 = arith.constant 1073741824 : i32
      %broadcast_in_dim3A_254 = vector.broadcast %jit3A_253 : i32 to vector<8x512xi32>
      %select_n3A_255 = arith.select %eq3A_252, %add3A_111, %broadcast_in_dim3A_254 : vector<8x512xi1>, vector<8x512xi32>
      %reduce_min3A_256 = vector.shape_cast %select_n3A_255 : vector<8x512xi32> to vector<1x8x512xi32>
      %reduce_min3A_257 = arith.constant dense<2147483647> : vector<1xi32>
      %reduce_min3A_258 = vector.multi_reduction <minsi>, %reduce_min3A_256, %reduce_min3A_257 [1, 2] : vector<1x8x512xi32> to vector<1xi32>
      %reduce_min3A_259 = vector.shape_cast %reduce_min3A_258 : vector<1xi32> to vector<1x1x1xi32>
      %reduce_min3A_260 = vector.extract %reduce_min3A_259[0, 0, 0] : i32 from vector<1x1x1xi32>
      %eq3A_261 = arith.constant 4 : i32
      %eq3A_262 = vector.broadcast %eq3A_261 : i32 to vector<1x32xi32>
      %eq3A_263 = arith.cmpi eq, %iota3A, %eq3A_262 : vector<1x32xi32>
      %broadcast_in_dim3A_264 = vector.broadcast %reduce_max3A_250 : f32 to vector<1x32xf32>
      %select_n3A_265 = arith.select %eq3A_263, %broadcast_in_dim3A_264, %select_n3A_233 : vector<1x32xi1>, vector<1x32xf32>
      %eq3A_266 = arith.constant 4 : i32
      %eq3A_267 = vector.broadcast %eq3A_266 : i32 to vector<1x32xi32>
      %eq3A_268 = arith.cmpi eq, %iota3A, %eq3A_267 : vector<1x32xi32>
      %gt3A_269 = arith.cmpf ogt, %reduce_max3A_250, %while3A : f32
      %jit3A_270 = arith.constant 1073741860 : i32
      %select_n3A_271 = arith.select %gt3A_269, %reduce_min3A_260, %jit3A_270 : i32
      %broadcast_in_dim3A_272 = vector.broadcast %select_n3A_271 : i32 to vector<1x32xi32>
      %select_n3A_273 = arith.select %eq3A_268, %broadcast_in_dim3A_272, %select_n3A_241 : vector<1x32xi1>, vector<1x32xi32>
      %eq3A_274 = vector.broadcast %reduce_min3A_260 : i32 to vector<8x512xi32>
      %eq3A_275 = arith.cmpi eq, %add3A_111, %eq3A_274 : vector<8x512xi32>
      %broadcast_in_dim3A_276 = vector.broadcast %while3A : f32 to vector<8x512xf32>
      %select_n3A_277 = arith.select %eq3A_275, %broadcast_in_dim3A_276, %select_n3A_245 : vector<8x512xi1>, vector<8x512xf32>
      %reduce_max3A_278 = vector.shape_cast %select_n3A_277 : vector<8x512xf32> to vector<1x8x512xf32>
      %reduce_max3A_279 = arith.constant dense<0xFF800000> : vector<1xf32>
      %reduce_max3A_280 = vector.multi_reduction <maximumf>, %reduce_max3A_278, %reduce_max3A_279 [1, 2] : vector<1x8x512xf32> to vector<1xf32>
      %reduce_max3A_281 = vector.shape_cast %reduce_max3A_280 : vector<1xf32> to vector<1x1x1xf32>
      %reduce_max3A_282 = vector.extract %reduce_max3A_281[0, 0, 0] : f32 from vector<1x1x1xf32>
      %eq3A_283 = vector.broadcast %reduce_max3A_282 : f32 to vector<8x512xf32>
      %eq3A_284 = arith.cmpf oeq, %select_n3A_277, %eq3A_283 : vector<8x512xf32>
      %jit3A_285 = arith.constant 1073741824 : i32
      %broadcast_in_dim3A_286 = vector.broadcast %jit3A_285 : i32 to vector<8x512xi32>
      %select_n3A_287 = arith.select %eq3A_284, %add3A_111, %broadcast_in_dim3A_286 : vector<8x512xi1>, vector<8x512xi32>
      %reduce_min3A_288 = vector.shape_cast %select_n3A_287 : vector<8x512xi32> to vector<1x8x512xi32>
      %reduce_min3A_289 = arith.constant dense<2147483647> : vector<1xi32>
      %reduce_min3A_290 = vector.multi_reduction <minsi>, %reduce_min3A_288, %reduce_min3A_289 [1, 2] : vector<1x8x512xi32> to vector<1xi32>
      %reduce_min3A_291 = vector.shape_cast %reduce_min3A_290 : vector<1xi32> to vector<1x1x1xi32>
      %reduce_min3A_292 = vector.extract %reduce_min3A_291[0, 0, 0] : i32 from vector<1x1x1xi32>
      %eq3A_293 = arith.constant 5 : i32
      %eq3A_294 = vector.broadcast %eq3A_293 : i32 to vector<1x32xi32>
      %eq3A_295 = arith.cmpi eq, %iota3A, %eq3A_294 : vector<1x32xi32>
      %broadcast_in_dim3A_296 = vector.broadcast %reduce_max3A_282 : f32 to vector<1x32xf32>
      %select_n3A_297 = arith.select %eq3A_295, %broadcast_in_dim3A_296, %select_n3A_265 : vector<1x32xi1>, vector<1x32xf32>
      %eq3A_298 = arith.constant 5 : i32
      %eq3A_299 = vector.broadcast %eq3A_298 : i32 to vector<1x32xi32>
      %eq3A_300 = arith.cmpi eq, %iota3A, %eq3A_299 : vector<1x32xi32>
      %gt3A_301 = arith.cmpf ogt, %reduce_max3A_282, %while3A : f32
      %jit3A_302 = arith.constant 1073741861 : i32
      %select_n3A_303 = arith.select %gt3A_301, %reduce_min3A_292, %jit3A_302 : i32
      %broadcast_in_dim3A_304 = vector.broadcast %select_n3A_303 : i32 to vector<1x32xi32>
      %select_n3A_305 = arith.select %eq3A_300, %broadcast_in_dim3A_304, %select_n3A_273 : vector<1x32xi1>, vector<1x32xi32>
      %eq3A_306 = vector.broadcast %reduce_min3A_292 : i32 to vector<8x512xi32>
      %eq3A_307 = arith.cmpi eq, %add3A_111, %eq3A_306 : vector<8x512xi32>
      %broadcast_in_dim3A_308 = vector.broadcast %while3A : f32 to vector<8x512xf32>
      %select_n3A_309 = arith.select %eq3A_307, %broadcast_in_dim3A_308, %select_n3A_277 : vector<8x512xi1>, vector<8x512xf32>
      %reduce_max3A_310 = vector.shape_cast %select_n3A_309 : vector<8x512xf32> to vector<1x8x512xf32>
      %reduce_max3A_311 = arith.constant dense<0xFF800000> : vector<1xf32>
      %reduce_max3A_312 = vector.multi_reduction <maximumf>, %reduce_max3A_310, %reduce_max3A_311 [1, 2] : vector<1x8x512xf32> to vector<1xf32>
      %reduce_max3A_313 = vector.shape_cast %reduce_max3A_312 : vector<1xf32> to vector<1x1x1xf32>
      %reduce_max3A_314 = vector.extract %reduce_max3A_313[0, 0, 0] : f32 from vector<1x1x1xf32>
      %eq3A_315 = vector.broadcast %reduce_max3A_314 : f32 to vector<8x512xf32>
      %eq3A_316 = arith.cmpf oeq, %select_n3A_309, %eq3A_315 : vector<8x512xf32>
      %jit3A_317 = arith.constant 1073741824 : i32
      %broadcast_in_dim3A_318 = vector.broadcast %jit3A_317 : i32 to vector<8x512xi32>
      %select_n3A_319 = arith.select %eq3A_316, %add3A_111, %broadcast_in_dim3A_318 : vector<8x512xi1>, vector<8x512xi32>
      %reduce_min3A_320 = vector.shape_cast %select_n3A_319 : vector<8x512xi32> to vector<1x8x512xi32>
      %reduce_min3A_321 = arith.constant dense<2147483647> : vector<1xi32>
      %reduce_min3A_322 = vector.multi_reduction <minsi>, %reduce_min3A_320, %reduce_min3A_321 [1, 2] : vector<1x8x512xi32> to vector<1xi32>
      %reduce_min3A_323 = vector.shape_cast %reduce_min3A_322 : vector<1xi32> to vector<1x1x1xi32>
      %reduce_min3A_324 = vector.extract %reduce_min3A_323[0, 0, 0] : i32 from vector<1x1x1xi32>
      %eq3A_325 = arith.constant 6 : i32
      %eq3A_326 = vector.broadcast %eq3A_325 : i32 to vector<1x32xi32>
      %eq3A_327 = arith.cmpi eq, %iota3A, %eq3A_326 : vector<1x32xi32>
      %broadcast_in_dim3A_328 = vector.broadcast %reduce_max3A_314 : f32 to vector<1x32xf32>
      %select_n3A_329 = arith.select %eq3A_327, %broadcast_in_dim3A_328, %select_n3A_297 : vector<1x32xi1>, vector<1x32xf32>
      %eq3A_330 = arith.constant 6 : i32
      %eq3A_331 = vector.broadcast %eq3A_330 : i32 to vector<1x32xi32>
      %eq3A_332 = arith.cmpi eq, %iota3A, %eq3A_331 : vector<1x32xi32>
      %gt3A_333 = arith.cmpf ogt, %reduce_max3A_314, %while3A : f32
      %jit3A_334 = arith.constant 1073741862 : i32
      %select_n3A_335 = arith.select %gt3A_333, %reduce_min3A_324, %jit3A_334 : i32
      %broadcast_in_dim3A_336 = vector.broadcast %select_n3A_335 : i32 to vector<1x32xi32>
      %select_n3A_337 = arith.select %eq3A_332, %broadcast_in_dim3A_336, %select_n3A_305 : vector<1x32xi1>, vector<1x32xi32>
      %eq3A_338 = vector.broadcast %reduce_min3A_324 : i32 to vector<8x512xi32>
      %eq3A_339 = arith.cmpi eq, %add3A_111, %eq3A_338 : vector<8x512xi32>
      %broadcast_in_dim3A_340 = vector.broadcast %while3A : f32 to vector<8x512xf32>
      %select_n3A_341 = arith.select %eq3A_339, %broadcast_in_dim3A_340, %select_n3A_309 : vector<8x512xi1>, vector<8x512xf32>
      %reduce_max3A_342 = vector.shape_cast %select_n3A_341 : vector<8x512xf32> to vector<1x8x512xf32>
      %reduce_max3A_343 = arith.constant dense<0xFF800000> : vector<1xf32>
      %reduce_max3A_344 = vector.multi_reduction <maximumf>, %reduce_max3A_342, %reduce_max3A_343 [1, 2] : vector<1x8x512xf32> to vector<1xf32>
      %reduce_max3A_345 = vector.shape_cast %reduce_max3A_344 : vector<1xf32> to vector<1x1x1xf32>
      %reduce_max3A_346 = vector.extract %reduce_max3A_345[0, 0, 0] : f32 from vector<1x1x1xf32>
      %eq3A_347 = vector.broadcast %reduce_max3A_346 : f32 to vector<8x512xf32>
      %eq3A_348 = arith.cmpf oeq, %select_n3A_341, %eq3A_347 : vector<8x512xf32>
      %jit3A_349 = arith.constant 1073741824 : i32
      %broadcast_in_dim3A_350 = vector.broadcast %jit3A_349 : i32 to vector<8x512xi32>
      %select_n3A_351 = arith.select %eq3A_348, %add3A_111, %broadcast_in_dim3A_350 : vector<8x512xi1>, vector<8x512xi32>
      %reduce_min3A_352 = vector.shape_cast %select_n3A_351 : vector<8x512xi32> to vector<1x8x512xi32>
      %reduce_min3A_353 = arith.constant dense<2147483647> : vector<1xi32>
      %reduce_min3A_354 = vector.multi_reduction <minsi>, %reduce_min3A_352, %reduce_min3A_353 [1, 2] : vector<1x8x512xi32> to vector<1xi32>
      %reduce_min3A_355 = vector.shape_cast %reduce_min3A_354 : vector<1xi32> to vector<1x1x1xi32>
      %reduce_min3A_356 = vector.extract %reduce_min3A_355[0, 0, 0] : i32 from vector<1x1x1xi32>
      %eq3A_357 = arith.constant 7 : i32
      %eq3A_358 = vector.broadcast %eq3A_357 : i32 to vector<1x32xi32>
      %eq3A_359 = arith.cmpi eq, %iota3A, %eq3A_358 : vector<1x32xi32>
      %broadcast_in_dim3A_360 = vector.broadcast %reduce_max3A_346 : f32 to vector<1x32xf32>
      %select_n3A_361 = arith.select %eq3A_359, %broadcast_in_dim3A_360, %select_n3A_329 : vector<1x32xi1>, vector<1x32xf32>
      %eq3A_362 = arith.constant 7 : i32
      %eq3A_363 = vector.broadcast %eq3A_362 : i32 to vector<1x32xi32>
      %eq3A_364 = arith.cmpi eq, %iota3A, %eq3A_363 : vector<1x32xi32>
      %gt3A_365 = arith.cmpf ogt, %reduce_max3A_346, %while3A : f32
      %jit3A_366 = arith.constant 1073741863 : i32
      %select_n3A_367 = arith.select %gt3A_365, %reduce_min3A_356, %jit3A_366 : i32
      %broadcast_in_dim3A_368 = vector.broadcast %select_n3A_367 : i32 to vector<1x32xi32>
      %select_n3A_369 = arith.select %eq3A_364, %broadcast_in_dim3A_368, %select_n3A_337 : vector<1x32xi1>, vector<1x32xi32>
      %eq3A_370 = vector.broadcast %reduce_min3A_356 : i32 to vector<8x512xi32>
      %eq3A_371 = arith.cmpi eq, %add3A_111, %eq3A_370 : vector<8x512xi32>
      %broadcast_in_dim3A_372 = vector.broadcast %while3A : f32 to vector<8x512xf32>
      %select_n3A_373 = arith.select %eq3A_371, %broadcast_in_dim3A_372, %select_n3A_341 : vector<8x512xi1>, vector<8x512xf32>
      %reduce_max3A_374 = vector.shape_cast %select_n3A_373 : vector<8x512xf32> to vector<1x8x512xf32>
      %reduce_max3A_375 = arith.constant dense<0xFF800000> : vector<1xf32>
      %reduce_max3A_376 = vector.multi_reduction <maximumf>, %reduce_max3A_374, %reduce_max3A_375 [1, 2] : vector<1x8x512xf32> to vector<1xf32>
      %reduce_max3A_377 = vector.shape_cast %reduce_max3A_376 : vector<1xf32> to vector<1x1x1xf32>
      %reduce_max3A_378 = vector.extract %reduce_max3A_377[0, 0, 0] : f32 from vector<1x1x1xf32>
      %eq3A_379 = vector.broadcast %reduce_max3A_378 : f32 to vector<8x512xf32>
      %eq3A_380 = arith.cmpf oeq, %select_n3A_373, %eq3A_379 : vector<8x512xf32>
      %jit3A_381 = arith.constant 1073741824 : i32
      %broadcast_in_dim3A_382 = vector.broadcast %jit3A_381 : i32 to vector<8x512xi32>
      %select_n3A_383 = arith.select %eq3A_380, %add3A_111, %broadcast_in_dim3A_382 : vector<8x512xi1>, vector<8x512xi32>
      %reduce_min3A_384 = vector.shape_cast %select_n3A_383 : vector<8x512xi32> to vector<1x8x512xi32>
      %reduce_min3A_385 = arith.constant dense<2147483647> : vector<1xi32>
      %reduce_min3A_386 = vector.multi_reduction <minsi>, %reduce_min3A_384, %reduce_min3A_385 [1, 2] : vector<1x8x512xi32> to vector<1xi32>
      %reduce_min3A_387 = vector.shape_cast %reduce_min3A_386 : vector<1xi32> to vector<1x1x1xi32>
      %reduce_min3A_388 = vector.extract %reduce_min3A_387[0, 0, 0] : i32 from vector<1x1x1xi32>
      %eq3A_389 = arith.constant 8 : i32
      %eq3A_390 = vector.broadcast %eq3A_389 : i32 to vector<1x32xi32>
      %eq3A_391 = arith.cmpi eq, %iota3A, %eq3A_390 : vector<1x32xi32>
      %broadcast_in_dim3A_392 = vector.broadcast %reduce_max3A_378 : f32 to vector<1x32xf32>
      %select_n3A_393 = arith.select %eq3A_391, %broadcast_in_dim3A_392, %select_n3A_361 : vector<1x32xi1>, vector<1x32xf32>
      %eq3A_394 = arith.constant 8 : i32
      %eq3A_395 = vector.broadcast %eq3A_394 : i32 to vector<1x32xi32>
      %eq3A_396 = arith.cmpi eq, %iota3A, %eq3A_395 : vector<1x32xi32>
      %gt3A_397 = arith.cmpf ogt, %reduce_max3A_378, %while3A : f32
      %jit3A_398 = arith.constant 1073741864 : i32
      %select_n3A_399 = arith.select %gt3A_397, %reduce_min3A_388, %jit3A_398 : i32
      %broadcast_in_dim3A_400 = vector.broadcast %select_n3A_399 : i32 to vector<1x32xi32>
      %select_n3A_401 = arith.select %eq3A_396, %broadcast_in_dim3A_400, %select_n3A_369 : vector<1x32xi1>, vector<1x32xi32>
      %eq3A_402 = vector.broadcast %reduce_min3A_388 : i32 to vector<8x512xi32>
      %eq3A_403 = arith.cmpi eq, %add3A_111, %eq3A_402 : vector<8x512xi32>
      %broadcast_in_dim3A_404 = vector.broadcast %while3A : f32 to vector<8x512xf32>
      %select_n3A_405 = arith.select %eq3A_403, %broadcast_in_dim3A_404, %select_n3A_373 : vector<8x512xi1>, vector<8x512xf32>
      %reduce_max3A_406 = vector.shape_cast %select_n3A_405 : vector<8x512xf32> to vector<1x8x512xf32>
      %reduce_max3A_407 = arith.constant dense<0xFF800000> : vector<1xf32>
      %reduce_max3A_408 = vector.multi_reduction <maximumf>, %reduce_max3A_406, %reduce_max3A_407 [1, 2] : vector<1x8x512xf32> to vector<1xf32>
      %reduce_max3A_409 = vector.shape_cast %reduce_max3A_408 : vector<1xf32> to vector<1x1x1xf32>
      %reduce_max3A_410 = vector.extract %reduce_max3A_409[0, 0, 0] : f32 from vector<1x1x1xf32>
      %eq3A_411 = vector.broadcast %reduce_max3A_410 : f32 to vector<8x512xf32>
      %eq3A_412 = arith.cmpf oeq, %select_n3A_405, %eq3A_411 : vector<8x512xf32>
      %jit3A_413 = arith.constant 1073741824 : i32
      %broadcast_in_dim3A_414 = vector.broadcast %jit3A_413 : i32 to vector<8x512xi32>
      %select_n3A_415 = arith.select %eq3A_412, %add3A_111, %broadcast_in_dim3A_414 : vector<8x512xi1>, vector<8x512xi32>
      %reduce_min3A_416 = vector.shape_cast %select_n3A_415 : vector<8x512xi32> to vector<1x8x512xi32>
      %reduce_min3A_417 = arith.constant dense<2147483647> : vector<1xi32>
      %reduce_min3A_418 = vector.multi_reduction <minsi>, %reduce_min3A_416, %reduce_min3A_417 [1, 2] : vector<1x8x512xi32> to vector<1xi32>
      %reduce_min3A_419 = vector.shape_cast %reduce_min3A_418 : vector<1xi32> to vector<1x1x1xi32>
      %reduce_min3A_420 = vector.extract %reduce_min3A_419[0, 0, 0] : i32 from vector<1x1x1xi32>
      %eq3A_421 = arith.constant 9 : i32
      %eq3A_422 = vector.broadcast %eq3A_421 : i32 to vector<1x32xi32>
      %eq3A_423 = arith.cmpi eq, %iota3A, %eq3A_422 : vector<1x32xi32>
      %broadcast_in_dim3A_424 = vector.broadcast %reduce_max3A_410 : f32 to vector<1x32xf32>
      %select_n3A_425 = arith.select %eq3A_423, %broadcast_in_dim3A_424, %select_n3A_393 : vector<1x32xi1>, vector<1x32xf32>
      %eq3A_426 = arith.constant 9 : i32
      %eq3A_427 = vector.broadcast %eq3A_426 : i32 to vector<1x32xi32>
      %eq3A_428 = arith.cmpi eq, %iota3A, %eq3A_427 : vector<1x32xi32>
      %gt3A_429 = arith.cmpf ogt, %reduce_max3A_410, %while3A : f32
      %jit3A_430 = arith.constant 1073741865 : i32
      %select_n3A_431 = arith.select %gt3A_429, %reduce_min3A_420, %jit3A_430 : i32
      %broadcast_in_dim3A_432 = vector.broadcast %select_n3A_431 : i32 to vector<1x32xi32>
      %select_n3A_433 = arith.select %eq3A_428, %broadcast_in_dim3A_432, %select_n3A_401 : vector<1x32xi1>, vector<1x32xi32>
      %eq3A_434 = vector.broadcast %reduce_min3A_420 : i32 to vector<8x512xi32>
      %eq3A_435 = arith.cmpi eq, %add3A_111, %eq3A_434 : vector<8x512xi32>
      %broadcast_in_dim3A_436 = vector.broadcast %while3A : f32 to vector<8x512xf32>
      %select_n3A_437 = arith.select %eq3A_435, %broadcast_in_dim3A_436, %select_n3A_405 : vector<8x512xi1>, vector<8x512xf32>
      %reduce_max3A_438 = vector.shape_cast %select_n3A_437 : vector<8x512xf32> to vector<1x8x512xf32>
      %reduce_max3A_439 = arith.constant dense<0xFF800000> : vector<1xf32>
      %reduce_max3A_440 = vector.multi_reduction <maximumf>, %reduce_max3A_438, %reduce_max3A_439 [1, 2] : vector<1x8x512xf32> to vector<1xf32>
      %reduce_max3A_441 = vector.shape_cast %reduce_max3A_440 : vector<1xf32> to vector<1x1x1xf32>
      %reduce_max3A_442 = vector.extract %reduce_max3A_441[0, 0, 0] : f32 from vector<1x1x1xf32>
      %eq3A_443 = vector.broadcast %reduce_max3A_442 : f32 to vector<8x512xf32>
      %eq3A_444 = arith.cmpf oeq, %select_n3A_437, %eq3A_443 : vector<8x512xf32>
      %jit3A_445 = arith.constant 1073741824 : i32
      %broadcast_in_dim3A_446 = vector.broadcast %jit3A_445 : i32 to vector<8x512xi32>
      %select_n3A_447 = arith.select %eq3A_444, %add3A_111, %broadcast_in_dim3A_446 : vector<8x512xi1>, vector<8x512xi32>
      %reduce_min3A_448 = vector.shape_cast %select_n3A_447 : vector<8x512xi32> to vector<1x8x512xi32>
      %reduce_min3A_449 = arith.constant dense<2147483647> : vector<1xi32>
      %reduce_min3A_450 = vector.multi_reduction <minsi>, %reduce_min3A_448, %reduce_min3A_449 [1, 2] : vector<1x8x512xi32> to vector<1xi32>
      %reduce_min3A_451 = vector.shape_cast %reduce_min3A_450 : vector<1xi32> to vector<1x1x1xi32>
      %reduce_min3A_452 = vector.extract %reduce_min3A_451[0, 0, 0] : i32 from vector<1x1x1xi32>
      %eq3A_453 = arith.constant 10 : i32
      %eq3A_454 = vector.broadcast %eq3A_453 : i32 to vector<1x32xi32>
      %eq3A_455 = arith.cmpi eq, %iota3A, %eq3A_454 : vector<1x32xi32>
      %broadcast_in_dim3A_456 = vector.broadcast %reduce_max3A_442 : f32 to vector<1x32xf32>
      %select_n3A_457 = arith.select %eq3A_455, %broadcast_in_dim3A_456, %select_n3A_425 : vector<1x32xi1>, vector<1x32xf32>
      %eq3A_458 = arith.constant 10 : i32
      %eq3A_459 = vector.broadcast %eq3A_458 : i32 to vector<1x32xi32>
      %eq3A_460 = arith.cmpi eq, %iota3A, %eq3A_459 : vector<1x32xi32>
      %gt3A_461 = arith.cmpf ogt, %reduce_max3A_442, %while3A : f32
      %jit3A_462 = arith.constant 1073741866 : i32
      %select_n3A_463 = arith.select %gt3A_461, %reduce_min3A_452, %jit3A_462 : i32
      %broadcast_in_dim3A_464 = vector.broadcast %select_n3A_463 : i32 to vector<1x32xi32>
      %select_n3A_465 = arith.select %eq3A_460, %broadcast_in_dim3A_464, %select_n3A_433 : vector<1x32xi1>, vector<1x32xi32>
      %eq3A_466 = vector.broadcast %reduce_min3A_452 : i32 to vector<8x512xi32>
      %eq3A_467 = arith.cmpi eq, %add3A_111, %eq3A_466 : vector<8x512xi32>
      %broadcast_in_dim3A_468 = vector.broadcast %while3A : f32 to vector<8x512xf32>
      %select_n3A_469 = arith.select %eq3A_467, %broadcast_in_dim3A_468, %select_n3A_437 : vector<8x512xi1>, vector<8x512xf32>
      %reduce_max3A_470 = vector.shape_cast %select_n3A_469 : vector<8x512xf32> to vector<1x8x512xf32>
      %reduce_max3A_471 = arith.constant dense<0xFF800000> : vector<1xf32>
      %reduce_max3A_472 = vector.multi_reduction <maximumf>, %reduce_max3A_470, %reduce_max3A_471 [1, 2] : vector<1x8x512xf32> to vector<1xf32>
      %reduce_max3A_473 = vector.shape_cast %reduce_max3A_472 : vector<1xf32> to vector<1x1x1xf32>
      %reduce_max3A_474 = vector.extract %reduce_max3A_473[0, 0, 0] : f32 from vector<1x1x1xf32>
      %eq3A_475 = vector.broadcast %reduce_max3A_474 : f32 to vector<8x512xf32>
      %eq3A_476 = arith.cmpf oeq, %select_n3A_469, %eq3A_475 : vector<8x512xf32>
      %jit3A_477 = arith.constant 1073741824 : i32
      %broadcast_in_dim3A_478 = vector.broadcast %jit3A_477 : i32 to vector<8x512xi32>
      %select_n3A_479 = arith.select %eq3A_476, %add3A_111, %broadcast_in_dim3A_478 : vector<8x512xi1>, vector<8x512xi32>
      %reduce_min3A_480 = vector.shape_cast %select_n3A_479 : vector<8x512xi32> to vector<1x8x512xi32>
      %reduce_min3A_481 = arith.constant dense<2147483647> : vector<1xi32>
      %reduce_min3A_482 = vector.multi_reduction <minsi>, %reduce_min3A_480, %reduce_min3A_481 [1, 2] : vector<1x8x512xi32> to vector<1xi32>
      %reduce_min3A_483 = vector.shape_cast %reduce_min3A_482 : vector<1xi32> to vector<1x1x1xi32>
      %reduce_min3A_484 = vector.extract %reduce_min3A_483[0, 0, 0] : i32 from vector<1x1x1xi32>
      %eq3A_485 = arith.constant 11 : i32
      %eq3A_486 = vector.broadcast %eq3A_485 : i32 to vector<1x32xi32>
      %eq3A_487 = arith.cmpi eq, %iota3A, %eq3A_486 : vector<1x32xi32>
      %broadcast_in_dim3A_488 = vector.broadcast %reduce_max3A_474 : f32 to vector<1x32xf32>
      %select_n3A_489 = arith.select %eq3A_487, %broadcast_in_dim3A_488, %select_n3A_457 : vector<1x32xi1>, vector<1x32xf32>
      %eq3A_490 = arith.constant 11 : i32
      %eq3A_491 = vector.broadcast %eq3A_490 : i32 to vector<1x32xi32>
      %eq3A_492 = arith.cmpi eq, %iota3A, %eq3A_491 : vector<1x32xi32>
      %gt3A_493 = arith.cmpf ogt, %reduce_max3A_474, %while3A : f32
      %jit3A_494 = arith.constant 1073741867 : i32
      %select_n3A_495 = arith.select %gt3A_493, %reduce_min3A_484, %jit3A_494 : i32
      %broadcast_in_dim3A_496 = vector.broadcast %select_n3A_495 : i32 to vector<1x32xi32>
      %select_n3A_497 = arith.select %eq3A_492, %broadcast_in_dim3A_496, %select_n3A_465 : vector<1x32xi1>, vector<1x32xi32>
      %eq3A_498 = vector.broadcast %reduce_min3A_484 : i32 to vector<8x512xi32>
      %eq3A_499 = arith.cmpi eq, %add3A_111, %eq3A_498 : vector<8x512xi32>
      %broadcast_in_dim3A_500 = vector.broadcast %while3A : f32 to vector<8x512xf32>
      %select_n3A_501 = arith.select %eq3A_499, %broadcast_in_dim3A_500, %select_n3A_469 : vector<8x512xi1>, vector<8x512xf32>
      %reduce_max3A_502 = vector.shape_cast %select_n3A_501 : vector<8x512xf32> to vector<1x8x512xf32>
      %reduce_max3A_503 = arith.constant dense<0xFF800000> : vector<1xf32>
      %reduce_max3A_504 = vector.multi_reduction <maximumf>, %reduce_max3A_502, %reduce_max3A_503 [1, 2] : vector<1x8x512xf32> to vector<1xf32>
      %reduce_max3A_505 = vector.shape_cast %reduce_max3A_504 : vector<1xf32> to vector<1x1x1xf32>
      %reduce_max3A_506 = vector.extract %reduce_max3A_505[0, 0, 0] : f32 from vector<1x1x1xf32>
      %eq3A_507 = vector.broadcast %reduce_max3A_506 : f32 to vector<8x512xf32>
      %eq3A_508 = arith.cmpf oeq, %select_n3A_501, %eq3A_507 : vector<8x512xf32>
      %jit3A_509 = arith.constant 1073741824 : i32
      %broadcast_in_dim3A_510 = vector.broadcast %jit3A_509 : i32 to vector<8x512xi32>
      %select_n3A_511 = arith.select %eq3A_508, %add3A_111, %broadcast_in_dim3A_510 : vector<8x512xi1>, vector<8x512xi32>
      %reduce_min3A_512 = vector.shape_cast %select_n3A_511 : vector<8x512xi32> to vector<1x8x512xi32>
      %reduce_min3A_513 = arith.constant dense<2147483647> : vector<1xi32>
      %reduce_min3A_514 = vector.multi_reduction <minsi>, %reduce_min3A_512, %reduce_min3A_513 [1, 2] : vector<1x8x512xi32> to vector<1xi32>
      %reduce_min3A_515 = vector.shape_cast %reduce_min3A_514 : vector<1xi32> to vector<1x1x1xi32>
      %reduce_min3A_516 = vector.extract %reduce_min3A_515[0, 0, 0] : i32 from vector<1x1x1xi32>
      %eq3A_517 = arith.constant 12 : i32
      %eq3A_518 = vector.broadcast %eq3A_517 : i32 to vector<1x32xi32>
      %eq3A_519 = arith.cmpi eq, %iota3A, %eq3A_518 : vector<1x32xi32>
      %broadcast_in_dim3A_520 = vector.broadcast %reduce_max3A_506 : f32 to vector<1x32xf32>
      %select_n3A_521 = arith.select %eq3A_519, %broadcast_in_dim3A_520, %select_n3A_489 : vector<1x32xi1>, vector<1x32xf32>
      %eq3A_522 = arith.constant 12 : i32
      %eq3A_523 = vector.broadcast %eq3A_522 : i32 to vector<1x32xi32>
      %eq3A_524 = arith.cmpi eq, %iota3A, %eq3A_523 : vector<1x32xi32>
      %gt3A_525 = arith.cmpf ogt, %reduce_max3A_506, %while3A : f32
      %jit3A_526 = arith.constant 1073741868 : i32
      %select_n3A_527 = arith.select %gt3A_525, %reduce_min3A_516, %jit3A_526 : i32
      %broadcast_in_dim3A_528 = vector.broadcast %select_n3A_527 : i32 to vector<1x32xi32>
      %select_n3A_529 = arith.select %eq3A_524, %broadcast_in_dim3A_528, %select_n3A_497 : vector<1x32xi1>, vector<1x32xi32>
      %eq3A_530 = vector.broadcast %reduce_min3A_516 : i32 to vector<8x512xi32>
      %eq3A_531 = arith.cmpi eq, %add3A_111, %eq3A_530 : vector<8x512xi32>
      %broadcast_in_dim3A_532 = vector.broadcast %while3A : f32 to vector<8x512xf32>
      %select_n3A_533 = arith.select %eq3A_531, %broadcast_in_dim3A_532, %select_n3A_501 : vector<8x512xi1>, vector<8x512xf32>
      %reduce_max3A_534 = vector.shape_cast %select_n3A_533 : vector<8x512xf32> to vector<1x8x512xf32>
      %reduce_max3A_535 = arith.constant dense<0xFF800000> : vector<1xf32>
      %reduce_max3A_536 = vector.multi_reduction <maximumf>, %reduce_max3A_534, %reduce_max3A_535 [1, 2] : vector<1x8x512xf32> to vector<1xf32>
      %reduce_max3A_537 = vector.shape_cast %reduce_max3A_536 : vector<1xf32> to vector<1x1x1xf32>
      %reduce_max3A_538 = vector.extract %reduce_max3A_537[0, 0, 0] : f32 from vector<1x1x1xf32>
      %eq3A_539 = vector.broadcast %reduce_max3A_538 : f32 to vector<8x512xf32>
      %eq3A_540 = arith.cmpf oeq, %select_n3A_533, %eq3A_539 : vector<8x512xf32>
      %jit3A_541 = arith.constant 1073741824 : i32
      %broadcast_in_dim3A_542 = vector.broadcast %jit3A_541 : i32 to vector<8x512xi32>
      %select_n3A_543 = arith.select %eq3A_540, %add3A_111, %broadcast_in_dim3A_542 : vector<8x512xi1>, vector<8x512xi32>
      %reduce_min3A_544 = vector.shape_cast %select_n3A_543 : vector<8x512xi32> to vector<1x8x512xi32>
      %reduce_min3A_545 = arith.constant dense<2147483647> : vector<1xi32>
      %reduce_min3A_546 = vector.multi_reduction <minsi>, %reduce_min3A_544, %reduce_min3A_545 [1, 2] : vector<1x8x512xi32> to vector<1xi32>
      %reduce_min3A_547 = vector.shape_cast %reduce_min3A_546 : vector<1xi32> to vector<1x1x1xi32>
      %reduce_min3A_548 = vector.extract %reduce_min3A_547[0, 0, 0] : i32 from vector<1x1x1xi32>
      %eq3A_549 = arith.constant 13 : i32
      %eq3A_550 = vector.broadcast %eq3A_549 : i32 to vector<1x32xi32>
      %eq3A_551 = arith.cmpi eq, %iota3A, %eq3A_550 : vector<1x32xi32>
      %broadcast_in_dim3A_552 = vector.broadcast %reduce_max3A_538 : f32 to vector<1x32xf32>
      %select_n3A_553 = arith.select %eq3A_551, %broadcast_in_dim3A_552, %select_n3A_521 : vector<1x32xi1>, vector<1x32xf32>
      %eq3A_554 = arith.constant 13 : i32
      %eq3A_555 = vector.broadcast %eq3A_554 : i32 to vector<1x32xi32>
      %eq3A_556 = arith.cmpi eq, %iota3A, %eq3A_555 : vector<1x32xi32>
      %gt3A_557 = arith.cmpf ogt, %reduce_max3A_538, %while3A : f32
      %jit3A_558 = arith.constant 1073741869 : i32
      %select_n3A_559 = arith.select %gt3A_557, %reduce_min3A_548, %jit3A_558 : i32
      %broadcast_in_dim3A_560 = vector.broadcast %select_n3A_559 : i32 to vector<1x32xi32>
      %select_n3A_561 = arith.select %eq3A_556, %broadcast_in_dim3A_560, %select_n3A_529 : vector<1x32xi1>, vector<1x32xi32>
      %eq3A_562 = vector.broadcast %reduce_min3A_548 : i32 to vector<8x512xi32>
      %eq3A_563 = arith.cmpi eq, %add3A_111, %eq3A_562 : vector<8x512xi32>
      %broadcast_in_dim3A_564 = vector.broadcast %while3A : f32 to vector<8x512xf32>
      %select_n3A_565 = arith.select %eq3A_563, %broadcast_in_dim3A_564, %select_n3A_533 : vector<8x512xi1>, vector<8x512xf32>
      %reduce_max3A_566 = vector.shape_cast %select_n3A_565 : vector<8x512xf32> to vector<1x8x512xf32>
      %reduce_max3A_567 = arith.constant dense<0xFF800000> : vector<1xf32>
      %reduce_max3A_568 = vector.multi_reduction <maximumf>, %reduce_max3A_566, %reduce_max3A_567 [1, 2] : vector<1x8x512xf32> to vector<1xf32>
      %reduce_max3A_569 = vector.shape_cast %reduce_max3A_568 : vector<1xf32> to vector<1x1x1xf32>
      %reduce_max3A_570 = vector.extract %reduce_max3A_569[0, 0, 0] : f32 from vector<1x1x1xf32>
      %eq3A_571 = vector.broadcast %reduce_max3A_570 : f32 to vector<8x512xf32>
      %eq3A_572 = arith.cmpf oeq, %select_n3A_565, %eq3A_571 : vector<8x512xf32>
      %jit3A_573 = arith.constant 1073741824 : i32
      %broadcast_in_dim3A_574 = vector.broadcast %jit3A_573 : i32 to vector<8x512xi32>
      %select_n3A_575 = arith.select %eq3A_572, %add3A_111, %broadcast_in_dim3A_574 : vector<8x512xi1>, vector<8x512xi32>
      %reduce_min3A_576 = vector.shape_cast %select_n3A_575 : vector<8x512xi32> to vector<1x8x512xi32>
      %reduce_min3A_577 = arith.constant dense<2147483647> : vector<1xi32>
      %reduce_min3A_578 = vector.multi_reduction <minsi>, %reduce_min3A_576, %reduce_min3A_577 [1, 2] : vector<1x8x512xi32> to vector<1xi32>
      %reduce_min3A_579 = vector.shape_cast %reduce_min3A_578 : vector<1xi32> to vector<1x1x1xi32>
      %reduce_min3A_580 = vector.extract %reduce_min3A_579[0, 0, 0] : i32 from vector<1x1x1xi32>
      %eq3A_581 = arith.constant 14 : i32
      %eq3A_582 = vector.broadcast %eq3A_581 : i32 to vector<1x32xi32>
      %eq3A_583 = arith.cmpi eq, %iota3A, %eq3A_582 : vector<1x32xi32>
      %broadcast_in_dim3A_584 = vector.broadcast %reduce_max3A_570 : f32 to vector<1x32xf32>
      %select_n3A_585 = arith.select %eq3A_583, %broadcast_in_dim3A_584, %select_n3A_553 : vector<1x32xi1>, vector<1x32xf32>
      %eq3A_586 = arith.constant 14 : i32
      %eq3A_587 = vector.broadcast %eq3A_586 : i32 to vector<1x32xi32>
      %eq3A_588 = arith.cmpi eq, %iota3A, %eq3A_587 : vector<1x32xi32>
      %gt3A_589 = arith.cmpf ogt, %reduce_max3A_570, %while3A : f32
      %jit3A_590 = arith.constant 1073741870 : i32
      %select_n3A_591 = arith.select %gt3A_589, %reduce_min3A_580, %jit3A_590 : i32
      %broadcast_in_dim3A_592 = vector.broadcast %select_n3A_591 : i32 to vector<1x32xi32>
      %select_n3A_593 = arith.select %eq3A_588, %broadcast_in_dim3A_592, %select_n3A_561 : vector<1x32xi1>, vector<1x32xi32>
      %eq3A_594 = vector.broadcast %reduce_min3A_580 : i32 to vector<8x512xi32>
      %eq3A_595 = arith.cmpi eq, %add3A_111, %eq3A_594 : vector<8x512xi32>
      %broadcast_in_dim3A_596 = vector.broadcast %while3A : f32 to vector<8x512xf32>
      %select_n3A_597 = arith.select %eq3A_595, %broadcast_in_dim3A_596, %select_n3A_565 : vector<8x512xi1>, vector<8x512xf32>
      %reduce_max3A_598 = vector.shape_cast %select_n3A_597 : vector<8x512xf32> to vector<1x8x512xf32>
      %reduce_max3A_599 = arith.constant dense<0xFF800000> : vector<1xf32>
      %reduce_max3A_600 = vector.multi_reduction <maximumf>, %reduce_max3A_598, %reduce_max3A_599 [1, 2] : vector<1x8x512xf32> to vector<1xf32>
      %reduce_max3A_601 = vector.shape_cast %reduce_max3A_600 : vector<1xf32> to vector<1x1x1xf32>
      %reduce_max3A_602 = vector.extract %reduce_max3A_601[0, 0, 0] : f32 from vector<1x1x1xf32>
      %eq3A_603 = vector.broadcast %reduce_max3A_602 : f32 to vector<8x512xf32>
      %eq3A_604 = arith.cmpf oeq, %select_n3A_597, %eq3A_603 : vector<8x512xf32>
      %jit3A_605 = arith.constant 1073741824 : i32
      %broadcast_in_dim3A_606 = vector.broadcast %jit3A_605 : i32 to vector<8x512xi32>
      %select_n3A_607 = arith.select %eq3A_604, %add3A_111, %broadcast_in_dim3A_606 : vector<8x512xi1>, vector<8x512xi32>
      %reduce_min3A_608 = vector.shape_cast %select_n3A_607 : vector<8x512xi32> to vector<1x8x512xi32>
      %reduce_min3A_609 = arith.constant dense<2147483647> : vector<1xi32>
      %reduce_min3A_610 = vector.multi_reduction <minsi>, %reduce_min3A_608, %reduce_min3A_609 [1, 2] : vector<1x8x512xi32> to vector<1xi32>
      %reduce_min3A_611 = vector.shape_cast %reduce_min3A_610 : vector<1xi32> to vector<1x1x1xi32>
      %reduce_min3A_612 = vector.extract %reduce_min3A_611[0, 0, 0] : i32 from vector<1x1x1xi32>
      %eq3A_613 = arith.constant 15 : i32
      %eq3A_614 = vector.broadcast %eq3A_613 : i32 to vector<1x32xi32>
      %eq3A_615 = arith.cmpi eq, %iota3A, %eq3A_614 : vector<1x32xi32>
      %broadcast_in_dim3A_616 = vector.broadcast %reduce_max3A_602 : f32 to vector<1x32xf32>
      %select_n3A_617 = arith.select %eq3A_615, %broadcast_in_dim3A_616, %select_n3A_585 : vector<1x32xi1>, vector<1x32xf32>
      %eq3A_618 = arith.constant 15 : i32
      %eq3A_619 = vector.broadcast %eq3A_618 : i32 to vector<1x32xi32>
      %eq3A_620 = arith.cmpi eq, %iota3A, %eq3A_619 : vector<1x32xi32>
      %gt3A_621 = arith.cmpf ogt, %reduce_max3A_602, %while3A : f32
      %jit3A_622 = arith.constant 1073741871 : i32
      %select_n3A_623 = arith.select %gt3A_621, %reduce_min3A_612, %jit3A_622 : i32
      %broadcast_in_dim3A_624 = vector.broadcast %select_n3A_623 : i32 to vector<1x32xi32>
      %select_n3A_625 = arith.select %eq3A_620, %broadcast_in_dim3A_624, %select_n3A_593 : vector<1x32xi1>, vector<1x32xi32>
      %eq3A_626 = vector.broadcast %reduce_min3A_612 : i32 to vector<8x512xi32>
      %eq3A_627 = arith.cmpi eq, %add3A_111, %eq3A_626 : vector<8x512xi32>
      %broadcast_in_dim3A_628 = vector.broadcast %while3A : f32 to vector<8x512xf32>
      %select_n3A_629 = arith.select %eq3A_627, %broadcast_in_dim3A_628, %select_n3A_597 : vector<8x512xi1>, vector<8x512xf32>
      %reduce_max3A_630 = vector.shape_cast %select_n3A_629 : vector<8x512xf32> to vector<1x8x512xf32>
      %reduce_max3A_631 = arith.constant dense<0xFF800000> : vector<1xf32>
      %reduce_max3A_632 = vector.multi_reduction <maximumf>, %reduce_max3A_630, %reduce_max3A_631 [1, 2] : vector<1x8x512xf32> to vector<1xf32>
      %reduce_max3A_633 = vector.shape_cast %reduce_max3A_632 : vector<1xf32> to vector<1x1x1xf32>
      %reduce_max3A_634 = vector.extract %reduce_max3A_633[0, 0, 0] : f32 from vector<1x1x1xf32>
      %eq3A_635 = vector.broadcast %reduce_max3A_634 : f32 to vector<8x512xf32>
      %eq3A_636 = arith.cmpf oeq, %select_n3A_629, %eq3A_635 : vector<8x512xf32>
      %jit3A_637 = arith.constant 1073741824 : i32
      %broadcast_in_dim3A_638 = vector.broadcast %jit3A_637 : i32 to vector<8x512xi32>
      %select_n3A_639 = arith.select %eq3A_636, %add3A_111, %broadcast_in_dim3A_638 : vector<8x512xi1>, vector<8x512xi32>
      %reduce_min3A_640 = vector.shape_cast %select_n3A_639 : vector<8x512xi32> to vector<1x8x512xi32>
      %reduce_min3A_641 = arith.constant dense<2147483647> : vector<1xi32>
      %reduce_min3A_642 = vector.multi_reduction <minsi>, %reduce_min3A_640, %reduce_min3A_641 [1, 2] : vector<1x8x512xi32> to vector<1xi32>
      %reduce_min3A_643 = vector.shape_cast %reduce_min3A_642 : vector<1xi32> to vector<1x1x1xi32>
      %reduce_min3A_644 = vector.extract %reduce_min3A_643[0, 0, 0] : i32 from vector<1x1x1xi32>
      %eq3A_645 = arith.constant 16 : i32
      %eq3A_646 = vector.broadcast %eq3A_645 : i32 to vector<1x32xi32>
      %eq3A_647 = arith.cmpi eq, %iota3A, %eq3A_646 : vector<1x32xi32>
      %broadcast_in_dim3A_648 = vector.broadcast %reduce_max3A_634 : f32 to vector<1x32xf32>
      %select_n3A_649 = arith.select %eq3A_647, %broadcast_in_dim3A_648, %select_n3A_617 : vector<1x32xi1>, vector<1x32xf32>
      %eq3A_650 = arith.constant 16 : i32
      %eq3A_651 = vector.broadcast %eq3A_650 : i32 to vector<1x32xi32>
      %eq3A_652 = arith.cmpi eq, %iota3A, %eq3A_651 : vector<1x32xi32>
      %gt3A_653 = arith.cmpf ogt, %reduce_max3A_634, %while3A : f32
      %jit3A_654 = arith.constant 1073741872 : i32
      %select_n3A_655 = arith.select %gt3A_653, %reduce_min3A_644, %jit3A_654 : i32
      %broadcast_in_dim3A_656 = vector.broadcast %select_n3A_655 : i32 to vector<1x32xi32>
      %select_n3A_657 = arith.select %eq3A_652, %broadcast_in_dim3A_656, %select_n3A_625 : vector<1x32xi1>, vector<1x32xi32>
      %eq3A_658 = vector.broadcast %reduce_min3A_644 : i32 to vector<8x512xi32>
      %eq3A_659 = arith.cmpi eq, %add3A_111, %eq3A_658 : vector<8x512xi32>
      %broadcast_in_dim3A_660 = vector.broadcast %while3A : f32 to vector<8x512xf32>
      %select_n3A_661 = arith.select %eq3A_659, %broadcast_in_dim3A_660, %select_n3A_629 : vector<8x512xi1>, vector<8x512xf32>
      %reduce_max3A_662 = vector.shape_cast %select_n3A_661 : vector<8x512xf32> to vector<1x8x512xf32>
      %reduce_max3A_663 = arith.constant dense<0xFF800000> : vector<1xf32>
      %reduce_max3A_664 = vector.multi_reduction <maximumf>, %reduce_max3A_662, %reduce_max3A_663 [1, 2] : vector<1x8x512xf32> to vector<1xf32>
      %reduce_max3A_665 = vector.shape_cast %reduce_max3A_664 : vector<1xf32> to vector<1x1x1xf32>
      %reduce_max3A_666 = vector.extract %reduce_max3A_665[0, 0, 0] : f32 from vector<1x1x1xf32>
      %eq3A_667 = vector.broadcast %reduce_max3A_666 : f32 to vector<8x512xf32>
      %eq3A_668 = arith.cmpf oeq, %select_n3A_661, %eq3A_667 : vector<8x512xf32>
      %jit3A_669 = arith.constant 1073741824 : i32
      %broadcast_in_dim3A_670 = vector.broadcast %jit3A_669 : i32 to vector<8x512xi32>
      %select_n3A_671 = arith.select %eq3A_668, %add3A_111, %broadcast_in_dim3A_670 : vector<8x512xi1>, vector<8x512xi32>
      %reduce_min3A_672 = vector.shape_cast %select_n3A_671 : vector<8x512xi32> to vector<1x8x512xi32>
      %reduce_min3A_673 = arith.constant dense<2147483647> : vector<1xi32>
      %reduce_min3A_674 = vector.multi_reduction <minsi>, %reduce_min3A_672, %reduce_min3A_673 [1, 2] : vector<1x8x512xi32> to vector<1xi32>
      %reduce_min3A_675 = vector.shape_cast %reduce_min3A_674 : vector<1xi32> to vector<1x1x1xi32>
      %reduce_min3A_676 = vector.extract %reduce_min3A_675[0, 0, 0] : i32 from vector<1x1x1xi32>
      %eq3A_677 = arith.constant 17 : i32
      %eq3A_678 = vector.broadcast %eq3A_677 : i32 to vector<1x32xi32>
      %eq3A_679 = arith.cmpi eq, %iota3A, %eq3A_678 : vector<1x32xi32>
      %broadcast_in_dim3A_680 = vector.broadcast %reduce_max3A_666 : f32 to vector<1x32xf32>
      %select_n3A_681 = arith.select %eq3A_679, %broadcast_in_dim3A_680, %select_n3A_649 : vector<1x32xi1>, vector<1x32xf32>
      %eq3A_682 = arith.constant 17 : i32
      %eq3A_683 = vector.broadcast %eq3A_682 : i32 to vector<1x32xi32>
      %eq3A_684 = arith.cmpi eq, %iota3A, %eq3A_683 : vector<1x32xi32>
      %gt3A_685 = arith.cmpf ogt, %reduce_max3A_666, %while3A : f32
      %jit3A_686 = arith.constant 1073741873 : i32
      %select_n3A_687 = arith.select %gt3A_685, %reduce_min3A_676, %jit3A_686 : i32
      %broadcast_in_dim3A_688 = vector.broadcast %select_n3A_687 : i32 to vector<1x32xi32>
      %select_n3A_689 = arith.select %eq3A_684, %broadcast_in_dim3A_688, %select_n3A_657 : vector<1x32xi1>, vector<1x32xi32>
      %eq3A_690 = vector.broadcast %reduce_min3A_676 : i32 to vector<8x512xi32>
      %eq3A_691 = arith.cmpi eq, %add3A_111, %eq3A_690 : vector<8x512xi32>
      %broadcast_in_dim3A_692 = vector.broadcast %while3A : f32 to vector<8x512xf32>
      %select_n3A_693 = arith.select %eq3A_691, %broadcast_in_dim3A_692, %select_n3A_661 : vector<8x512xi1>, vector<8x512xf32>
      %reduce_max3A_694 = vector.shape_cast %select_n3A_693 : vector<8x512xf32> to vector<1x8x512xf32>
      %reduce_max3A_695 = arith.constant dense<0xFF800000> : vector<1xf32>
      %reduce_max3A_696 = vector.multi_reduction <maximumf>, %reduce_max3A_694, %reduce_max3A_695 [1, 2] : vector<1x8x512xf32> to vector<1xf32>
      %reduce_max3A_697 = vector.shape_cast %reduce_max3A_696 : vector<1xf32> to vector<1x1x1xf32>
      %reduce_max3A_698 = vector.extract %reduce_max3A_697[0, 0, 0] : f32 from vector<1x1x1xf32>
      %eq3A_699 = vector.broadcast %reduce_max3A_698 : f32 to vector<8x512xf32>
      %eq3A_700 = arith.cmpf oeq, %select_n3A_693, %eq3A_699 : vector<8x512xf32>
      %jit3A_701 = arith.constant 1073741824 : i32
      %broadcast_in_dim3A_702 = vector.broadcast %jit3A_701 : i32 to vector<8x512xi32>
      %select_n3A_703 = arith.select %eq3A_700, %add3A_111, %broadcast_in_dim3A_702 : vector<8x512xi1>, vector<8x512xi32>
      %reduce_min3A_704 = vector.shape_cast %select_n3A_703 : vector<8x512xi32> to vector<1x8x512xi32>
      %reduce_min3A_705 = arith.constant dense<2147483647> : vector<1xi32>
      %reduce_min3A_706 = vector.multi_reduction <minsi>, %reduce_min3A_704, %reduce_min3A_705 [1, 2] : vector<1x8x512xi32> to vector<1xi32>
      %reduce_min3A_707 = vector.shape_cast %reduce_min3A_706 : vector<1xi32> to vector<1x1x1xi32>
      %reduce_min3A_708 = vector.extract %reduce_min3A_707[0, 0, 0] : i32 from vector<1x1x1xi32>
      %eq3A_709 = arith.constant 18 : i32
      %eq3A_710 = vector.broadcast %eq3A_709 : i32 to vector<1x32xi32>
      %eq3A_711 = arith.cmpi eq, %iota3A, %eq3A_710 : vector<1x32xi32>
      %broadcast_in_dim3A_712 = vector.broadcast %reduce_max3A_698 : f32 to vector<1x32xf32>
      %select_n3A_713 = arith.select %eq3A_711, %broadcast_in_dim3A_712, %select_n3A_681 : vector<1x32xi1>, vector<1x32xf32>
      %eq3A_714 = arith.constant 18 : i32
      %eq3A_715 = vector.broadcast %eq3A_714 : i32 to vector<1x32xi32>
      %eq3A_716 = arith.cmpi eq, %iota3A, %eq3A_715 : vector<1x32xi32>
      %gt3A_717 = arith.cmpf ogt, %reduce_max3A_698, %while3A : f32
      %jit3A_718 = arith.constant 1073741874 : i32
      %select_n3A_719 = arith.select %gt3A_717, %reduce_min3A_708, %jit3A_718 : i32
      %broadcast_in_dim3A_720 = vector.broadcast %select_n3A_719 : i32 to vector<1x32xi32>
      %select_n3A_721 = arith.select %eq3A_716, %broadcast_in_dim3A_720, %select_n3A_689 : vector<1x32xi1>, vector<1x32xi32>
      %eq3A_722 = vector.broadcast %reduce_min3A_708 : i32 to vector<8x512xi32>
      %eq3A_723 = arith.cmpi eq, %add3A_111, %eq3A_722 : vector<8x512xi32>
      %broadcast_in_dim3A_724 = vector.broadcast %while3A : f32 to vector<8x512xf32>
      %select_n3A_725 = arith.select %eq3A_723, %broadcast_in_dim3A_724, %select_n3A_693 : vector<8x512xi1>, vector<8x512xf32>
      %reduce_max3A_726 = vector.shape_cast %select_n3A_725 : vector<8x512xf32> to vector<1x8x512xf32>
      %reduce_max3A_727 = arith.constant dense<0xFF800000> : vector<1xf32>
      %reduce_max3A_728 = vector.multi_reduction <maximumf>, %reduce_max3A_726, %reduce_max3A_727 [1, 2] : vector<1x8x512xf32> to vector<1xf32>
      %reduce_max3A_729 = vector.shape_cast %reduce_max3A_728 : vector<1xf32> to vector<1x1x1xf32>
      %reduce_max3A_730 = vector.extract %reduce_max3A_729[0, 0, 0] : f32 from vector<1x1x1xf32>
      %eq3A_731 = vector.broadcast %reduce_max3A_730 : f32 to vector<8x512xf32>
      %eq3A_732 = arith.cmpf oeq, %select_n3A_725, %eq3A_731 : vector<8x512xf32>
      %jit3A_733 = arith.constant 1073741824 : i32
      %broadcast_in_dim3A_734 = vector.broadcast %jit3A_733 : i32 to vector<8x512xi32>
      %select_n3A_735 = arith.select %eq3A_732, %add3A_111, %broadcast_in_dim3A_734 : vector<8x512xi1>, vector<8x512xi32>
      %reduce_min3A_736 = vector.shape_cast %select_n3A_735 : vector<8x512xi32> to vector<1x8x512xi32>
      %reduce_min3A_737 = arith.constant dense<2147483647> : vector<1xi32>
      %reduce_min3A_738 = vector.multi_reduction <minsi>, %reduce_min3A_736, %reduce_min3A_737 [1, 2] : vector<1x8x512xi32> to vector<1xi32>
      %reduce_min3A_739 = vector.shape_cast %reduce_min3A_738 : vector<1xi32> to vector<1x1x1xi32>
      %reduce_min3A_740 = vector.extract %reduce_min3A_739[0, 0, 0] : i32 from vector<1x1x1xi32>
      %eq3A_741 = arith.constant 19 : i32
      %eq3A_742 = vector.broadcast %eq3A_741 : i32 to vector<1x32xi32>
      %eq3A_743 = arith.cmpi eq, %iota3A, %eq3A_742 : vector<1x32xi32>
      %broadcast_in_dim3A_744 = vector.broadcast %reduce_max3A_730 : f32 to vector<1x32xf32>
      %select_n3A_745 = arith.select %eq3A_743, %broadcast_in_dim3A_744, %select_n3A_713 : vector<1x32xi1>, vector<1x32xf32>
      %eq3A_746 = arith.constant 19 : i32
      %eq3A_747 = vector.broadcast %eq3A_746 : i32 to vector<1x32xi32>
      %eq3A_748 = arith.cmpi eq, %iota3A, %eq3A_747 : vector<1x32xi32>
      %gt3A_749 = arith.cmpf ogt, %reduce_max3A_730, %while3A : f32
      %jit3A_750 = arith.constant 1073741875 : i32
      %select_n3A_751 = arith.select %gt3A_749, %reduce_min3A_740, %jit3A_750 : i32
      %broadcast_in_dim3A_752 = vector.broadcast %select_n3A_751 : i32 to vector<1x32xi32>
      %select_n3A_753 = arith.select %eq3A_748, %broadcast_in_dim3A_752, %select_n3A_721 : vector<1x32xi1>, vector<1x32xi32>
      %eq3A_754 = vector.broadcast %reduce_min3A_740 : i32 to vector<8x512xi32>
      %eq3A_755 = arith.cmpi eq, %add3A_111, %eq3A_754 : vector<8x512xi32>
      %broadcast_in_dim3A_756 = vector.broadcast %while3A : f32 to vector<8x512xf32>
      %select_n3A_757 = arith.select %eq3A_755, %broadcast_in_dim3A_756, %select_n3A_725 : vector<8x512xi1>, vector<8x512xf32>
      %reduce_max3A_758 = vector.shape_cast %select_n3A_757 : vector<8x512xf32> to vector<1x8x512xf32>
      %reduce_max3A_759 = arith.constant dense<0xFF800000> : vector<1xf32>
      %reduce_max3A_760 = vector.multi_reduction <maximumf>, %reduce_max3A_758, %reduce_max3A_759 [1, 2] : vector<1x8x512xf32> to vector<1xf32>
      %reduce_max3A_761 = vector.shape_cast %reduce_max3A_760 : vector<1xf32> to vector<1x1x1xf32>
      %reduce_max3A_762 = vector.extract %reduce_max3A_761[0, 0, 0] : f32 from vector<1x1x1xf32>
      %eq3A_763 = vector.broadcast %reduce_max3A_762 : f32 to vector<8x512xf32>
      %eq3A_764 = arith.cmpf oeq, %select_n3A_757, %eq3A_763 : vector<8x512xf32>
      %jit3A_765 = arith.constant 1073741824 : i32
      %broadcast_in_dim3A_766 = vector.broadcast %jit3A_765 : i32 to vector<8x512xi32>
      %select_n3A_767 = arith.select %eq3A_764, %add3A_111, %broadcast_in_dim3A_766 : vector<8x512xi1>, vector<8x512xi32>
      %reduce_min3A_768 = vector.shape_cast %select_n3A_767 : vector<8x512xi32> to vector<1x8x512xi32>
      %reduce_min3A_769 = arith.constant dense<2147483647> : vector<1xi32>
      %reduce_min3A_770 = vector.multi_reduction <minsi>, %reduce_min3A_768, %reduce_min3A_769 [1, 2] : vector<1x8x512xi32> to vector<1xi32>
      %reduce_min3A_771 = vector.shape_cast %reduce_min3A_770 : vector<1xi32> to vector<1x1x1xi32>
      %reduce_min3A_772 = vector.extract %reduce_min3A_771[0, 0, 0] : i32 from vector<1x1x1xi32>
      %eq3A_773 = arith.constant 20 : i32
      %eq3A_774 = vector.broadcast %eq3A_773 : i32 to vector<1x32xi32>
      %eq3A_775 = arith.cmpi eq, %iota3A, %eq3A_774 : vector<1x32xi32>
      %broadcast_in_dim3A_776 = vector.broadcast %reduce_max3A_762 : f32 to vector<1x32xf32>
      %select_n3A_777 = arith.select %eq3A_775, %broadcast_in_dim3A_776, %select_n3A_745 : vector<1x32xi1>, vector<1x32xf32>
      %eq3A_778 = arith.constant 20 : i32
      %eq3A_779 = vector.broadcast %eq3A_778 : i32 to vector<1x32xi32>
      %eq3A_780 = arith.cmpi eq, %iota3A, %eq3A_779 : vector<1x32xi32>
      %gt3A_781 = arith.cmpf ogt, %reduce_max3A_762, %while3A : f32
      %jit3A_782 = arith.constant 1073741876 : i32
      %select_n3A_783 = arith.select %gt3A_781, %reduce_min3A_772, %jit3A_782 : i32
      %broadcast_in_dim3A_784 = vector.broadcast %select_n3A_783 : i32 to vector<1x32xi32>
      %select_n3A_785 = arith.select %eq3A_780, %broadcast_in_dim3A_784, %select_n3A_753 : vector<1x32xi1>, vector<1x32xi32>
      %eq3A_786 = vector.broadcast %reduce_min3A_772 : i32 to vector<8x512xi32>
      %eq3A_787 = arith.cmpi eq, %add3A_111, %eq3A_786 : vector<8x512xi32>
      %broadcast_in_dim3A_788 = vector.broadcast %while3A : f32 to vector<8x512xf32>
      %select_n3A_789 = arith.select %eq3A_787, %broadcast_in_dim3A_788, %select_n3A_757 : vector<8x512xi1>, vector<8x512xf32>
      %reduce_max3A_790 = vector.shape_cast %select_n3A_789 : vector<8x512xf32> to vector<1x8x512xf32>
      %reduce_max3A_791 = arith.constant dense<0xFF800000> : vector<1xf32>
      %reduce_max3A_792 = vector.multi_reduction <maximumf>, %reduce_max3A_790, %reduce_max3A_791 [1, 2] : vector<1x8x512xf32> to vector<1xf32>
      %reduce_max3A_793 = vector.shape_cast %reduce_max3A_792 : vector<1xf32> to vector<1x1x1xf32>
      %reduce_max3A_794 = vector.extract %reduce_max3A_793[0, 0, 0] : f32 from vector<1x1x1xf32>
      %eq3A_795 = vector.broadcast %reduce_max3A_794 : f32 to vector<8x512xf32>
      %eq3A_796 = arith.cmpf oeq, %select_n3A_789, %eq3A_795 : vector<8x512xf32>
      %jit3A_797 = arith.constant 1073741824 : i32
      %broadcast_in_dim3A_798 = vector.broadcast %jit3A_797 : i32 to vector<8x512xi32>
      %select_n3A_799 = arith.select %eq3A_796, %add3A_111, %broadcast_in_dim3A_798 : vector<8x512xi1>, vector<8x512xi32>
      %reduce_min3A_800 = vector.shape_cast %select_n3A_799 : vector<8x512xi32> to vector<1x8x512xi32>
      %reduce_min3A_801 = arith.constant dense<2147483647> : vector<1xi32>
      %reduce_min3A_802 = vector.multi_reduction <minsi>, %reduce_min3A_800, %reduce_min3A_801 [1, 2] : vector<1x8x512xi32> to vector<1xi32>
      %reduce_min3A_803 = vector.shape_cast %reduce_min3A_802 : vector<1xi32> to vector<1x1x1xi32>
      %reduce_min3A_804 = vector.extract %reduce_min3A_803[0, 0, 0] : i32 from vector<1x1x1xi32>
      %eq3A_805 = arith.constant 21 : i32
      %eq3A_806 = vector.broadcast %eq3A_805 : i32 to vector<1x32xi32>
      %eq3A_807 = arith.cmpi eq, %iota3A, %eq3A_806 : vector<1x32xi32>
      %broadcast_in_dim3A_808 = vector.broadcast %reduce_max3A_794 : f32 to vector<1x32xf32>
      %select_n3A_809 = arith.select %eq3A_807, %broadcast_in_dim3A_808, %select_n3A_777 : vector<1x32xi1>, vector<1x32xf32>
      %eq3A_810 = arith.constant 21 : i32
      %eq3A_811 = vector.broadcast %eq3A_810 : i32 to vector<1x32xi32>
      %eq3A_812 = arith.cmpi eq, %iota3A, %eq3A_811 : vector<1x32xi32>
      %gt3A_813 = arith.cmpf ogt, %reduce_max3A_794, %while3A : f32
      %jit3A_814 = arith.constant 1073741877 : i32
      %select_n3A_815 = arith.select %gt3A_813, %reduce_min3A_804, %jit3A_814 : i32
      %broadcast_in_dim3A_816 = vector.broadcast %select_n3A_815 : i32 to vector<1x32xi32>
      %select_n3A_817 = arith.select %eq3A_812, %broadcast_in_dim3A_816, %select_n3A_785 : vector<1x32xi1>, vector<1x32xi32>
      %eq3A_818 = vector.broadcast %reduce_min3A_804 : i32 to vector<8x512xi32>
      %eq3A_819 = arith.cmpi eq, %add3A_111, %eq3A_818 : vector<8x512xi32>
      %broadcast_in_dim3A_820 = vector.broadcast %while3A : f32 to vector<8x512xf32>
      %select_n3A_821 = arith.select %eq3A_819, %broadcast_in_dim3A_820, %select_n3A_789 : vector<8x512xi1>, vector<8x512xf32>
      %reduce_max3A_822 = vector.shape_cast %select_n3A_821 : vector<8x512xf32> to vector<1x8x512xf32>
      %reduce_max3A_823 = arith.constant dense<0xFF800000> : vector<1xf32>
      %reduce_max3A_824 = vector.multi_reduction <maximumf>, %reduce_max3A_822, %reduce_max3A_823 [1, 2] : vector<1x8x512xf32> to vector<1xf32>
      %reduce_max3A_825 = vector.shape_cast %reduce_max3A_824 : vector<1xf32> to vector<1x1x1xf32>
      %reduce_max3A_826 = vector.extract %reduce_max3A_825[0, 0, 0] : f32 from vector<1x1x1xf32>
      %eq3A_827 = vector.broadcast %reduce_max3A_826 : f32 to vector<8x512xf32>
      %eq3A_828 = arith.cmpf oeq, %select_n3A_821, %eq3A_827 : vector<8x512xf32>
      %jit3A_829 = arith.constant 1073741824 : i32
      %broadcast_in_dim3A_830 = vector.broadcast %jit3A_829 : i32 to vector<8x512xi32>
      %select_n3A_831 = arith.select %eq3A_828, %add3A_111, %broadcast_in_dim3A_830 : vector<8x512xi1>, vector<8x512xi32>
      %reduce_min3A_832 = vector.shape_cast %select_n3A_831 : vector<8x512xi32> to vector<1x8x512xi32>
      %reduce_min3A_833 = arith.constant dense<2147483647> : vector<1xi32>
      %reduce_min3A_834 = vector.multi_reduction <minsi>, %reduce_min3A_832, %reduce_min3A_833 [1, 2] : vector<1x8x512xi32> to vector<1xi32>
      %reduce_min3A_835 = vector.shape_cast %reduce_min3A_834 : vector<1xi32> to vector<1x1x1xi32>
      %reduce_min3A_836 = vector.extract %reduce_min3A_835[0, 0, 0] : i32 from vector<1x1x1xi32>
      %eq3A_837 = arith.constant 22 : i32
      %eq3A_838 = vector.broadcast %eq3A_837 : i32 to vector<1x32xi32>
      %eq3A_839 = arith.cmpi eq, %iota3A, %eq3A_838 : vector<1x32xi32>
      %broadcast_in_dim3A_840 = vector.broadcast %reduce_max3A_826 : f32 to vector<1x32xf32>
      %select_n3A_841 = arith.select %eq3A_839, %broadcast_in_dim3A_840, %select_n3A_809 : vector<1x32xi1>, vector<1x32xf32>
      %eq3A_842 = arith.constant 22 : i32
      %eq3A_843 = vector.broadcast %eq3A_842 : i32 to vector<1x32xi32>
      %eq3A_844 = arith.cmpi eq, %iota3A, %eq3A_843 : vector<1x32xi32>
      %gt3A_845 = arith.cmpf ogt, %reduce_max3A_826, %while3A : f32
      %jit3A_846 = arith.constant 1073741878 : i32
      %select_n3A_847 = arith.select %gt3A_845, %reduce_min3A_836, %jit3A_846 : i32
      %broadcast_in_dim3A_848 = vector.broadcast %select_n3A_847 : i32 to vector<1x32xi32>
      %select_n3A_849 = arith.select %eq3A_844, %broadcast_in_dim3A_848, %select_n3A_817 : vector<1x32xi1>, vector<1x32xi32>
      %eq3A_850 = vector.broadcast %reduce_min3A_836 : i32 to vector<8x512xi32>
      %eq3A_851 = arith.cmpi eq, %add3A_111, %eq3A_850 : vector<8x512xi32>
      %broadcast_in_dim3A_852 = vector.broadcast %while3A : f32 to vector<8x512xf32>
      %select_n3A_853 = arith.select %eq3A_851, %broadcast_in_dim3A_852, %select_n3A_821 : vector<8x512xi1>, vector<8x512xf32>
      %reduce_max3A_854 = vector.shape_cast %select_n3A_853 : vector<8x512xf32> to vector<1x8x512xf32>
      %reduce_max3A_855 = arith.constant dense<0xFF800000> : vector<1xf32>
      %reduce_max3A_856 = vector.multi_reduction <maximumf>, %reduce_max3A_854, %reduce_max3A_855 [1, 2] : vector<1x8x512xf32> to vector<1xf32>
      %reduce_max3A_857 = vector.shape_cast %reduce_max3A_856 : vector<1xf32> to vector<1x1x1xf32>
      %reduce_max3A_858 = vector.extract %reduce_max3A_857[0, 0, 0] : f32 from vector<1x1x1xf32>
      %eq3A_859 = vector.broadcast %reduce_max3A_858 : f32 to vector<8x512xf32>
      %eq3A_860 = arith.cmpf oeq, %select_n3A_853, %eq3A_859 : vector<8x512xf32>
      %jit3A_861 = arith.constant 1073741824 : i32
      %broadcast_in_dim3A_862 = vector.broadcast %jit3A_861 : i32 to vector<8x512xi32>
      %select_n3A_863 = arith.select %eq3A_860, %add3A_111, %broadcast_in_dim3A_862 : vector<8x512xi1>, vector<8x512xi32>
      %reduce_min3A_864 = vector.shape_cast %select_n3A_863 : vector<8x512xi32> to vector<1x8x512xi32>
      %reduce_min3A_865 = arith.constant dense<2147483647> : vector<1xi32>
      %reduce_min3A_866 = vector.multi_reduction <minsi>, %reduce_min3A_864, %reduce_min3A_865 [1, 2] : vector<1x8x512xi32> to vector<1xi32>
      %reduce_min3A_867 = vector.shape_cast %reduce_min3A_866 : vector<1xi32> to vector<1x1x1xi32>
      %reduce_min3A_868 = vector.extract %reduce_min3A_867[0, 0, 0] : i32 from vector<1x1x1xi32>
      %eq3A_869 = arith.constant 23 : i32
      %eq3A_870 = vector.broadcast %eq3A_869 : i32 to vector<1x32xi32>
      %eq3A_871 = arith.cmpi eq, %iota3A, %eq3A_870 : vector<1x32xi32>
      %broadcast_in_dim3A_872 = vector.broadcast %reduce_max3A_858 : f32 to vector<1x32xf32>
      %select_n3A_873 = arith.select %eq3A_871, %broadcast_in_dim3A_872, %select_n3A_841 : vector<1x32xi1>, vector<1x32xf32>
      %eq3A_874 = arith.constant 23 : i32
      %eq3A_875 = vector.broadcast %eq3A_874 : i32 to vector<1x32xi32>
      %eq3A_876 = arith.cmpi eq, %iota3A, %eq3A_875 : vector<1x32xi32>
      %gt3A_877 = arith.cmpf ogt, %reduce_max3A_858, %while3A : f32
      %jit3A_878 = arith.constant 1073741879 : i32
      %select_n3A_879 = arith.select %gt3A_877, %reduce_min3A_868, %jit3A_878 : i32
      %broadcast_in_dim3A_880 = vector.broadcast %select_n3A_879 : i32 to vector<1x32xi32>
      %select_n3A_881 = arith.select %eq3A_876, %broadcast_in_dim3A_880, %select_n3A_849 : vector<1x32xi1>, vector<1x32xi32>
      %eq3A_882 = vector.broadcast %reduce_min3A_868 : i32 to vector<8x512xi32>
      %eq3A_883 = arith.cmpi eq, %add3A_111, %eq3A_882 : vector<8x512xi32>
      %broadcast_in_dim3A_884 = vector.broadcast %while3A : f32 to vector<8x512xf32>
      %select_n3A_885 = arith.select %eq3A_883, %broadcast_in_dim3A_884, %select_n3A_853 : vector<8x512xi1>, vector<8x512xf32>
      %reduce_max3A_886 = vector.shape_cast %select_n3A_885 : vector<8x512xf32> to vector<1x8x512xf32>
      %reduce_max3A_887 = arith.constant dense<0xFF800000> : vector<1xf32>
      %reduce_max3A_888 = vector.multi_reduction <maximumf>, %reduce_max3A_886, %reduce_max3A_887 [1, 2] : vector<1x8x512xf32> to vector<1xf32>
      %reduce_max3A_889 = vector.shape_cast %reduce_max3A_888 : vector<1xf32> to vector<1x1x1xf32>
      %reduce_max3A_890 = vector.extract %reduce_max3A_889[0, 0, 0] : f32 from vector<1x1x1xf32>
      %eq3A_891 = vector.broadcast %reduce_max3A_890 : f32 to vector<8x512xf32>
      %eq3A_892 = arith.cmpf oeq, %select_n3A_885, %eq3A_891 : vector<8x512xf32>
      %jit3A_893 = arith.constant 1073741824 : i32
      %broadcast_in_dim3A_894 = vector.broadcast %jit3A_893 : i32 to vector<8x512xi32>
      %select_n3A_895 = arith.select %eq3A_892, %add3A_111, %broadcast_in_dim3A_894 : vector<8x512xi1>, vector<8x512xi32>
      %reduce_min3A_896 = vector.shape_cast %select_n3A_895 : vector<8x512xi32> to vector<1x8x512xi32>
      %reduce_min3A_897 = arith.constant dense<2147483647> : vector<1xi32>
      %reduce_min3A_898 = vector.multi_reduction <minsi>, %reduce_min3A_896, %reduce_min3A_897 [1, 2] : vector<1x8x512xi32> to vector<1xi32>
      %reduce_min3A_899 = vector.shape_cast %reduce_min3A_898 : vector<1xi32> to vector<1x1x1xi32>
      %reduce_min3A_900 = vector.extract %reduce_min3A_899[0, 0, 0] : i32 from vector<1x1x1xi32>
      %eq3A_901 = arith.constant 24 : i32
      %eq3A_902 = vector.broadcast %eq3A_901 : i32 to vector<1x32xi32>
      %eq3A_903 = arith.cmpi eq, %iota3A, %eq3A_902 : vector<1x32xi32>
      %broadcast_in_dim3A_904 = vector.broadcast %reduce_max3A_890 : f32 to vector<1x32xf32>
      %select_n3A_905 = arith.select %eq3A_903, %broadcast_in_dim3A_904, %select_n3A_873 : vector<1x32xi1>, vector<1x32xf32>
      %eq3A_906 = arith.constant 24 : i32
      %eq3A_907 = vector.broadcast %eq3A_906 : i32 to vector<1x32xi32>
      %eq3A_908 = arith.cmpi eq, %iota3A, %eq3A_907 : vector<1x32xi32>
      %gt3A_909 = arith.cmpf ogt, %reduce_max3A_890, %while3A : f32
      %jit3A_910 = arith.constant 1073741880 : i32
      %select_n3A_911 = arith.select %gt3A_909, %reduce_min3A_900, %jit3A_910 : i32
      %broadcast_in_dim3A_912 = vector.broadcast %select_n3A_911 : i32 to vector<1x32xi32>
      %select_n3A_913 = arith.select %eq3A_908, %broadcast_in_dim3A_912, %select_n3A_881 : vector<1x32xi1>, vector<1x32xi32>
      %eq3A_914 = vector.broadcast %reduce_min3A_900 : i32 to vector<8x512xi32>
      %eq3A_915 = arith.cmpi eq, %add3A_111, %eq3A_914 : vector<8x512xi32>
      %broadcast_in_dim3A_916 = vector.broadcast %while3A : f32 to vector<8x512xf32>
      %select_n3A_917 = arith.select %eq3A_915, %broadcast_in_dim3A_916, %select_n3A_885 : vector<8x512xi1>, vector<8x512xf32>
      %reduce_max3A_918 = vector.shape_cast %select_n3A_917 : vector<8x512xf32> to vector<1x8x512xf32>
      %reduce_max3A_919 = arith.constant dense<0xFF800000> : vector<1xf32>
      %reduce_max3A_920 = vector.multi_reduction <maximumf>, %reduce_max3A_918, %reduce_max3A_919 [1, 2] : vector<1x8x512xf32> to vector<1xf32>
      %reduce_max3A_921 = vector.shape_cast %reduce_max3A_920 : vector<1xf32> to vector<1x1x1xf32>
      %reduce_max3A_922 = vector.extract %reduce_max3A_921[0, 0, 0] : f32 from vector<1x1x1xf32>
      %eq3A_923 = vector.broadcast %reduce_max3A_922 : f32 to vector<8x512xf32>
      %eq3A_924 = arith.cmpf oeq, %select_n3A_917, %eq3A_923 : vector<8x512xf32>
      %jit3A_925 = arith.constant 1073741824 : i32
      %broadcast_in_dim3A_926 = vector.broadcast %jit3A_925 : i32 to vector<8x512xi32>
      %select_n3A_927 = arith.select %eq3A_924, %add3A_111, %broadcast_in_dim3A_926 : vector<8x512xi1>, vector<8x512xi32>
      %reduce_min3A_928 = vector.shape_cast %select_n3A_927 : vector<8x512xi32> to vector<1x8x512xi32>
      %reduce_min3A_929 = arith.constant dense<2147483647> : vector<1xi32>
      %reduce_min3A_930 = vector.multi_reduction <minsi>, %reduce_min3A_928, %reduce_min3A_929 [1, 2] : vector<1x8x512xi32> to vector<1xi32>
      %reduce_min3A_931 = vector.shape_cast %reduce_min3A_930 : vector<1xi32> to vector<1x1x1xi32>
      %reduce_min3A_932 = vector.extract %reduce_min3A_931[0, 0, 0] : i32 from vector<1x1x1xi32>
      %eq3A_933 = arith.constant 25 : i32
      %eq3A_934 = vector.broadcast %eq3A_933 : i32 to vector<1x32xi32>
      %eq3A_935 = arith.cmpi eq, %iota3A, %eq3A_934 : vector<1x32xi32>
      %broadcast_in_dim3A_936 = vector.broadcast %reduce_max3A_922 : f32 to vector<1x32xf32>
      %select_n3A_937 = arith.select %eq3A_935, %broadcast_in_dim3A_936, %select_n3A_905 : vector<1x32xi1>, vector<1x32xf32>
      %eq3A_938 = arith.constant 25 : i32
      %eq3A_939 = vector.broadcast %eq3A_938 : i32 to vector<1x32xi32>
      %eq3A_940 = arith.cmpi eq, %iota3A, %eq3A_939 : vector<1x32xi32>
      %gt3A_941 = arith.cmpf ogt, %reduce_max3A_922, %while3A : f32
      %jit3A_942 = arith.constant 1073741881 : i32
      %select_n3A_943 = arith.select %gt3A_941, %reduce_min3A_932, %jit3A_942 : i32
      %broadcast_in_dim3A_944 = vector.broadcast %select_n3A_943 : i32 to vector<1x32xi32>
      %select_n3A_945 = arith.select %eq3A_940, %broadcast_in_dim3A_944, %select_n3A_913 : vector<1x32xi1>, vector<1x32xi32>
      %eq3A_946 = vector.broadcast %reduce_min3A_932 : i32 to vector<8x512xi32>
      %eq3A_947 = arith.cmpi eq, %add3A_111, %eq3A_946 : vector<8x512xi32>
      %broadcast_in_dim3A_948 = vector.broadcast %while3A : f32 to vector<8x512xf32>
      %select_n3A_949 = arith.select %eq3A_947, %broadcast_in_dim3A_948, %select_n3A_917 : vector<8x512xi1>, vector<8x512xf32>
      %reduce_max3A_950 = vector.shape_cast %select_n3A_949 : vector<8x512xf32> to vector<1x8x512xf32>
      %reduce_max3A_951 = arith.constant dense<0xFF800000> : vector<1xf32>
      %reduce_max3A_952 = vector.multi_reduction <maximumf>, %reduce_max3A_950, %reduce_max3A_951 [1, 2] : vector<1x8x512xf32> to vector<1xf32>
      %reduce_max3A_953 = vector.shape_cast %reduce_max3A_952 : vector<1xf32> to vector<1x1x1xf32>
      %reduce_max3A_954 = vector.extract %reduce_max3A_953[0, 0, 0] : f32 from vector<1x1x1xf32>
      %eq3A_955 = vector.broadcast %reduce_max3A_954 : f32 to vector<8x512xf32>
      %eq3A_956 = arith.cmpf oeq, %select_n3A_949, %eq3A_955 : vector<8x512xf32>
      %jit3A_957 = arith.constant 1073741824 : i32
      %broadcast_in_dim3A_958 = vector.broadcast %jit3A_957 : i32 to vector<8x512xi32>
      %select_n3A_959 = arith.select %eq3A_956, %add3A_111, %broadcast_in_dim3A_958 : vector<8x512xi1>, vector<8x512xi32>
      %reduce_min3A_960 = vector.shape_cast %select_n3A_959 : vector<8x512xi32> to vector<1x8x512xi32>
      %reduce_min3A_961 = arith.constant dense<2147483647> : vector<1xi32>
      %reduce_min3A_962 = vector.multi_reduction <minsi>, %reduce_min3A_960, %reduce_min3A_961 [1, 2] : vector<1x8x512xi32> to vector<1xi32>
      %reduce_min3A_963 = vector.shape_cast %reduce_min3A_962 : vector<1xi32> to vector<1x1x1xi32>
      %reduce_min3A_964 = vector.extract %reduce_min3A_963[0, 0, 0] : i32 from vector<1x1x1xi32>
      %eq3A_965 = arith.constant 26 : i32
      %eq3A_966 = vector.broadcast %eq3A_965 : i32 to vector<1x32xi32>
      %eq3A_967 = arith.cmpi eq, %iota3A, %eq3A_966 : vector<1x32xi32>
      %broadcast_in_dim3A_968 = vector.broadcast %reduce_max3A_954 : f32 to vector<1x32xf32>
      %select_n3A_969 = arith.select %eq3A_967, %broadcast_in_dim3A_968, %select_n3A_937 : vector<1x32xi1>, vector<1x32xf32>
      %eq3A_970 = arith.constant 26 : i32
      %eq3A_971 = vector.broadcast %eq3A_970 : i32 to vector<1x32xi32>
      %eq3A_972 = arith.cmpi eq, %iota3A, %eq3A_971 : vector<1x32xi32>
      %gt3A_973 = arith.cmpf ogt, %reduce_max3A_954, %while3A : f32
      %jit3A_974 = arith.constant 1073741882 : i32
      %select_n3A_975 = arith.select %gt3A_973, %reduce_min3A_964, %jit3A_974 : i32
      %broadcast_in_dim3A_976 = vector.broadcast %select_n3A_975 : i32 to vector<1x32xi32>
      %select_n3A_977 = arith.select %eq3A_972, %broadcast_in_dim3A_976, %select_n3A_945 : vector<1x32xi1>, vector<1x32xi32>
      %eq3A_978 = vector.broadcast %reduce_min3A_964 : i32 to vector<8x512xi32>
      %eq3A_979 = arith.cmpi eq, %add3A_111, %eq3A_978 : vector<8x512xi32>
      %broadcast_in_dim3A_980 = vector.broadcast %while3A : f32 to vector<8x512xf32>
      %select_n3A_981 = arith.select %eq3A_979, %broadcast_in_dim3A_980, %select_n3A_949 : vector<8x512xi1>, vector<8x512xf32>
      %reduce_max3A_982 = vector.shape_cast %select_n3A_981 : vector<8x512xf32> to vector<1x8x512xf32>
      %reduce_max3A_983 = arith.constant dense<0xFF800000> : vector<1xf32>
      %reduce_max3A_984 = vector.multi_reduction <maximumf>, %reduce_max3A_982, %reduce_max3A_983 [1, 2] : vector<1x8x512xf32> to vector<1xf32>
      %reduce_max3A_985 = vector.shape_cast %reduce_max3A_984 : vector<1xf32> to vector<1x1x1xf32>
      %reduce_max3A_986 = vector.extract %reduce_max3A_985[0, 0, 0] : f32 from vector<1x1x1xf32>
      %eq3A_987 = vector.broadcast %reduce_max3A_986 : f32 to vector<8x512xf32>
      %eq3A_988 = arith.cmpf oeq, %select_n3A_981, %eq3A_987 : vector<8x512xf32>
      %jit3A_989 = arith.constant 1073741824 : i32
      %broadcast_in_dim3A_990 = vector.broadcast %jit3A_989 : i32 to vector<8x512xi32>
      %select_n3A_991 = arith.select %eq3A_988, %add3A_111, %broadcast_in_dim3A_990 : vector<8x512xi1>, vector<8x512xi32>
      %reduce_min3A_992 = vector.shape_cast %select_n3A_991 : vector<8x512xi32> to vector<1x8x512xi32>
      %reduce_min3A_993 = arith.constant dense<2147483647> : vector<1xi32>
      %reduce_min3A_994 = vector.multi_reduction <minsi>, %reduce_min3A_992, %reduce_min3A_993 [1, 2] : vector<1x8x512xi32> to vector<1xi32>
      %reduce_min3A_995 = vector.shape_cast %reduce_min3A_994 : vector<1xi32> to vector<1x1x1xi32>
      %reduce_min3A_996 = vector.extract %reduce_min3A_995[0, 0, 0] : i32 from vector<1x1x1xi32>
      %eq3A_997 = arith.constant 27 : i32
      %eq3A_998 = vector.broadcast %eq3A_997 : i32 to vector<1x32xi32>
      %eq3A_999 = arith.cmpi eq, %iota3A, %eq3A_998 : vector<1x32xi32>
      %broadcast_in_dim3A_1000 = vector.broadcast %reduce_max3A_986 : f32 to vector<1x32xf32>
      %select_n3A_1001 = arith.select %eq3A_999, %broadcast_in_dim3A_1000, %select_n3A_969 : vector<1x32xi1>, vector<1x32xf32>
      %eq3A_1002 = arith.constant 27 : i32
      %eq3A_1003 = vector.broadcast %eq3A_1002 : i32 to vector<1x32xi32>
      %eq3A_1004 = arith.cmpi eq, %iota3A, %eq3A_1003 : vector<1x32xi32>
      %gt3A_1005 = arith.cmpf ogt, %reduce_max3A_986, %while3A : f32
      %jit3A_1006 = arith.constant 1073741883 : i32
      %select_n3A_1007 = arith.select %gt3A_1005, %reduce_min3A_996, %jit3A_1006 : i32
      %broadcast_in_dim3A_1008 = vector.broadcast %select_n3A_1007 : i32 to vector<1x32xi32>
      %select_n3A_1009 = arith.select %eq3A_1004, %broadcast_in_dim3A_1008, %select_n3A_977 : vector<1x32xi1>, vector<1x32xi32>
      %eq3A_1010 = vector.broadcast %reduce_min3A_996 : i32 to vector<8x512xi32>
      %eq3A_1011 = arith.cmpi eq, %add3A_111, %eq3A_1010 : vector<8x512xi32>
      %broadcast_in_dim3A_1012 = vector.broadcast %while3A : f32 to vector<8x512xf32>
      %select_n3A_1013 = arith.select %eq3A_1011, %broadcast_in_dim3A_1012, %select_n3A_981 : vector<8x512xi1>, vector<8x512xf32>
      %reduce_max3A_1014 = vector.shape_cast %select_n3A_1013 : vector<8x512xf32> to vector<1x8x512xf32>
      %reduce_max3A_1015 = arith.constant dense<0xFF800000> : vector<1xf32>
      %reduce_max3A_1016 = vector.multi_reduction <maximumf>, %reduce_max3A_1014, %reduce_max3A_1015 [1, 2] : vector<1x8x512xf32> to vector<1xf32>
      %reduce_max3A_1017 = vector.shape_cast %reduce_max3A_1016 : vector<1xf32> to vector<1x1x1xf32>
      %reduce_max3A_1018 = vector.extract %reduce_max3A_1017[0, 0, 0] : f32 from vector<1x1x1xf32>
      %eq3A_1019 = vector.broadcast %reduce_max3A_1018 : f32 to vector<8x512xf32>
      %eq3A_1020 = arith.cmpf oeq, %select_n3A_1013, %eq3A_1019 : vector<8x512xf32>
      %jit3A_1021 = arith.constant 1073741824 : i32
      %broadcast_in_dim3A_1022 = vector.broadcast %jit3A_1021 : i32 to vector<8x512xi32>
      %select_n3A_1023 = arith.select %eq3A_1020, %add3A_111, %broadcast_in_dim3A_1022 : vector<8x512xi1>, vector<8x512xi32>
      %reduce_min3A_1024 = vector.shape_cast %select_n3A_1023 : vector<8x512xi32> to vector<1x8x512xi32>
      %reduce_min3A_1025 = arith.constant dense<2147483647> : vector<1xi32>
      %reduce_min3A_1026 = vector.multi_reduction <minsi>, %reduce_min3A_1024, %reduce_min3A_1025 [1, 2] : vector<1x8x512xi32> to vector<1xi32>
      %reduce_min3A_1027 = vector.shape_cast %reduce_min3A_1026 : vector<1xi32> to vector<1x1x1xi32>
      %reduce_min3A_1028 = vector.extract %reduce_min3A_1027[0, 0, 0] : i32 from vector<1x1x1xi32>
      %eq3A_1029 = arith.constant 28 : i32
      %eq3A_1030 = vector.broadcast %eq3A_1029 : i32 to vector<1x32xi32>
      %eq3A_1031 = arith.cmpi eq, %iota3A, %eq3A_1030 : vector<1x32xi32>
      %broadcast_in_dim3A_1032 = vector.broadcast %reduce_max3A_1018 : f32 to vector<1x32xf32>
      %select_n3A_1033 = arith.select %eq3A_1031, %broadcast_in_dim3A_1032, %select_n3A_1001 : vector<1x32xi1>, vector<1x32xf32>
      %eq3A_1034 = arith.constant 28 : i32
      %eq3A_1035 = vector.broadcast %eq3A_1034 : i32 to vector<1x32xi32>
      %eq3A_1036 = arith.cmpi eq, %iota3A, %eq3A_1035 : vector<1x32xi32>
      %gt3A_1037 = arith.cmpf ogt, %reduce_max3A_1018, %while3A : f32
      %jit3A_1038 = arith.constant 1073741884 : i32
      %select_n3A_1039 = arith.select %gt3A_1037, %reduce_min3A_1028, %jit3A_1038 : i32
      %broadcast_in_dim3A_1040 = vector.broadcast %select_n3A_1039 : i32 to vector<1x32xi32>
      %select_n3A_1041 = arith.select %eq3A_1036, %broadcast_in_dim3A_1040, %select_n3A_1009 : vector<1x32xi1>, vector<1x32xi32>
      %eq3A_1042 = vector.broadcast %reduce_min3A_1028 : i32 to vector<8x512xi32>
      %eq3A_1043 = arith.cmpi eq, %add3A_111, %eq3A_1042 : vector<8x512xi32>
      %broadcast_in_dim3A_1044 = vector.broadcast %while3A : f32 to vector<8x512xf32>
      %select_n3A_1045 = arith.select %eq3A_1043, %broadcast_in_dim3A_1044, %select_n3A_1013 : vector<8x512xi1>, vector<8x512xf32>
      %reduce_max3A_1046 = vector.shape_cast %select_n3A_1045 : vector<8x512xf32> to vector<1x8x512xf32>
      %reduce_max3A_1047 = arith.constant dense<0xFF800000> : vector<1xf32>
      %reduce_max3A_1048 = vector.multi_reduction <maximumf>, %reduce_max3A_1046, %reduce_max3A_1047 [1, 2] : vector<1x8x512xf32> to vector<1xf32>
      %reduce_max3A_1049 = vector.shape_cast %reduce_max3A_1048 : vector<1xf32> to vector<1x1x1xf32>
      %reduce_max3A_1050 = vector.extract %reduce_max3A_1049[0, 0, 0] : f32 from vector<1x1x1xf32>
      %eq3A_1051 = vector.broadcast %reduce_max3A_1050 : f32 to vector<8x512xf32>
      %eq3A_1052 = arith.cmpf oeq, %select_n3A_1045, %eq3A_1051 : vector<8x512xf32>
      %jit3A_1053 = arith.constant 1073741824 : i32
      %broadcast_in_dim3A_1054 = vector.broadcast %jit3A_1053 : i32 to vector<8x512xi32>
      %select_n3A_1055 = arith.select %eq3A_1052, %add3A_111, %broadcast_in_dim3A_1054 : vector<8x512xi1>, vector<8x512xi32>
      %reduce_min3A_1056 = vector.shape_cast %select_n3A_1055 : vector<8x512xi32> to vector<1x8x512xi32>
      %reduce_min3A_1057 = arith.constant dense<2147483647> : vector<1xi32>
      %reduce_min3A_1058 = vector.multi_reduction <minsi>, %reduce_min3A_1056, %reduce_min3A_1057 [1, 2] : vector<1x8x512xi32> to vector<1xi32>
      %reduce_min3A_1059 = vector.shape_cast %reduce_min3A_1058 : vector<1xi32> to vector<1x1x1xi32>
      %reduce_min3A_1060 = vector.extract %reduce_min3A_1059[0, 0, 0] : i32 from vector<1x1x1xi32>
      %eq3A_1061 = arith.constant 29 : i32
      %eq3A_1062 = vector.broadcast %eq3A_1061 : i32 to vector<1x32xi32>
      %eq3A_1063 = arith.cmpi eq, %iota3A, %eq3A_1062 : vector<1x32xi32>
      %broadcast_in_dim3A_1064 = vector.broadcast %reduce_max3A_1050 : f32 to vector<1x32xf32>
      %select_n3A_1065 = arith.select %eq3A_1063, %broadcast_in_dim3A_1064, %select_n3A_1033 : vector<1x32xi1>, vector<1x32xf32>
      %eq3A_1066 = arith.constant 29 : i32
      %eq3A_1067 = vector.broadcast %eq3A_1066 : i32 to vector<1x32xi32>
      %eq3A_1068 = arith.cmpi eq, %iota3A, %eq3A_1067 : vector<1x32xi32>
      %gt3A_1069 = arith.cmpf ogt, %reduce_max3A_1050, %while3A : f32
      %jit3A_1070 = arith.constant 1073741885 : i32
      %select_n3A_1071 = arith.select %gt3A_1069, %reduce_min3A_1060, %jit3A_1070 : i32
      %broadcast_in_dim3A_1072 = vector.broadcast %select_n3A_1071 : i32 to vector<1x32xi32>
      %select_n3A_1073 = arith.select %eq3A_1068, %broadcast_in_dim3A_1072, %select_n3A_1041 : vector<1x32xi1>, vector<1x32xi32>
      %eq3A_1074 = vector.broadcast %reduce_min3A_1060 : i32 to vector<8x512xi32>
      %eq3A_1075 = arith.cmpi eq, %add3A_111, %eq3A_1074 : vector<8x512xi32>
      %broadcast_in_dim3A_1076 = vector.broadcast %while3A : f32 to vector<8x512xf32>
      %select_n3A_1077 = arith.select %eq3A_1075, %broadcast_in_dim3A_1076, %select_n3A_1045 : vector<8x512xi1>, vector<8x512xf32>
      %reduce_max3A_1078 = vector.shape_cast %select_n3A_1077 : vector<8x512xf32> to vector<1x8x512xf32>
      %reduce_max3A_1079 = arith.constant dense<0xFF800000> : vector<1xf32>
      %reduce_max3A_1080 = vector.multi_reduction <maximumf>, %reduce_max3A_1078, %reduce_max3A_1079 [1, 2] : vector<1x8x512xf32> to vector<1xf32>
      %reduce_max3A_1081 = vector.shape_cast %reduce_max3A_1080 : vector<1xf32> to vector<1x1x1xf32>
      %reduce_max3A_1082 = vector.extract %reduce_max3A_1081[0, 0, 0] : f32 from vector<1x1x1xf32>
      %eq3A_1083 = vector.broadcast %reduce_max3A_1082 : f32 to vector<8x512xf32>
      %eq3A_1084 = arith.cmpf oeq, %select_n3A_1077, %eq3A_1083 : vector<8x512xf32>
      %jit3A_1085 = arith.constant 1073741824 : i32
      %broadcast_in_dim3A_1086 = vector.broadcast %jit3A_1085 : i32 to vector<8x512xi32>
      %select_n3A_1087 = arith.select %eq3A_1084, %add3A_111, %broadcast_in_dim3A_1086 : vector<8x512xi1>, vector<8x512xi32>
      %reduce_min3A_1088 = vector.shape_cast %select_n3A_1087 : vector<8x512xi32> to vector<1x8x512xi32>
      %reduce_min3A_1089 = arith.constant dense<2147483647> : vector<1xi32>
      %reduce_min3A_1090 = vector.multi_reduction <minsi>, %reduce_min3A_1088, %reduce_min3A_1089 [1, 2] : vector<1x8x512xi32> to vector<1xi32>
      %reduce_min3A_1091 = vector.shape_cast %reduce_min3A_1090 : vector<1xi32> to vector<1x1x1xi32>
      %reduce_min3A_1092 = vector.extract %reduce_min3A_1091[0, 0, 0] : i32 from vector<1x1x1xi32>
      %eq3A_1093 = arith.constant 30 : i32
      %eq3A_1094 = vector.broadcast %eq3A_1093 : i32 to vector<1x32xi32>
      %eq3A_1095 = arith.cmpi eq, %iota3A, %eq3A_1094 : vector<1x32xi32>
      %broadcast_in_dim3A_1096 = vector.broadcast %reduce_max3A_1082 : f32 to vector<1x32xf32>
      %select_n3A_1097 = arith.select %eq3A_1095, %broadcast_in_dim3A_1096, %select_n3A_1065 : vector<1x32xi1>, vector<1x32xf32>
      %eq3A_1098 = arith.constant 30 : i32
      %eq3A_1099 = vector.broadcast %eq3A_1098 : i32 to vector<1x32xi32>
      %eq3A_1100 = arith.cmpi eq, %iota3A, %eq3A_1099 : vector<1x32xi32>
      %gt3A_1101 = arith.cmpf ogt, %reduce_max3A_1082, %while3A : f32
      %jit3A_1102 = arith.constant 1073741886 : i32
      %select_n3A_1103 = arith.select %gt3A_1101, %reduce_min3A_1092, %jit3A_1102 : i32
      %broadcast_in_dim3A_1104 = vector.broadcast %select_n3A_1103 : i32 to vector<1x32xi32>
      %select_n3A_1105 = arith.select %eq3A_1100, %broadcast_in_dim3A_1104, %select_n3A_1073 : vector<1x32xi1>, vector<1x32xi32>
      %eq3A_1106 = vector.broadcast %reduce_min3A_1092 : i32 to vector<8x512xi32>
      %eq3A_1107 = arith.cmpi eq, %add3A_111, %eq3A_1106 : vector<8x512xi32>
      %broadcast_in_dim3A_1108 = vector.broadcast %while3A : f32 to vector<8x512xf32>
      %select_n3A_1109 = arith.select %eq3A_1107, %broadcast_in_dim3A_1108, %select_n3A_1077 : vector<8x512xi1>, vector<8x512xf32>
      %reduce_max3A_1110 = vector.shape_cast %select_n3A_1109 : vector<8x512xf32> to vector<1x8x512xf32>
      %reduce_max3A_1111 = arith.constant dense<0xFF800000> : vector<1xf32>
      %reduce_max3A_1112 = vector.multi_reduction <maximumf>, %reduce_max3A_1110, %reduce_max3A_1111 [1, 2] : vector<1x8x512xf32> to vector<1xf32>
      %reduce_max3A_1113 = vector.shape_cast %reduce_max3A_1112 : vector<1xf32> to vector<1x1x1xf32>
      %reduce_max3A_1114 = vector.extract %reduce_max3A_1113[0, 0, 0] : f32 from vector<1x1x1xf32>
      %eq3A_1115 = vector.broadcast %reduce_max3A_1114 : f32 to vector<8x512xf32>
      %eq3A_1116 = arith.cmpf oeq, %select_n3A_1109, %eq3A_1115 : vector<8x512xf32>
      %jit3A_1117 = arith.constant 1073741824 : i32
      %broadcast_in_dim3A_1118 = vector.broadcast %jit3A_1117 : i32 to vector<8x512xi32>
      %select_n3A_1119 = arith.select %eq3A_1116, %add3A_111, %broadcast_in_dim3A_1118 : vector<8x512xi1>, vector<8x512xi32>
      %reduce_min3A_1120 = vector.shape_cast %select_n3A_1119 : vector<8x512xi32> to vector<1x8x512xi32>
      %reduce_min3A_1121 = arith.constant dense<2147483647> : vector<1xi32>
      %reduce_min3A_1122 = vector.multi_reduction <minsi>, %reduce_min3A_1120, %reduce_min3A_1121 [1, 2] : vector<1x8x512xi32> to vector<1xi32>
      %reduce_min3A_1123 = vector.shape_cast %reduce_min3A_1122 : vector<1xi32> to vector<1x1x1xi32>
      %reduce_min3A_1124 = vector.extract %reduce_min3A_1123[0, 0, 0] : i32 from vector<1x1x1xi32>
      %eq3A_1125 = arith.constant 31 : i32
      %eq3A_1126 = vector.broadcast %eq3A_1125 : i32 to vector<1x32xi32>
      %eq3A_1127 = arith.cmpi eq, %iota3A, %eq3A_1126 : vector<1x32xi32>
      %broadcast_in_dim3A_1128 = vector.broadcast %reduce_max3A_1114 : f32 to vector<1x32xf32>
      %select_n3A_1129 = arith.select %eq3A_1127, %broadcast_in_dim3A_1128, %select_n3A_1097 : vector<1x32xi1>, vector<1x32xf32>
      %eq3A_1130 = arith.constant 31 : i32
      %eq3A_1131 = vector.broadcast %eq3A_1130 : i32 to vector<1x32xi32>
      %eq3A_1132 = arith.cmpi eq, %iota3A, %eq3A_1131 : vector<1x32xi32>
      %gt3A_1133 = arith.cmpf ogt, %reduce_max3A_1114, %while3A : f32
      %jit3A_1134 = arith.constant 1073741887 : i32
      %select_n3A_1135 = arith.select %gt3A_1133, %reduce_min3A_1124, %jit3A_1134 : i32
      %broadcast_in_dim3A_1136 = vector.broadcast %select_n3A_1135 : i32 to vector<1x32xi32>
      %select_n3A_1137 = arith.select %eq3A_1132, %broadcast_in_dim3A_1136, %select_n3A_1105 : vector<1x32xi1>, vector<1x32xi32>
      %eq3A_1138 = vector.broadcast %reduce_min3A_1124 : i32 to vector<8x512xi32>
      %eq3A_1139 = arith.cmpi eq, %add3A_111, %eq3A_1138 : vector<8x512xi32>
      %broadcast_in_dim3A_1140 = vector.broadcast %while3A : f32 to vector<8x512xf32>
      %select_n3A_1141 = arith.select %eq3A_1139, %broadcast_in_dim3A_1140, %select_n3A_1109 : vector<8x512xi1>, vector<8x512xf32>
      %concatenate3A = tpu.concatenate %while3A_91, %select_n3A_1129 in 1 : vector<1x32xf32>, vector<1x32xf32> -> vector<1x64xf32>
      %concatenate3A_1142 = tpu.concatenate %while3A_92, %select_n3A_1137 in 1 : vector<1x32xi32>, vector<1x32xi32> -> vector<1x64xi32>
      %broadcast_in_dim3A_1143 = vector.broadcast %while3A : f32 to vector<1x32xf32>
      %add3A_1144 = arith.constant 1073741888 : i32
      %add3A_1145 = vector.broadcast %add3A_1144 : i32 to vector<1x32xi32>
      %add3A_1146 = arith.addi %add3A_1145, %iota3A : vector<1x32xi32>
      %reduce_max3A_1147 = vector.shape_cast %concatenate3A : vector<1x64xf32> to vector<1x1x64xf32>
      %reduce_max3A_1148 = arith.constant dense<0xFF800000> : vector<1xf32>
      %reduce_max3A_1149 = vector.multi_reduction <maximumf>, %reduce_max3A_1147, %reduce_max3A_1148 [1, 2] : vector<1x1x64xf32> to vector<1xf32>
      %reduce_max3A_1150 = vector.shape_cast %reduce_max3A_1149 : vector<1xf32> to vector<1x1x1xf32>
      %reduce_max3A_1151 = vector.extract %reduce_max3A_1150[0, 0, 0] : f32 from vector<1x1x1xf32>
      %eq3A_1152 = vector.broadcast %reduce_max3A_1151 : f32 to vector<1x64xf32>
      %eq3A_1153 = arith.cmpf oeq, %concatenate3A, %eq3A_1152 : vector<1x64xf32>
      %jit3A_1154 = arith.constant 2147483647 : i32
      %broadcast_in_dim3A_1155 = vector.broadcast %jit3A_1154 : i32 to vector<1x64xi32>
      %select_n3A_1156 = arith.select %eq3A_1153, %concatenate3A_1142, %broadcast_in_dim3A_1155 : vector<1x64xi1>, vector<1x64xi32>
      %reduce_min3A_1157 = vector.shape_cast %select_n3A_1156 : vector<1x64xi32> to vector<1x1x64xi32>
      %reduce_min3A_1158 = arith.constant dense<2147483647> : vector<1xi32>
      %reduce_min3A_1159 = vector.multi_reduction <minsi>, %reduce_min3A_1157, %reduce_min3A_1158 [1, 2] : vector<1x1x64xi32> to vector<1xi32>
      %reduce_min3A_1160 = vector.shape_cast %reduce_min3A_1159 : vector<1xi32> to vector<1x1x1xi32>
      %reduce_min3A_1161 = vector.extract %reduce_min3A_1160[0, 0, 0] : i32 from vector<1x1x1xi32>
      %eq3A_1162 = arith.constant 0 : i32
      %eq3A_1163 = vector.broadcast %eq3A_1162 : i32 to vector<1x32xi32>
      %eq3A_1164 = arith.cmpi eq, %iota3A, %eq3A_1163 : vector<1x32xi32>
      %broadcast_in_dim3A_1165 = vector.broadcast %reduce_max3A_1151 : f32 to vector<1x32xf32>
      %select_n3A_1166 = arith.select %eq3A_1164, %broadcast_in_dim3A_1165, %broadcast_in_dim3A_1143 : vector<1x32xi1>, vector<1x32xf32>
      %eq3A_1167 = arith.constant 0 : i32
      %eq3A_1168 = vector.broadcast %eq3A_1167 : i32 to vector<1x32xi32>
      %eq3A_1169 = arith.cmpi eq, %iota3A, %eq3A_1168 : vector<1x32xi32>
      %broadcast_in_dim3A_1170 = vector.broadcast %reduce_min3A_1161 : i32 to vector<1x32xi32>
      %select_n3A_1171 = arith.select %eq3A_1169, %broadcast_in_dim3A_1170, %add3A_1146 : vector<1x32xi1>, vector<1x32xi32>
      %eq3A_1172 = vector.broadcast %reduce_min3A_1161 : i32 to vector<1x64xi32>
      %eq3A_1173 = arith.cmpi eq, %concatenate3A_1142, %eq3A_1172 : vector<1x64xi32>
      %broadcast_in_dim3A_1174 = vector.broadcast %while3A : f32 to vector<1x64xf32>
      %select_n3A_1175 = arith.select %eq3A_1173, %broadcast_in_dim3A_1174, %concatenate3A : vector<1x64xi1>, vector<1x64xf32>
      %reduce_max3A_1176 = vector.shape_cast %select_n3A_1175 : vector<1x64xf32> to vector<1x1x64xf32>
      %reduce_max3A_1177 = arith.constant dense<0xFF800000> : vector<1xf32>
      %reduce_max3A_1178 = vector.multi_reduction <maximumf>, %reduce_max3A_1176, %reduce_max3A_1177 [1, 2] : vector<1x1x64xf32> to vector<1xf32>
      %reduce_max3A_1179 = vector.shape_cast %reduce_max3A_1178 : vector<1xf32> to vector<1x1x1xf32>
      %reduce_max3A_1180 = vector.extract %reduce_max3A_1179[0, 0, 0] : f32 from vector<1x1x1xf32>
      %eq3A_1181 = vector.broadcast %reduce_max3A_1180 : f32 to vector<1x64xf32>
      %eq3A_1182 = arith.cmpf oeq, %select_n3A_1175, %eq3A_1181 : vector<1x64xf32>
      %jit3A_1183 = arith.constant 2147483647 : i32
      %broadcast_in_dim3A_1184 = vector.broadcast %jit3A_1183 : i32 to vector<1x64xi32>
      %select_n3A_1185 = arith.select %eq3A_1182, %concatenate3A_1142, %broadcast_in_dim3A_1184 : vector<1x64xi1>, vector<1x64xi32>
      %reduce_min3A_1186 = vector.shape_cast %select_n3A_1185 : vector<1x64xi32> to vector<1x1x64xi32>
      %reduce_min3A_1187 = arith.constant dense<2147483647> : vector<1xi32>
      %reduce_min3A_1188 = vector.multi_reduction <minsi>, %reduce_min3A_1186, %reduce_min3A_1187 [1, 2] : vector<1x1x64xi32> to vector<1xi32>
      %reduce_min3A_1189 = vector.shape_cast %reduce_min3A_1188 : vector<1xi32> to vector<1x1x1xi32>
      %reduce_min3A_1190 = vector.extract %reduce_min3A_1189[0, 0, 0] : i32 from vector<1x1x1xi32>
      %eq3A_1191 = arith.constant 1 : i32
      %eq3A_1192 = vector.broadcast %eq3A_1191 : i32 to vector<1x32xi32>
      %eq3A_1193 = arith.cmpi eq, %iota3A, %eq3A_1192 : vector<1x32xi32>
      %broadcast_in_dim3A_1194 = vector.broadcast %reduce_max3A_1180 : f32 to vector<1x32xf32>
      %select_n3A_1195 = arith.select %eq3A_1193, %broadcast_in_dim3A_1194, %select_n3A_1166 : vector<1x32xi1>, vector<1x32xf32>
      %eq3A_1196 = arith.constant 1 : i32
      %eq3A_1197 = vector.broadcast %eq3A_1196 : i32 to vector<1x32xi32>
      %eq3A_1198 = arith.cmpi eq, %iota3A, %eq3A_1197 : vector<1x32xi32>
      %broadcast_in_dim3A_1199 = vector.broadcast %reduce_min3A_1190 : i32 to vector<1x32xi32>
      %select_n3A_1200 = arith.select %eq3A_1198, %broadcast_in_dim3A_1199, %select_n3A_1171 : vector<1x32xi1>, vector<1x32xi32>
      %eq3A_1201 = vector.broadcast %reduce_min3A_1190 : i32 to vector<1x64xi32>
      %eq3A_1202 = arith.cmpi eq, %concatenate3A_1142, %eq3A_1201 : vector<1x64xi32>
      %broadcast_in_dim3A_1203 = vector.broadcast %while3A : f32 to vector<1x64xf32>
      %select_n3A_1204 = arith.select %eq3A_1202, %broadcast_in_dim3A_1203, %select_n3A_1175 : vector<1x64xi1>, vector<1x64xf32>
      %reduce_max3A_1205 = vector.shape_cast %select_n3A_1204 : vector<1x64xf32> to vector<1x1x64xf32>
      %reduce_max3A_1206 = arith.constant dense<0xFF800000> : vector<1xf32>
      %reduce_max3A_1207 = vector.multi_reduction <maximumf>, %reduce_max3A_1205, %reduce_max3A_1206 [1, 2] : vector<1x1x64xf32> to vector<1xf32>
      %reduce_max3A_1208 = vector.shape_cast %reduce_max3A_1207 : vector<1xf32> to vector<1x1x1xf32>
      %reduce_max3A_1209 = vector.extract %reduce_max3A_1208[0, 0, 0] : f32 from vector<1x1x1xf32>
      %eq3A_1210 = vector.broadcast %reduce_max3A_1209 : f32 to vector<1x64xf32>
      %eq3A_1211 = arith.cmpf oeq, %select_n3A_1204, %eq3A_1210 : vector<1x64xf32>
      %jit3A_1212 = arith.constant 2147483647 : i32
      %broadcast_in_dim3A_1213 = vector.broadcast %jit3A_1212 : i32 to vector<1x64xi32>
      %select_n3A_1214 = arith.select %eq3A_1211, %concatenate3A_1142, %broadcast_in_dim3A_1213 : vector<1x64xi1>, vector<1x64xi32>
      %reduce_min3A_1215 = vector.shape_cast %select_n3A_1214 : vector<1x64xi32> to vector<1x1x64xi32>
      %reduce_min3A_1216 = arith.constant dense<2147483647> : vector<1xi32>
      %reduce_min3A_1217 = vector.multi_reduction <minsi>, %reduce_min3A_1215, %reduce_min3A_1216 [1, 2] : vector<1x1x64xi32> to vector<1xi32>
      %reduce_min3A_1218 = vector.shape_cast %reduce_min3A_1217 : vector<1xi32> to vector<1x1x1xi32>
      %reduce_min3A_1219 = vector.extract %reduce_min3A_1218[0, 0, 0] : i32 from vector<1x1x1xi32>
      %eq3A_1220 = arith.constant 2 : i32
      %eq3A_1221 = vector.broadcast %eq3A_1220 : i32 to vector<1x32xi32>
      %eq3A_1222 = arith.cmpi eq, %iota3A, %eq3A_1221 : vector<1x32xi32>
      %broadcast_in_dim3A_1223 = vector.broadcast %reduce_max3A_1209 : f32 to vector<1x32xf32>
      %select_n3A_1224 = arith.select %eq3A_1222, %broadcast_in_dim3A_1223, %select_n3A_1195 : vector<1x32xi1>, vector<1x32xf32>
      %eq3A_1225 = arith.constant 2 : i32
      %eq3A_1226 = vector.broadcast %eq3A_1225 : i32 to vector<1x32xi32>
      %eq3A_1227 = arith.cmpi eq, %iota3A, %eq3A_1226 : vector<1x32xi32>
      %broadcast_in_dim3A_1228 = vector.broadcast %reduce_min3A_1219 : i32 to vector<1x32xi32>
      %select_n3A_1229 = arith.select %eq3A_1227, %broadcast_in_dim3A_1228, %select_n3A_1200 : vector<1x32xi1>, vector<1x32xi32>
      %eq3A_1230 = vector.broadcast %reduce_min3A_1219 : i32 to vector<1x64xi32>
      %eq3A_1231 = arith.cmpi eq, %concatenate3A_1142, %eq3A_1230 : vector<1x64xi32>
      %broadcast_in_dim3A_1232 = vector.broadcast %while3A : f32 to vector<1x64xf32>
      %select_n3A_1233 = arith.select %eq3A_1231, %broadcast_in_dim3A_1232, %select_n3A_1204 : vector<1x64xi1>, vector<1x64xf32>
      %reduce_max3A_1234 = vector.shape_cast %select_n3A_1233 : vector<1x64xf32> to vector<1x1x64xf32>
      %reduce_max3A_1235 = arith.constant dense<0xFF800000> : vector<1xf32>
      %reduce_max3A_1236 = vector.multi_reduction <maximumf>, %reduce_max3A_1234, %reduce_max3A_1235 [1, 2] : vector<1x1x64xf32> to vector<1xf32>
      %reduce_max3A_1237 = vector.shape_cast %reduce_max3A_1236 : vector<1xf32> to vector<1x1x1xf32>
      %reduce_max3A_1238 = vector.extract %reduce_max3A_1237[0, 0, 0] : f32 from vector<1x1x1xf32>
      %eq3A_1239 = vector.broadcast %reduce_max3A_1238 : f32 to vector<1x64xf32>
      %eq3A_1240 = arith.cmpf oeq, %select_n3A_1233, %eq3A_1239 : vector<1x64xf32>
      %jit3A_1241 = arith.constant 2147483647 : i32
      %broadcast_in_dim3A_1242 = vector.broadcast %jit3A_1241 : i32 to vector<1x64xi32>
      %select_n3A_1243 = arith.select %eq3A_1240, %concatenate3A_1142, %broadcast_in_dim3A_1242 : vector<1x64xi1>, vector<1x64xi32>
      %reduce_min3A_1244 = vector.shape_cast %select_n3A_1243 : vector<1x64xi32> to vector<1x1x64xi32>
      %reduce_min3A_1245 = arith.constant dense<2147483647> : vector<1xi32>
      %reduce_min3A_1246 = vector.multi_reduction <minsi>, %reduce_min3A_1244, %reduce_min3A_1245 [1, 2] : vector<1x1x64xi32> to vector<1xi32>
      %reduce_min3A_1247 = vector.shape_cast %reduce_min3A_1246 : vector<1xi32> to vector<1x1x1xi32>
      %reduce_min3A_1248 = vector.extract %reduce_min3A_1247[0, 0, 0] : i32 from vector<1x1x1xi32>
      %eq3A_1249 = arith.constant 3 : i32
      %eq3A_1250 = vector.broadcast %eq3A_1249 : i32 to vector<1x32xi32>
      %eq3A_1251 = arith.cmpi eq, %iota3A, %eq3A_1250 : vector<1x32xi32>
      %broadcast_in_dim3A_1252 = vector.broadcast %reduce_max3A_1238 : f32 to vector<1x32xf32>
      %select_n3A_1253 = arith.select %eq3A_1251, %broadcast_in_dim3A_1252, %select_n3A_1224 : vector<1x32xi1>, vector<1x32xf32>
      %eq3A_1254 = arith.constant 3 : i32
      %eq3A_1255 = vector.broadcast %eq3A_1254 : i32 to vector<1x32xi32>
      %eq3A_1256 = arith.cmpi eq, %iota3A, %eq3A_1255 : vector<1x32xi32>
      %broadcast_in_dim3A_1257 = vector.broadcast %reduce_min3A_1248 : i32 to vector<1x32xi32>
      %select_n3A_1258 = arith.select %eq3A_1256, %broadcast_in_dim3A_1257, %select_n3A_1229 : vector<1x32xi1>, vector<1x32xi32>
      %eq3A_1259 = vector.broadcast %reduce_min3A_1248 : i32 to vector<1x64xi32>
      %eq3A_1260 = arith.cmpi eq, %concatenate3A_1142, %eq3A_1259 : vector<1x64xi32>
      %broadcast_in_dim3A_1261 = vector.broadcast %while3A : f32 to vector<1x64xf32>
      %select_n3A_1262 = arith.select %eq3A_1260, %broadcast_in_dim3A_1261, %select_n3A_1233 : vector<1x64xi1>, vector<1x64xf32>
      %reduce_max3A_1263 = vector.shape_cast %select_n3A_1262 : vector<1x64xf32> to vector<1x1x64xf32>
      %reduce_max3A_1264 = arith.constant dense<0xFF800000> : vector<1xf32>
      %reduce_max3A_1265 = vector.multi_reduction <maximumf>, %reduce_max3A_1263, %reduce_max3A_1264 [1, 2] : vector<1x1x64xf32> to vector<1xf32>
      %reduce_max3A_1266 = vector.shape_cast %reduce_max3A_1265 : vector<1xf32> to vector<1x1x1xf32>
      %reduce_max3A_1267 = vector.extract %reduce_max3A_1266[0, 0, 0] : f32 from vector<1x1x1xf32>
      %eq3A_1268 = vector.broadcast %reduce_max3A_1267 : f32 to vector<1x64xf32>
      %eq3A_1269 = arith.cmpf oeq, %select_n3A_1262, %eq3A_1268 : vector<1x64xf32>
      %jit3A_1270 = arith.constant 2147483647 : i32
      %broadcast_in_dim3A_1271 = vector.broadcast %jit3A_1270 : i32 to vector<1x64xi32>
      %select_n3A_1272 = arith.select %eq3A_1269, %concatenate3A_1142, %broadcast_in_dim3A_1271 : vector<1x64xi1>, vector<1x64xi32>
      %reduce_min3A_1273 = vector.shape_cast %select_n3A_1272 : vector<1x64xi32> to vector<1x1x64xi32>
      %reduce_min3A_1274 = arith.constant dense<2147483647> : vector<1xi32>
      %reduce_min3A_1275 = vector.multi_reduction <minsi>, %reduce_min3A_1273, %reduce_min3A_1274 [1, 2] : vector<1x1x64xi32> to vector<1xi32>
      %reduce_min3A_1276 = vector.shape_cast %reduce_min3A_1275 : vector<1xi32> to vector<1x1x1xi32>
      %reduce_min3A_1277 = vector.extract %reduce_min3A_1276[0, 0, 0] : i32 from vector<1x1x1xi32>
      %eq3A_1278 = arith.constant 4 : i32
      %eq3A_1279 = vector.broadcast %eq3A_1278 : i32 to vector<1x32xi32>
      %eq3A_1280 = arith.cmpi eq, %iota3A, %eq3A_1279 : vector<1x32xi32>
      %broadcast_in_dim3A_1281 = vector.broadcast %reduce_max3A_1267 : f32 to vector<1x32xf32>
      %select_n3A_1282 = arith.select %eq3A_1280, %broadcast_in_dim3A_1281, %select_n3A_1253 : vector<1x32xi1>, vector<1x32xf32>
      %eq3A_1283 = arith.constant 4 : i32
      %eq3A_1284 = vector.broadcast %eq3A_1283 : i32 to vector<1x32xi32>
      %eq3A_1285 = arith.cmpi eq, %iota3A, %eq3A_1284 : vector<1x32xi32>
      %broadcast_in_dim3A_1286 = vector.broadcast %reduce_min3A_1277 : i32 to vector<1x32xi32>
      %select_n3A_1287 = arith.select %eq3A_1285, %broadcast_in_dim3A_1286, %select_n3A_1258 : vector<1x32xi1>, vector<1x32xi32>
      %eq3A_1288 = vector.broadcast %reduce_min3A_1277 : i32 to vector<1x64xi32>
      %eq3A_1289 = arith.cmpi eq, %concatenate3A_1142, %eq3A_1288 : vector<1x64xi32>
      %broadcast_in_dim3A_1290 = vector.broadcast %while3A : f32 to vector<1x64xf32>
      %select_n3A_1291 = arith.select %eq3A_1289, %broadcast_in_dim3A_1290, %select_n3A_1262 : vector<1x64xi1>, vector<1x64xf32>
      %reduce_max3A_1292 = vector.shape_cast %select_n3A_1291 : vector<1x64xf32> to vector<1x1x64xf32>
      %reduce_max3A_1293 = arith.constant dense<0xFF800000> : vector<1xf32>
      %reduce_max3A_1294 = vector.multi_reduction <maximumf>, %reduce_max3A_1292, %reduce_max3A_1293 [1, 2] : vector<1x1x64xf32> to vector<1xf32>
      %reduce_max3A_1295 = vector.shape_cast %reduce_max3A_1294 : vector<1xf32> to vector<1x1x1xf32>
      %reduce_max3A_1296 = vector.extract %reduce_max3A_1295[0, 0, 0] : f32 from vector<1x1x1xf32>
      %eq3A_1297 = vector.broadcast %reduce_max3A_1296 : f32 to vector<1x64xf32>
      %eq3A_1298 = arith.cmpf oeq, %select_n3A_1291, %eq3A_1297 : vector<1x64xf32>
      %jit3A_1299 = arith.constant 2147483647 : i32
      %broadcast_in_dim3A_1300 = vector.broadcast %jit3A_1299 : i32 to vector<1x64xi32>
      %select_n3A_1301 = arith.select %eq3A_1298, %concatenate3A_1142, %broadcast_in_dim3A_1300 : vector<1x64xi1>, vector<1x64xi32>
      %reduce_min3A_1302 = vector.shape_cast %select_n3A_1301 : vector<1x64xi32> to vector<1x1x64xi32>
      %reduce_min3A_1303 = arith.constant dense<2147483647> : vector<1xi32>
      %reduce_min3A_1304 = vector.multi_reduction <minsi>, %reduce_min3A_1302, %reduce_min3A_1303 [1, 2] : vector<1x1x64xi32> to vector<1xi32>
      %reduce_min3A_1305 = vector.shape_cast %reduce_min3A_1304 : vector<1xi32> to vector<1x1x1xi32>
      %reduce_min3A_1306 = vector.extract %reduce_min3A_1305[0, 0, 0] : i32 from vector<1x1x1xi32>
      %eq3A_1307 = arith.constant 5 : i32
      %eq3A_1308 = vector.broadcast %eq3A_1307 : i32 to vector<1x32xi32>
      %eq3A_1309 = arith.cmpi eq, %iota3A, %eq3A_1308 : vector<1x32xi32>
      %broadcast_in_dim3A_1310 = vector.broadcast %reduce_max3A_1296 : f32 to vector<1x32xf32>
      %select_n3A_1311 = arith.select %eq3A_1309, %broadcast_in_dim3A_1310, %select_n3A_1282 : vector<1x32xi1>, vector<1x32xf32>
      %eq3A_1312 = arith.constant 5 : i32
      %eq3A_1313 = vector.broadcast %eq3A_1312 : i32 to vector<1x32xi32>
      %eq3A_1314 = arith.cmpi eq, %iota3A, %eq3A_1313 : vector<1x32xi32>
      %broadcast_in_dim3A_1315 = vector.broadcast %reduce_min3A_1306 : i32 to vector<1x32xi32>
      %select_n3A_1316 = arith.select %eq3A_1314, %broadcast_in_dim3A_1315, %select_n3A_1287 : vector<1x32xi1>, vector<1x32xi32>
      %eq3A_1317 = vector.broadcast %reduce_min3A_1306 : i32 to vector<1x64xi32>
      %eq3A_1318 = arith.cmpi eq, %concatenate3A_1142, %eq3A_1317 : vector<1x64xi32>
      %broadcast_in_dim3A_1319 = vector.broadcast %while3A : f32 to vector<1x64xf32>
      %select_n3A_1320 = arith.select %eq3A_1318, %broadcast_in_dim3A_1319, %select_n3A_1291 : vector<1x64xi1>, vector<1x64xf32>
      %reduce_max3A_1321 = vector.shape_cast %select_n3A_1320 : vector<1x64xf32> to vector<1x1x64xf32>
      %reduce_max3A_1322 = arith.constant dense<0xFF800000> : vector<1xf32>
      %reduce_max3A_1323 = vector.multi_reduction <maximumf>, %reduce_max3A_1321, %reduce_max3A_1322 [1, 2] : vector<1x1x64xf32> to vector<1xf32>
      %reduce_max3A_1324 = vector.shape_cast %reduce_max3A_1323 : vector<1xf32> to vector<1x1x1xf32>
      %reduce_max3A_1325 = vector.extract %reduce_max3A_1324[0, 0, 0] : f32 from vector<1x1x1xf32>
      %eq3A_1326 = vector.broadcast %reduce_max3A_1325 : f32 to vector<1x64xf32>
      %eq3A_1327 = arith.cmpf oeq, %select_n3A_1320, %eq3A_1326 : vector<1x64xf32>
      %jit3A_1328 = arith.constant 2147483647 : i32
      %broadcast_in_dim3A_1329 = vector.broadcast %jit3A_1328 : i32 to vector<1x64xi32>
      %select_n3A_1330 = arith.select %eq3A_1327, %concatenate3A_1142, %broadcast_in_dim3A_1329 : vector<1x64xi1>, vector<1x64xi32>
      %reduce_min3A_1331 = vector.shape_cast %select_n3A_1330 : vector<1x64xi32> to vector<1x1x64xi32>
      %reduce_min3A_1332 = arith.constant dense<2147483647> : vector<1xi32>
      %reduce_min3A_1333 = vector.multi_reduction <minsi>, %reduce_min3A_1331, %reduce_min3A_1332 [1, 2] : vector<1x1x64xi32> to vector<1xi32>
      %reduce_min3A_1334 = vector.shape_cast %reduce_min3A_1333 : vector<1xi32> to vector<1x1x1xi32>
      %reduce_min3A_1335 = vector.extract %reduce_min3A_1334[0, 0, 0] : i32 from vector<1x1x1xi32>
      %eq3A_1336 = arith.constant 6 : i32
      %eq3A_1337 = vector.broadcast %eq3A_1336 : i32 to vector<1x32xi32>
      %eq3A_1338 = arith.cmpi eq, %iota3A, %eq3A_1337 : vector<1x32xi32>
      %broadcast_in_dim3A_1339 = vector.broadcast %reduce_max3A_1325 : f32 to vector<1x32xf32>
      %select_n3A_1340 = arith.select %eq3A_1338, %broadcast_in_dim3A_1339, %select_n3A_1311 : vector<1x32xi1>, vector<1x32xf32>
      %eq3A_1341 = arith.constant 6 : i32
      %eq3A_1342 = vector.broadcast %eq3A_1341 : i32 to vector<1x32xi32>
      %eq3A_1343 = arith.cmpi eq, %iota3A, %eq3A_1342 : vector<1x32xi32>
      %broadcast_in_dim3A_1344 = vector.broadcast %reduce_min3A_1335 : i32 to vector<1x32xi32>
      %select_n3A_1345 = arith.select %eq3A_1343, %broadcast_in_dim3A_1344, %select_n3A_1316 : vector<1x32xi1>, vector<1x32xi32>
      %eq3A_1346 = vector.broadcast %reduce_min3A_1335 : i32 to vector<1x64xi32>
      %eq3A_1347 = arith.cmpi eq, %concatenate3A_1142, %eq3A_1346 : vector<1x64xi32>
      %broadcast_in_dim3A_1348 = vector.broadcast %while3A : f32 to vector<1x64xf32>
      %select_n3A_1349 = arith.select %eq3A_1347, %broadcast_in_dim3A_1348, %select_n3A_1320 : vector<1x64xi1>, vector<1x64xf32>
      %reduce_max3A_1350 = vector.shape_cast %select_n3A_1349 : vector<1x64xf32> to vector<1x1x64xf32>
      %reduce_max3A_1351 = arith.constant dense<0xFF800000> : vector<1xf32>
      %reduce_max3A_1352 = vector.multi_reduction <maximumf>, %reduce_max3A_1350, %reduce_max3A_1351 [1, 2] : vector<1x1x64xf32> to vector<1xf32>
      %reduce_max3A_1353 = vector.shape_cast %reduce_max3A_1352 : vector<1xf32> to vector<1x1x1xf32>
      %reduce_max3A_1354 = vector.extract %reduce_max3A_1353[0, 0, 0] : f32 from vector<1x1x1xf32>
      %eq3A_1355 = vector.broadcast %reduce_max3A_1354 : f32 to vector<1x64xf32>
      %eq3A_1356 = arith.cmpf oeq, %select_n3A_1349, %eq3A_1355 : vector<1x64xf32>
      %jit3A_1357 = arith.constant 2147483647 : i32
      %broadcast_in_dim3A_1358 = vector.broadcast %jit3A_1357 : i32 to vector<1x64xi32>
      %select_n3A_1359 = arith.select %eq3A_1356, %concatenate3A_1142, %broadcast_in_dim3A_1358 : vector<1x64xi1>, vector<1x64xi32>
      %reduce_min3A_1360 = vector.shape_cast %select_n3A_1359 : vector<1x64xi32> to vector<1x1x64xi32>
      %reduce_min3A_1361 = arith.constant dense<2147483647> : vector<1xi32>
      %reduce_min3A_1362 = vector.multi_reduction <minsi>, %reduce_min3A_1360, %reduce_min3A_1361 [1, 2] : vector<1x1x64xi32> to vector<1xi32>
      %reduce_min3A_1363 = vector.shape_cast %reduce_min3A_1362 : vector<1xi32> to vector<1x1x1xi32>
      %reduce_min3A_1364 = vector.extract %reduce_min3A_1363[0, 0, 0] : i32 from vector<1x1x1xi32>
      %eq3A_1365 = arith.constant 7 : i32
      %eq3A_1366 = vector.broadcast %eq3A_1365 : i32 to vector<1x32xi32>
      %eq3A_1367 = arith.cmpi eq, %iota3A, %eq3A_1366 : vector<1x32xi32>
      %broadcast_in_dim3A_1368 = vector.broadcast %reduce_max3A_1354 : f32 to vector<1x32xf32>
      %select_n3A_1369 = arith.select %eq3A_1367, %broadcast_in_dim3A_1368, %select_n3A_1340 : vector<1x32xi1>, vector<1x32xf32>
      %eq3A_1370 = arith.constant 7 : i32
      %eq3A_1371 = vector.broadcast %eq3A_1370 : i32 to vector<1x32xi32>
      %eq3A_1372 = arith.cmpi eq, %iota3A, %eq3A_1371 : vector<1x32xi32>
      %broadcast_in_dim3A_1373 = vector.broadcast %reduce_min3A_1364 : i32 to vector<1x32xi32>
      %select_n3A_1374 = arith.select %eq3A_1372, %broadcast_in_dim3A_1373, %select_n3A_1345 : vector<1x32xi1>, vector<1x32xi32>
      %eq3A_1375 = vector.broadcast %reduce_min3A_1364 : i32 to vector<1x64xi32>
      %eq3A_1376 = arith.cmpi eq, %concatenate3A_1142, %eq3A_1375 : vector<1x64xi32>
      %broadcast_in_dim3A_1377 = vector.broadcast %while3A : f32 to vector<1x64xf32>
      %select_n3A_1378 = arith.select %eq3A_1376, %broadcast_in_dim3A_1377, %select_n3A_1349 : vector<1x64xi1>, vector<1x64xf32>
      %reduce_max3A_1379 = vector.shape_cast %select_n3A_1378 : vector<1x64xf32> to vector<1x1x64xf32>
      %reduce_max3A_1380 = arith.constant dense<0xFF800000> : vector<1xf32>
      %reduce_max3A_1381 = vector.multi_reduction <maximumf>, %reduce_max3A_1379, %reduce_max3A_1380 [1, 2] : vector<1x1x64xf32> to vector<1xf32>
      %reduce_max3A_1382 = vector.shape_cast %reduce_max3A_1381 : vector<1xf32> to vector<1x1x1xf32>
      %reduce_max3A_1383 = vector.extract %reduce_max3A_1382[0, 0, 0] : f32 from vector<1x1x1xf32>
      %eq3A_1384 = vector.broadcast %reduce_max3A_1383 : f32 to vector<1x64xf32>
      %eq3A_1385 = arith.cmpf oeq, %select_n3A_1378, %eq3A_1384 : vector<1x64xf32>
      %jit3A_1386 = arith.constant 2147483647 : i32
      %broadcast_in_dim3A_1387 = vector.broadcast %jit3A_1386 : i32 to vector<1x64xi32>
      %select_n3A_1388 = arith.select %eq3A_1385, %concatenate3A_1142, %broadcast_in_dim3A_1387 : vector<1x64xi1>, vector<1x64xi32>
      %reduce_min3A_1389 = vector.shape_cast %select_n3A_1388 : vector<1x64xi32> to vector<1x1x64xi32>
      %reduce_min3A_1390 = arith.constant dense<2147483647> : vector<1xi32>
      %reduce_min3A_1391 = vector.multi_reduction <minsi>, %reduce_min3A_1389, %reduce_min3A_1390 [1, 2] : vector<1x1x64xi32> to vector<1xi32>
      %reduce_min3A_1392 = vector.shape_cast %reduce_min3A_1391 : vector<1xi32> to vector<1x1x1xi32>
      %reduce_min3A_1393 = vector.extract %reduce_min3A_1392[0, 0, 0] : i32 from vector<1x1x1xi32>
      %eq3A_1394 = arith.constant 8 : i32
      %eq3A_1395 = vector.broadcast %eq3A_1394 : i32 to vector<1x32xi32>
      %eq3A_1396 = arith.cmpi eq, %iota3A, %eq3A_1395 : vector<1x32xi32>
      %broadcast_in_dim3A_1397 = vector.broadcast %reduce_max3A_1383 : f32 to vector<1x32xf32>
      %select_n3A_1398 = arith.select %eq3A_1396, %broadcast_in_dim3A_1397, %select_n3A_1369 : vector<1x32xi1>, vector<1x32xf32>
      %eq3A_1399 = arith.constant 8 : i32
      %eq3A_1400 = vector.broadcast %eq3A_1399 : i32 to vector<1x32xi32>
      %eq3A_1401 = arith.cmpi eq, %iota3A, %eq3A_1400 : vector<1x32xi32>
      %broadcast_in_dim3A_1402 = vector.broadcast %reduce_min3A_1393 : i32 to vector<1x32xi32>
      %select_n3A_1403 = arith.select %eq3A_1401, %broadcast_in_dim3A_1402, %select_n3A_1374 : vector<1x32xi1>, vector<1x32xi32>
      %eq3A_1404 = vector.broadcast %reduce_min3A_1393 : i32 to vector<1x64xi32>
      %eq3A_1405 = arith.cmpi eq, %concatenate3A_1142, %eq3A_1404 : vector<1x64xi32>
      %broadcast_in_dim3A_1406 = vector.broadcast %while3A : f32 to vector<1x64xf32>
      %select_n3A_1407 = arith.select %eq3A_1405, %broadcast_in_dim3A_1406, %select_n3A_1378 : vector<1x64xi1>, vector<1x64xf32>
      %reduce_max3A_1408 = vector.shape_cast %select_n3A_1407 : vector<1x64xf32> to vector<1x1x64xf32>
      %reduce_max3A_1409 = arith.constant dense<0xFF800000> : vector<1xf32>
      %reduce_max3A_1410 = vector.multi_reduction <maximumf>, %reduce_max3A_1408, %reduce_max3A_1409 [1, 2] : vector<1x1x64xf32> to vector<1xf32>
      %reduce_max3A_1411 = vector.shape_cast %reduce_max3A_1410 : vector<1xf32> to vector<1x1x1xf32>
      %reduce_max3A_1412 = vector.extract %reduce_max3A_1411[0, 0, 0] : f32 from vector<1x1x1xf32>
      %eq3A_1413 = vector.broadcast %reduce_max3A_1412 : f32 to vector<1x64xf32>
      %eq3A_1414 = arith.cmpf oeq, %select_n3A_1407, %eq3A_1413 : vector<1x64xf32>
      %jit3A_1415 = arith.constant 2147483647 : i32
      %broadcast_in_dim3A_1416 = vector.broadcast %jit3A_1415 : i32 to vector<1x64xi32>
      %select_n3A_1417 = arith.select %eq3A_1414, %concatenate3A_1142, %broadcast_in_dim3A_1416 : vector<1x64xi1>, vector<1x64xi32>
      %reduce_min3A_1418 = vector.shape_cast %select_n3A_1417 : vector<1x64xi32> to vector<1x1x64xi32>
      %reduce_min3A_1419 = arith.constant dense<2147483647> : vector<1xi32>
      %reduce_min3A_1420 = vector.multi_reduction <minsi>, %reduce_min3A_1418, %reduce_min3A_1419 [1, 2] : vector<1x1x64xi32> to vector<1xi32>
      %reduce_min3A_1421 = vector.shape_cast %reduce_min3A_1420 : vector<1xi32> to vector<1x1x1xi32>
      %reduce_min3A_1422 = vector.extract %reduce_min3A_1421[0, 0, 0] : i32 from vector<1x1x1xi32>
      %eq3A_1423 = arith.constant 9 : i32
      %eq3A_1424 = vector.broadcast %eq3A_1423 : i32 to vector<1x32xi32>
      %eq3A_1425 = arith.cmpi eq, %iota3A, %eq3A_1424 : vector<1x32xi32>
      %broadcast_in_dim3A_1426 = vector.broadcast %reduce_max3A_1412 : f32 to vector<1x32xf32>
      %select_n3A_1427 = arith.select %eq3A_1425, %broadcast_in_dim3A_1426, %select_n3A_1398 : vector<1x32xi1>, vector<1x32xf32>
      %eq3A_1428 = arith.constant 9 : i32
      %eq3A_1429 = vector.broadcast %eq3A_1428 : i32 to vector<1x32xi32>
      %eq3A_1430 = arith.cmpi eq, %iota3A, %eq3A_1429 : vector<1x32xi32>
      %broadcast_in_dim3A_1431 = vector.broadcast %reduce_min3A_1422 : i32 to vector<1x32xi32>
      %select_n3A_1432 = arith.select %eq3A_1430, %broadcast_in_dim3A_1431, %select_n3A_1403 : vector<1x32xi1>, vector<1x32xi32>
      %eq3A_1433 = vector.broadcast %reduce_min3A_1422 : i32 to vector<1x64xi32>
      %eq3A_1434 = arith.cmpi eq, %concatenate3A_1142, %eq3A_1433 : vector<1x64xi32>
      %broadcast_in_dim3A_1435 = vector.broadcast %while3A : f32 to vector<1x64xf32>
      %select_n3A_1436 = arith.select %eq3A_1434, %broadcast_in_dim3A_1435, %select_n3A_1407 : vector<1x64xi1>, vector<1x64xf32>
      %reduce_max3A_1437 = vector.shape_cast %select_n3A_1436 : vector<1x64xf32> to vector<1x1x64xf32>
      %reduce_max3A_1438 = arith.constant dense<0xFF800000> : vector<1xf32>
      %reduce_max3A_1439 = vector.multi_reduction <maximumf>, %reduce_max3A_1437, %reduce_max3A_1438 [1, 2] : vector<1x1x64xf32> to vector<1xf32>
      %reduce_max3A_1440 = vector.shape_cast %reduce_max3A_1439 : vector<1xf32> to vector<1x1x1xf32>
      %reduce_max3A_1441 = vector.extract %reduce_max3A_1440[0, 0, 0] : f32 from vector<1x1x1xf32>
      %eq3A_1442 = vector.broadcast %reduce_max3A_1441 : f32 to vector<1x64xf32>
      %eq3A_1443 = arith.cmpf oeq, %select_n3A_1436, %eq3A_1442 : vector<1x64xf32>
      %jit3A_1444 = arith.constant 2147483647 : i32
      %broadcast_in_dim3A_1445 = vector.broadcast %jit3A_1444 : i32 to vector<1x64xi32>
      %select_n3A_1446 = arith.select %eq3A_1443, %concatenate3A_1142, %broadcast_in_dim3A_1445 : vector<1x64xi1>, vector<1x64xi32>
      %reduce_min3A_1447 = vector.shape_cast %select_n3A_1446 : vector<1x64xi32> to vector<1x1x64xi32>
      %reduce_min3A_1448 = arith.constant dense<2147483647> : vector<1xi32>
      %reduce_min3A_1449 = vector.multi_reduction <minsi>, %reduce_min3A_1447, %reduce_min3A_1448 [1, 2] : vector<1x1x64xi32> to vector<1xi32>
      %reduce_min3A_1450 = vector.shape_cast %reduce_min3A_1449 : vector<1xi32> to vector<1x1x1xi32>
      %reduce_min3A_1451 = vector.extract %reduce_min3A_1450[0, 0, 0] : i32 from vector<1x1x1xi32>
      %eq3A_1452 = arith.constant 10 : i32
      %eq3A_1453 = vector.broadcast %eq3A_1452 : i32 to vector<1x32xi32>
      %eq3A_1454 = arith.cmpi eq, %iota3A, %eq3A_1453 : vector<1x32xi32>
      %broadcast_in_dim3A_1455 = vector.broadcast %reduce_max3A_1441 : f32 to vector<1x32xf32>
      %select_n3A_1456 = arith.select %eq3A_1454, %broadcast_in_dim3A_1455, %select_n3A_1427 : vector<1x32xi1>, vector<1x32xf32>
      %eq3A_1457 = arith.constant 10 : i32
      %eq3A_1458 = vector.broadcast %eq3A_1457 : i32 to vector<1x32xi32>
      %eq3A_1459 = arith.cmpi eq, %iota3A, %eq3A_1458 : vector<1x32xi32>
      %broadcast_in_dim3A_1460 = vector.broadcast %reduce_min3A_1451 : i32 to vector<1x32xi32>
      %select_n3A_1461 = arith.select %eq3A_1459, %broadcast_in_dim3A_1460, %select_n3A_1432 : vector<1x32xi1>, vector<1x32xi32>
      %eq3A_1462 = vector.broadcast %reduce_min3A_1451 : i32 to vector<1x64xi32>
      %eq3A_1463 = arith.cmpi eq, %concatenate3A_1142, %eq3A_1462 : vector<1x64xi32>
      %broadcast_in_dim3A_1464 = vector.broadcast %while3A : f32 to vector<1x64xf32>
      %select_n3A_1465 = arith.select %eq3A_1463, %broadcast_in_dim3A_1464, %select_n3A_1436 : vector<1x64xi1>, vector<1x64xf32>
      %reduce_max3A_1466 = vector.shape_cast %select_n3A_1465 : vector<1x64xf32> to vector<1x1x64xf32>
      %reduce_max3A_1467 = arith.constant dense<0xFF800000> : vector<1xf32>
      %reduce_max3A_1468 = vector.multi_reduction <maximumf>, %reduce_max3A_1466, %reduce_max3A_1467 [1, 2] : vector<1x1x64xf32> to vector<1xf32>
      %reduce_max3A_1469 = vector.shape_cast %reduce_max3A_1468 : vector<1xf32> to vector<1x1x1xf32>
      %reduce_max3A_1470 = vector.extract %reduce_max3A_1469[0, 0, 0] : f32 from vector<1x1x1xf32>
      %eq3A_1471 = vector.broadcast %reduce_max3A_1470 : f32 to vector<1x64xf32>
      %eq3A_1472 = arith.cmpf oeq, %select_n3A_1465, %eq3A_1471 : vector<1x64xf32>
      %jit3A_1473 = arith.constant 2147483647 : i32
      %broadcast_in_dim3A_1474 = vector.broadcast %jit3A_1473 : i32 to vector<1x64xi32>
      %select_n3A_1475 = arith.select %eq3A_1472, %concatenate3A_1142, %broadcast_in_dim3A_1474 : vector<1x64xi1>, vector<1x64xi32>
      %reduce_min3A_1476 = vector.shape_cast %select_n3A_1475 : vector<1x64xi32> to vector<1x1x64xi32>
      %reduce_min3A_1477 = arith.constant dense<2147483647> : vector<1xi32>
      %reduce_min3A_1478 = vector.multi_reduction <minsi>, %reduce_min3A_1476, %reduce_min3A_1477 [1, 2] : vector<1x1x64xi32> to vector<1xi32>
      %reduce_min3A_1479 = vector.shape_cast %reduce_min3A_1478 : vector<1xi32> to vector<1x1x1xi32>
      %reduce_min3A_1480 = vector.extract %reduce_min3A_1479[0, 0, 0] : i32 from vector<1x1x1xi32>
      %eq3A_1481 = arith.constant 11 : i32
      %eq3A_1482 = vector.broadcast %eq3A_1481 : i32 to vector<1x32xi32>
      %eq3A_1483 = arith.cmpi eq, %iota3A, %eq3A_1482 : vector<1x32xi32>
      %broadcast_in_dim3A_1484 = vector.broadcast %reduce_max3A_1470 : f32 to vector<1x32xf32>
      %select_n3A_1485 = arith.select %eq3A_1483, %broadcast_in_dim3A_1484, %select_n3A_1456 : vector<1x32xi1>, vector<1x32xf32>
      %eq3A_1486 = arith.constant 11 : i32
      %eq3A_1487 = vector.broadcast %eq3A_1486 : i32 to vector<1x32xi32>
      %eq3A_1488 = arith.cmpi eq, %iota3A, %eq3A_1487 : vector<1x32xi32>
      %broadcast_in_dim3A_1489 = vector.broadcast %reduce_min3A_1480 : i32 to vector<1x32xi32>
      %select_n3A_1490 = arith.select %eq3A_1488, %broadcast_in_dim3A_1489, %select_n3A_1461 : vector<1x32xi1>, vector<1x32xi32>
      %eq3A_1491 = vector.broadcast %reduce_min3A_1480 : i32 to vector<1x64xi32>
      %eq3A_1492 = arith.cmpi eq, %concatenate3A_1142, %eq3A_1491 : vector<1x64xi32>
      %broadcast_in_dim3A_1493 = vector.broadcast %while3A : f32 to vector<1x64xf32>
      %select_n3A_1494 = arith.select %eq3A_1492, %broadcast_in_dim3A_1493, %select_n3A_1465 : vector<1x64xi1>, vector<1x64xf32>
      %reduce_max3A_1495 = vector.shape_cast %select_n3A_1494 : vector<1x64xf32> to vector<1x1x64xf32>
      %reduce_max3A_1496 = arith.constant dense<0xFF800000> : vector<1xf32>
      %reduce_max3A_1497 = vector.multi_reduction <maximumf>, %reduce_max3A_1495, %reduce_max3A_1496 [1, 2] : vector<1x1x64xf32> to vector<1xf32>
      %reduce_max3A_1498 = vector.shape_cast %reduce_max3A_1497 : vector<1xf32> to vector<1x1x1xf32>
      %reduce_max3A_1499 = vector.extract %reduce_max3A_1498[0, 0, 0] : f32 from vector<1x1x1xf32>
      %eq3A_1500 = vector.broadcast %reduce_max3A_1499 : f32 to vector<1x64xf32>
      %eq3A_1501 = arith.cmpf oeq, %select_n3A_1494, %eq3A_1500 : vector<1x64xf32>
      %jit3A_1502 = arith.constant 2147483647 : i32
      %broadcast_in_dim3A_1503 = vector.broadcast %jit3A_1502 : i32 to vector<1x64xi32>
      %select_n3A_1504 = arith.select %eq3A_1501, %concatenate3A_1142, %broadcast_in_dim3A_1503 : vector<1x64xi1>, vector<1x64xi32>
      %reduce_min3A_1505 = vector.shape_cast %select_n3A_1504 : vector<1x64xi32> to vector<1x1x64xi32>
      %reduce_min3A_1506 = arith.constant dense<2147483647> : vector<1xi32>
      %reduce_min3A_1507 = vector.multi_reduction <minsi>, %reduce_min3A_1505, %reduce_min3A_1506 [1, 2] : vector<1x1x64xi32> to vector<1xi32>
      %reduce_min3A_1508 = vector.shape_cast %reduce_min3A_1507 : vector<1xi32> to vector<1x1x1xi32>
      %reduce_min3A_1509 = vector.extract %reduce_min3A_1508[0, 0, 0] : i32 from vector<1x1x1xi32>
      %eq3A_1510 = arith.constant 12 : i32
      %eq3A_1511 = vector.broadcast %eq3A_1510 : i32 to vector<1x32xi32>
      %eq3A_1512 = arith.cmpi eq, %iota3A, %eq3A_1511 : vector<1x32xi32>
      %broadcast_in_dim3A_1513 = vector.broadcast %reduce_max3A_1499 : f32 to vector<1x32xf32>
      %select_n3A_1514 = arith.select %eq3A_1512, %broadcast_in_dim3A_1513, %select_n3A_1485 : vector<1x32xi1>, vector<1x32xf32>
      %eq3A_1515 = arith.constant 12 : i32
      %eq3A_1516 = vector.broadcast %eq3A_1515 : i32 to vector<1x32xi32>
      %eq3A_1517 = arith.cmpi eq, %iota3A, %eq3A_1516 : vector<1x32xi32>
      %broadcast_in_dim3A_1518 = vector.broadcast %reduce_min3A_1509 : i32 to vector<1x32xi32>
      %select_n3A_1519 = arith.select %eq3A_1517, %broadcast_in_dim3A_1518, %select_n3A_1490 : vector<1x32xi1>, vector<1x32xi32>
      %eq3A_1520 = vector.broadcast %reduce_min3A_1509 : i32 to vector<1x64xi32>
      %eq3A_1521 = arith.cmpi eq, %concatenate3A_1142, %eq3A_1520 : vector<1x64xi32>
      %broadcast_in_dim3A_1522 = vector.broadcast %while3A : f32 to vector<1x64xf32>
      %select_n3A_1523 = arith.select %eq3A_1521, %broadcast_in_dim3A_1522, %select_n3A_1494 : vector<1x64xi1>, vector<1x64xf32>
      %reduce_max3A_1524 = vector.shape_cast %select_n3A_1523 : vector<1x64xf32> to vector<1x1x64xf32>
      %reduce_max3A_1525 = arith.constant dense<0xFF800000> : vector<1xf32>
      %reduce_max3A_1526 = vector.multi_reduction <maximumf>, %reduce_max3A_1524, %reduce_max3A_1525 [1, 2] : vector<1x1x64xf32> to vector<1xf32>
      %reduce_max3A_1527 = vector.shape_cast %reduce_max3A_1526 : vector<1xf32> to vector<1x1x1xf32>
      %reduce_max3A_1528 = vector.extract %reduce_max3A_1527[0, 0, 0] : f32 from vector<1x1x1xf32>
      %eq3A_1529 = vector.broadcast %reduce_max3A_1528 : f32 to vector<1x64xf32>
      %eq3A_1530 = arith.cmpf oeq, %select_n3A_1523, %eq3A_1529 : vector<1x64xf32>
      %jit3A_1531 = arith.constant 2147483647 : i32
      %broadcast_in_dim3A_1532 = vector.broadcast %jit3A_1531 : i32 to vector<1x64xi32>
      %select_n3A_1533 = arith.select %eq3A_1530, %concatenate3A_1142, %broadcast_in_dim3A_1532 : vector<1x64xi1>, vector<1x64xi32>
      %reduce_min3A_1534 = vector.shape_cast %select_n3A_1533 : vector<1x64xi32> to vector<1x1x64xi32>
      %reduce_min3A_1535 = arith.constant dense<2147483647> : vector<1xi32>
      %reduce_min3A_1536 = vector.multi_reduction <minsi>, %reduce_min3A_1534, %reduce_min3A_1535 [1, 2] : vector<1x1x64xi32> to vector<1xi32>
      %reduce_min3A_1537 = vector.shape_cast %reduce_min3A_1536 : vector<1xi32> to vector<1x1x1xi32>
      %reduce_min3A_1538 = vector.extract %reduce_min3A_1537[0, 0, 0] : i32 from vector<1x1x1xi32>
      %eq3A_1539 = arith.constant 13 : i32
      %eq3A_1540 = vector.broadcast %eq3A_1539 : i32 to vector<1x32xi32>
      %eq3A_1541 = arith.cmpi eq, %iota3A, %eq3A_1540 : vector<1x32xi32>
      %broadcast_in_dim3A_1542 = vector.broadcast %reduce_max3A_1528 : f32 to vector<1x32xf32>
      %select_n3A_1543 = arith.select %eq3A_1541, %broadcast_in_dim3A_1542, %select_n3A_1514 : vector<1x32xi1>, vector<1x32xf32>
      %eq3A_1544 = arith.constant 13 : i32
      %eq3A_1545 = vector.broadcast %eq3A_1544 : i32 to vector<1x32xi32>
      %eq3A_1546 = arith.cmpi eq, %iota3A, %eq3A_1545 : vector<1x32xi32>
      %broadcast_in_dim3A_1547 = vector.broadcast %reduce_min3A_1538 : i32 to vector<1x32xi32>
      %select_n3A_1548 = arith.select %eq3A_1546, %broadcast_in_dim3A_1547, %select_n3A_1519 : vector<1x32xi1>, vector<1x32xi32>
      %eq3A_1549 = vector.broadcast %reduce_min3A_1538 : i32 to vector<1x64xi32>
      %eq3A_1550 = arith.cmpi eq, %concatenate3A_1142, %eq3A_1549 : vector<1x64xi32>
      %broadcast_in_dim3A_1551 = vector.broadcast %while3A : f32 to vector<1x64xf32>
      %select_n3A_1552 = arith.select %eq3A_1550, %broadcast_in_dim3A_1551, %select_n3A_1523 : vector<1x64xi1>, vector<1x64xf32>
      %reduce_max3A_1553 = vector.shape_cast %select_n3A_1552 : vector<1x64xf32> to vector<1x1x64xf32>
      %reduce_max3A_1554 = arith.constant dense<0xFF800000> : vector<1xf32>
      %reduce_max3A_1555 = vector.multi_reduction <maximumf>, %reduce_max3A_1553, %reduce_max3A_1554 [1, 2] : vector<1x1x64xf32> to vector<1xf32>
      %reduce_max3A_1556 = vector.shape_cast %reduce_max3A_1555 : vector<1xf32> to vector<1x1x1xf32>
      %reduce_max3A_1557 = vector.extract %reduce_max3A_1556[0, 0, 0] : f32 from vector<1x1x1xf32>
      %eq3A_1558 = vector.broadcast %reduce_max3A_1557 : f32 to vector<1x64xf32>
      %eq3A_1559 = arith.cmpf oeq, %select_n3A_1552, %eq3A_1558 : vector<1x64xf32>
      %jit3A_1560 = arith.constant 2147483647 : i32
      %broadcast_in_dim3A_1561 = vector.broadcast %jit3A_1560 : i32 to vector<1x64xi32>
      %select_n3A_1562 = arith.select %eq3A_1559, %concatenate3A_1142, %broadcast_in_dim3A_1561 : vector<1x64xi1>, vector<1x64xi32>
      %reduce_min3A_1563 = vector.shape_cast %select_n3A_1562 : vector<1x64xi32> to vector<1x1x64xi32>
      %reduce_min3A_1564 = arith.constant dense<2147483647> : vector<1xi32>
      %reduce_min3A_1565 = vector.multi_reduction <minsi>, %reduce_min3A_1563, %reduce_min3A_1564 [1, 2] : vector<1x1x64xi32> to vector<1xi32>
      %reduce_min3A_1566 = vector.shape_cast %reduce_min3A_1565 : vector<1xi32> to vector<1x1x1xi32>
      %reduce_min3A_1567 = vector.extract %reduce_min3A_1566[0, 0, 0] : i32 from vector<1x1x1xi32>
      %eq3A_1568 = arith.constant 14 : i32
      %eq3A_1569 = vector.broadcast %eq3A_1568 : i32 to vector<1x32xi32>
      %eq3A_1570 = arith.cmpi eq, %iota3A, %eq3A_1569 : vector<1x32xi32>
      %broadcast_in_dim3A_1571 = vector.broadcast %reduce_max3A_1557 : f32 to vector<1x32xf32>
      %select_n3A_1572 = arith.select %eq3A_1570, %broadcast_in_dim3A_1571, %select_n3A_1543 : vector<1x32xi1>, vector<1x32xf32>
      %eq3A_1573 = arith.constant 14 : i32
      %eq3A_1574 = vector.broadcast %eq3A_1573 : i32 to vector<1x32xi32>
      %eq3A_1575 = arith.cmpi eq, %iota3A, %eq3A_1574 : vector<1x32xi32>
      %broadcast_in_dim3A_1576 = vector.broadcast %reduce_min3A_1567 : i32 to vector<1x32xi32>
      %select_n3A_1577 = arith.select %eq3A_1575, %broadcast_in_dim3A_1576, %select_n3A_1548 : vector<1x32xi1>, vector<1x32xi32>
      %eq3A_1578 = vector.broadcast %reduce_min3A_1567 : i32 to vector<1x64xi32>
      %eq3A_1579 = arith.cmpi eq, %concatenate3A_1142, %eq3A_1578 : vector<1x64xi32>
      %broadcast_in_dim3A_1580 = vector.broadcast %while3A : f32 to vector<1x64xf32>
      %select_n3A_1581 = arith.select %eq3A_1579, %broadcast_in_dim3A_1580, %select_n3A_1552 : vector<1x64xi1>, vector<1x64xf32>
      %reduce_max3A_1582 = vector.shape_cast %select_n3A_1581 : vector<1x64xf32> to vector<1x1x64xf32>
      %reduce_max3A_1583 = arith.constant dense<0xFF800000> : vector<1xf32>
      %reduce_max3A_1584 = vector.multi_reduction <maximumf>, %reduce_max3A_1582, %reduce_max3A_1583 [1, 2] : vector<1x1x64xf32> to vector<1xf32>
      %reduce_max3A_1585 = vector.shape_cast %reduce_max3A_1584 : vector<1xf32> to vector<1x1x1xf32>
      %reduce_max3A_1586 = vector.extract %reduce_max3A_1585[0, 0, 0] : f32 from vector<1x1x1xf32>
      %eq3A_1587 = vector.broadcast %reduce_max3A_1586 : f32 to vector<1x64xf32>
      %eq3A_1588 = arith.cmpf oeq, %select_n3A_1581, %eq3A_1587 : vector<1x64xf32>
      %jit3A_1589 = arith.constant 2147483647 : i32
      %broadcast_in_dim3A_1590 = vector.broadcast %jit3A_1589 : i32 to vector<1x64xi32>
      %select_n3A_1591 = arith.select %eq3A_1588, %concatenate3A_1142, %broadcast_in_dim3A_1590 : vector<1x64xi1>, vector<1x64xi32>
      %reduce_min3A_1592 = vector.shape_cast %select_n3A_1591 : vector<1x64xi32> to vector<1x1x64xi32>
      %reduce_min3A_1593 = arith.constant dense<2147483647> : vector<1xi32>
      %reduce_min3A_1594 = vector.multi_reduction <minsi>, %reduce_min3A_1592, %reduce_min3A_1593 [1, 2] : vector<1x1x64xi32> to vector<1xi32>
      %reduce_min3A_1595 = vector.shape_cast %reduce_min3A_1594 : vector<1xi32> to vector<1x1x1xi32>
      %reduce_min3A_1596 = vector.extract %reduce_min3A_1595[0, 0, 0] : i32 from vector<1x1x1xi32>
      %eq3A_1597 = arith.constant 15 : i32
      %eq3A_1598 = vector.broadcast %eq3A_1597 : i32 to vector<1x32xi32>
      %eq3A_1599 = arith.cmpi eq, %iota3A, %eq3A_1598 : vector<1x32xi32>
      %broadcast_in_dim3A_1600 = vector.broadcast %reduce_max3A_1586 : f32 to vector<1x32xf32>
      %select_n3A_1601 = arith.select %eq3A_1599, %broadcast_in_dim3A_1600, %select_n3A_1572 : vector<1x32xi1>, vector<1x32xf32>
      %eq3A_1602 = arith.constant 15 : i32
      %eq3A_1603 = vector.broadcast %eq3A_1602 : i32 to vector<1x32xi32>
      %eq3A_1604 = arith.cmpi eq, %iota3A, %eq3A_1603 : vector<1x32xi32>
      %broadcast_in_dim3A_1605 = vector.broadcast %reduce_min3A_1596 : i32 to vector<1x32xi32>
      %select_n3A_1606 = arith.select %eq3A_1604, %broadcast_in_dim3A_1605, %select_n3A_1577 : vector<1x32xi1>, vector<1x32xi32>
      %eq3A_1607 = vector.broadcast %reduce_min3A_1596 : i32 to vector<1x64xi32>
      %eq3A_1608 = arith.cmpi eq, %concatenate3A_1142, %eq3A_1607 : vector<1x64xi32>
      %broadcast_in_dim3A_1609 = vector.broadcast %while3A : f32 to vector<1x64xf32>
      %select_n3A_1610 = arith.select %eq3A_1608, %broadcast_in_dim3A_1609, %select_n3A_1581 : vector<1x64xi1>, vector<1x64xf32>
      %reduce_max3A_1611 = vector.shape_cast %select_n3A_1610 : vector<1x64xf32> to vector<1x1x64xf32>
      %reduce_max3A_1612 = arith.constant dense<0xFF800000> : vector<1xf32>
      %reduce_max3A_1613 = vector.multi_reduction <maximumf>, %reduce_max3A_1611, %reduce_max3A_1612 [1, 2] : vector<1x1x64xf32> to vector<1xf32>
      %reduce_max3A_1614 = vector.shape_cast %reduce_max3A_1613 : vector<1xf32> to vector<1x1x1xf32>
      %reduce_max3A_1615 = vector.extract %reduce_max3A_1614[0, 0, 0] : f32 from vector<1x1x1xf32>
      %eq3A_1616 = vector.broadcast %reduce_max3A_1615 : f32 to vector<1x64xf32>
      %eq3A_1617 = arith.cmpf oeq, %select_n3A_1610, %eq3A_1616 : vector<1x64xf32>
      %jit3A_1618 = arith.constant 2147483647 : i32
      %broadcast_in_dim3A_1619 = vector.broadcast %jit3A_1618 : i32 to vector<1x64xi32>
      %select_n3A_1620 = arith.select %eq3A_1617, %concatenate3A_1142, %broadcast_in_dim3A_1619 : vector<1x64xi1>, vector<1x64xi32>
      %reduce_min3A_1621 = vector.shape_cast %select_n3A_1620 : vector<1x64xi32> to vector<1x1x64xi32>
      %reduce_min3A_1622 = arith.constant dense<2147483647> : vector<1xi32>
      %reduce_min3A_1623 = vector.multi_reduction <minsi>, %reduce_min3A_1621, %reduce_min3A_1622 [1, 2] : vector<1x1x64xi32> to vector<1xi32>
      %reduce_min3A_1624 = vector.shape_cast %reduce_min3A_1623 : vector<1xi32> to vector<1x1x1xi32>
      %reduce_min3A_1625 = vector.extract %reduce_min3A_1624[0, 0, 0] : i32 from vector<1x1x1xi32>
      %eq3A_1626 = arith.constant 16 : i32
      %eq3A_1627 = vector.broadcast %eq3A_1626 : i32 to vector<1x32xi32>
      %eq3A_1628 = arith.cmpi eq, %iota3A, %eq3A_1627 : vector<1x32xi32>
      %broadcast_in_dim3A_1629 = vector.broadcast %reduce_max3A_1615 : f32 to vector<1x32xf32>
      %select_n3A_1630 = arith.select %eq3A_1628, %broadcast_in_dim3A_1629, %select_n3A_1601 : vector<1x32xi1>, vector<1x32xf32>
      %eq3A_1631 = arith.constant 16 : i32
      %eq3A_1632 = vector.broadcast %eq3A_1631 : i32 to vector<1x32xi32>
      %eq3A_1633 = arith.cmpi eq, %iota3A, %eq3A_1632 : vector<1x32xi32>
      %broadcast_in_dim3A_1634 = vector.broadcast %reduce_min3A_1625 : i32 to vector<1x32xi32>
      %select_n3A_1635 = arith.select %eq3A_1633, %broadcast_in_dim3A_1634, %select_n3A_1606 : vector<1x32xi1>, vector<1x32xi32>
      %eq3A_1636 = vector.broadcast %reduce_min3A_1625 : i32 to vector<1x64xi32>
      %eq3A_1637 = arith.cmpi eq, %concatenate3A_1142, %eq3A_1636 : vector<1x64xi32>
      %broadcast_in_dim3A_1638 = vector.broadcast %while3A : f32 to vector<1x64xf32>
      %select_n3A_1639 = arith.select %eq3A_1637, %broadcast_in_dim3A_1638, %select_n3A_1610 : vector<1x64xi1>, vector<1x64xf32>
      %reduce_max3A_1640 = vector.shape_cast %select_n3A_1639 : vector<1x64xf32> to vector<1x1x64xf32>
      %reduce_max3A_1641 = arith.constant dense<0xFF800000> : vector<1xf32>
      %reduce_max3A_1642 = vector.multi_reduction <maximumf>, %reduce_max3A_1640, %reduce_max3A_1641 [1, 2] : vector<1x1x64xf32> to vector<1xf32>
      %reduce_max3A_1643 = vector.shape_cast %reduce_max3A_1642 : vector<1xf32> to vector<1x1x1xf32>
      %reduce_max3A_1644 = vector.extract %reduce_max3A_1643[0, 0, 0] : f32 from vector<1x1x1xf32>
      %eq3A_1645 = vector.broadcast %reduce_max3A_1644 : f32 to vector<1x64xf32>
      %eq3A_1646 = arith.cmpf oeq, %select_n3A_1639, %eq3A_1645 : vector<1x64xf32>
      %jit3A_1647 = arith.constant 2147483647 : i32
      %broadcast_in_dim3A_1648 = vector.broadcast %jit3A_1647 : i32 to vector<1x64xi32>
      %select_n3A_1649 = arith.select %eq3A_1646, %concatenate3A_1142, %broadcast_in_dim3A_1648 : vector<1x64xi1>, vector<1x64xi32>
      %reduce_min3A_1650 = vector.shape_cast %select_n3A_1649 : vector<1x64xi32> to vector<1x1x64xi32>
      %reduce_min3A_1651 = arith.constant dense<2147483647> : vector<1xi32>
      %reduce_min3A_1652 = vector.multi_reduction <minsi>, %reduce_min3A_1650, %reduce_min3A_1651 [1, 2] : vector<1x1x64xi32> to vector<1xi32>
      %reduce_min3A_1653 = vector.shape_cast %reduce_min3A_1652 : vector<1xi32> to vector<1x1x1xi32>
      %reduce_min3A_1654 = vector.extract %reduce_min3A_1653[0, 0, 0] : i32 from vector<1x1x1xi32>
      %eq3A_1655 = arith.constant 17 : i32
      %eq3A_1656 = vector.broadcast %eq3A_1655 : i32 to vector<1x32xi32>
      %eq3A_1657 = arith.cmpi eq, %iota3A, %eq3A_1656 : vector<1x32xi32>
      %broadcast_in_dim3A_1658 = vector.broadcast %reduce_max3A_1644 : f32 to vector<1x32xf32>
      %select_n3A_1659 = arith.select %eq3A_1657, %broadcast_in_dim3A_1658, %select_n3A_1630 : vector<1x32xi1>, vector<1x32xf32>
      %eq3A_1660 = arith.constant 17 : i32
      %eq3A_1661 = vector.broadcast %eq3A_1660 : i32 to vector<1x32xi32>
      %eq3A_1662 = arith.cmpi eq, %iota3A, %eq3A_1661 : vector<1x32xi32>
      %broadcast_in_dim3A_1663 = vector.broadcast %reduce_min3A_1654 : i32 to vector<1x32xi32>
      %select_n3A_1664 = arith.select %eq3A_1662, %broadcast_in_dim3A_1663, %select_n3A_1635 : vector<1x32xi1>, vector<1x32xi32>
      %eq3A_1665 = vector.broadcast %reduce_min3A_1654 : i32 to vector<1x64xi32>
      %eq3A_1666 = arith.cmpi eq, %concatenate3A_1142, %eq3A_1665 : vector<1x64xi32>
      %broadcast_in_dim3A_1667 = vector.broadcast %while3A : f32 to vector<1x64xf32>
      %select_n3A_1668 = arith.select %eq3A_1666, %broadcast_in_dim3A_1667, %select_n3A_1639 : vector<1x64xi1>, vector<1x64xf32>
      %reduce_max3A_1669 = vector.shape_cast %select_n3A_1668 : vector<1x64xf32> to vector<1x1x64xf32>
      %reduce_max3A_1670 = arith.constant dense<0xFF800000> : vector<1xf32>
      %reduce_max3A_1671 = vector.multi_reduction <maximumf>, %reduce_max3A_1669, %reduce_max3A_1670 [1, 2] : vector<1x1x64xf32> to vector<1xf32>
      %reduce_max3A_1672 = vector.shape_cast %reduce_max3A_1671 : vector<1xf32> to vector<1x1x1xf32>
      %reduce_max3A_1673 = vector.extract %reduce_max3A_1672[0, 0, 0] : f32 from vector<1x1x1xf32>
      %eq3A_1674 = vector.broadcast %reduce_max3A_1673 : f32 to vector<1x64xf32>
      %eq3A_1675 = arith.cmpf oeq, %select_n3A_1668, %eq3A_1674 : vector<1x64xf32>
      %jit3A_1676 = arith.constant 2147483647 : i32
      %broadcast_in_dim3A_1677 = vector.broadcast %jit3A_1676 : i32 to vector<1x64xi32>
      %select_n3A_1678 = arith.select %eq3A_1675, %concatenate3A_1142, %broadcast_in_dim3A_1677 : vector<1x64xi1>, vector<1x64xi32>
      %reduce_min3A_1679 = vector.shape_cast %select_n3A_1678 : vector<1x64xi32> to vector<1x1x64xi32>
      %reduce_min3A_1680 = arith.constant dense<2147483647> : vector<1xi32>
      %reduce_min3A_1681 = vector.multi_reduction <minsi>, %reduce_min3A_1679, %reduce_min3A_1680 [1, 2] : vector<1x1x64xi32> to vector<1xi32>
      %reduce_min3A_1682 = vector.shape_cast %reduce_min3A_1681 : vector<1xi32> to vector<1x1x1xi32>
      %reduce_min3A_1683 = vector.extract %reduce_min3A_1682[0, 0, 0] : i32 from vector<1x1x1xi32>
      %eq3A_1684 = arith.constant 18 : i32
      %eq3A_1685 = vector.broadcast %eq3A_1684 : i32 to vector<1x32xi32>
      %eq3A_1686 = arith.cmpi eq, %iota3A, %eq3A_1685 : vector<1x32xi32>
      %broadcast_in_dim3A_1687 = vector.broadcast %reduce_max3A_1673 : f32 to vector<1x32xf32>
      %select_n3A_1688 = arith.select %eq3A_1686, %broadcast_in_dim3A_1687, %select_n3A_1659 : vector<1x32xi1>, vector<1x32xf32>
      %eq3A_1689 = arith.constant 18 : i32
      %eq3A_1690 = vector.broadcast %eq3A_1689 : i32 to vector<1x32xi32>
      %eq3A_1691 = arith.cmpi eq, %iota3A, %eq3A_1690 : vector<1x32xi32>
      %broadcast_in_dim3A_1692 = vector.broadcast %reduce_min3A_1683 : i32 to vector<1x32xi32>
      %select_n3A_1693 = arith.select %eq3A_1691, %broadcast_in_dim3A_1692, %select_n3A_1664 : vector<1x32xi1>, vector<1x32xi32>
      %eq3A_1694 = vector.broadcast %reduce_min3A_1683 : i32 to vector<1x64xi32>
      %eq3A_1695 = arith.cmpi eq, %concatenate3A_1142, %eq3A_1694 : vector<1x64xi32>
      %broadcast_in_dim3A_1696 = vector.broadcast %while3A : f32 to vector<1x64xf32>
      %select_n3A_1697 = arith.select %eq3A_1695, %broadcast_in_dim3A_1696, %select_n3A_1668 : vector<1x64xi1>, vector<1x64xf32>
      %reduce_max3A_1698 = vector.shape_cast %select_n3A_1697 : vector<1x64xf32> to vector<1x1x64xf32>
      %reduce_max3A_1699 = arith.constant dense<0xFF800000> : vector<1xf32>
      %reduce_max3A_1700 = vector.multi_reduction <maximumf>, %reduce_max3A_1698, %reduce_max3A_1699 [1, 2] : vector<1x1x64xf32> to vector<1xf32>
      %reduce_max3A_1701 = vector.shape_cast %reduce_max3A_1700 : vector<1xf32> to vector<1x1x1xf32>
      %reduce_max3A_1702 = vector.extract %reduce_max3A_1701[0, 0, 0] : f32 from vector<1x1x1xf32>
      %eq3A_1703 = vector.broadcast %reduce_max3A_1702 : f32 to vector<1x64xf32>
      %eq3A_1704 = arith.cmpf oeq, %select_n3A_1697, %eq3A_1703 : vector<1x64xf32>
      %jit3A_1705 = arith.constant 2147483647 : i32
      %broadcast_in_dim3A_1706 = vector.broadcast %jit3A_1705 : i32 to vector<1x64xi32>
      %select_n3A_1707 = arith.select %eq3A_1704, %concatenate3A_1142, %broadcast_in_dim3A_1706 : vector<1x64xi1>, vector<1x64xi32>
      %reduce_min3A_1708 = vector.shape_cast %select_n3A_1707 : vector<1x64xi32> to vector<1x1x64xi32>
      %reduce_min3A_1709 = arith.constant dense<2147483647> : vector<1xi32>
      %reduce_min3A_1710 = vector.multi_reduction <minsi>, %reduce_min3A_1708, %reduce_min3A_1709 [1, 2] : vector<1x1x64xi32> to vector<1xi32>
      %reduce_min3A_1711 = vector.shape_cast %reduce_min3A_1710 : vector<1xi32> to vector<1x1x1xi32>
      %reduce_min3A_1712 = vector.extract %reduce_min3A_1711[0, 0, 0] : i32 from vector<1x1x1xi32>
      %eq3A_1713 = arith.constant 19 : i32
      %eq3A_1714 = vector.broadcast %eq3A_1713 : i32 to vector<1x32xi32>
      %eq3A_1715 = arith.cmpi eq, %iota3A, %eq3A_1714 : vector<1x32xi32>
      %broadcast_in_dim3A_1716 = vector.broadcast %reduce_max3A_1702 : f32 to vector<1x32xf32>
      %select_n3A_1717 = arith.select %eq3A_1715, %broadcast_in_dim3A_1716, %select_n3A_1688 : vector<1x32xi1>, vector<1x32xf32>
      %eq3A_1718 = arith.constant 19 : i32
      %eq3A_1719 = vector.broadcast %eq3A_1718 : i32 to vector<1x32xi32>
      %eq3A_1720 = arith.cmpi eq, %iota3A, %eq3A_1719 : vector<1x32xi32>
      %broadcast_in_dim3A_1721 = vector.broadcast %reduce_min3A_1712 : i32 to vector<1x32xi32>
      %select_n3A_1722 = arith.select %eq3A_1720, %broadcast_in_dim3A_1721, %select_n3A_1693 : vector<1x32xi1>, vector<1x32xi32>
      %eq3A_1723 = vector.broadcast %reduce_min3A_1712 : i32 to vector<1x64xi32>
      %eq3A_1724 = arith.cmpi eq, %concatenate3A_1142, %eq3A_1723 : vector<1x64xi32>
      %broadcast_in_dim3A_1725 = vector.broadcast %while3A : f32 to vector<1x64xf32>
      %select_n3A_1726 = arith.select %eq3A_1724, %broadcast_in_dim3A_1725, %select_n3A_1697 : vector<1x64xi1>, vector<1x64xf32>
      %reduce_max3A_1727 = vector.shape_cast %select_n3A_1726 : vector<1x64xf32> to vector<1x1x64xf32>
      %reduce_max3A_1728 = arith.constant dense<0xFF800000> : vector<1xf32>
      %reduce_max3A_1729 = vector.multi_reduction <maximumf>, %reduce_max3A_1727, %reduce_max3A_1728 [1, 2] : vector<1x1x64xf32> to vector<1xf32>
      %reduce_max3A_1730 = vector.shape_cast %reduce_max3A_1729 : vector<1xf32> to vector<1x1x1xf32>
      %reduce_max3A_1731 = vector.extract %reduce_max3A_1730[0, 0, 0] : f32 from vector<1x1x1xf32>
      %eq3A_1732 = vector.broadcast %reduce_max3A_1731 : f32 to vector<1x64xf32>
      %eq3A_1733 = arith.cmpf oeq, %select_n3A_1726, %eq3A_1732 : vector<1x64xf32>
      %jit3A_1734 = arith.constant 2147483647 : i32
      %broadcast_in_dim3A_1735 = vector.broadcast %jit3A_1734 : i32 to vector<1x64xi32>
      %select_n3A_1736 = arith.select %eq3A_1733, %concatenate3A_1142, %broadcast_in_dim3A_1735 : vector<1x64xi1>, vector<1x64xi32>
      %reduce_min3A_1737 = vector.shape_cast %select_n3A_1736 : vector<1x64xi32> to vector<1x1x64xi32>
      %reduce_min3A_1738 = arith.constant dense<2147483647> : vector<1xi32>
      %reduce_min3A_1739 = vector.multi_reduction <minsi>, %reduce_min3A_1737, %reduce_min3A_1738 [1, 2] : vector<1x1x64xi32> to vector<1xi32>
      %reduce_min3A_1740 = vector.shape_cast %reduce_min3A_1739 : vector<1xi32> to vector<1x1x1xi32>
      %reduce_min3A_1741 = vector.extract %reduce_min3A_1740[0, 0, 0] : i32 from vector<1x1x1xi32>
      %eq3A_1742 = arith.constant 20 : i32
      %eq3A_1743 = vector.broadcast %eq3A_1742 : i32 to vector<1x32xi32>
      %eq3A_1744 = arith.cmpi eq, %iota3A, %eq3A_1743 : vector<1x32xi32>
      %broadcast_in_dim3A_1745 = vector.broadcast %reduce_max3A_1731 : f32 to vector<1x32xf32>
      %select_n3A_1746 = arith.select %eq3A_1744, %broadcast_in_dim3A_1745, %select_n3A_1717 : vector<1x32xi1>, vector<1x32xf32>
      %eq3A_1747 = arith.constant 20 : i32
      %eq3A_1748 = vector.broadcast %eq3A_1747 : i32 to vector<1x32xi32>
      %eq3A_1749 = arith.cmpi eq, %iota3A, %eq3A_1748 : vector<1x32xi32>
      %broadcast_in_dim3A_1750 = vector.broadcast %reduce_min3A_1741 : i32 to vector<1x32xi32>
      %select_n3A_1751 = arith.select %eq3A_1749, %broadcast_in_dim3A_1750, %select_n3A_1722 : vector<1x32xi1>, vector<1x32xi32>
      %eq3A_1752 = vector.broadcast %reduce_min3A_1741 : i32 to vector<1x64xi32>
      %eq3A_1753 = arith.cmpi eq, %concatenate3A_1142, %eq3A_1752 : vector<1x64xi32>
      %broadcast_in_dim3A_1754 = vector.broadcast %while3A : f32 to vector<1x64xf32>
      %select_n3A_1755 = arith.select %eq3A_1753, %broadcast_in_dim3A_1754, %select_n3A_1726 : vector<1x64xi1>, vector<1x64xf32>
      %reduce_max3A_1756 = vector.shape_cast %select_n3A_1755 : vector<1x64xf32> to vector<1x1x64xf32>
      %reduce_max3A_1757 = arith.constant dense<0xFF800000> : vector<1xf32>
      %reduce_max3A_1758 = vector.multi_reduction <maximumf>, %reduce_max3A_1756, %reduce_max3A_1757 [1, 2] : vector<1x1x64xf32> to vector<1xf32>
      %reduce_max3A_1759 = vector.shape_cast %reduce_max3A_1758 : vector<1xf32> to vector<1x1x1xf32>
      %reduce_max3A_1760 = vector.extract %reduce_max3A_1759[0, 0, 0] : f32 from vector<1x1x1xf32>
      %eq3A_1761 = vector.broadcast %reduce_max3A_1760 : f32 to vector<1x64xf32>
      %eq3A_1762 = arith.cmpf oeq, %select_n3A_1755, %eq3A_1761 : vector<1x64xf32>
      %jit3A_1763 = arith.constant 2147483647 : i32
      %broadcast_in_dim3A_1764 = vector.broadcast %jit3A_1763 : i32 to vector<1x64xi32>
      %select_n3A_1765 = arith.select %eq3A_1762, %concatenate3A_1142, %broadcast_in_dim3A_1764 : vector<1x64xi1>, vector<1x64xi32>
      %reduce_min3A_1766 = vector.shape_cast %select_n3A_1765 : vector<1x64xi32> to vector<1x1x64xi32>
      %reduce_min3A_1767 = arith.constant dense<2147483647> : vector<1xi32>
      %reduce_min3A_1768 = vector.multi_reduction <minsi>, %reduce_min3A_1766, %reduce_min3A_1767 [1, 2] : vector<1x1x64xi32> to vector<1xi32>
      %reduce_min3A_1769 = vector.shape_cast %reduce_min3A_1768 : vector<1xi32> to vector<1x1x1xi32>
      %reduce_min3A_1770 = vector.extract %reduce_min3A_1769[0, 0, 0] : i32 from vector<1x1x1xi32>
      %eq3A_1771 = arith.constant 21 : i32
      %eq3A_1772 = vector.broadcast %eq3A_1771 : i32 to vector<1x32xi32>
      %eq3A_1773 = arith.cmpi eq, %iota3A, %eq3A_1772 : vector<1x32xi32>
      %broadcast_in_dim3A_1774 = vector.broadcast %reduce_max3A_1760 : f32 to vector<1x32xf32>
      %select_n3A_1775 = arith.select %eq3A_1773, %broadcast_in_dim3A_1774, %select_n3A_1746 : vector<1x32xi1>, vector<1x32xf32>
      %eq3A_1776 = arith.constant 21 : i32
      %eq3A_1777 = vector.broadcast %eq3A_1776 : i32 to vector<1x32xi32>
      %eq3A_1778 = arith.cmpi eq, %iota3A, %eq3A_1777 : vector<1x32xi32>
      %broadcast_in_dim3A_1779 = vector.broadcast %reduce_min3A_1770 : i32 to vector<1x32xi32>
      %select_n3A_1780 = arith.select %eq3A_1778, %broadcast_in_dim3A_1779, %select_n3A_1751 : vector<1x32xi1>, vector<1x32xi32>
      %eq3A_1781 = vector.broadcast %reduce_min3A_1770 : i32 to vector<1x64xi32>
      %eq3A_1782 = arith.cmpi eq, %concatenate3A_1142, %eq3A_1781 : vector<1x64xi32>
      %broadcast_in_dim3A_1783 = vector.broadcast %while3A : f32 to vector<1x64xf32>
      %select_n3A_1784 = arith.select %eq3A_1782, %broadcast_in_dim3A_1783, %select_n3A_1755 : vector<1x64xi1>, vector<1x64xf32>
      %reduce_max3A_1785 = vector.shape_cast %select_n3A_1784 : vector<1x64xf32> to vector<1x1x64xf32>
      %reduce_max3A_1786 = arith.constant dense<0xFF800000> : vector<1xf32>
      %reduce_max3A_1787 = vector.multi_reduction <maximumf>, %reduce_max3A_1785, %reduce_max3A_1786 [1, 2] : vector<1x1x64xf32> to vector<1xf32>
      %reduce_max3A_1788 = vector.shape_cast %reduce_max3A_1787 : vector<1xf32> to vector<1x1x1xf32>
      %reduce_max3A_1789 = vector.extract %reduce_max3A_1788[0, 0, 0] : f32 from vector<1x1x1xf32>
      %eq3A_1790 = vector.broadcast %reduce_max3A_1789 : f32 to vector<1x64xf32>
      %eq3A_1791 = arith.cmpf oeq, %select_n3A_1784, %eq3A_1790 : vector<1x64xf32>
      %jit3A_1792 = arith.constant 2147483647 : i32
      %broadcast_in_dim3A_1793 = vector.broadcast %jit3A_1792 : i32 to vector<1x64xi32>
      %select_n3A_1794 = arith.select %eq3A_1791, %concatenate3A_1142, %broadcast_in_dim3A_1793 : vector<1x64xi1>, vector<1x64xi32>
      %reduce_min3A_1795 = vector.shape_cast %select_n3A_1794 : vector<1x64xi32> to vector<1x1x64xi32>
      %reduce_min3A_1796 = arith.constant dense<2147483647> : vector<1xi32>
      %reduce_min3A_1797 = vector.multi_reduction <minsi>, %reduce_min3A_1795, %reduce_min3A_1796 [1, 2] : vector<1x1x64xi32> to vector<1xi32>
      %reduce_min3A_1798 = vector.shape_cast %reduce_min3A_1797 : vector<1xi32> to vector<1x1x1xi32>
      %reduce_min3A_1799 = vector.extract %reduce_min3A_1798[0, 0, 0] : i32 from vector<1x1x1xi32>
      %eq3A_1800 = arith.constant 22 : i32
      %eq3A_1801 = vector.broadcast %eq3A_1800 : i32 to vector<1x32xi32>
      %eq3A_1802 = arith.cmpi eq, %iota3A, %eq3A_1801 : vector<1x32xi32>
      %broadcast_in_dim3A_1803 = vector.broadcast %reduce_max3A_1789 : f32 to vector<1x32xf32>
      %select_n3A_1804 = arith.select %eq3A_1802, %broadcast_in_dim3A_1803, %select_n3A_1775 : vector<1x32xi1>, vector<1x32xf32>
      %eq3A_1805 = arith.constant 22 : i32
      %eq3A_1806 = vector.broadcast %eq3A_1805 : i32 to vector<1x32xi32>
      %eq3A_1807 = arith.cmpi eq, %iota3A, %eq3A_1806 : vector<1x32xi32>
      %broadcast_in_dim3A_1808 = vector.broadcast %reduce_min3A_1799 : i32 to vector<1x32xi32>
      %select_n3A_1809 = arith.select %eq3A_1807, %broadcast_in_dim3A_1808, %select_n3A_1780 : vector<1x32xi1>, vector<1x32xi32>
      %eq3A_1810 = vector.broadcast %reduce_min3A_1799 : i32 to vector<1x64xi32>
      %eq3A_1811 = arith.cmpi eq, %concatenate3A_1142, %eq3A_1810 : vector<1x64xi32>
      %broadcast_in_dim3A_1812 = vector.broadcast %while3A : f32 to vector<1x64xf32>
      %select_n3A_1813 = arith.select %eq3A_1811, %broadcast_in_dim3A_1812, %select_n3A_1784 : vector<1x64xi1>, vector<1x64xf32>
      %reduce_max3A_1814 = vector.shape_cast %select_n3A_1813 : vector<1x64xf32> to vector<1x1x64xf32>
      %reduce_max3A_1815 = arith.constant dense<0xFF800000> : vector<1xf32>
      %reduce_max3A_1816 = vector.multi_reduction <maximumf>, %reduce_max3A_1814, %reduce_max3A_1815 [1, 2] : vector<1x1x64xf32> to vector<1xf32>
      %reduce_max3A_1817 = vector.shape_cast %reduce_max3A_1816 : vector<1xf32> to vector<1x1x1xf32>
      %reduce_max3A_1818 = vector.extract %reduce_max3A_1817[0, 0, 0] : f32 from vector<1x1x1xf32>
      %eq3A_1819 = vector.broadcast %reduce_max3A_1818 : f32 to vector<1x64xf32>
      %eq3A_1820 = arith.cmpf oeq, %select_n3A_1813, %eq3A_1819 : vector<1x64xf32>
      %jit3A_1821 = arith.constant 2147483647 : i32
      %broadcast_in_dim3A_1822 = vector.broadcast %jit3A_1821 : i32 to vector<1x64xi32>
      %select_n3A_1823 = arith.select %eq3A_1820, %concatenate3A_1142, %broadcast_in_dim3A_1822 : vector<1x64xi1>, vector<1x64xi32>
      %reduce_min3A_1824 = vector.shape_cast %select_n3A_1823 : vector<1x64xi32> to vector<1x1x64xi32>
      %reduce_min3A_1825 = arith.constant dense<2147483647> : vector<1xi32>
      %reduce_min3A_1826 = vector.multi_reduction <minsi>, %reduce_min3A_1824, %reduce_min3A_1825 [1, 2] : vector<1x1x64xi32> to vector<1xi32>
      %reduce_min3A_1827 = vector.shape_cast %reduce_min3A_1826 : vector<1xi32> to vector<1x1x1xi32>
      %reduce_min3A_1828 = vector.extract %reduce_min3A_1827[0, 0, 0] : i32 from vector<1x1x1xi32>
      %eq3A_1829 = arith.constant 23 : i32
      %eq3A_1830 = vector.broadcast %eq3A_1829 : i32 to vector<1x32xi32>
      %eq3A_1831 = arith.cmpi eq, %iota3A, %eq3A_1830 : vector<1x32xi32>
      %broadcast_in_dim3A_1832 = vector.broadcast %reduce_max3A_1818 : f32 to vector<1x32xf32>
      %select_n3A_1833 = arith.select %eq3A_1831, %broadcast_in_dim3A_1832, %select_n3A_1804 : vector<1x32xi1>, vector<1x32xf32>
      %eq3A_1834 = arith.constant 23 : i32
      %eq3A_1835 = vector.broadcast %eq3A_1834 : i32 to vector<1x32xi32>
      %eq3A_1836 = arith.cmpi eq, %iota3A, %eq3A_1835 : vector<1x32xi32>
      %broadcast_in_dim3A_1837 = vector.broadcast %reduce_min3A_1828 : i32 to vector<1x32xi32>
      %select_n3A_1838 = arith.select %eq3A_1836, %broadcast_in_dim3A_1837, %select_n3A_1809 : vector<1x32xi1>, vector<1x32xi32>
      %eq3A_1839 = vector.broadcast %reduce_min3A_1828 : i32 to vector<1x64xi32>
      %eq3A_1840 = arith.cmpi eq, %concatenate3A_1142, %eq3A_1839 : vector<1x64xi32>
      %broadcast_in_dim3A_1841 = vector.broadcast %while3A : f32 to vector<1x64xf32>
      %select_n3A_1842 = arith.select %eq3A_1840, %broadcast_in_dim3A_1841, %select_n3A_1813 : vector<1x64xi1>, vector<1x64xf32>
      %reduce_max3A_1843 = vector.shape_cast %select_n3A_1842 : vector<1x64xf32> to vector<1x1x64xf32>
      %reduce_max3A_1844 = arith.constant dense<0xFF800000> : vector<1xf32>
      %reduce_max3A_1845 = vector.multi_reduction <maximumf>, %reduce_max3A_1843, %reduce_max3A_1844 [1, 2] : vector<1x1x64xf32> to vector<1xf32>
      %reduce_max3A_1846 = vector.shape_cast %reduce_max3A_1845 : vector<1xf32> to vector<1x1x1xf32>
      %reduce_max3A_1847 = vector.extract %reduce_max3A_1846[0, 0, 0] : f32 from vector<1x1x1xf32>
      %eq3A_1848 = vector.broadcast %reduce_max3A_1847 : f32 to vector<1x64xf32>
      %eq3A_1849 = arith.cmpf oeq, %select_n3A_1842, %eq3A_1848 : vector<1x64xf32>
      %jit3A_1850 = arith.constant 2147483647 : i32
      %broadcast_in_dim3A_1851 = vector.broadcast %jit3A_1850 : i32 to vector<1x64xi32>
      %select_n3A_1852 = arith.select %eq3A_1849, %concatenate3A_1142, %broadcast_in_dim3A_1851 : vector<1x64xi1>, vector<1x64xi32>
      %reduce_min3A_1853 = vector.shape_cast %select_n3A_1852 : vector<1x64xi32> to vector<1x1x64xi32>
      %reduce_min3A_1854 = arith.constant dense<2147483647> : vector<1xi32>
      %reduce_min3A_1855 = vector.multi_reduction <minsi>, %reduce_min3A_1853, %reduce_min3A_1854 [1, 2] : vector<1x1x64xi32> to vector<1xi32>
      %reduce_min3A_1856 = vector.shape_cast %reduce_min3A_1855 : vector<1xi32> to vector<1x1x1xi32>
      %reduce_min3A_1857 = vector.extract %reduce_min3A_1856[0, 0, 0] : i32 from vector<1x1x1xi32>
      %eq3A_1858 = arith.constant 24 : i32
      %eq3A_1859 = vector.broadcast %eq3A_1858 : i32 to vector<1x32xi32>
      %eq3A_1860 = arith.cmpi eq, %iota3A, %eq3A_1859 : vector<1x32xi32>
      %broadcast_in_dim3A_1861 = vector.broadcast %reduce_max3A_1847 : f32 to vector<1x32xf32>
      %select_n3A_1862 = arith.select %eq3A_1860, %broadcast_in_dim3A_1861, %select_n3A_1833 : vector<1x32xi1>, vector<1x32xf32>
      %eq3A_1863 = arith.constant 24 : i32
      %eq3A_1864 = vector.broadcast %eq3A_1863 : i32 to vector<1x32xi32>
      %eq3A_1865 = arith.cmpi eq, %iota3A, %eq3A_1864 : vector<1x32xi32>
      %broadcast_in_dim3A_1866 = vector.broadcast %reduce_min3A_1857 : i32 to vector<1x32xi32>
      %select_n3A_1867 = arith.select %eq3A_1865, %broadcast_in_dim3A_1866, %select_n3A_1838 : vector<1x32xi1>, vector<1x32xi32>
      %eq3A_1868 = vector.broadcast %reduce_min3A_1857 : i32 to vector<1x64xi32>
      %eq3A_1869 = arith.cmpi eq, %concatenate3A_1142, %eq3A_1868 : vector<1x64xi32>
      %broadcast_in_dim3A_1870 = vector.broadcast %while3A : f32 to vector<1x64xf32>
      %select_n3A_1871 = arith.select %eq3A_1869, %broadcast_in_dim3A_1870, %select_n3A_1842 : vector<1x64xi1>, vector<1x64xf32>
      %reduce_max3A_1872 = vector.shape_cast %select_n3A_1871 : vector<1x64xf32> to vector<1x1x64xf32>
      %reduce_max3A_1873 = arith.constant dense<0xFF800000> : vector<1xf32>
      %reduce_max3A_1874 = vector.multi_reduction <maximumf>, %reduce_max3A_1872, %reduce_max3A_1873 [1, 2] : vector<1x1x64xf32> to vector<1xf32>
      %reduce_max3A_1875 = vector.shape_cast %reduce_max3A_1874 : vector<1xf32> to vector<1x1x1xf32>
      %reduce_max3A_1876 = vector.extract %reduce_max3A_1875[0, 0, 0] : f32 from vector<1x1x1xf32>
      %eq3A_1877 = vector.broadcast %reduce_max3A_1876 : f32 to vector<1x64xf32>
      %eq3A_1878 = arith.cmpf oeq, %select_n3A_1871, %eq3A_1877 : vector<1x64xf32>
      %jit3A_1879 = arith.constant 2147483647 : i32
      %broadcast_in_dim3A_1880 = vector.broadcast %jit3A_1879 : i32 to vector<1x64xi32>
      %select_n3A_1881 = arith.select %eq3A_1878, %concatenate3A_1142, %broadcast_in_dim3A_1880 : vector<1x64xi1>, vector<1x64xi32>
      %reduce_min3A_1882 = vector.shape_cast %select_n3A_1881 : vector<1x64xi32> to vector<1x1x64xi32>
      %reduce_min3A_1883 = arith.constant dense<2147483647> : vector<1xi32>
      %reduce_min3A_1884 = vector.multi_reduction <minsi>, %reduce_min3A_1882, %reduce_min3A_1883 [1, 2] : vector<1x1x64xi32> to vector<1xi32>
      %reduce_min3A_1885 = vector.shape_cast %reduce_min3A_1884 : vector<1xi32> to vector<1x1x1xi32>
      %reduce_min3A_1886 = vector.extract %reduce_min3A_1885[0, 0, 0] : i32 from vector<1x1x1xi32>
      %eq3A_1887 = arith.constant 25 : i32
      %eq3A_1888 = vector.broadcast %eq3A_1887 : i32 to vector<1x32xi32>
      %eq3A_1889 = arith.cmpi eq, %iota3A, %eq3A_1888 : vector<1x32xi32>
      %broadcast_in_dim3A_1890 = vector.broadcast %reduce_max3A_1876 : f32 to vector<1x32xf32>
      %select_n3A_1891 = arith.select %eq3A_1889, %broadcast_in_dim3A_1890, %select_n3A_1862 : vector<1x32xi1>, vector<1x32xf32>
      %eq3A_1892 = arith.constant 25 : i32
      %eq3A_1893 = vector.broadcast %eq3A_1892 : i32 to vector<1x32xi32>
      %eq3A_1894 = arith.cmpi eq, %iota3A, %eq3A_1893 : vector<1x32xi32>
      %broadcast_in_dim3A_1895 = vector.broadcast %reduce_min3A_1886 : i32 to vector<1x32xi32>
      %select_n3A_1896 = arith.select %eq3A_1894, %broadcast_in_dim3A_1895, %select_n3A_1867 : vector<1x32xi1>, vector<1x32xi32>
      %eq3A_1897 = vector.broadcast %reduce_min3A_1886 : i32 to vector<1x64xi32>
      %eq3A_1898 = arith.cmpi eq, %concatenate3A_1142, %eq3A_1897 : vector<1x64xi32>
      %broadcast_in_dim3A_1899 = vector.broadcast %while3A : f32 to vector<1x64xf32>
      %select_n3A_1900 = arith.select %eq3A_1898, %broadcast_in_dim3A_1899, %select_n3A_1871 : vector<1x64xi1>, vector<1x64xf32>
      %reduce_max3A_1901 = vector.shape_cast %select_n3A_1900 : vector<1x64xf32> to vector<1x1x64xf32>
      %reduce_max3A_1902 = arith.constant dense<0xFF800000> : vector<1xf32>
      %reduce_max3A_1903 = vector.multi_reduction <maximumf>, %reduce_max3A_1901, %reduce_max3A_1902 [1, 2] : vector<1x1x64xf32> to vector<1xf32>
      %reduce_max3A_1904 = vector.shape_cast %reduce_max3A_1903 : vector<1xf32> to vector<1x1x1xf32>
      %reduce_max3A_1905 = vector.extract %reduce_max3A_1904[0, 0, 0] : f32 from vector<1x1x1xf32>
      %eq3A_1906 = vector.broadcast %reduce_max3A_1905 : f32 to vector<1x64xf32>
      %eq3A_1907 = arith.cmpf oeq, %select_n3A_1900, %eq3A_1906 : vector<1x64xf32>
      %jit3A_1908 = arith.constant 2147483647 : i32
      %broadcast_in_dim3A_1909 = vector.broadcast %jit3A_1908 : i32 to vector<1x64xi32>
      %select_n3A_1910 = arith.select %eq3A_1907, %concatenate3A_1142, %broadcast_in_dim3A_1909 : vector<1x64xi1>, vector<1x64xi32>
      %reduce_min3A_1911 = vector.shape_cast %select_n3A_1910 : vector<1x64xi32> to vector<1x1x64xi32>
      %reduce_min3A_1912 = arith.constant dense<2147483647> : vector<1xi32>
      %reduce_min3A_1913 = vector.multi_reduction <minsi>, %reduce_min3A_1911, %reduce_min3A_1912 [1, 2] : vector<1x1x64xi32> to vector<1xi32>
      %reduce_min3A_1914 = vector.shape_cast %reduce_min3A_1913 : vector<1xi32> to vector<1x1x1xi32>
      %reduce_min3A_1915 = vector.extract %reduce_min3A_1914[0, 0, 0] : i32 from vector<1x1x1xi32>
      %eq3A_1916 = arith.constant 26 : i32
      %eq3A_1917 = vector.broadcast %eq3A_1916 : i32 to vector<1x32xi32>
      %eq3A_1918 = arith.cmpi eq, %iota3A, %eq3A_1917 : vector<1x32xi32>
      %broadcast_in_dim3A_1919 = vector.broadcast %reduce_max3A_1905 : f32 to vector<1x32xf32>
      %select_n3A_1920 = arith.select %eq3A_1918, %broadcast_in_dim3A_1919, %select_n3A_1891 : vector<1x32xi1>, vector<1x32xf32>
      %eq3A_1921 = arith.constant 26 : i32
      %eq3A_1922 = vector.broadcast %eq3A_1921 : i32 to vector<1x32xi32>
      %eq3A_1923 = arith.cmpi eq, %iota3A, %eq3A_1922 : vector<1x32xi32>
      %broadcast_in_dim3A_1924 = vector.broadcast %reduce_min3A_1915 : i32 to vector<1x32xi32>
      %select_n3A_1925 = arith.select %eq3A_1923, %broadcast_in_dim3A_1924, %select_n3A_1896 : vector<1x32xi1>, vector<1x32xi32>
      %eq3A_1926 = vector.broadcast %reduce_min3A_1915 : i32 to vector<1x64xi32>
      %eq3A_1927 = arith.cmpi eq, %concatenate3A_1142, %eq3A_1926 : vector<1x64xi32>
      %broadcast_in_dim3A_1928 = vector.broadcast %while3A : f32 to vector<1x64xf32>
      %select_n3A_1929 = arith.select %eq3A_1927, %broadcast_in_dim3A_1928, %select_n3A_1900 : vector<1x64xi1>, vector<1x64xf32>
      %reduce_max3A_1930 = vector.shape_cast %select_n3A_1929 : vector<1x64xf32> to vector<1x1x64xf32>
      %reduce_max3A_1931 = arith.constant dense<0xFF800000> : vector<1xf32>
      %reduce_max3A_1932 = vector.multi_reduction <maximumf>, %reduce_max3A_1930, %reduce_max3A_1931 [1, 2] : vector<1x1x64xf32> to vector<1xf32>
      %reduce_max3A_1933 = vector.shape_cast %reduce_max3A_1932 : vector<1xf32> to vector<1x1x1xf32>
      %reduce_max3A_1934 = vector.extract %reduce_max3A_1933[0, 0, 0] : f32 from vector<1x1x1xf32>
      %eq3A_1935 = vector.broadcast %reduce_max3A_1934 : f32 to vector<1x64xf32>
      %eq3A_1936 = arith.cmpf oeq, %select_n3A_1929, %eq3A_1935 : vector<1x64xf32>
      %jit3A_1937 = arith.constant 2147483647 : i32
      %broadcast_in_dim3A_1938 = vector.broadcast %jit3A_1937 : i32 to vector<1x64xi32>
      %select_n3A_1939 = arith.select %eq3A_1936, %concatenate3A_1142, %broadcast_in_dim3A_1938 : vector<1x64xi1>, vector<1x64xi32>
      %reduce_min3A_1940 = vector.shape_cast %select_n3A_1939 : vector<1x64xi32> to vector<1x1x64xi32>
      %reduce_min3A_1941 = arith.constant dense<2147483647> : vector<1xi32>
      %reduce_min3A_1942 = vector.multi_reduction <minsi>, %reduce_min3A_1940, %reduce_min3A_1941 [1, 2] : vector<1x1x64xi32> to vector<1xi32>
      %reduce_min3A_1943 = vector.shape_cast %reduce_min3A_1942 : vector<1xi32> to vector<1x1x1xi32>
      %reduce_min3A_1944 = vector.extract %reduce_min3A_1943[0, 0, 0] : i32 from vector<1x1x1xi32>
      %eq3A_1945 = arith.constant 27 : i32
      %eq3A_1946 = vector.broadcast %eq3A_1945 : i32 to vector<1x32xi32>
      %eq3A_1947 = arith.cmpi eq, %iota3A, %eq3A_1946 : vector<1x32xi32>
      %broadcast_in_dim3A_1948 = vector.broadcast %reduce_max3A_1934 : f32 to vector<1x32xf32>
      %select_n3A_1949 = arith.select %eq3A_1947, %broadcast_in_dim3A_1948, %select_n3A_1920 : vector<1x32xi1>, vector<1x32xf32>
      %eq3A_1950 = arith.constant 27 : i32
      %eq3A_1951 = vector.broadcast %eq3A_1950 : i32 to vector<1x32xi32>
      %eq3A_1952 = arith.cmpi eq, %iota3A, %eq3A_1951 : vector<1x32xi32>
      %broadcast_in_dim3A_1953 = vector.broadcast %reduce_min3A_1944 : i32 to vector<1x32xi32>
      %select_n3A_1954 = arith.select %eq3A_1952, %broadcast_in_dim3A_1953, %select_n3A_1925 : vector<1x32xi1>, vector<1x32xi32>
      %eq3A_1955 = vector.broadcast %reduce_min3A_1944 : i32 to vector<1x64xi32>
      %eq3A_1956 = arith.cmpi eq, %concatenate3A_1142, %eq3A_1955 : vector<1x64xi32>
      %broadcast_in_dim3A_1957 = vector.broadcast %while3A : f32 to vector<1x64xf32>
      %select_n3A_1958 = arith.select %eq3A_1956, %broadcast_in_dim3A_1957, %select_n3A_1929 : vector<1x64xi1>, vector<1x64xf32>
      %reduce_max3A_1959 = vector.shape_cast %select_n3A_1958 : vector<1x64xf32> to vector<1x1x64xf32>
      %reduce_max3A_1960 = arith.constant dense<0xFF800000> : vector<1xf32>
      %reduce_max3A_1961 = vector.multi_reduction <maximumf>, %reduce_max3A_1959, %reduce_max3A_1960 [1, 2] : vector<1x1x64xf32> to vector<1xf32>
      %reduce_max3A_1962 = vector.shape_cast %reduce_max3A_1961 : vector<1xf32> to vector<1x1x1xf32>
      %reduce_max3A_1963 = vector.extract %reduce_max3A_1962[0, 0, 0] : f32 from vector<1x1x1xf32>
      %eq3A_1964 = vector.broadcast %reduce_max3A_1963 : f32 to vector<1x64xf32>
      %eq3A_1965 = arith.cmpf oeq, %select_n3A_1958, %eq3A_1964 : vector<1x64xf32>
      %jit3A_1966 = arith.constant 2147483647 : i32
      %broadcast_in_dim3A_1967 = vector.broadcast %jit3A_1966 : i32 to vector<1x64xi32>
      %select_n3A_1968 = arith.select %eq3A_1965, %concatenate3A_1142, %broadcast_in_dim3A_1967 : vector<1x64xi1>, vector<1x64xi32>
      %reduce_min3A_1969 = vector.shape_cast %select_n3A_1968 : vector<1x64xi32> to vector<1x1x64xi32>
      %reduce_min3A_1970 = arith.constant dense<2147483647> : vector<1xi32>
      %reduce_min3A_1971 = vector.multi_reduction <minsi>, %reduce_min3A_1969, %reduce_min3A_1970 [1, 2] : vector<1x1x64xi32> to vector<1xi32>
      %reduce_min3A_1972 = vector.shape_cast %reduce_min3A_1971 : vector<1xi32> to vector<1x1x1xi32>
      %reduce_min3A_1973 = vector.extract %reduce_min3A_1972[0, 0, 0] : i32 from vector<1x1x1xi32>
      %eq3A_1974 = arith.constant 28 : i32
      %eq3A_1975 = vector.broadcast %eq3A_1974 : i32 to vector<1x32xi32>
      %eq3A_1976 = arith.cmpi eq, %iota3A, %eq3A_1975 : vector<1x32xi32>
      %broadcast_in_dim3A_1977 = vector.broadcast %reduce_max3A_1963 : f32 to vector<1x32xf32>
      %select_n3A_1978 = arith.select %eq3A_1976, %broadcast_in_dim3A_1977, %select_n3A_1949 : vector<1x32xi1>, vector<1x32xf32>
      %eq3A_1979 = arith.constant 28 : i32
      %eq3A_1980 = vector.broadcast %eq3A_1979 : i32 to vector<1x32xi32>
      %eq3A_1981 = arith.cmpi eq, %iota3A, %eq3A_1980 : vector<1x32xi32>
      %broadcast_in_dim3A_1982 = vector.broadcast %reduce_min3A_1973 : i32 to vector<1x32xi32>
      %select_n3A_1983 = arith.select %eq3A_1981, %broadcast_in_dim3A_1982, %select_n3A_1954 : vector<1x32xi1>, vector<1x32xi32>
      %eq3A_1984 = vector.broadcast %reduce_min3A_1973 : i32 to vector<1x64xi32>
      %eq3A_1985 = arith.cmpi eq, %concatenate3A_1142, %eq3A_1984 : vector<1x64xi32>
      %broadcast_in_dim3A_1986 = vector.broadcast %while3A : f32 to vector<1x64xf32>
      %select_n3A_1987 = arith.select %eq3A_1985, %broadcast_in_dim3A_1986, %select_n3A_1958 : vector<1x64xi1>, vector<1x64xf32>
      %reduce_max3A_1988 = vector.shape_cast %select_n3A_1987 : vector<1x64xf32> to vector<1x1x64xf32>
      %reduce_max3A_1989 = arith.constant dense<0xFF800000> : vector<1xf32>
      %reduce_max3A_1990 = vector.multi_reduction <maximumf>, %reduce_max3A_1988, %reduce_max3A_1989 [1, 2] : vector<1x1x64xf32> to vector<1xf32>
      %reduce_max3A_1991 = vector.shape_cast %reduce_max3A_1990 : vector<1xf32> to vector<1x1x1xf32>
      %reduce_max3A_1992 = vector.extract %reduce_max3A_1991[0, 0, 0] : f32 from vector<1x1x1xf32>
      %eq3A_1993 = vector.broadcast %reduce_max3A_1992 : f32 to vector<1x64xf32>
      %eq3A_1994 = arith.cmpf oeq, %select_n3A_1987, %eq3A_1993 : vector<1x64xf32>
      %jit3A_1995 = arith.constant 2147483647 : i32
      %broadcast_in_dim3A_1996 = vector.broadcast %jit3A_1995 : i32 to vector<1x64xi32>
      %select_n3A_1997 = arith.select %eq3A_1994, %concatenate3A_1142, %broadcast_in_dim3A_1996 : vector<1x64xi1>, vector<1x64xi32>
      %reduce_min3A_1998 = vector.shape_cast %select_n3A_1997 : vector<1x64xi32> to vector<1x1x64xi32>
      %reduce_min3A_1999 = arith.constant dense<2147483647> : vector<1xi32>
      %reduce_min3A_2000 = vector.multi_reduction <minsi>, %reduce_min3A_1998, %reduce_min3A_1999 [1, 2] : vector<1x1x64xi32> to vector<1xi32>
      %reduce_min3A_2001 = vector.shape_cast %reduce_min3A_2000 : vector<1xi32> to vector<1x1x1xi32>
      %reduce_min3A_2002 = vector.extract %reduce_min3A_2001[0, 0, 0] : i32 from vector<1x1x1xi32>
      %eq3A_2003 = arith.constant 29 : i32
      %eq3A_2004 = vector.broadcast %eq3A_2003 : i32 to vector<1x32xi32>
      %eq3A_2005 = arith.cmpi eq, %iota3A, %eq3A_2004 : vector<1x32xi32>
      %broadcast_in_dim3A_2006 = vector.broadcast %reduce_max3A_1992 : f32 to vector<1x32xf32>
      %select_n3A_2007 = arith.select %eq3A_2005, %broadcast_in_dim3A_2006, %select_n3A_1978 : vector<1x32xi1>, vector<1x32xf32>
      %eq3A_2008 = arith.constant 29 : i32
      %eq3A_2009 = vector.broadcast %eq3A_2008 : i32 to vector<1x32xi32>
      %eq3A_2010 = arith.cmpi eq, %iota3A, %eq3A_2009 : vector<1x32xi32>
      %broadcast_in_dim3A_2011 = vector.broadcast %reduce_min3A_2002 : i32 to vector<1x32xi32>
      %select_n3A_2012 = arith.select %eq3A_2010, %broadcast_in_dim3A_2011, %select_n3A_1983 : vector<1x32xi1>, vector<1x32xi32>
      %eq3A_2013 = vector.broadcast %reduce_min3A_2002 : i32 to vector<1x64xi32>
      %eq3A_2014 = arith.cmpi eq, %concatenate3A_1142, %eq3A_2013 : vector<1x64xi32>
      %broadcast_in_dim3A_2015 = vector.broadcast %while3A : f32 to vector<1x64xf32>
      %select_n3A_2016 = arith.select %eq3A_2014, %broadcast_in_dim3A_2015, %select_n3A_1987 : vector<1x64xi1>, vector<1x64xf32>
      %reduce_max3A_2017 = vector.shape_cast %select_n3A_2016 : vector<1x64xf32> to vector<1x1x64xf32>
      %reduce_max3A_2018 = arith.constant dense<0xFF800000> : vector<1xf32>
      %reduce_max3A_2019 = vector.multi_reduction <maximumf>, %reduce_max3A_2017, %reduce_max3A_2018 [1, 2] : vector<1x1x64xf32> to vector<1xf32>
      %reduce_max3A_2020 = vector.shape_cast %reduce_max3A_2019 : vector<1xf32> to vector<1x1x1xf32>
      %reduce_max3A_2021 = vector.extract %reduce_max3A_2020[0, 0, 0] : f32 from vector<1x1x1xf32>
      %eq3A_2022 = vector.broadcast %reduce_max3A_2021 : f32 to vector<1x64xf32>
      %eq3A_2023 = arith.cmpf oeq, %select_n3A_2016, %eq3A_2022 : vector<1x64xf32>
      %jit3A_2024 = arith.constant 2147483647 : i32
      %broadcast_in_dim3A_2025 = vector.broadcast %jit3A_2024 : i32 to vector<1x64xi32>
      %select_n3A_2026 = arith.select %eq3A_2023, %concatenate3A_1142, %broadcast_in_dim3A_2025 : vector<1x64xi1>, vector<1x64xi32>
      %reduce_min3A_2027 = vector.shape_cast %select_n3A_2026 : vector<1x64xi32> to vector<1x1x64xi32>
      %reduce_min3A_2028 = arith.constant dense<2147483647> : vector<1xi32>
      %reduce_min3A_2029 = vector.multi_reduction <minsi>, %reduce_min3A_2027, %reduce_min3A_2028 [1, 2] : vector<1x1x64xi32> to vector<1xi32>
      %reduce_min3A_2030 = vector.shape_cast %reduce_min3A_2029 : vector<1xi32> to vector<1x1x1xi32>
      %reduce_min3A_2031 = vector.extract %reduce_min3A_2030[0, 0, 0] : i32 from vector<1x1x1xi32>
      %eq3A_2032 = arith.constant 30 : i32
      %eq3A_2033 = vector.broadcast %eq3A_2032 : i32 to vector<1x32xi32>
      %eq3A_2034 = arith.cmpi eq, %iota3A, %eq3A_2033 : vector<1x32xi32>
      %broadcast_in_dim3A_2035 = vector.broadcast %reduce_max3A_2021 : f32 to vector<1x32xf32>
      %select_n3A_2036 = arith.select %eq3A_2034, %broadcast_in_dim3A_2035, %select_n3A_2007 : vector<1x32xi1>, vector<1x32xf32>
      %eq3A_2037 = arith.constant 30 : i32
      %eq3A_2038 = vector.broadcast %eq3A_2037 : i32 to vector<1x32xi32>
      %eq3A_2039 = arith.cmpi eq, %iota3A, %eq3A_2038 : vector<1x32xi32>
      %broadcast_in_dim3A_2040 = vector.broadcast %reduce_min3A_2031 : i32 to vector<1x32xi32>
      %select_n3A_2041 = arith.select %eq3A_2039, %broadcast_in_dim3A_2040, %select_n3A_2012 : vector<1x32xi1>, vector<1x32xi32>
      %eq3A_2042 = vector.broadcast %reduce_min3A_2031 : i32 to vector<1x64xi32>
      %eq3A_2043 = arith.cmpi eq, %concatenate3A_1142, %eq3A_2042 : vector<1x64xi32>
      %broadcast_in_dim3A_2044 = vector.broadcast %while3A : f32 to vector<1x64xf32>
      %select_n3A_2045 = arith.select %eq3A_2043, %broadcast_in_dim3A_2044, %select_n3A_2016 : vector<1x64xi1>, vector<1x64xf32>
      %reduce_max3A_2046 = vector.shape_cast %select_n3A_2045 : vector<1x64xf32> to vector<1x1x64xf32>
      %reduce_max3A_2047 = arith.constant dense<0xFF800000> : vector<1xf32>
      %reduce_max3A_2048 = vector.multi_reduction <maximumf>, %reduce_max3A_2046, %reduce_max3A_2047 [1, 2] : vector<1x1x64xf32> to vector<1xf32>
      %reduce_max3A_2049 = vector.shape_cast %reduce_max3A_2048 : vector<1xf32> to vector<1x1x1xf32>
      %reduce_max3A_2050 = vector.extract %reduce_max3A_2049[0, 0, 0] : f32 from vector<1x1x1xf32>
      %eq3A_2051 = vector.broadcast %reduce_max3A_2050 : f32 to vector<1x64xf32>
      %eq3A_2052 = arith.cmpf oeq, %select_n3A_2045, %eq3A_2051 : vector<1x64xf32>
      %jit3A_2053 = arith.constant 2147483647 : i32
      %broadcast_in_dim3A_2054 = vector.broadcast %jit3A_2053 : i32 to vector<1x64xi32>
      %select_n3A_2055 = arith.select %eq3A_2052, %concatenate3A_1142, %broadcast_in_dim3A_2054 : vector<1x64xi1>, vector<1x64xi32>
      %reduce_min3A_2056 = vector.shape_cast %select_n3A_2055 : vector<1x64xi32> to vector<1x1x64xi32>
      %reduce_min3A_2057 = arith.constant dense<2147483647> : vector<1xi32>
      %reduce_min3A_2058 = vector.multi_reduction <minsi>, %reduce_min3A_2056, %reduce_min3A_2057 [1, 2] : vector<1x1x64xi32> to vector<1xi32>
      %reduce_min3A_2059 = vector.shape_cast %reduce_min3A_2058 : vector<1xi32> to vector<1x1x1xi32>
      %reduce_min3A_2060 = vector.extract %reduce_min3A_2059[0, 0, 0] : i32 from vector<1x1x1xi32>
      %eq3A_2061 = arith.constant 31 : i32
      %eq3A_2062 = vector.broadcast %eq3A_2061 : i32 to vector<1x32xi32>
      %eq3A_2063 = arith.cmpi eq, %iota3A, %eq3A_2062 : vector<1x32xi32>
      %broadcast_in_dim3A_2064 = vector.broadcast %reduce_max3A_2050 : f32 to vector<1x32xf32>
      %select_n3A_2065 = arith.select %eq3A_2063, %broadcast_in_dim3A_2064, %select_n3A_2036 : vector<1x32xi1>, vector<1x32xf32>
      %eq3A_2066 = arith.constant 31 : i32
      %eq3A_2067 = vector.broadcast %eq3A_2066 : i32 to vector<1x32xi32>
      %eq3A_2068 = arith.cmpi eq, %iota3A, %eq3A_2067 : vector<1x32xi32>
      %broadcast_in_dim3A_2069 = vector.broadcast %reduce_min3A_2060 : i32 to vector<1x32xi32>
      %select_n3A_2070 = arith.select %eq3A_2068, %broadcast_in_dim3A_2069, %select_n3A_2041 : vector<1x32xi1>, vector<1x32xi32>
      %eq3A_2071 = vector.broadcast %reduce_min3A_2060 : i32 to vector<1x64xi32>
      %eq3A_2072 = arith.cmpi eq, %concatenate3A_1142, %eq3A_2071 : vector<1x64xi32>
      %broadcast_in_dim3A_2073 = vector.broadcast %while3A : f32 to vector<1x64xf32>
      %select_n3A_2074 = arith.select %eq3A_2072, %broadcast_in_dim3A_2073, %select_n3A_2045 : vector<1x64xi1>, vector<1x64xf32>
      scf.yield %select_n3A_2065, %select_n3A_2070 : vector<1x32xf32>, vector<1x32xi32>
    }
    %while3A_67 = arith.constant 1 : i32
    %while3A_68:2 = scf.for %while3A_90 = %while3A_64 to %while3A_60 step %while3A_67 iter_args(%while3A_91 = %while3A_66#0, %while3A_92 = %while3A_66#1) -> (vector<1x32xf32>, vector<1x32xi32>)  : i32 {
      %mul3A_93 = arith.constant 8 : i32
      %mul3A_94 = arith.muli %while3A_90, %mul3A_93 : i32
      %add3A_95 = arith.addi %multiple_of3A, %mul3A_94 : i32
      %mul3A_96 = arith.constant 512 : i32
      %mul3A_97 = arith.muli %add3A_95, %mul3A_96 : i32
      %mul3A_98 = arith.constant 8 : i32
      %mul3A_99 = arith.muli %while3A_90, %mul3A_98 : i32
      %add3A_100 = arith.addi %multiple_of3A, %mul3A_99 : i32
      %get3A_101 = arith.index_cast %add3A_100 : i32 to index
      %get3A_102 = arith.constant 0 : index
      %get3A_103 = vector.load %arg2[%get3A_101, %get3A_102] : memref<106x512xf32, #tpu.memory_space<vmem>>, vector<8x512xf32>
      %iota3A_104 = tpu.iota {dimensions = array<i32: 0>} : vector<8x512xi32>
      %mul3A_105 = arith.constant 512 : i32
      %mul3A_106 = vector.broadcast %mul3A_105 : i32 to vector<8x512xi32>
      %mul3A_107 = arith.muli %iota3A_104, %mul3A_106 : vector<8x512xi32>
      %add3A_108 = vector.broadcast %mul3A_97 : i32 to vector<8x512xi32>
      %add3A_109 = arith.addi %add3A_108, %mul3A_107 : vector<8x512xi32>
      %iota3A_110 = tpu.iota {dimensions = array<i32: 1>} : vector<8x512xi32>
      %add3A_111 = arith.addi %add3A_109, %iota3A_110 : vector<8x512xi32>
      %ge3A = vector.broadcast %get3A_1 : i32 to vector<8x512xi32>
      %ge3A_112 = arith.cmpi sge, %add3A_111, %ge3A : vector<8x512xi32>
      %lt3A = vector.broadcast %get3A_5 : i32 to vector<8x512xi32>
      %lt3A_113 = arith.cmpi slt, %add3A_111, %lt3A : vector<8x512xi32>
      %and3A_114 = arith.andi %ge3A_112, %lt3A_113 : vector<8x512xi1>
      %broadcast_in_dim3A_115 = vector.broadcast %while3A : f32 to vector<8x512xf32>
      %select_n3A_116 = arith.select %and3A_114, %get3A_103, %broadcast_in_dim3A_115 : vector<8x512xi1>, vector<8x512xf32>
      %broadcast_in_dim3A_117 = vector.broadcast %while3A : f32 to vector<1x32xf32>
      %add3A_118 = arith.constant 1073741856 : i32
      %add3A_119 = vector.broadcast %add3A_118 : i32 to vector<1x32xi32>
      %add3A_120 = arith.addi %add3A_119, %iota3A : vector<1x32xi32>
      %reduce_max3A = vector.shape_cast %select_n3A_116 : vector<8x512xf32> to vector<1x8x512xf32>
      %reduce_max3A_121 = arith.constant dense<0xFF800000> : vector<1xf32>
      %reduce_max3A_122 = vector.multi_reduction <maximumf>, %reduce_max3A, %reduce_max3A_121 [1, 2] : vector<1x8x512xf32> to vector<1xf32>
      %reduce_max3A_123 = vector.shape_cast %reduce_max3A_122 : vector<1xf32> to vector<1x1x1xf32>
      %reduce_max3A_124 = vector.extract %reduce_max3A_123[0, 0, 0] : f32 from vector<1x1x1xf32>
      %eq3A = vector.broadcast %reduce_max3A_124 : f32 to vector<8x512xf32>
      %eq3A_125 = arith.cmpf oeq, %select_n3A_116, %eq3A : vector<8x512xf32>
      %jit3A_126 = arith.constant 1073741824 : i32
      %broadcast_in_dim3A_127 = vector.broadcast %jit3A_126 : i32 to vector<8x512xi32>
      %select_n3A_128 = arith.select %eq3A_125, %add3A_111, %broadcast_in_dim3A_127 : vector<8x512xi1>, vector<8x512xi32>
      %reduce_min3A = vector.shape_cast %select_n3A_128 : vector<8x512xi32> to vector<1x8x512xi32>
      %reduce_min3A_129 = arith.constant dense<2147483647> : vector<1xi32>
      %reduce_min3A_130 = vector.multi_reduction <minsi>, %reduce_min3A, %reduce_min3A_129 [1, 2] : vector<1x8x512xi32> to vector<1xi32>
      %reduce_min3A_131 = vector.shape_cast %reduce_min3A_130 : vector<1xi32> to vector<1x1x1xi32>
      %reduce_min3A_132 = vector.extract %reduce_min3A_131[0, 0, 0] : i32 from vector<1x1x1xi32>
      %eq3A_133 = arith.constant 0 : i32
      %eq3A_134 = vector.broadcast %eq3A_133 : i32 to vector<1x32xi32>
      %eq3A_135 = arith.cmpi eq, %iota3A, %eq3A_134 : vector<1x32xi32>
      %broadcast_in_dim3A_136 = vector.broadcast %reduce_max3A_124 : f32 to vector<1x32xf32>
      %select_n3A_137 = arith.select %eq3A_135, %broadcast_in_dim3A_136, %broadcast_in_dim3A_117 : vector<1x32xi1>, vector<1x32xf32>
      %eq3A_138 = arith.constant 0 : i32
      %eq3A_139 = vector.broadcast %eq3A_138 : i32 to vector<1x32xi32>
      %eq3A_140 = arith.cmpi eq, %iota3A, %eq3A_139 : vector<1x32xi32>
      %gt3A_141 = arith.cmpf ogt, %reduce_max3A_124, %while3A : f32
      %jit3A_142 = arith.constant 1073741856 : i32
      %select_n3A_143 = arith.select %gt3A_141, %reduce_min3A_132, %jit3A_142 : i32
      %broadcast_in_dim3A_144 = vector.broadcast %select_n3A_143 : i32 to vector<1x32xi32>
      %select_n3A_145 = arith.select %eq3A_140, %broadcast_in_dim3A_144, %add3A_120 : vector<1x32xi1>, vector<1x32xi32>
      %eq3A_146 = vector.broadcast %reduce_min3A_132 : i32 to vector<8x512xi32>
      %eq3A_147 = arith.cmpi eq, %add3A_111, %eq3A_146 : vector<8x512xi32>
      %broadcast_in_dim3A_148 = vector.broadcast %while3A : f32 to vector<8x512xf32>
      %select_n3A_149 = arith.select %eq3A_147, %broadcast_in_dim3A_148, %select_n3A_116 : vector<8x512xi1>, vector<8x512xf32>
      %reduce_max3A_150 = vector.shape_cast %select_n3A_149 : vector<8x512xf32> to vector<1x8x512xf32>
      %reduce_max3A_151 = arith.constant dense<0xFF800000> : vector<1xf32>
      %reduce_max3A_152 = vector.multi_reduction <maximumf>, %reduce_max3A_150, %reduce_max3A_151 [1, 2] : vector<1x8x512xf32> to vector<1xf32>
      %reduce_max3A_153 = vector.shape_cast %reduce_max3A_152 : vector<1xf32> to vector<1x1x1xf32>
      %reduce_max3A_154 = vector.extract %reduce_max3A_153[0, 0, 0] : f32 from vector<1x1x1xf32>
      %eq3A_155 = vector.broadcast %reduce_max3A_154 : f32 to vector<8x512xf32>
      %eq3A_156 = arith.cmpf oeq, %select_n3A_149, %eq3A_155 : vector<8x512xf32>
      %jit3A_157 = arith.constant 1073741824 : i32
      %broadcast_in_dim3A_158 = vector.broadcast %jit3A_157 : i32 to vector<8x512xi32>
      %select_n3A_159 = arith.select %eq3A_156, %add3A_111, %broadcast_in_dim3A_158 : vector<8x512xi1>, vector<8x512xi32>
      %reduce_min3A_160 = vector.shape_cast %select_n3A_159 : vector<8x512xi32> to vector<1x8x512xi32>
      %reduce_min3A_161 = arith.constant dense<2147483647> : vector<1xi32>
      %reduce_min3A_162 = vector.multi_reduction <minsi>, %reduce_min3A_160, %reduce_min3A_161 [1, 2] : vector<1x8x512xi32> to vector<1xi32>
      %reduce_min3A_163 = vector.shape_cast %reduce_min3A_162 : vector<1xi32> to vector<1x1x1xi32>
      %reduce_min3A_164 = vector.extract %reduce_min3A_163[0, 0, 0] : i32 from vector<1x1x1xi32>
      %eq3A_165 = arith.constant 1 : i32
      %eq3A_166 = vector.broadcast %eq3A_165 : i32 to vector<1x32xi32>
      %eq3A_167 = arith.cmpi eq, %iota3A, %eq3A_166 : vector<1x32xi32>
      %broadcast_in_dim3A_168 = vector.broadcast %reduce_max3A_154 : f32 to vector<1x32xf32>
      %select_n3A_169 = arith.select %eq3A_167, %broadcast_in_dim3A_168, %select_n3A_137 : vector<1x32xi1>, vector<1x32xf32>
      %eq3A_170 = arith.constant 1 : i32
      %eq3A_171 = vector.broadcast %eq3A_170 : i32 to vector<1x32xi32>
      %eq3A_172 = arith.cmpi eq, %iota3A, %eq3A_171 : vector<1x32xi32>
      %gt3A_173 = arith.cmpf ogt, %reduce_max3A_154, %while3A : f32
      %jit3A_174 = arith.constant 1073741857 : i32
      %select_n3A_175 = arith.select %gt3A_173, %reduce_min3A_164, %jit3A_174 : i32
      %broadcast_in_dim3A_176 = vector.broadcast %select_n3A_175 : i32 to vector<1x32xi32>
      %select_n3A_177 = arith.select %eq3A_172, %broadcast_in_dim3A_176, %select_n3A_145 : vector<1x32xi1>, vector<1x32xi32>
      %eq3A_178 = vector.broadcast %reduce_min3A_164 : i32 to vector<8x512xi32>
      %eq3A_179 = arith.cmpi eq, %add3A_111, %eq3A_178 : vector<8x512xi32>
      %broadcast_in_dim3A_180 = vector.broadcast %while3A : f32 to vector<8x512xf32>
      %select_n3A_181 = arith.select %eq3A_179, %broadcast_in_dim3A_180, %select_n3A_149 : vector<8x512xi1>, vector<8x512xf32>
      %reduce_max3A_182 = vector.shape_cast %select_n3A_181 : vector<8x512xf32> to vector<1x8x512xf32>
      %reduce_max3A_183 = arith.constant dense<0xFF800000> : vector<1xf32>
      %reduce_max3A_184 = vector.multi_reduction <maximumf>, %reduce_max3A_182, %reduce_max3A_183 [1, 2] : vector<1x8x512xf32> to vector<1xf32>
      %reduce_max3A_185 = vector.shape_cast %reduce_max3A_184 : vector<1xf32> to vector<1x1x1xf32>
      %reduce_max3A_186 = vector.extract %reduce_max3A_185[0, 0, 0] : f32 from vector<1x1x1xf32>
      %eq3A_187 = vector.broadcast %reduce_max3A_186 : f32 to vector<8x512xf32>
      %eq3A_188 = arith.cmpf oeq, %select_n3A_181, %eq3A_187 : vector<8x512xf32>
      %jit3A_189 = arith.constant 1073741824 : i32
      %broadcast_in_dim3A_190 = vector.broadcast %jit3A_189 : i32 to vector<8x512xi32>
      %select_n3A_191 = arith.select %eq3A_188, %add3A_111, %broadcast_in_dim3A_190 : vector<8x512xi1>, vector<8x512xi32>
      %reduce_min3A_192 = vector.shape_cast %select_n3A_191 : vector<8x512xi32> to vector<1x8x512xi32>
      %reduce_min3A_193 = arith.constant dense<2147483647> : vector<1xi32>
      %reduce_min3A_194 = vector.multi_reduction <minsi>, %reduce_min3A_192, %reduce_min3A_193 [1, 2] : vector<1x8x512xi32> to vector<1xi32>
      %reduce_min3A_195 = vector.shape_cast %reduce_min3A_194 : vector<1xi32> to vector<1x1x1xi32>
      %reduce_min3A_196 = vector.extract %reduce_min3A_195[0, 0, 0] : i32 from vector<1x1x1xi32>
      %eq3A_197 = arith.constant 2 : i32
      %eq3A_198 = vector.broadcast %eq3A_197 : i32 to vector<1x32xi32>
      %eq3A_199 = arith.cmpi eq, %iota3A, %eq3A_198 : vector<1x32xi32>
      %broadcast_in_dim3A_200 = vector.broadcast %reduce_max3A_186 : f32 to vector<1x32xf32>
      %select_n3A_201 = arith.select %eq3A_199, %broadcast_in_dim3A_200, %select_n3A_169 : vector<1x32xi1>, vector<1x32xf32>
      %eq3A_202 = arith.constant 2 : i32
      %eq3A_203 = vector.broadcast %eq3A_202 : i32 to vector<1x32xi32>
      %eq3A_204 = arith.cmpi eq, %iota3A, %eq3A_203 : vector<1x32xi32>
      %gt3A_205 = arith.cmpf ogt, %reduce_max3A_186, %while3A : f32
      %jit3A_206 = arith.constant 1073741858 : i32
      %select_n3A_207 = arith.select %gt3A_205, %reduce_min3A_196, %jit3A_206 : i32
      %broadcast_in_dim3A_208 = vector.broadcast %select_n3A_207 : i32 to vector<1x32xi32>
      %select_n3A_209 = arith.select %eq3A_204, %broadcast_in_dim3A_208, %select_n3A_177 : vector<1x32xi1>, vector<1x32xi32>
      %eq3A_210 = vector.broadcast %reduce_min3A_196 : i32 to vector<8x512xi32>
      %eq3A_211 = arith.cmpi eq, %add3A_111, %eq3A_210 : vector<8x512xi32>
      %broadcast_in_dim3A_212 = vector.broadcast %while3A : f32 to vector<8x512xf32>
      %select_n3A_213 = arith.select %eq3A_211, %broadcast_in_dim3A_212, %select_n3A_181 : vector<8x512xi1>, vector<8x512xf32>
      %reduce_max3A_214 = vector.shape_cast %select_n3A_213 : vector<8x512xf32> to vector<1x8x512xf32>
      %reduce_max3A_215 = arith.constant dense<0xFF800000> : vector<1xf32>
      %reduce_max3A_216 = vector.multi_reduction <maximumf>, %reduce_max3A_214, %reduce_max3A_215 [1, 2] : vector<1x8x512xf32> to vector<1xf32>
      %reduce_max3A_217 = vector.shape_cast %reduce_max3A_216 : vector<1xf32> to vector<1x1x1xf32>
      %reduce_max3A_218 = vector.extract %reduce_max3A_217[0, 0, 0] : f32 from vector<1x1x1xf32>
      %eq3A_219 = vector.broadcast %reduce_max3A_218 : f32 to vector<8x512xf32>
      %eq3A_220 = arith.cmpf oeq, %select_n3A_213, %eq3A_219 : vector<8x512xf32>
      %jit3A_221 = arith.constant 1073741824 : i32
      %broadcast_in_dim3A_222 = vector.broadcast %jit3A_221 : i32 to vector<8x512xi32>
      %select_n3A_223 = arith.select %eq3A_220, %add3A_111, %broadcast_in_dim3A_222 : vector<8x512xi1>, vector<8x512xi32>
      %reduce_min3A_224 = vector.shape_cast %select_n3A_223 : vector<8x512xi32> to vector<1x8x512xi32>
      %reduce_min3A_225 = arith.constant dense<2147483647> : vector<1xi32>
      %reduce_min3A_226 = vector.multi_reduction <minsi>, %reduce_min3A_224, %reduce_min3A_225 [1, 2] : vector<1x8x512xi32> to vector<1xi32>
      %reduce_min3A_227 = vector.shape_cast %reduce_min3A_226 : vector<1xi32> to vector<1x1x1xi32>
      %reduce_min3A_228 = vector.extract %reduce_min3A_227[0, 0, 0] : i32 from vector<1x1x1xi32>
      %eq3A_229 = arith.constant 3 : i32
      %eq3A_230 = vector.broadcast %eq3A_229 : i32 to vector<1x32xi32>
      %eq3A_231 = arith.cmpi eq, %iota3A, %eq3A_230 : vector<1x32xi32>
      %broadcast_in_dim3A_232 = vector.broadcast %reduce_max3A_218 : f32 to vector<1x32xf32>
      %select_n3A_233 = arith.select %eq3A_231, %broadcast_in_dim3A_232, %select_n3A_201 : vector<1x32xi1>, vector<1x32xf32>
      %eq3A_234 = arith.constant 3 : i32
      %eq3A_235 = vector.broadcast %eq3A_234 : i32 to vector<1x32xi32>
      %eq3A_236 = arith.cmpi eq, %iota3A, %eq3A_235 : vector<1x32xi32>
      %gt3A_237 = arith.cmpf ogt, %reduce_max3A_218, %while3A : f32
      %jit3A_238 = arith.constant 1073741859 : i32
      %select_n3A_239 = arith.select %gt3A_237, %reduce_min3A_228, %jit3A_238 : i32
      %broadcast_in_dim3A_240 = vector.broadcast %select_n3A_239 : i32 to vector<1x32xi32>
      %select_n3A_241 = arith.select %eq3A_236, %broadcast_in_dim3A_240, %select_n3A_209 : vector<1x32xi1>, vector<1x32xi32>
      %eq3A_242 = vector.broadcast %reduce_min3A_228 : i32 to vector<8x512xi32>
      %eq3A_243 = arith.cmpi eq, %add3A_111, %eq3A_242 : vector<8x512xi32>
      %broadcast_in_dim3A_244 = vector.broadcast %while3A : f32 to vector<8x512xf32>
      %select_n3A_245 = arith.select %eq3A_243, %broadcast_in_dim3A_244, %select_n3A_213 : vector<8x512xi1>, vector<8x512xf32>
      %reduce_max3A_246 = vector.shape_cast %select_n3A_245 : vector<8x512xf32> to vector<1x8x512xf32>
      %reduce_max3A_247 = arith.constant dense<0xFF800000> : vector<1xf32>
      %reduce_max3A_248 = vector.multi_reduction <maximumf>, %reduce_max3A_246, %reduce_max3A_247 [1, 2] : vector<1x8x512xf32> to vector<1xf32>
      %reduce_max3A_249 = vector.shape_cast %reduce_max3A_248 : vector<1xf32> to vector<1x1x1xf32>
      %reduce_max3A_250 = vector.extract %reduce_max3A_249[0, 0, 0] : f32 from vector<1x1x1xf32>
      %eq3A_251 = vector.broadcast %reduce_max3A_250 : f32 to vector<8x512xf32>
      %eq3A_252 = arith.cmpf oeq, %select_n3A_245, %eq3A_251 : vector<8x512xf32>
      %jit3A_253 = arith.constant 1073741824 : i32
      %broadcast_in_dim3A_254 = vector.broadcast %jit3A_253 : i32 to vector<8x512xi32>
      %select_n3A_255 = arith.select %eq3A_252, %add3A_111, %broadcast_in_dim3A_254 : vector<8x512xi1>, vector<8x512xi32>
      %reduce_min3A_256 = vector.shape_cast %select_n3A_255 : vector<8x512xi32> to vector<1x8x512xi32>
      %reduce_min3A_257 = arith.constant dense<2147483647> : vector<1xi32>
      %reduce_min3A_258 = vector.multi_reduction <minsi>, %reduce_min3A_256, %reduce_min3A_257 [1, 2] : vector<1x8x512xi32> to vector<1xi32>
      %reduce_min3A_259 = vector.shape_cast %reduce_min3A_258 : vector<1xi32> to vector<1x1x1xi32>
      %reduce_min3A_260 = vector.extract %reduce_min3A_259[0, 0, 0] : i32 from vector<1x1x1xi32>
      %eq3A_261 = arith.constant 4 : i32
      %eq3A_262 = vector.broadcast %eq3A_261 : i32 to vector<1x32xi32>
      %eq3A_263 = arith.cmpi eq, %iota3A, %eq3A_262 : vector<1x32xi32>
      %broadcast_in_dim3A_264 = vector.broadcast %reduce_max3A_250 : f32 to vector<1x32xf32>
      %select_n3A_265 = arith.select %eq3A_263, %broadcast_in_dim3A_264, %select_n3A_233 : vector<1x32xi1>, vector<1x32xf32>
      %eq3A_266 = arith.constant 4 : i32
      %eq3A_267 = vector.broadcast %eq3A_266 : i32 to vector<1x32xi32>
      %eq3A_268 = arith.cmpi eq, %iota3A, %eq3A_267 : vector<1x32xi32>
      %gt3A_269 = arith.cmpf ogt, %reduce_max3A_250, %while3A : f32
      %jit3A_270 = arith.constant 1073741860 : i32
      %select_n3A_271 = arith.select %gt3A_269, %reduce_min3A_260, %jit3A_270 : i32
      %broadcast_in_dim3A_272 = vector.broadcast %select_n3A_271 : i32 to vector<1x32xi32>
      %select_n3A_273 = arith.select %eq3A_268, %broadcast_in_dim3A_272, %select_n3A_241 : vector<1x32xi1>, vector<1x32xi32>
      %eq3A_274 = vector.broadcast %reduce_min3A_260 : i32 to vector<8x512xi32>
      %eq3A_275 = arith.cmpi eq, %add3A_111, %eq3A_274 : vector<8x512xi32>
      %broadcast_in_dim3A_276 = vector.broadcast %while3A : f32 to vector<8x512xf32>
      %select_n3A_277 = arith.select %eq3A_275, %broadcast_in_dim3A_276, %select_n3A_245 : vector<8x512xi1>, vector<8x512xf32>
      %reduce_max3A_278 = vector.shape_cast %select_n3A_277 : vector<8x512xf32> to vector<1x8x512xf32>
      %reduce_max3A_279 = arith.constant dense<0xFF800000> : vector<1xf32>
      %reduce_max3A_280 = vector.multi_reduction <maximumf>, %reduce_max3A_278, %reduce_max3A_279 [1, 2] : vector<1x8x512xf32> to vector<1xf32>
      %reduce_max3A_281 = vector.shape_cast %reduce_max3A_280 : vector<1xf32> to vector<1x1x1xf32>
      %reduce_max3A_282 = vector.extract %reduce_max3A_281[0, 0, 0] : f32 from vector<1x1x1xf32>
      %eq3A_283 = vector.broadcast %reduce_max3A_282 : f32 to vector<8x512xf32>
      %eq3A_284 = arith.cmpf oeq, %select_n3A_277, %eq3A_283 : vector<8x512xf32>
      %jit3A_285 = arith.constant 1073741824 : i32
      %broadcast_in_dim3A_286 = vector.broadcast %jit3A_285 : i32 to vector<8x512xi32>
      %select_n3A_287 = arith.select %eq3A_284, %add3A_111, %broadcast_in_dim3A_286 : vector<8x512xi1>, vector<8x512xi32>
      %reduce_min3A_288 = vector.shape_cast %select_n3A_287 : vector<8x512xi32> to vector<1x8x512xi32>
      %reduce_min3A_289 = arith.constant dense<2147483647> : vector<1xi32>
      %reduce_min3A_290 = vector.multi_reduction <minsi>, %reduce_min3A_288, %reduce_min3A_289 [1, 2] : vector<1x8x512xi32> to vector<1xi32>
      %reduce_min3A_291 = vector.shape_cast %reduce_min3A_290 : vector<1xi32> to vector<1x1x1xi32>
      %reduce_min3A_292 = vector.extract %reduce_min3A_291[0, 0, 0] : i32 from vector<1x1x1xi32>
      %eq3A_293 = arith.constant 5 : i32
      %eq3A_294 = vector.broadcast %eq3A_293 : i32 to vector<1x32xi32>
      %eq3A_295 = arith.cmpi eq, %iota3A, %eq3A_294 : vector<1x32xi32>
      %broadcast_in_dim3A_296 = vector.broadcast %reduce_max3A_282 : f32 to vector<1x32xf32>
      %select_n3A_297 = arith.select %eq3A_295, %broadcast_in_dim3A_296, %select_n3A_265 : vector<1x32xi1>, vector<1x32xf32>
      %eq3A_298 = arith.constant 5 : i32
      %eq3A_299 = vector.broadcast %eq3A_298 : i32 to vector<1x32xi32>
      %eq3A_300 = arith.cmpi eq, %iota3A, %eq3A_299 : vector<1x32xi32>
      %gt3A_301 = arith.cmpf ogt, %reduce_max3A_282, %while3A : f32
      %jit3A_302 = arith.constant 1073741861 : i32
      %select_n3A_303 = arith.select %gt3A_301, %reduce_min3A_292, %jit3A_302 : i32
      %broadcast_in_dim3A_304 = vector.broadcast %select_n3A_303 : i32 to vector<1x32xi32>
      %select_n3A_305 = arith.select %eq3A_300, %broadcast_in_dim3A_304, %select_n3A_273 : vector<1x32xi1>, vector<1x32xi32>
      %eq3A_306 = vector.broadcast %reduce_min3A_292 : i32 to vector<8x512xi32>
      %eq3A_307 = arith.cmpi eq, %add3A_111, %eq3A_306 : vector<8x512xi32>
      %broadcast_in_dim3A_308 = vector.broadcast %while3A : f32 to vector<8x512xf32>
      %select_n3A_309 = arith.select %eq3A_307, %broadcast_in_dim3A_308, %select_n3A_277 : vector<8x512xi1>, vector<8x512xf32>
      %reduce_max3A_310 = vector.shape_cast %select_n3A_309 : vector<8x512xf32> to vector<1x8x512xf32>
      %reduce_max3A_311 = arith.constant dense<0xFF800000> : vector<1xf32>
      %reduce_max3A_312 = vector.multi_reduction <maximumf>, %reduce_max3A_310, %reduce_max3A_311 [1, 2] : vector<1x8x512xf32> to vector<1xf32>
      %reduce_max3A_313 = vector.shape_cast %reduce_max3A_312 : vector<1xf32> to vector<1x1x1xf32>
      %reduce_max3A_314 = vector.extract %reduce_max3A_313[0, 0, 0] : f32 from vector<1x1x1xf32>
      %eq3A_315 = vector.broadcast %reduce_max3A_314 : f32 to vector<8x512xf32>
      %eq3A_316 = arith.cmpf oeq, %select_n3A_309, %eq3A_315 : vector<8x512xf32>
      %jit3A_317 = arith.constant 1073741824 : i32
      %broadcast_in_dim3A_318 = vector.broadcast %jit3A_317 : i32 to vector<8x512xi32>
      %select_n3A_319 = arith.select %eq3A_316, %add3A_111, %broadcast_in_dim3A_318 : vector<8x512xi1>, vector<8x512xi32>
      %reduce_min3A_320 = vector.shape_cast %select_n3A_319 : vector<8x512xi32> to vector<1x8x512xi32>
      %reduce_min3A_321 = arith.constant dense<2147483647> : vector<1xi32>
      %reduce_min3A_322 = vector.multi_reduction <minsi>, %reduce_min3A_320, %reduce_min3A_321 [1, 2] : vector<1x8x512xi32> to vector<1xi32>
      %reduce_min3A_323 = vector.shape_cast %reduce_min3A_322 : vector<1xi32> to vector<1x1x1xi32>
      %reduce_min3A_324 = vector.extract %reduce_min3A_323[0, 0, 0] : i32 from vector<1x1x1xi32>
      %eq3A_325 = arith.constant 6 : i32
      %eq3A_326 = vector.broadcast %eq3A_325 : i32 to vector<1x32xi32>
      %eq3A_327 = arith.cmpi eq, %iota3A, %eq3A_326 : vector<1x32xi32>
      %broadcast_in_dim3A_328 = vector.broadcast %reduce_max3A_314 : f32 to vector<1x32xf32>
      %select_n3A_329 = arith.select %eq3A_327, %broadcast_in_dim3A_328, %select_n3A_297 : vector<1x32xi1>, vector<1x32xf32>
      %eq3A_330 = arith.constant 6 : i32
      %eq3A_331 = vector.broadcast %eq3A_330 : i32 to vector<1x32xi32>
      %eq3A_332 = arith.cmpi eq, %iota3A, %eq3A_331 : vector<1x32xi32>
      %gt3A_333 = arith.cmpf ogt, %reduce_max3A_314, %while3A : f32
      %jit3A_334 = arith.constant 1073741862 : i32
      %select_n3A_335 = arith.select %gt3A_333, %reduce_min3A_324, %jit3A_334 : i32
      %broadcast_in_dim3A_336 = vector.broadcast %select_n3A_335 : i32 to vector<1x32xi32>
      %select_n3A_337 = arith.select %eq3A_332, %broadcast_in_dim3A_336, %select_n3A_305 : vector<1x32xi1>, vector<1x32xi32>
      %eq3A_338 = vector.broadcast %reduce_min3A_324 : i32 to vector<8x512xi32>
      %eq3A_339 = arith.cmpi eq, %add3A_111, %eq3A_338 : vector<8x512xi32>
      %broadcast_in_dim3A_340 = vector.broadcast %while3A : f32 to vector<8x512xf32>
      %select_n3A_341 = arith.select %eq3A_339, %broadcast_in_dim3A_340, %select_n3A_309 : vector<8x512xi1>, vector<8x512xf32>
      %reduce_max3A_342 = vector.shape_cast %select_n3A_341 : vector<8x512xf32> to vector<1x8x512xf32>
      %reduce_max3A_343 = arith.constant dense<0xFF800000> : vector<1xf32>
      %reduce_max3A_344 = vector.multi_reduction <maximumf>, %reduce_max3A_342, %reduce_max3A_343 [1, 2] : vector<1x8x512xf32> to vector<1xf32>
      %reduce_max3A_345 = vector.shape_cast %reduce_max3A_344 : vector<1xf32> to vector<1x1x1xf32>
      %reduce_max3A_346 = vector.extract %reduce_max3A_345[0, 0, 0] : f32 from vector<1x1x1xf32>
      %eq3A_347 = vector.broadcast %reduce_max3A_346 : f32 to vector<8x512xf32>
      %eq3A_348 = arith.cmpf oeq, %select_n3A_341, %eq3A_347 : vector<8x512xf32>
      %jit3A_349 = arith.constant 1073741824 : i32
      %broadcast_in_dim3A_350 = vector.broadcast %jit3A_349 : i32 to vector<8x512xi32>
      %select_n3A_351 = arith.select %eq3A_348, %add3A_111, %broadcast_in_dim3A_350 : vector<8x512xi1>, vector<8x512xi32>
      %reduce_min3A_352 = vector.shape_cast %select_n3A_351 : vector<8x512xi32> to vector<1x8x512xi32>
      %reduce_min3A_353 = arith.constant dense<2147483647> : vector<1xi32>
      %reduce_min3A_354 = vector.multi_reduction <minsi>, %reduce_min3A_352, %reduce_min3A_353 [1, 2] : vector<1x8x512xi32> to vector<1xi32>
      %reduce_min3A_355 = vector.shape_cast %reduce_min3A_354 : vector<1xi32> to vector<1x1x1xi32>
      %reduce_min3A_356 = vector.extract %reduce_min3A_355[0, 0, 0] : i32 from vector<1x1x1xi32>
      %eq3A_357 = arith.constant 7 : i32
      %eq3A_358 = vector.broadcast %eq3A_357 : i32 to vector<1x32xi32>
      %eq3A_359 = arith.cmpi eq, %iota3A, %eq3A_358 : vector<1x32xi32>
      %broadcast_in_dim3A_360 = vector.broadcast %reduce_max3A_346 : f32 to vector<1x32xf32>
      %select_n3A_361 = arith.select %eq3A_359, %broadcast_in_dim3A_360, %select_n3A_329 : vector<1x32xi1>, vector<1x32xf32>
      %eq3A_362 = arith.constant 7 : i32
      %eq3A_363 = vector.broadcast %eq3A_362 : i32 to vector<1x32xi32>
      %eq3A_364 = arith.cmpi eq, %iota3A, %eq3A_363 : vector<1x32xi32>
      %gt3A_365 = arith.cmpf ogt, %reduce_max3A_346, %while3A : f32
      %jit3A_366 = arith.constant 1073741863 : i32
      %select_n3A_367 = arith.select %gt3A_365, %reduce_min3A_356, %jit3A_366 : i32
      %broadcast_in_dim3A_368 = vector.broadcast %select_n3A_367 : i32 to vector<1x32xi32>
      %select_n3A_369 = arith.select %eq3A_364, %broadcast_in_dim3A_368, %select_n3A_337 : vector<1x32xi1>, vector<1x32xi32>
      %eq3A_370 = vector.broadcast %reduce_min3A_356 : i32 to vector<8x512xi32>
      %eq3A_371 = arith.cmpi eq, %add3A_111, %eq3A_370 : vector<8x512xi32>
      %broadcast_in_dim3A_372 = vector.broadcast %while3A : f32 to vector<8x512xf32>
      %select_n3A_373 = arith.select %eq3A_371, %broadcast_in_dim3A_372, %select_n3A_341 : vector<8x512xi1>, vector<8x512xf32>
      %reduce_max3A_374 = vector.shape_cast %select_n3A_373 : vector<8x512xf32> to vector<1x8x512xf32>
      %reduce_max3A_375 = arith.constant dense<0xFF800000> : vector<1xf32>
      %reduce_max3A_376 = vector.multi_reduction <maximumf>, %reduce_max3A_374, %reduce_max3A_375 [1, 2] : vector<1x8x512xf32> to vector<1xf32>
      %reduce_max3A_377 = vector.shape_cast %reduce_max3A_376 : vector<1xf32> to vector<1x1x1xf32>
      %reduce_max3A_378 = vector.extract %reduce_max3A_377[0, 0, 0] : f32 from vector<1x1x1xf32>
      %eq3A_379 = vector.broadcast %reduce_max3A_378 : f32 to vector<8x512xf32>
      %eq3A_380 = arith.cmpf oeq, %select_n3A_373, %eq3A_379 : vector<8x512xf32>
      %jit3A_381 = arith.constant 1073741824 : i32
      %broadcast_in_dim3A_382 = vector.broadcast %jit3A_381 : i32 to vector<8x512xi32>
      %select_n3A_383 = arith.select %eq3A_380, %add3A_111, %broadcast_in_dim3A_382 : vector<8x512xi1>, vector<8x512xi32>
      %reduce_min3A_384 = vector.shape_cast %select_n3A_383 : vector<8x512xi32> to vector<1x8x512xi32>
      %reduce_min3A_385 = arith.constant dense<2147483647> : vector<1xi32>
      %reduce_min3A_386 = vector.multi_reduction <minsi>, %reduce_min3A_384, %reduce_min3A_385 [1, 2] : vector<1x8x512xi32> to vector<1xi32>
      %reduce_min3A_387 = vector.shape_cast %reduce_min3A_386 : vector<1xi32> to vector<1x1x1xi32>
      %reduce_min3A_388 = vector.extract %reduce_min3A_387[0, 0, 0] : i32 from vector<1x1x1xi32>
      %eq3A_389 = arith.constant 8 : i32
      %eq3A_390 = vector.broadcast %eq3A_389 : i32 to vector<1x32xi32>
      %eq3A_391 = arith.cmpi eq, %iota3A, %eq3A_390 : vector<1x32xi32>
      %broadcast_in_dim3A_392 = vector.broadcast %reduce_max3A_378 : f32 to vector<1x32xf32>
      %select_n3A_393 = arith.select %eq3A_391, %broadcast_in_dim3A_392, %select_n3A_361 : vector<1x32xi1>, vector<1x32xf32>
      %eq3A_394 = arith.constant 8 : i32
      %eq3A_395 = vector.broadcast %eq3A_394 : i32 to vector<1x32xi32>
      %eq3A_396 = arith.cmpi eq, %iota3A, %eq3A_395 : vector<1x32xi32>
      %gt3A_397 = arith.cmpf ogt, %reduce_max3A_378, %while3A : f32
      %jit3A_398 = arith.constant 1073741864 : i32
      %select_n3A_399 = arith.select %gt3A_397, %reduce_min3A_388, %jit3A_398 : i32
      %broadcast_in_dim3A_400 = vector.broadcast %select_n3A_399 : i32 to vector<1x32xi32>
      %select_n3A_401 = arith.select %eq3A_396, %broadcast_in_dim3A_400, %select_n3A_369 : vector<1x32xi1>, vector<1x32xi32>
      %eq3A_402 = vector.broadcast %reduce_min3A_388 : i32 to vector<8x512xi32>
      %eq3A_403 = arith.cmpi eq, %add3A_111, %eq3A_402 : vector<8x512xi32>
      %broadcast_in_dim3A_404 = vector.broadcast %while3A : f32 to vector<8x512xf32>
      %select_n3A_405 = arith.select %eq3A_403, %broadcast_in_dim3A_404, %select_n3A_373 : vector<8x512xi1>, vector<8x512xf32>
      %reduce_max3A_406 = vector.shape_cast %select_n3A_405 : vector<8x512xf32> to vector<1x8x512xf32>
      %reduce_max3A_407 = arith.constant dense<0xFF800000> : vector<1xf32>
      %reduce_max3A_408 = vector.multi_reduction <maximumf>, %reduce_max3A_406, %reduce_max3A_407 [1, 2] : vector<1x8x512xf32> to vector<1xf32>
      %reduce_max3A_409 = vector.shape_cast %reduce_max3A_408 : vector<1xf32> to vector<1x1x1xf32>
      %reduce_max3A_410 = vector.extract %reduce_max3A_409[0, 0, 0] : f32 from vector<1x1x1xf32>
      %eq3A_411 = vector.broadcast %reduce_max3A_410 : f32 to vector<8x512xf32>
      %eq3A_412 = arith.cmpf oeq, %select_n3A_405, %eq3A_411 : vector<8x512xf32>
      %jit3A_413 = arith.constant 1073741824 : i32
      %broadcast_in_dim3A_414 = vector.broadcast %jit3A_413 : i32 to vector<8x512xi32>
      %select_n3A_415 = arith.select %eq3A_412, %add3A_111, %broadcast_in_dim3A_414 : vector<8x512xi1>, vector<8x512xi32>
      %reduce_min3A_416 = vector.shape_cast %select_n3A_415 : vector<8x512xi32> to vector<1x8x512xi32>
      %reduce_min3A_417 = arith.constant dense<2147483647> : vector<1xi32>
      %reduce_min3A_418 = vector.multi_reduction <minsi>, %reduce_min3A_416, %reduce_min3A_417 [1, 2] : vector<1x8x512xi32> to vector<1xi32>
      %reduce_min3A_419 = vector.shape_cast %reduce_min3A_418 : vector<1xi32> to vector<1x1x1xi32>
      %reduce_min3A_420 = vector.extract %reduce_min3A_419[0, 0, 0] : i32 from vector<1x1x1xi32>
      %eq3A_421 = arith.constant 9 : i32
      %eq3A_422 = vector.broadcast %eq3A_421 : i32 to vector<1x32xi32>
      %eq3A_423 = arith.cmpi eq, %iota3A, %eq3A_422 : vector<1x32xi32>
      %broadcast_in_dim3A_424 = vector.broadcast %reduce_max3A_410 : f32 to vector<1x32xf32>
      %select_n3A_425 = arith.select %eq3A_423, %broadcast_in_dim3A_424, %select_n3A_393 : vector<1x32xi1>, vector<1x32xf32>
      %eq3A_426 = arith.constant 9 : i32
      %eq3A_427 = vector.broadcast %eq3A_426 : i32 to vector<1x32xi32>
      %eq3A_428 = arith.cmpi eq, %iota3A, %eq3A_427 : vector<1x32xi32>
      %gt3A_429 = arith.cmpf ogt, %reduce_max3A_410, %while3A : f32
      %jit3A_430 = arith.constant 1073741865 : i32
      %select_n3A_431 = arith.select %gt3A_429, %reduce_min3A_420, %jit3A_430 : i32
      %broadcast_in_dim3A_432 = vector.broadcast %select_n3A_431 : i32 to vector<1x32xi32>
      %select_n3A_433 = arith.select %eq3A_428, %broadcast_in_dim3A_432, %select_n3A_401 : vector<1x32xi1>, vector<1x32xi32>
      %eq3A_434 = vector.broadcast %reduce_min3A_420 : i32 to vector<8x512xi32>
      %eq3A_435 = arith.cmpi eq, %add3A_111, %eq3A_434 : vector<8x512xi32>
      %broadcast_in_dim3A_436 = vector.broadcast %while3A : f32 to vector<8x512xf32>
      %select_n3A_437 = arith.select %eq3A_435, %broadcast_in_dim3A_436, %select_n3A_405 : vector<8x512xi1>, vector<8x512xf32>
      %reduce_max3A_438 = vector.shape_cast %select_n3A_437 : vector<8x512xf32> to vector<1x8x512xf32>
      %reduce_max3A_439 = arith.constant dense<0xFF800000> : vector<1xf32>
      %reduce_max3A_440 = vector.multi_reduction <maximumf>, %reduce_max3A_438, %reduce_max3A_439 [1, 2] : vector<1x8x512xf32> to vector<1xf32>
      %reduce_max3A_441 = vector.shape_cast %reduce_max3A_440 : vector<1xf32> to vector<1x1x1xf32>
      %reduce_max3A_442 = vector.extract %reduce_max3A_441[0, 0, 0] : f32 from vector<1x1x1xf32>
      %eq3A_443 = vector.broadcast %reduce_max3A_442 : f32 to vector<8x512xf32>
      %eq3A_444 = arith.cmpf oeq, %select_n3A_437, %eq3A_443 : vector<8x512xf32>
      %jit3A_445 = arith.constant 1073741824 : i32
      %broadcast_in_dim3A_446 = vector.broadcast %jit3A_445 : i32 to vector<8x512xi32>
      %select_n3A_447 = arith.select %eq3A_444, %add3A_111, %broadcast_in_dim3A_446 : vector<8x512xi1>, vector<8x512xi32>
      %reduce_min3A_448 = vector.shape_cast %select_n3A_447 : vector<8x512xi32> to vector<1x8x512xi32>
      %reduce_min3A_449 = arith.constant dense<2147483647> : vector<1xi32>
      %reduce_min3A_450 = vector.multi_reduction <minsi>, %reduce_min3A_448, %reduce_min3A_449 [1, 2] : vector<1x8x512xi32> to vector<1xi32>
      %reduce_min3A_451 = vector.shape_cast %reduce_min3A_450 : vector<1xi32> to vector<1x1x1xi32>
      %reduce_min3A_452 = vector.extract %reduce_min3A_451[0, 0, 0] : i32 from vector<1x1x1xi32>
      %eq3A_453 = arith.constant 10 : i32
      %eq3A_454 = vector.broadcast %eq3A_453 : i32 to vector<1x32xi32>
      %eq3A_455 = arith.cmpi eq, %iota3A, %eq3A_454 : vector<1x32xi32>
      %broadcast_in_dim3A_456 = vector.broadcast %reduce_max3A_442 : f32 to vector<1x32xf32>
      %select_n3A_457 = arith.select %eq3A_455, %broadcast_in_dim3A_456, %select_n3A_425 : vector<1x32xi1>, vector<1x32xf32>
      %eq3A_458 = arith.constant 10 : i32
      %eq3A_459 = vector.broadcast %eq3A_458 : i32 to vector<1x32xi32>
      %eq3A_460 = arith.cmpi eq, %iota3A, %eq3A_459 : vector<1x32xi32>
      %gt3A_461 = arith.cmpf ogt, %reduce_max3A_442, %while3A : f32
      %jit3A_462 = arith.constant 1073741866 : i32
      %select_n3A_463 = arith.select %gt3A_461, %reduce_min3A_452, %jit3A_462 : i32
      %broadcast_in_dim3A_464 = vector.broadcast %select_n3A_463 : i32 to vector<1x32xi32>
      %select_n3A_465 = arith.select %eq3A_460, %broadcast_in_dim3A_464, %select_n3A_433 : vector<1x32xi1>, vector<1x32xi32>
      %eq3A_466 = vector.broadcast %reduce_min3A_452 : i32 to vector<8x512xi32>
      %eq3A_467 = arith.cmpi eq, %add3A_111, %eq3A_466 : vector<8x512xi32>
      %broadcast_in_dim3A_468 = vector.broadcast %while3A : f32 to vector<8x512xf32>
      %select_n3A_469 = arith.select %eq3A_467, %broadcast_in_dim3A_468, %select_n3A_437 : vector<8x512xi1>, vector<8x512xf32>
      %reduce_max3A_470 = vector.shape_cast %select_n3A_469 : vector<8x512xf32> to vector<1x8x512xf32>
      %reduce_max3A_471 = arith.constant dense<0xFF800000> : vector<1xf32>
      %reduce_max3A_472 = vector.multi_reduction <maximumf>, %reduce_max3A_470, %reduce_max3A_471 [1, 2] : vector<1x8x512xf32> to vector<1xf32>
      %reduce_max3A_473 = vector.shape_cast %reduce_max3A_472 : vector<1xf32> to vector<1x1x1xf32>
      %reduce_max3A_474 = vector.extract %reduce_max3A_473[0, 0, 0] : f32 from vector<1x1x1xf32>
      %eq3A_475 = vector.broadcast %reduce_max3A_474 : f32 to vector<8x512xf32>
      %eq3A_476 = arith.cmpf oeq, %select_n3A_469, %eq3A_475 : vector<8x512xf32>
      %jit3A_477 = arith.constant 1073741824 : i32
      %broadcast_in_dim3A_478 = vector.broadcast %jit3A_477 : i32 to vector<8x512xi32>
      %select_n3A_479 = arith.select %eq3A_476, %add3A_111, %broadcast_in_dim3A_478 : vector<8x512xi1>, vector<8x512xi32>
      %reduce_min3A_480 = vector.shape_cast %select_n3A_479 : vector<8x512xi32> to vector<1x8x512xi32>
      %reduce_min3A_481 = arith.constant dense<2147483647> : vector<1xi32>
      %reduce_min3A_482 = vector.multi_reduction <minsi>, %reduce_min3A_480, %reduce_min3A_481 [1, 2] : vector<1x8x512xi32> to vector<1xi32>
      %reduce_min3A_483 = vector.shape_cast %reduce_min3A_482 : vector<1xi32> to vector<1x1x1xi32>
      %reduce_min3A_484 = vector.extract %reduce_min3A_483[0, 0, 0] : i32 from vector<1x1x1xi32>
      %eq3A_485 = arith.constant 11 : i32
      %eq3A_486 = vector.broadcast %eq3A_485 : i32 to vector<1x32xi32>
      %eq3A_487 = arith.cmpi eq, %iota3A, %eq3A_486 : vector<1x32xi32>
      %broadcast_in_dim3A_488 = vector.broadcast %reduce_max3A_474 : f32 to vector<1x32xf32>
      %select_n3A_489 = arith.select %eq3A_487, %broadcast_in_dim3A_488, %select_n3A_457 : vector<1x32xi1>, vector<1x32xf32>
      %eq3A_490 = arith.constant 11 : i32
      %eq3A_491 = vector.broadcast %eq3A_490 : i32 to vector<1x32xi32>
      %eq3A_492 = arith.cmpi eq, %iota3A, %eq3A_491 : vector<1x32xi32>
      %gt3A_493 = arith.cmpf ogt, %reduce_max3A_474, %while3A : f32
      %jit3A_494 = arith.constant 1073741867 : i32
      %select_n3A_495 = arith.select %gt3A_493, %reduce_min3A_484, %jit3A_494 : i32
      %broadcast_in_dim3A_496 = vector.broadcast %select_n3A_495 : i32 to vector<1x32xi32>
      %select_n3A_497 = arith.select %eq3A_492, %broadcast_in_dim3A_496, %select_n3A_465 : vector<1x32xi1>, vector<1x32xi32>
      %eq3A_498 = vector.broadcast %reduce_min3A_484 : i32 to vector<8x512xi32>
      %eq3A_499 = arith.cmpi eq, %add3A_111, %eq3A_498 : vector<8x512xi32>
      %broadcast_in_dim3A_500 = vector.broadcast %while3A : f32 to vector<8x512xf32>
      %select_n3A_501 = arith.select %eq3A_499, %broadcast_in_dim3A_500, %select_n3A_469 : vector<8x512xi1>, vector<8x512xf32>
      %reduce_max3A_502 = vector.shape_cast %select_n3A_501 : vector<8x512xf32> to vector<1x8x512xf32>
      %reduce_max3A_503 = arith.constant dense<0xFF800000> : vector<1xf32>
      %reduce_max3A_504 = vector.multi_reduction <maximumf>, %reduce_max3A_502, %reduce_max3A_503 [1, 2] : vector<1x8x512xf32> to vector<1xf32>
      %reduce_max3A_505 = vector.shape_cast %reduce_max3A_504 : vector<1xf32> to vector<1x1x1xf32>
      %reduce_max3A_506 = vector.extract %reduce_max3A_505[0, 0, 0] : f32 from vector<1x1x1xf32>
      %eq3A_507 = vector.broadcast %reduce_max3A_506 : f32 to vector<8x512xf32>
      %eq3A_508 = arith.cmpf oeq, %select_n3A_501, %eq3A_507 : vector<8x512xf32>
      %jit3A_509 = arith.constant 1073741824 : i32
      %broadcast_in_dim3A_510 = vector.broadcast %jit3A_509 : i32 to vector<8x512xi32>
      %select_n3A_511 = arith.select %eq3A_508, %add3A_111, %broadcast_in_dim3A_510 : vector<8x512xi1>, vector<8x512xi32>
      %reduce_min3A_512 = vector.shape_cast %select_n3A_511 : vector<8x512xi32> to vector<1x8x512xi32>
      %reduce_min3A_513 = arith.constant dense<2147483647> : vector<1xi32>
      %reduce_min3A_514 = vector.multi_reduction <minsi>, %reduce_min3A_512, %reduce_min3A_513 [1, 2] : vector<1x8x512xi32> to vector<1xi32>
      %reduce_min3A_515 = vector.shape_cast %reduce_min3A_514 : vector<1xi32> to vector<1x1x1xi32>
      %reduce_min3A_516 = vector.extract %reduce_min3A_515[0, 0, 0] : i32 from vector<1x1x1xi32>
      %eq3A_517 = arith.constant 12 : i32
      %eq3A_518 = vector.broadcast %eq3A_517 : i32 to vector<1x32xi32>
      %eq3A_519 = arith.cmpi eq, %iota3A, %eq3A_518 : vector<1x32xi32>
      %broadcast_in_dim3A_520 = vector.broadcast %reduce_max3A_506 : f32 to vector<1x32xf32>
      %select_n3A_521 = arith.select %eq3A_519, %broadcast_in_dim3A_520, %select_n3A_489 : vector<1x32xi1>, vector<1x32xf32>
      %eq3A_522 = arith.constant 12 : i32
      %eq3A_523 = vector.broadcast %eq3A_522 : i32 to vector<1x32xi32>
      %eq3A_524 = arith.cmpi eq, %iota3A, %eq3A_523 : vector<1x32xi32>
      %gt3A_525 = arith.cmpf ogt, %reduce_max3A_506, %while3A : f32
      %jit3A_526 = arith.constant 1073741868 : i32
      %select_n3A_527 = arith.select %gt3A_525, %reduce_min3A_516, %jit3A_526 : i32
      %broadcast_in_dim3A_528 = vector.broadcast %select_n3A_527 : i32 to vector<1x32xi32>
      %select_n3A_529 = arith.select %eq3A_524, %broadcast_in_dim3A_528, %select_n3A_497 : vector<1x32xi1>, vector<1x32xi32>
      %eq3A_530 = vector.broadcast %reduce_min3A_516 : i32 to vector<8x512xi32>
      %eq3A_531 = arith.cmpi eq, %add3A_111, %eq3A_530 : vector<8x512xi32>
      %broadcast_in_dim3A_532 = vector.broadcast %while3A : f32 to vector<8x512xf32>
      %select_n3A_533 = arith.select %eq3A_531, %broadcast_in_dim3A_532, %select_n3A_501 : vector<8x512xi1>, vector<8x512xf32>
      %reduce_max3A_534 = vector.shape_cast %select_n3A_533 : vector<8x512xf32> to vector<1x8x512xf32>
      %reduce_max3A_535 = arith.constant dense<0xFF800000> : vector<1xf32>
      %reduce_max3A_536 = vector.multi_reduction <maximumf>, %reduce_max3A_534, %reduce_max3A_535 [1, 2] : vector<1x8x512xf32> to vector<1xf32>
      %reduce_max3A_537 = vector.shape_cast %reduce_max3A_536 : vector<1xf32> to vector<1x1x1xf32>
      %reduce_max3A_538 = vector.extract %reduce_max3A_537[0, 0, 0] : f32 from vector<1x1x1xf32>
      %eq3A_539 = vector.broadcast %reduce_max3A_538 : f32 to vector<8x512xf32>
      %eq3A_540 = arith.cmpf oeq, %select_n3A_533, %eq3A_539 : vector<8x512xf32>
      %jit3A_541 = arith.constant 1073741824 : i32
      %broadcast_in_dim3A_542 = vector.broadcast %jit3A_541 : i32 to vector<8x512xi32>
      %select_n3A_543 = arith.select %eq3A_540, %add3A_111, %broadcast_in_dim3A_542 : vector<8x512xi1>, vector<8x512xi32>
      %reduce_min3A_544 = vector.shape_cast %select_n3A_543 : vector<8x512xi32> to vector<1x8x512xi32>
      %reduce_min3A_545 = arith.constant dense<2147483647> : vector<1xi32>
      %reduce_min3A_546 = vector.multi_reduction <minsi>, %reduce_min3A_544, %reduce_min3A_545 [1, 2] : vector<1x8x512xi32> to vector<1xi32>
      %reduce_min3A_547 = vector.shape_cast %reduce_min3A_546 : vector<1xi32> to vector<1x1x1xi32>
      %reduce_min3A_548 = vector.extract %reduce_min3A_547[0, 0, 0] : i32 from vector<1x1x1xi32>
      %eq3A_549 = arith.constant 13 : i32
      %eq3A_550 = vector.broadcast %eq3A_549 : i32 to vector<1x32xi32>
      %eq3A_551 = arith.cmpi eq, %iota3A, %eq3A_550 : vector<1x32xi32>
      %broadcast_in_dim3A_552 = vector.broadcast %reduce_max3A_538 : f32 to vector<1x32xf32>
      %select_n3A_553 = arith.select %eq3A_551, %broadcast_in_dim3A_552, %select_n3A_521 : vector<1x32xi1>, vector<1x32xf32>
      %eq3A_554 = arith.constant 13 : i32
      %eq3A_555 = vector.broadcast %eq3A_554 : i32 to vector<1x32xi32>
      %eq3A_556 = arith.cmpi eq, %iota3A, %eq3A_555 : vector<1x32xi32>
      %gt3A_557 = arith.cmpf ogt, %reduce_max3A_538, %while3A : f32
      %jit3A_558 = arith.constant 1073741869 : i32
      %select_n3A_559 = arith.select %gt3A_557, %reduce_min3A_548, %jit3A_558 : i32
      %broadcast_in_dim3A_560 = vector.broadcast %select_n3A_559 : i32 to vector<1x32xi32>
      %select_n3A_561 = arith.select %eq3A_556, %broadcast_in_dim3A_560, %select_n3A_529 : vector<1x32xi1>, vector<1x32xi32>
      %eq3A_562 = vector.broadcast %reduce_min3A_548 : i32 to vector<8x512xi32>
      %eq3A_563 = arith.cmpi eq, %add3A_111, %eq3A_562 : vector<8x512xi32>
      %broadcast_in_dim3A_564 = vector.broadcast %while3A : f32 to vector<8x512xf32>
      %select_n3A_565 = arith.select %eq3A_563, %broadcast_in_dim3A_564, %select_n3A_533 : vector<8x512xi1>, vector<8x512xf32>
      %reduce_max3A_566 = vector.shape_cast %select_n3A_565 : vector<8x512xf32> to vector<1x8x512xf32>
      %reduce_max3A_567 = arith.constant dense<0xFF800000> : vector<1xf32>
      %reduce_max3A_568 = vector.multi_reduction <maximumf>, %reduce_max3A_566, %reduce_max3A_567 [1, 2] : vector<1x8x512xf32> to vector<1xf32>
      %reduce_max3A_569 = vector.shape_cast %reduce_max3A_568 : vector<1xf32> to vector<1x1x1xf32>
      %reduce_max3A_570 = vector.extract %reduce_max3A_569[0, 0, 0] : f32 from vector<1x1x1xf32>
      %eq3A_571 = vector.broadcast %reduce_max3A_570 : f32 to vector<8x512xf32>
      %eq3A_572 = arith.cmpf oeq, %select_n3A_565, %eq3A_571 : vector<8x512xf32>
      %jit3A_573 = arith.constant 1073741824 : i32
      %broadcast_in_dim3A_574 = vector.broadcast %jit3A_573 : i32 to vector<8x512xi32>
      %select_n3A_575 = arith.select %eq3A_572, %add3A_111, %broadcast_in_dim3A_574 : vector<8x512xi1>, vector<8x512xi32>
      %reduce_min3A_576 = vector.shape_cast %select_n3A_575 : vector<8x512xi32> to vector<1x8x512xi32>
      %reduce_min3A_577 = arith.constant dense<2147483647> : vector<1xi32>
      %reduce_min3A_578 = vector.multi_reduction <minsi>, %reduce_min3A_576, %reduce_min3A_577 [1, 2] : vector<1x8x512xi32> to vector<1xi32>
      %reduce_min3A_579 = vector.shape_cast %reduce_min3A_578 : vector<1xi32> to vector<1x1x1xi32>
      %reduce_min3A_580 = vector.extract %reduce_min3A_579[0, 0, 0] : i32 from vector<1x1x1xi32>
      %eq3A_581 = arith.constant 14 : i32
      %eq3A_582 = vector.broadcast %eq3A_581 : i32 to vector<1x32xi32>
      %eq3A_583 = arith.cmpi eq, %iota3A, %eq3A_582 : vector<1x32xi32>
      %broadcast_in_dim3A_584 = vector.broadcast %reduce_max3A_570 : f32 to vector<1x32xf32>
      %select_n3A_585 = arith.select %eq3A_583, %broadcast_in_dim3A_584, %select_n3A_553 : vector<1x32xi1>, vector<1x32xf32>
      %eq3A_586 = arith.constant 14 : i32
      %eq3A_587 = vector.broadcast %eq3A_586 : i32 to vector<1x32xi32>
      %eq3A_588 = arith.cmpi eq, %iota3A, %eq3A_587 : vector<1x32xi32>
      %gt3A_589 = arith.cmpf ogt, %reduce_max3A_570, %while3A : f32
      %jit3A_590 = arith.constant 1073741870 : i32
      %select_n3A_591 = arith.select %gt3A_589, %reduce_min3A_580, %jit3A_590 : i32
      %broadcast_in_dim3A_592 = vector.broadcast %select_n3A_591 : i32 to vector<1x32xi32>
      %select_n3A_593 = arith.select %eq3A_588, %broadcast_in_dim3A_592, %select_n3A_561 : vector<1x32xi1>, vector<1x32xi32>
      %eq3A_594 = vector.broadcast %reduce_min3A_580 : i32 to vector<8x512xi32>
      %eq3A_595 = arith.cmpi eq, %add3A_111, %eq3A_594 : vector<8x512xi32>
      %broadcast_in_dim3A_596 = vector.broadcast %while3A : f32 to vector<8x512xf32>
      %select_n3A_597 = arith.select %eq3A_595, %broadcast_in_dim3A_596, %select_n3A_565 : vector<8x512xi1>, vector<8x512xf32>
      %reduce_max3A_598 = vector.shape_cast %select_n3A_597 : vector<8x512xf32> to vector<1x8x512xf32>
      %reduce_max3A_599 = arith.constant dense<0xFF800000> : vector<1xf32>
      %reduce_max3A_600 = vector.multi_reduction <maximumf>, %reduce_max3A_598, %reduce_max3A_599 [1, 2] : vector<1x8x512xf32> to vector<1xf32>
      %reduce_max3A_601 = vector.shape_cast %reduce_max3A_600 : vector<1xf32> to vector<1x1x1xf32>
      %reduce_max3A_602 = vector.extract %reduce_max3A_601[0, 0, 0] : f32 from vector<1x1x1xf32>
      %eq3A_603 = vector.broadcast %reduce_max3A_602 : f32 to vector<8x512xf32>
      %eq3A_604 = arith.cmpf oeq, %select_n3A_597, %eq3A_603 : vector<8x512xf32>
      %jit3A_605 = arith.constant 1073741824 : i32
      %broadcast_in_dim3A_606 = vector.broadcast %jit3A_605 : i32 to vector<8x512xi32>
      %select_n3A_607 = arith.select %eq3A_604, %add3A_111, %broadcast_in_dim3A_606 : vector<8x512xi1>, vector<8x512xi32>
      %reduce_min3A_608 = vector.shape_cast %select_n3A_607 : vector<8x512xi32> to vector<1x8x512xi32>
      %reduce_min3A_609 = arith.constant dense<2147483647> : vector<1xi32>
      %reduce_min3A_610 = vector.multi_reduction <minsi>, %reduce_min3A_608, %reduce_min3A_609 [1, 2] : vector<1x8x512xi32> to vector<1xi32>
      %reduce_min3A_611 = vector.shape_cast %reduce_min3A_610 : vector<1xi32> to vector<1x1x1xi32>
      %reduce_min3A_612 = vector.extract %reduce_min3A_611[0, 0, 0] : i32 from vector<1x1x1xi32>
      %eq3A_613 = arith.constant 15 : i32
      %eq3A_614 = vector.broadcast %eq3A_613 : i32 to vector<1x32xi32>
      %eq3A_615 = arith.cmpi eq, %iota3A, %eq3A_614 : vector<1x32xi32>
      %broadcast_in_dim3A_616 = vector.broadcast %reduce_max3A_602 : f32 to vector<1x32xf32>
      %select_n3A_617 = arith.select %eq3A_615, %broadcast_in_dim3A_616, %select_n3A_585 : vector<1x32xi1>, vector<1x32xf32>
      %eq3A_618 = arith.constant 15 : i32
      %eq3A_619 = vector.broadcast %eq3A_618 : i32 to vector<1x32xi32>
      %eq3A_620 = arith.cmpi eq, %iota3A, %eq3A_619 : vector<1x32xi32>
      %gt3A_621 = arith.cmpf ogt, %reduce_max3A_602, %while3A : f32
      %jit3A_622 = arith.constant 1073741871 : i32
      %select_n3A_623 = arith.select %gt3A_621, %reduce_min3A_612, %jit3A_622 : i32
      %broadcast_in_dim3A_624 = vector.broadcast %select_n3A_623 : i32 to vector<1x32xi32>
      %select_n3A_625 = arith.select %eq3A_620, %broadcast_in_dim3A_624, %select_n3A_593 : vector<1x32xi1>, vector<1x32xi32>
      %eq3A_626 = vector.broadcast %reduce_min3A_612 : i32 to vector<8x512xi32>
      %eq3A_627 = arith.cmpi eq, %add3A_111, %eq3A_626 : vector<8x512xi32>
      %broadcast_in_dim3A_628 = vector.broadcast %while3A : f32 to vector<8x512xf32>
      %select_n3A_629 = arith.select %eq3A_627, %broadcast_in_dim3A_628, %select_n3A_597 : vector<8x512xi1>, vector<8x512xf32>
      %reduce_max3A_630 = vector.shape_cast %select_n3A_629 : vector<8x512xf32> to vector<1x8x512xf32>
      %reduce_max3A_631 = arith.constant dense<0xFF800000> : vector<1xf32>
      %reduce_max3A_632 = vector.multi_reduction <maximumf>, %reduce_max3A_630, %reduce_max3A_631 [1, 2] : vector<1x8x512xf32> to vector<1xf32>
      %reduce_max3A_633 = vector.shape_cast %reduce_max3A_632 : vector<1xf32> to vector<1x1x1xf32>
      %reduce_max3A_634 = vector.extract %reduce_max3A_633[0, 0, 0] : f32 from vector<1x1x1xf32>
      %eq3A_635 = vector.broadcast %reduce_max3A_634 : f32 to vector<8x512xf32>
      %eq3A_636 = arith.cmpf oeq, %select_n3A_629, %eq3A_635 : vector<8x512xf32>
      %jit3A_637 = arith.constant 1073741824 : i32
      %broadcast_in_dim3A_638 = vector.broadcast %jit3A_637 : i32 to vector<8x512xi32>
      %select_n3A_639 = arith.select %eq3A_636, %add3A_111, %broadcast_in_dim3A_638 : vector<8x512xi1>, vector<8x512xi32>
      %reduce_min3A_640 = vector.shape_cast %select_n3A_639 : vector<8x512xi32> to vector<1x8x512xi32>
      %reduce_min3A_641 = arith.constant dense<2147483647> : vector<1xi32>
      %reduce_min3A_642 = vector.multi_reduction <minsi>, %reduce_min3A_640, %reduce_min3A_641 [1, 2] : vector<1x8x512xi32> to vector<1xi32>
      %reduce_min3A_643 = vector.shape_cast %reduce_min3A_642 : vector<1xi32> to vector<1x1x1xi32>
      %reduce_min3A_644 = vector.extract %reduce_min3A_643[0, 0, 0] : i32 from vector<1x1x1xi32>
      %eq3A_645 = arith.constant 16 : i32
      %eq3A_646 = vector.broadcast %eq3A_645 : i32 to vector<1x32xi32>
      %eq3A_647 = arith.cmpi eq, %iota3A, %eq3A_646 : vector<1x32xi32>
      %broadcast_in_dim3A_648 = vector.broadcast %reduce_max3A_634 : f32 to vector<1x32xf32>
      %select_n3A_649 = arith.select %eq3A_647, %broadcast_in_dim3A_648, %select_n3A_617 : vector<1x32xi1>, vector<1x32xf32>
      %eq3A_650 = arith.constant 16 : i32
      %eq3A_651 = vector.broadcast %eq3A_650 : i32 to vector<1x32xi32>
      %eq3A_652 = arith.cmpi eq, %iota3A, %eq3A_651 : vector<1x32xi32>
      %gt3A_653 = arith.cmpf ogt, %reduce_max3A_634, %while3A : f32
      %jit3A_654 = arith.constant 1073741872 : i32
      %select_n3A_655 = arith.select %gt3A_653, %reduce_min3A_644, %jit3A_654 : i32
      %broadcast_in_dim3A_656 = vector.broadcast %select_n3A_655 : i32 to vector<1x32xi32>
      %select_n3A_657 = arith.select %eq3A_652, %broadcast_in_dim3A_656, %select_n3A_625 : vector<1x32xi1>, vector<1x32xi32>
      %eq3A_658 = vector.broadcast %reduce_min3A_644 : i32 to vector<8x512xi32>
      %eq3A_659 = arith.cmpi eq, %add3A_111, %eq3A_658 : vector<8x512xi32>
      %broadcast_in_dim3A_660 = vector.broadcast %while3A : f32 to vector<8x512xf32>
      %select_n3A_661 = arith.select %eq3A_659, %broadcast_in_dim3A_660, %select_n3A_629 : vector<8x512xi1>, vector<8x512xf32>
      %reduce_max3A_662 = vector.shape_cast %select_n3A_661 : vector<8x512xf32> to vector<1x8x512xf32>
      %reduce_max3A_663 = arith.constant dense<0xFF800000> : vector<1xf32>
      %reduce_max3A_664 = vector.multi_reduction <maximumf>, %reduce_max3A_662, %reduce_max3A_663 [1, 2] : vector<1x8x512xf32> to vector<1xf32>
      %reduce_max3A_665 = vector.shape_cast %reduce_max3A_664 : vector<1xf32> to vector<1x1x1xf32>
      %reduce_max3A_666 = vector.extract %reduce_max3A_665[0, 0, 0] : f32 from vector<1x1x1xf32>
      %eq3A_667 = vector.broadcast %reduce_max3A_666 : f32 to vector<8x512xf32>
      %eq3A_668 = arith.cmpf oeq, %select_n3A_661, %eq3A_667 : vector<8x512xf32>
      %jit3A_669 = arith.constant 1073741824 : i32
      %broadcast_in_dim3A_670 = vector.broadcast %jit3A_669 : i32 to vector<8x512xi32>
      %select_n3A_671 = arith.select %eq3A_668, %add3A_111, %broadcast_in_dim3A_670 : vector<8x512xi1>, vector<8x512xi32>
      %reduce_min3A_672 = vector.shape_cast %select_n3A_671 : vector<8x512xi32> to vector<1x8x512xi32>
      %reduce_min3A_673 = arith.constant dense<2147483647> : vector<1xi32>
      %reduce_min3A_674 = vector.multi_reduction <minsi>, %reduce_min3A_672, %reduce_min3A_673 [1, 2] : vector<1x8x512xi32> to vector<1xi32>
      %reduce_min3A_675 = vector.shape_cast %reduce_min3A_674 : vector<1xi32> to vector<1x1x1xi32>
      %reduce_min3A_676 = vector.extract %reduce_min3A_675[0, 0, 0] : i32 from vector<1x1x1xi32>
      %eq3A_677 = arith.constant 17 : i32
      %eq3A_678 = vector.broadcast %eq3A_677 : i32 to vector<1x32xi32>
      %eq3A_679 = arith.cmpi eq, %iota3A, %eq3A_678 : vector<1x32xi32>
      %broadcast_in_dim3A_680 = vector.broadcast %reduce_max3A_666 : f32 to vector<1x32xf32>
      %select_n3A_681 = arith.select %eq3A_679, %broadcast_in_dim3A_680, %select_n3A_649 : vector<1x32xi1>, vector<1x32xf32>
      %eq3A_682 = arith.constant 17 : i32
      %eq3A_683 = vector.broadcast %eq3A_682 : i32 to vector<1x32xi32>
      %eq3A_684 = arith.cmpi eq, %iota3A, %eq3A_683 : vector<1x32xi32>
      %gt3A_685 = arith.cmpf ogt, %reduce_max3A_666, %while3A : f32
      %jit3A_686 = arith.constant 1073741873 : i32
      %select_n3A_687 = arith.select %gt3A_685, %reduce_min3A_676, %jit3A_686 : i32
      %broadcast_in_dim3A_688 = vector.broadcast %select_n3A_687 : i32 to vector<1x32xi32>
      %select_n3A_689 = arith.select %eq3A_684, %broadcast_in_dim3A_688, %select_n3A_657 : vector<1x32xi1>, vector<1x32xi32>
      %eq3A_690 = vector.broadcast %reduce_min3A_676 : i32 to vector<8x512xi32>
      %eq3A_691 = arith.cmpi eq, %add3A_111, %eq3A_690 : vector<8x512xi32>
      %broadcast_in_dim3A_692 = vector.broadcast %while3A : f32 to vector<8x512xf32>
      %select_n3A_693 = arith.select %eq3A_691, %broadcast_in_dim3A_692, %select_n3A_661 : vector<8x512xi1>, vector<8x512xf32>
      %reduce_max3A_694 = vector.shape_cast %select_n3A_693 : vector<8x512xf32> to vector<1x8x512xf32>
      %reduce_max3A_695 = arith.constant dense<0xFF800000> : vector<1xf32>
      %reduce_max3A_696 = vector.multi_reduction <maximumf>, %reduce_max3A_694, %reduce_max3A_695 [1, 2] : vector<1x8x512xf32> to vector<1xf32>
      %reduce_max3A_697 = vector.shape_cast %reduce_max3A_696 : vector<1xf32> to vector<1x1x1xf32>
      %reduce_max3A_698 = vector.extract %reduce_max3A_697[0, 0, 0] : f32 from vector<1x1x1xf32>
      %eq3A_699 = vector.broadcast %reduce_max3A_698 : f32 to vector<8x512xf32>
      %eq3A_700 = arith.cmpf oeq, %select_n3A_693, %eq3A_699 : vector<8x512xf32>
      %jit3A_701 = arith.constant 1073741824 : i32
      %broadcast_in_dim3A_702 = vector.broadcast %jit3A_701 : i32 to vector<8x512xi32>
      %select_n3A_703 = arith.select %eq3A_700, %add3A_111, %broadcast_in_dim3A_702 : vector<8x512xi1>, vector<8x512xi32>
      %reduce_min3A_704 = vector.shape_cast %select_n3A_703 : vector<8x512xi32> to vector<1x8x512xi32>
      %reduce_min3A_705 = arith.constant dense<2147483647> : vector<1xi32>
      %reduce_min3A_706 = vector.multi_reduction <minsi>, %reduce_min3A_704, %reduce_min3A_705 [1, 2] : vector<1x8x512xi32> to vector<1xi32>
      %reduce_min3A_707 = vector.shape_cast %reduce_min3A_706 : vector<1xi32> to vector<1x1x1xi32>
      %reduce_min3A_708 = vector.extract %reduce_min3A_707[0, 0, 0] : i32 from vector<1x1x1xi32>
      %eq3A_709 = arith.constant 18 : i32
      %eq3A_710 = vector.broadcast %eq3A_709 : i32 to vector<1x32xi32>
      %eq3A_711 = arith.cmpi eq, %iota3A, %eq3A_710 : vector<1x32xi32>
      %broadcast_in_dim3A_712 = vector.broadcast %reduce_max3A_698 : f32 to vector<1x32xf32>
      %select_n3A_713 = arith.select %eq3A_711, %broadcast_in_dim3A_712, %select_n3A_681 : vector<1x32xi1>, vector<1x32xf32>
      %eq3A_714 = arith.constant 18 : i32
      %eq3A_715 = vector.broadcast %eq3A_714 : i32 to vector<1x32xi32>
      %eq3A_716 = arith.cmpi eq, %iota3A, %eq3A_715 : vector<1x32xi32>
      %gt3A_717 = arith.cmpf ogt, %reduce_max3A_698, %while3A : f32
      %jit3A_718 = arith.constant 1073741874 : i32
      %select_n3A_719 = arith.select %gt3A_717, %reduce_min3A_708, %jit3A_718 : i32
      %broadcast_in_dim3A_720 = vector.broadcast %select_n3A_719 : i32 to vector<1x32xi32>
      %select_n3A_721 = arith.select %eq3A_716, %broadcast_in_dim3A_720, %select_n3A_689 : vector<1x32xi1>, vector<1x32xi32>
      %eq3A_722 = vector.broadcast %reduce_min3A_708 : i32 to vector<8x512xi32>
      %eq3A_723 = arith.cmpi eq, %add3A_111, %eq3A_722 : vector<8x512xi32>
      %broadcast_in_dim3A_724 = vector.broadcast %while3A : f32 to vector<8x512xf32>
      %select_n3A_725 = arith.select %eq3A_723, %broadcast_in_dim3A_724, %select_n3A_693 : vector<8x512xi1>, vector<8x512xf32>
      %reduce_max3A_726 = vector.shape_cast %select_n3A_725 : vector<8x512xf32> to vector<1x8x512xf32>
      %reduce_max3A_727 = arith.constant dense<0xFF800000> : vector<1xf32>
      %reduce_max3A_728 = vector.multi_reduction <maximumf>, %reduce_max3A_726, %reduce_max3A_727 [1, 2] : vector<1x8x512xf32> to vector<1xf32>
      %reduce_max3A_729 = vector.shape_cast %reduce_max3A_728 : vector<1xf32> to vector<1x1x1xf32>
      %reduce_max3A_730 = vector.extract %reduce_max3A_729[0, 0, 0] : f32 from vector<1x1x1xf32>
      %eq3A_731 = vector.broadcast %reduce_max3A_730 : f32 to vector<8x512xf32>
      %eq3A_732 = arith.cmpf oeq, %select_n3A_725, %eq3A_731 : vector<8x512xf32>
      %jit3A_733 = arith.constant 1073741824 : i32
      %broadcast_in_dim3A_734 = vector.broadcast %jit3A_733 : i32 to vector<8x512xi32>
      %select_n3A_735 = arith.select %eq3A_732, %add3A_111, %broadcast_in_dim3A_734 : vector<8x512xi1>, vector<8x512xi32>
      %reduce_min3A_736 = vector.shape_cast %select_n3A_735 : vector<8x512xi32> to vector<1x8x512xi32>
      %reduce_min3A_737 = arith.constant dense<2147483647> : vector<1xi32>
      %reduce_min3A_738 = vector.multi_reduction <minsi>, %reduce_min3A_736, %reduce_min3A_737 [1, 2] : vector<1x8x512xi32> to vector<1xi32>
      %reduce_min3A_739 = vector.shape_cast %reduce_min3A_738 : vector<1xi32> to vector<1x1x1xi32>
      %reduce_min3A_740 = vector.extract %reduce_min3A_739[0, 0, 0] : i32 from vector<1x1x1xi32>
      %eq3A_741 = arith.constant 19 : i32
      %eq3A_742 = vector.broadcast %eq3A_741 : i32 to vector<1x32xi32>
      %eq3A_743 = arith.cmpi eq, %iota3A, %eq3A_742 : vector<1x32xi32>
      %broadcast_in_dim3A_744 = vector.broadcast %reduce_max3A_730 : f32 to vector<1x32xf32>
      %select_n3A_745 = arith.select %eq3A_743, %broadcast_in_dim3A_744, %select_n3A_713 : vector<1x32xi1>, vector<1x32xf32>
      %eq3A_746 = arith.constant 19 : i32
      %eq3A_747 = vector.broadcast %eq3A_746 : i32 to vector<1x32xi32>
      %eq3A_748 = arith.cmpi eq, %iota3A, %eq3A_747 : vector<1x32xi32>
      %gt3A_749 = arith.cmpf ogt, %reduce_max3A_730, %while3A : f32
      %jit3A_750 = arith.constant 1073741875 : i32
      %select_n3A_751 = arith.select %gt3A_749, %reduce_min3A_740, %jit3A_750 : i32
      %broadcast_in_dim3A_752 = vector.broadcast %select_n3A_751 : i32 to vector<1x32xi32>
      %select_n3A_753 = arith.select %eq3A_748, %broadcast_in_dim3A_752, %select_n3A_721 : vector<1x32xi1>, vector<1x32xi32>
      %eq3A_754 = vector.broadcast %reduce_min3A_740 : i32 to vector<8x512xi32>
      %eq3A_755 = arith.cmpi eq, %add3A_111, %eq3A_754 : vector<8x512xi32>
      %broadcast_in_dim3A_756 = vector.broadcast %while3A : f32 to vector<8x512xf32>
      %select_n3A_757 = arith.select %eq3A_755, %broadcast_in_dim3A_756, %select_n3A_725 : vector<8x512xi1>, vector<8x512xf32>
      %reduce_max3A_758 = vector.shape_cast %select_n3A_757 : vector<8x512xf32> to vector<1x8x512xf32>
      %reduce_max3A_759 = arith.constant dense<0xFF800000> : vector<1xf32>
      %reduce_max3A_760 = vector.multi_reduction <maximumf>, %reduce_max3A_758, %reduce_max3A_759 [1, 2] : vector<1x8x512xf32> to vector<1xf32>
      %reduce_max3A_761 = vector.shape_cast %reduce_max3A_760 : vector<1xf32> to vector<1x1x1xf32>
      %reduce_max3A_762 = vector.extract %reduce_max3A_761[0, 0, 0] : f32 from vector<1x1x1xf32>
      %eq3A_763 = vector.broadcast %reduce_max3A_762 : f32 to vector<8x512xf32>
      %eq3A_764 = arith.cmpf oeq, %select_n3A_757, %eq3A_763 : vector<8x512xf32>
      %jit3A_765 = arith.constant 1073741824 : i32
      %broadcast_in_dim3A_766 = vector.broadcast %jit3A_765 : i32 to vector<8x512xi32>
      %select_n3A_767 = arith.select %eq3A_764, %add3A_111, %broadcast_in_dim3A_766 : vector<8x512xi1>, vector<8x512xi32>
      %reduce_min3A_768 = vector.shape_cast %select_n3A_767 : vector<8x512xi32> to vector<1x8x512xi32>
      %reduce_min3A_769 = arith.constant dense<2147483647> : vector<1xi32>
      %reduce_min3A_770 = vector.multi_reduction <minsi>, %reduce_min3A_768, %reduce_min3A_769 [1, 2] : vector<1x8x512xi32> to vector<1xi32>
      %reduce_min3A_771 = vector.shape_cast %reduce_min3A_770 : vector<1xi32> to vector<1x1x1xi32>
      %reduce_min3A_772 = vector.extract %reduce_min3A_771[0, 0, 0] : i32 from vector<1x1x1xi32>
      %eq3A_773 = arith.constant 20 : i32
      %eq3A_774 = vector.broadcast %eq3A_773 : i32 to vector<1x32xi32>
      %eq3A_775 = arith.cmpi eq, %iota3A, %eq3A_774 : vector<1x32xi32>
      %broadcast_in_dim3A_776 = vector.broadcast %reduce_max3A_762 : f32 to vector<1x32xf32>
      %select_n3A_777 = arith.select %eq3A_775, %broadcast_in_dim3A_776, %select_n3A_745 : vector<1x32xi1>, vector<1x32xf32>
      %eq3A_778 = arith.constant 20 : i32
      %eq3A_779 = vector.broadcast %eq3A_778 : i32 to vector<1x32xi32>
      %eq3A_780 = arith.cmpi eq, %iota3A, %eq3A_779 : vector<1x32xi32>
      %gt3A_781 = arith.cmpf ogt, %reduce_max3A_762, %while3A : f32
      %jit3A_782 = arith.constant 1073741876 : i32
      %select_n3A_783 = arith.select %gt3A_781, %reduce_min3A_772, %jit3A_782 : i32
      %broadcast_in_dim3A_784 = vector.broadcast %select_n3A_783 : i32 to vector<1x32xi32>
      %select_n3A_785 = arith.select %eq3A_780, %broadcast_in_dim3A_784, %select_n3A_753 : vector<1x32xi1>, vector<1x32xi32>
      %eq3A_786 = vector.broadcast %reduce_min3A_772 : i32 to vector<8x512xi32>
      %eq3A_787 = arith.cmpi eq, %add3A_111, %eq3A_786 : vector<8x512xi32>
      %broadcast_in_dim3A_788 = vector.broadcast %while3A : f32 to vector<8x512xf32>
      %select_n3A_789 = arith.select %eq3A_787, %broadcast_in_dim3A_788, %select_n3A_757 : vector<8x512xi1>, vector<8x512xf32>
      %reduce_max3A_790 = vector.shape_cast %select_n3A_789 : vector<8x512xf32> to vector<1x8x512xf32>
      %reduce_max3A_791 = arith.constant dense<0xFF800000> : vector<1xf32>
      %reduce_max3A_792 = vector.multi_reduction <maximumf>, %reduce_max3A_790, %reduce_max3A_791 [1, 2] : vector<1x8x512xf32> to vector<1xf32>
      %reduce_max3A_793 = vector.shape_cast %reduce_max3A_792 : vector<1xf32> to vector<1x1x1xf32>
      %reduce_max3A_794 = vector.extract %reduce_max3A_793[0, 0, 0] : f32 from vector<1x1x1xf32>
      %eq3A_795 = vector.broadcast %reduce_max3A_794 : f32 to vector<8x512xf32>
      %eq3A_796 = arith.cmpf oeq, %select_n3A_789, %eq3A_795 : vector<8x512xf32>
      %jit3A_797 = arith.constant 1073741824 : i32
      %broadcast_in_dim3A_798 = vector.broadcast %jit3A_797 : i32 to vector<8x512xi32>
      %select_n3A_799 = arith.select %eq3A_796, %add3A_111, %broadcast_in_dim3A_798 : vector<8x512xi1>, vector<8x512xi32>
      %reduce_min3A_800 = vector.shape_cast %select_n3A_799 : vector<8x512xi32> to vector<1x8x512xi32>
      %reduce_min3A_801 = arith.constant dense<2147483647> : vector<1xi32>
      %reduce_min3A_802 = vector.multi_reduction <minsi>, %reduce_min3A_800, %reduce_min3A_801 [1, 2] : vector<1x8x512xi32> to vector<1xi32>
      %reduce_min3A_803 = vector.shape_cast %reduce_min3A_802 : vector<1xi32> to vector<1x1x1xi32>
      %reduce_min3A_804 = vector.extract %reduce_min3A_803[0, 0, 0] : i32 from vector<1x1x1xi32>
      %eq3A_805 = arith.constant 21 : i32
      %eq3A_806 = vector.broadcast %eq3A_805 : i32 to vector<1x32xi32>
      %eq3A_807 = arith.cmpi eq, %iota3A, %eq3A_806 : vector<1x32xi32>
      %broadcast_in_dim3A_808 = vector.broadcast %reduce_max3A_794 : f32 to vector<1x32xf32>
      %select_n3A_809 = arith.select %eq3A_807, %broadcast_in_dim3A_808, %select_n3A_777 : vector<1x32xi1>, vector<1x32xf32>
      %eq3A_810 = arith.constant 21 : i32
      %eq3A_811 = vector.broadcast %eq3A_810 : i32 to vector<1x32xi32>
      %eq3A_812 = arith.cmpi eq, %iota3A, %eq3A_811 : vector<1x32xi32>
      %gt3A_813 = arith.cmpf ogt, %reduce_max3A_794, %while3A : f32
      %jit3A_814 = arith.constant 1073741877 : i32
      %select_n3A_815 = arith.select %gt3A_813, %reduce_min3A_804, %jit3A_814 : i32
      %broadcast_in_dim3A_816 = vector.broadcast %select_n3A_815 : i32 to vector<1x32xi32>
      %select_n3A_817 = arith.select %eq3A_812, %broadcast_in_dim3A_816, %select_n3A_785 : vector<1x32xi1>, vector<1x32xi32>
      %eq3A_818 = vector.broadcast %reduce_min3A_804 : i32 to vector<8x512xi32>
      %eq3A_819 = arith.cmpi eq, %add3A_111, %eq3A_818 : vector<8x512xi32>
      %broadcast_in_dim3A_820 = vector.broadcast %while3A : f32 to vector<8x512xf32>
      %select_n3A_821 = arith.select %eq3A_819, %broadcast_in_dim3A_820, %select_n3A_789 : vector<8x512xi1>, vector<8x512xf32>
      %reduce_max3A_822 = vector.shape_cast %select_n3A_821 : vector<8x512xf32> to vector<1x8x512xf32>
      %reduce_max3A_823 = arith.constant dense<0xFF800000> : vector<1xf32>
      %reduce_max3A_824 = vector.multi_reduction <maximumf>, %reduce_max3A_822, %reduce_max3A_823 [1, 2] : vector<1x8x512xf32> to vector<1xf32>
      %reduce_max3A_825 = vector.shape_cast %reduce_max3A_824 : vector<1xf32> to vector<1x1x1xf32>
      %reduce_max3A_826 = vector.extract %reduce_max3A_825[0, 0, 0] : f32 from vector<1x1x1xf32>
      %eq3A_827 = vector.broadcast %reduce_max3A_826 : f32 to vector<8x512xf32>
      %eq3A_828 = arith.cmpf oeq, %select_n3A_821, %eq3A_827 : vector<8x512xf32>
      %jit3A_829 = arith.constant 1073741824 : i32
      %broadcast_in_dim3A_830 = vector.broadcast %jit3A_829 : i32 to vector<8x512xi32>
      %select_n3A_831 = arith.select %eq3A_828, %add3A_111, %broadcast_in_dim3A_830 : vector<8x512xi1>, vector<8x512xi32>
      %reduce_min3A_832 = vector.shape_cast %select_n3A_831 : vector<8x512xi32> to vector<1x8x512xi32>
      %reduce_min3A_833 = arith.constant dense<2147483647> : vector<1xi32>
      %reduce_min3A_834 = vector.multi_reduction <minsi>, %reduce_min3A_832, %reduce_min3A_833 [1, 2] : vector<1x8x512xi32> to vector<1xi32>
      %reduce_min3A_835 = vector.shape_cast %reduce_min3A_834 : vector<1xi32> to vector<1x1x1xi32>
      %reduce_min3A_836 = vector.extract %reduce_min3A_835[0, 0, 0] : i32 from vector<1x1x1xi32>
      %eq3A_837 = arith.constant 22 : i32
      %eq3A_838 = vector.broadcast %eq3A_837 : i32 to vector<1x32xi32>
      %eq3A_839 = arith.cmpi eq, %iota3A, %eq3A_838 : vector<1x32xi32>
      %broadcast_in_dim3A_840 = vector.broadcast %reduce_max3A_826 : f32 to vector<1x32xf32>
      %select_n3A_841 = arith.select %eq3A_839, %broadcast_in_dim3A_840, %select_n3A_809 : vector<1x32xi1>, vector<1x32xf32>
      %eq3A_842 = arith.constant 22 : i32
      %eq3A_843 = vector.broadcast %eq3A_842 : i32 to vector<1x32xi32>
      %eq3A_844 = arith.cmpi eq, %iota3A, %eq3A_843 : vector<1x32xi32>
      %gt3A_845 = arith.cmpf ogt, %reduce_max3A_826, %while3A : f32
      %jit3A_846 = arith.constant 1073741878 : i32
      %select_n3A_847 = arith.select %gt3A_845, %reduce_min3A_836, %jit3A_846 : i32
      %broadcast_in_dim3A_848 = vector.broadcast %select_n3A_847 : i32 to vector<1x32xi32>
      %select_n3A_849 = arith.select %eq3A_844, %broadcast_in_dim3A_848, %select_n3A_817 : vector<1x32xi1>, vector<1x32xi32>
      %eq3A_850 = vector.broadcast %reduce_min3A_836 : i32 to vector<8x512xi32>
      %eq3A_851 = arith.cmpi eq, %add3A_111, %eq3A_850 : vector<8x512xi32>
      %broadcast_in_dim3A_852 = vector.broadcast %while3A : f32 to vector<8x512xf32>
      %select_n3A_853 = arith.select %eq3A_851, %broadcast_in_dim3A_852, %select_n3A_821 : vector<8x512xi1>, vector<8x512xf32>
      %reduce_max3A_854 = vector.shape_cast %select_n3A_853 : vector<8x512xf32> to vector<1x8x512xf32>
      %reduce_max3A_855 = arith.constant dense<0xFF800000> : vector<1xf32>
      %reduce_max3A_856 = vector.multi_reduction <maximumf>, %reduce_max3A_854, %reduce_max3A_855 [1, 2] : vector<1x8x512xf32> to vector<1xf32>
      %reduce_max3A_857 = vector.shape_cast %reduce_max3A_856 : vector<1xf32> to vector<1x1x1xf32>
      %reduce_max3A_858 = vector.extract %reduce_max3A_857[0, 0, 0] : f32 from vector<1x1x1xf32>
      %eq3A_859 = vector.broadcast %reduce_max3A_858 : f32 to vector<8x512xf32>
      %eq3A_860 = arith.cmpf oeq, %select_n3A_853, %eq3A_859 : vector<8x512xf32>
      %jit3A_861 = arith.constant 1073741824 : i32
      %broadcast_in_dim3A_862 = vector.broadcast %jit3A_861 : i32 to vector<8x512xi32>
      %select_n3A_863 = arith.select %eq3A_860, %add3A_111, %broadcast_in_dim3A_862 : vector<8x512xi1>, vector<8x512xi32>
      %reduce_min3A_864 = vector.shape_cast %select_n3A_863 : vector<8x512xi32> to vector<1x8x512xi32>
      %reduce_min3A_865 = arith.constant dense<2147483647> : vector<1xi32>
      %reduce_min3A_866 = vector.multi_reduction <minsi>, %reduce_min3A_864, %reduce_min3A_865 [1, 2] : vector<1x8x512xi32> to vector<1xi32>
      %reduce_min3A_867 = vector.shape_cast %reduce_min3A_866 : vector<1xi32> to vector<1x1x1xi32>
      %reduce_min3A_868 = vector.extract %reduce_min3A_867[0, 0, 0] : i32 from vector<1x1x1xi32>
      %eq3A_869 = arith.constant 23 : i32
      %eq3A_870 = vector.broadcast %eq3A_869 : i32 to vector<1x32xi32>
      %eq3A_871 = arith.cmpi eq, %iota3A, %eq3A_870 : vector<1x32xi32>
      %broadcast_in_dim3A_872 = vector.broadcast %reduce_max3A_858 : f32 to vector<1x32xf32>
      %select_n3A_873 = arith.select %eq3A_871, %broadcast_in_dim3A_872, %select_n3A_841 : vector<1x32xi1>, vector<1x32xf32>
      %eq3A_874 = arith.constant 23 : i32
      %eq3A_875 = vector.broadcast %eq3A_874 : i32 to vector<1x32xi32>
      %eq3A_876 = arith.cmpi eq, %iota3A, %eq3A_875 : vector<1x32xi32>
      %gt3A_877 = arith.cmpf ogt, %reduce_max3A_858, %while3A : f32
      %jit3A_878 = arith.constant 1073741879 : i32
      %select_n3A_879 = arith.select %gt3A_877, %reduce_min3A_868, %jit3A_878 : i32
      %broadcast_in_dim3A_880 = vector.broadcast %select_n3A_879 : i32 to vector<1x32xi32>
      %select_n3A_881 = arith.select %eq3A_876, %broadcast_in_dim3A_880, %select_n3A_849 : vector<1x32xi1>, vector<1x32xi32>
      %eq3A_882 = vector.broadcast %reduce_min3A_868 : i32 to vector<8x512xi32>
      %eq3A_883 = arith.cmpi eq, %add3A_111, %eq3A_882 : vector<8x512xi32>
      %broadcast_in_dim3A_884 = vector.broadcast %while3A : f32 to vector<8x512xf32>
      %select_n3A_885 = arith.select %eq3A_883, %broadcast_in_dim3A_884, %select_n3A_853 : vector<8x512xi1>, vector<8x512xf32>
      %reduce_max3A_886 = vector.shape_cast %select_n3A_885 : vector<8x512xf32> to vector<1x8x512xf32>
      %reduce_max3A_887 = arith.constant dense<0xFF800000> : vector<1xf32>
      %reduce_max3A_888 = vector.multi_reduction <maximumf>, %reduce_max3A_886, %reduce_max3A_887 [1, 2] : vector<1x8x512xf32> to vector<1xf32>
      %reduce_max3A_889 = vector.shape_cast %reduce_max3A_888 : vector<1xf32> to vector<1x1x1xf32>
      %reduce_max3A_890 = vector.extract %reduce_max3A_889[0, 0, 0] : f32 from vector<1x1x1xf32>
      %eq3A_891 = vector.broadcast %reduce_max3A_890 : f32 to vector<8x512xf32>
      %eq3A_892 = arith.cmpf oeq, %select_n3A_885, %eq3A_891 : vector<8x512xf32>
      %jit3A_893 = arith.constant 1073741824 : i32
      %broadcast_in_dim3A_894 = vector.broadcast %jit3A_893 : i32 to vector<8x512xi32>
      %select_n3A_895 = arith.select %eq3A_892, %add3A_111, %broadcast_in_dim3A_894 : vector<8x512xi1>, vector<8x512xi32>
      %reduce_min3A_896 = vector.shape_cast %select_n3A_895 : vector<8x512xi32> to vector<1x8x512xi32>
      %reduce_min3A_897 = arith.constant dense<2147483647> : vector<1xi32>
      %reduce_min3A_898 = vector.multi_reduction <minsi>, %reduce_min3A_896, %reduce_min3A_897 [1, 2] : vector<1x8x512xi32> to vector<1xi32>
      %reduce_min3A_899 = vector.shape_cast %reduce_min3A_898 : vector<1xi32> to vector<1x1x1xi32>
      %reduce_min3A_900 = vector.extract %reduce_min3A_899[0, 0, 0] : i32 from vector<1x1x1xi32>
      %eq3A_901 = arith.constant 24 : i32
      %eq3A_902 = vector.broadcast %eq3A_901 : i32 to vector<1x32xi32>
      %eq3A_903 = arith.cmpi eq, %iota3A, %eq3A_902 : vector<1x32xi32>
      %broadcast_in_dim3A_904 = vector.broadcast %reduce_max3A_890 : f32 to vector<1x32xf32>
      %select_n3A_905 = arith.select %eq3A_903, %broadcast_in_dim3A_904, %select_n3A_873 : vector<1x32xi1>, vector<1x32xf32>
      %eq3A_906 = arith.constant 24 : i32
      %eq3A_907 = vector.broadcast %eq3A_906 : i32 to vector<1x32xi32>
      %eq3A_908 = arith.cmpi eq, %iota3A, %eq3A_907 : vector<1x32xi32>
      %gt3A_909 = arith.cmpf ogt, %reduce_max3A_890, %while3A : f32
      %jit3A_910 = arith.constant 1073741880 : i32
      %select_n3A_911 = arith.select %gt3A_909, %reduce_min3A_900, %jit3A_910 : i32
      %broadcast_in_dim3A_912 = vector.broadcast %select_n3A_911 : i32 to vector<1x32xi32>
      %select_n3A_913 = arith.select %eq3A_908, %broadcast_in_dim3A_912, %select_n3A_881 : vector<1x32xi1>, vector<1x32xi32>
      %eq3A_914 = vector.broadcast %reduce_min3A_900 : i32 to vector<8x512xi32>
      %eq3A_915 = arith.cmpi eq, %add3A_111, %eq3A_914 : vector<8x512xi32>
      %broadcast_in_dim3A_916 = vector.broadcast %while3A : f32 to vector<8x512xf32>
      %select_n3A_917 = arith.select %eq3A_915, %broadcast_in_dim3A_916, %select_n3A_885 : vector<8x512xi1>, vector<8x512xf32>
      %reduce_max3A_918 = vector.shape_cast %select_n3A_917 : vector<8x512xf32> to vector<1x8x512xf32>
      %reduce_max3A_919 = arith.constant dense<0xFF800000> : vector<1xf32>
      %reduce_max3A_920 = vector.multi_reduction <maximumf>, %reduce_max3A_918, %reduce_max3A_919 [1, 2] : vector<1x8x512xf32> to vector<1xf32>
      %reduce_max3A_921 = vector.shape_cast %reduce_max3A_920 : vector<1xf32> to vector<1x1x1xf32>
      %reduce_max3A_922 = vector.extract %reduce_max3A_921[0, 0, 0] : f32 from vector<1x1x1xf32>
      %eq3A_923 = vector.broadcast %reduce_max3A_922 : f32 to vector<8x512xf32>
      %eq3A_924 = arith.cmpf oeq, %select_n3A_917, %eq3A_923 : vector<8x512xf32>
      %jit3A_925 = arith.constant 1073741824 : i32
      %broadcast_in_dim3A_926 = vector.broadcast %jit3A_925 : i32 to vector<8x512xi32>
      %select_n3A_927 = arith.select %eq3A_924, %add3A_111, %broadcast_in_dim3A_926 : vector<8x512xi1>, vector<8x512xi32>
      %reduce_min3A_928 = vector.shape_cast %select_n3A_927 : vector<8x512xi32> to vector<1x8x512xi32>
      %reduce_min3A_929 = arith.constant dense<2147483647> : vector<1xi32>
      %reduce_min3A_930 = vector.multi_reduction <minsi>, %reduce_min3A_928, %reduce_min3A_929 [1, 2] : vector<1x8x512xi32> to vector<1xi32>
      %reduce_min3A_931 = vector.shape_cast %reduce_min3A_930 : vector<1xi32> to vector<1x1x1xi32>
      %reduce_min3A_932 = vector.extract %reduce_min3A_931[0, 0, 0] : i32 from vector<1x1x1xi32>
      %eq3A_933 = arith.constant 25 : i32
      %eq3A_934 = vector.broadcast %eq3A_933 : i32 to vector<1x32xi32>
      %eq3A_935 = arith.cmpi eq, %iota3A, %eq3A_934 : vector<1x32xi32>
      %broadcast_in_dim3A_936 = vector.broadcast %reduce_max3A_922 : f32 to vector<1x32xf32>
      %select_n3A_937 = arith.select %eq3A_935, %broadcast_in_dim3A_936, %select_n3A_905 : vector<1x32xi1>, vector<1x32xf32>
      %eq3A_938 = arith.constant 25 : i32
      %eq3A_939 = vector.broadcast %eq3A_938 : i32 to vector<1x32xi32>
      %eq3A_940 = arith.cmpi eq, %iota3A, %eq3A_939 : vector<1x32xi32>
      %gt3A_941 = arith.cmpf ogt, %reduce_max3A_922, %while3A : f32
      %jit3A_942 = arith.constant 1073741881 : i32
      %select_n3A_943 = arith.select %gt3A_941, %reduce_min3A_932, %jit3A_942 : i32
      %broadcast_in_dim3A_944 = vector.broadcast %select_n3A_943 : i32 to vector<1x32xi32>
      %select_n3A_945 = arith.select %eq3A_940, %broadcast_in_dim3A_944, %select_n3A_913 : vector<1x32xi1>, vector<1x32xi32>
      %eq3A_946 = vector.broadcast %reduce_min3A_932 : i32 to vector<8x512xi32>
      %eq3A_947 = arith.cmpi eq, %add3A_111, %eq3A_946 : vector<8x512xi32>
      %broadcast_in_dim3A_948 = vector.broadcast %while3A : f32 to vector<8x512xf32>
      %select_n3A_949 = arith.select %eq3A_947, %broadcast_in_dim3A_948, %select_n3A_917 : vector<8x512xi1>, vector<8x512xf32>
      %reduce_max3A_950 = vector.shape_cast %select_n3A_949 : vector<8x512xf32> to vector<1x8x512xf32>
      %reduce_max3A_951 = arith.constant dense<0xFF800000> : vector<1xf32>
      %reduce_max3A_952 = vector.multi_reduction <maximumf>, %reduce_max3A_950, %reduce_max3A_951 [1, 2] : vector<1x8x512xf32> to vector<1xf32>
      %reduce_max3A_953 = vector.shape_cast %reduce_max3A_952 : vector<1xf32> to vector<1x1x1xf32>
      %reduce_max3A_954 = vector.extract %reduce_max3A_953[0, 0, 0] : f32 from vector<1x1x1xf32>
      %eq3A_955 = vector.broadcast %reduce_max3A_954 : f32 to vector<8x512xf32>
      %eq3A_956 = arith.cmpf oeq, %select_n3A_949, %eq3A_955 : vector<8x512xf32>
      %jit3A_957 = arith.constant 1073741824 : i32
      %broadcast_in_dim3A_958 = vector.broadcast %jit3A_957 : i32 to vector<8x512xi32>
      %select_n3A_959 = arith.select %eq3A_956, %add3A_111, %broadcast_in_dim3A_958 : vector<8x512xi1>, vector<8x512xi32>
      %reduce_min3A_960 = vector.shape_cast %select_n3A_959 : vector<8x512xi32> to vector<1x8x512xi32>
      %reduce_min3A_961 = arith.constant dense<2147483647> : vector<1xi32>
      %reduce_min3A_962 = vector.multi_reduction <minsi>, %reduce_min3A_960, %reduce_min3A_961 [1, 2] : vector<1x8x512xi32> to vector<1xi32>
      %reduce_min3A_963 = vector.shape_cast %reduce_min3A_962 : vector<1xi32> to vector<1x1x1xi32>
      %reduce_min3A_964 = vector.extract %reduce_min3A_963[0, 0, 0] : i32 from vector<1x1x1xi32>
      %eq3A_965 = arith.constant 26 : i32
      %eq3A_966 = vector.broadcast %eq3A_965 : i32 to vector<1x32xi32>
      %eq3A_967 = arith.cmpi eq, %iota3A, %eq3A_966 : vector<1x32xi32>
      %broadcast_in_dim3A_968 = vector.broadcast %reduce_max3A_954 : f32 to vector<1x32xf32>
      %select_n3A_969 = arith.select %eq3A_967, %broadcast_in_dim3A_968, %select_n3A_937 : vector<1x32xi1>, vector<1x32xf32>
      %eq3A_970 = arith.constant 26 : i32
      %eq3A_971 = vector.broadcast %eq3A_970 : i32 to vector<1x32xi32>
      %eq3A_972 = arith.cmpi eq, %iota3A, %eq3A_971 : vector<1x32xi32>
      %gt3A_973 = arith.cmpf ogt, %reduce_max3A_954, %while3A : f32
      %jit3A_974 = arith.constant 1073741882 : i32
      %select_n3A_975 = arith.select %gt3A_973, %reduce_min3A_964, %jit3A_974 : i32
      %broadcast_in_dim3A_976 = vector.broadcast %select_n3A_975 : i32 to vector<1x32xi32>
      %select_n3A_977 = arith.select %eq3A_972, %broadcast_in_dim3A_976, %select_n3A_945 : vector<1x32xi1>, vector<1x32xi32>
      %eq3A_978 = vector.broadcast %reduce_min3A_964 : i32 to vector<8x512xi32>
      %eq3A_979 = arith.cmpi eq, %add3A_111, %eq3A_978 : vector<8x512xi32>
      %broadcast_in_dim3A_980 = vector.broadcast %while3A : f32 to vector<8x512xf32>
      %select_n3A_981 = arith.select %eq3A_979, %broadcast_in_dim3A_980, %select_n3A_949 : vector<8x512xi1>, vector<8x512xf32>
      %reduce_max3A_982 = vector.shape_cast %select_n3A_981 : vector<8x512xf32> to vector<1x8x512xf32>
      %reduce_max3A_983 = arith.constant dense<0xFF800000> : vector<1xf32>
      %reduce_max3A_984 = vector.multi_reduction <maximumf>, %reduce_max3A_982, %reduce_max3A_983 [1, 2] : vector<1x8x512xf32> to vector<1xf32>
      %reduce_max3A_985 = vector.shape_cast %reduce_max3A_984 : vector<1xf32> to vector<1x1x1xf32>
      %reduce_max3A_986 = vector.extract %reduce_max3A_985[0, 0, 0] : f32 from vector<1x1x1xf32>
      %eq3A_987 = vector.broadcast %reduce_max3A_986 : f32 to vector<8x512xf32>
      %eq3A_988 = arith.cmpf oeq, %select_n3A_981, %eq3A_987 : vector<8x512xf32>
      %jit3A_989 = arith.constant 1073741824 : i32
      %broadcast_in_dim3A_990 = vector.broadcast %jit3A_989 : i32 to vector<8x512xi32>
      %select_n3A_991 = arith.select %eq3A_988, %add3A_111, %broadcast_in_dim3A_990 : vector<8x512xi1>, vector<8x512xi32>
      %reduce_min3A_992 = vector.shape_cast %select_n3A_991 : vector<8x512xi32> to vector<1x8x512xi32>
      %reduce_min3A_993 = arith.constant dense<2147483647> : vector<1xi32>
      %reduce_min3A_994 = vector.multi_reduction <minsi>, %reduce_min3A_992, %reduce_min3A_993 [1, 2] : vector<1x8x512xi32> to vector<1xi32>
      %reduce_min3A_995 = vector.shape_cast %reduce_min3A_994 : vector<1xi32> to vector<1x1x1xi32>
      %reduce_min3A_996 = vector.extract %reduce_min3A_995[0, 0, 0] : i32 from vector<1x1x1xi32>
      %eq3A_997 = arith.constant 27 : i32
      %eq3A_998 = vector.broadcast %eq3A_997 : i32 to vector<1x32xi32>
      %eq3A_999 = arith.cmpi eq, %iota3A, %eq3A_998 : vector<1x32xi32>
      %broadcast_in_dim3A_1000 = vector.broadcast %reduce_max3A_986 : f32 to vector<1x32xf32>
      %select_n3A_1001 = arith.select %eq3A_999, %broadcast_in_dim3A_1000, %select_n3A_969 : vector<1x32xi1>, vector<1x32xf32>
      %eq3A_1002 = arith.constant 27 : i32
      %eq3A_1003 = vector.broadcast %eq3A_1002 : i32 to vector<1x32xi32>
      %eq3A_1004 = arith.cmpi eq, %iota3A, %eq3A_1003 : vector<1x32xi32>
      %gt3A_1005 = arith.cmpf ogt, %reduce_max3A_986, %while3A : f32
      %jit3A_1006 = arith.constant 1073741883 : i32
      %select_n3A_1007 = arith.select %gt3A_1005, %reduce_min3A_996, %jit3A_1006 : i32
      %broadcast_in_dim3A_1008 = vector.broadcast %select_n3A_1007 : i32 to vector<1x32xi32>
      %select_n3A_1009 = arith.select %eq3A_1004, %broadcast_in_dim3A_1008, %select_n3A_977 : vector<1x32xi1>, vector<1x32xi32>
      %eq3A_1010 = vector.broadcast %reduce_min3A_996 : i32 to vector<8x512xi32>
      %eq3A_1011 = arith.cmpi eq, %add3A_111, %eq3A_1010 : vector<8x512xi32>
      %broadcast_in_dim3A_1012 = vector.broadcast %while3A : f32 to vector<8x512xf32>
      %select_n3A_1013 = arith.select %eq3A_1011, %broadcast_in_dim3A_1012, %select_n3A_981 : vector<8x512xi1>, vector<8x512xf32>
      %reduce_max3A_1014 = vector.shape_cast %select_n3A_1013 : vector<8x512xf32> to vector<1x8x512xf32>
      %reduce_max3A_1015 = arith.constant dense<0xFF800000> : vector<1xf32>
      %reduce_max3A_1016 = vector.multi_reduction <maximumf>, %reduce_max3A_1014, %reduce_max3A_1015 [1, 2] : vector<1x8x512xf32> to vector<1xf32>
      %reduce_max3A_1017 = vector.shape_cast %reduce_max3A_1016 : vector<1xf32> to vector<1x1x1xf32>
      %reduce_max3A_1018 = vector.extract %reduce_max3A_1017[0, 0, 0] : f32 from vector<1x1x1xf32>
      %eq3A_1019 = vector.broadcast %reduce_max3A_1018 : f32 to vector<8x512xf32>
      %eq3A_1020 = arith.cmpf oeq, %select_n3A_1013, %eq3A_1019 : vector<8x512xf32>
      %jit3A_1021 = arith.constant 1073741824 : i32
      %broadcast_in_dim3A_1022 = vector.broadcast %jit3A_1021 : i32 to vector<8x512xi32>
      %select_n3A_1023 = arith.select %eq3A_1020, %add3A_111, %broadcast_in_dim3A_1022 : vector<8x512xi1>, vector<8x512xi32>
      %reduce_min3A_1024 = vector.shape_cast %select_n3A_1023 : vector<8x512xi32> to vector<1x8x512xi32>
      %reduce_min3A_1025 = arith.constant dense<2147483647> : vector<1xi32>
      %reduce_min3A_1026 = vector.multi_reduction <minsi>, %reduce_min3A_1024, %reduce_min3A_1025 [1, 2] : vector<1x8x512xi32> to vector<1xi32>
      %reduce_min3A_1027 = vector.shape_cast %reduce_min3A_1026 : vector<1xi32> to vector<1x1x1xi32>
      %reduce_min3A_1028 = vector.extract %reduce_min3A_1027[0, 0, 0] : i32 from vector<1x1x1xi32>
      %eq3A_1029 = arith.constant 28 : i32
      %eq3A_1030 = vector.broadcast %eq3A_1029 : i32 to vector<1x32xi32>
      %eq3A_1031 = arith.cmpi eq, %iota3A, %eq3A_1030 : vector<1x32xi32>
      %broadcast_in_dim3A_1032 = vector.broadcast %reduce_max3A_1018 : f32 to vector<1x32xf32>
      %select_n3A_1033 = arith.select %eq3A_1031, %broadcast_in_dim3A_1032, %select_n3A_1001 : vector<1x32xi1>, vector<1x32xf32>
      %eq3A_1034 = arith.constant 28 : i32
      %eq3A_1035 = vector.broadcast %eq3A_1034 : i32 to vector<1x32xi32>
      %eq3A_1036 = arith.cmpi eq, %iota3A, %eq3A_1035 : vector<1x32xi32>
      %gt3A_1037 = arith.cmpf ogt, %reduce_max3A_1018, %while3A : f32
      %jit3A_1038 = arith.constant 1073741884 : i32
      %select_n3A_1039 = arith.select %gt3A_1037, %reduce_min3A_1028, %jit3A_1038 : i32
      %broadcast_in_dim3A_1040 = vector.broadcast %select_n3A_1039 : i32 to vector<1x32xi32>
      %select_n3A_1041 = arith.select %eq3A_1036, %broadcast_in_dim3A_1040, %select_n3A_1009 : vector<1x32xi1>, vector<1x32xi32>
      %eq3A_1042 = vector.broadcast %reduce_min3A_1028 : i32 to vector<8x512xi32>
      %eq3A_1043 = arith.cmpi eq, %add3A_111, %eq3A_1042 : vector<8x512xi32>
      %broadcast_in_dim3A_1044 = vector.broadcast %while3A : f32 to vector<8x512xf32>
      %select_n3A_1045 = arith.select %eq3A_1043, %broadcast_in_dim3A_1044, %select_n3A_1013 : vector<8x512xi1>, vector<8x512xf32>
      %reduce_max3A_1046 = vector.shape_cast %select_n3A_1045 : vector<8x512xf32> to vector<1x8x512xf32>
      %reduce_max3A_1047 = arith.constant dense<0xFF800000> : vector<1xf32>
      %reduce_max3A_1048 = vector.multi_reduction <maximumf>, %reduce_max3A_1046, %reduce_max3A_1047 [1, 2] : vector<1x8x512xf32> to vector<1xf32>
      %reduce_max3A_1049 = vector.shape_cast %reduce_max3A_1048 : vector<1xf32> to vector<1x1x1xf32>
      %reduce_max3A_1050 = vector.extract %reduce_max3A_1049[0, 0, 0] : f32 from vector<1x1x1xf32>
      %eq3A_1051 = vector.broadcast %reduce_max3A_1050 : f32 to vector<8x512xf32>
      %eq3A_1052 = arith.cmpf oeq, %select_n3A_1045, %eq3A_1051 : vector<8x512xf32>
      %jit3A_1053 = arith.constant 1073741824 : i32
      %broadcast_in_dim3A_1054 = vector.broadcast %jit3A_1053 : i32 to vector<8x512xi32>
      %select_n3A_1055 = arith.select %eq3A_1052, %add3A_111, %broadcast_in_dim3A_1054 : vector<8x512xi1>, vector<8x512xi32>
      %reduce_min3A_1056 = vector.shape_cast %select_n3A_1055 : vector<8x512xi32> to vector<1x8x512xi32>
      %reduce_min3A_1057 = arith.constant dense<2147483647> : vector<1xi32>
      %reduce_min3A_1058 = vector.multi_reduction <minsi>, %reduce_min3A_1056, %reduce_min3A_1057 [1, 2] : vector<1x8x512xi32> to vector<1xi32>
      %reduce_min3A_1059 = vector.shape_cast %reduce_min3A_1058 : vector<1xi32> to vector<1x1x1xi32>
      %reduce_min3A_1060 = vector.extract %reduce_min3A_1059[0, 0, 0] : i32 from vector<1x1x1xi32>
      %eq3A_1061 = arith.constant 29 : i32
      %eq3A_1062 = vector.broadcast %eq3A_1061 : i32 to vector<1x32xi32>
      %eq3A_1063 = arith.cmpi eq, %iota3A, %eq3A_1062 : vector<1x32xi32>
      %broadcast_in_dim3A_1064 = vector.broadcast %reduce_max3A_1050 : f32 to vector<1x32xf32>
      %select_n3A_1065 = arith.select %eq3A_1063, %broadcast_in_dim3A_1064, %select_n3A_1033 : vector<1x32xi1>, vector<1x32xf32>
      %eq3A_1066 = arith.constant 29 : i32
      %eq3A_1067 = vector.broadcast %eq3A_1066 : i32 to vector<1x32xi32>
      %eq3A_1068 = arith.cmpi eq, %iota3A, %eq3A_1067 : vector<1x32xi32>
      %gt3A_1069 = arith.cmpf ogt, %reduce_max3A_1050, %while3A : f32
      %jit3A_1070 = arith.constant 1073741885 : i32
      %select_n3A_1071 = arith.select %gt3A_1069, %reduce_min3A_1060, %jit3A_1070 : i32
      %broadcast_in_dim3A_1072 = vector.broadcast %select_n3A_1071 : i32 to vector<1x32xi32>
      %select_n3A_1073 = arith.select %eq3A_1068, %broadcast_in_dim3A_1072, %select_n3A_1041 : vector<1x32xi1>, vector<1x32xi32>
      %eq3A_1074 = vector.broadcast %reduce_min3A_1060 : i32 to vector<8x512xi32>
      %eq3A_1075 = arith.cmpi eq, %add3A_111, %eq3A_1074 : vector<8x512xi32>
      %broadcast_in_dim3A_1076 = vector.broadcast %while3A : f32 to vector<8x512xf32>
      %select_n3A_1077 = arith.select %eq3A_1075, %broadcast_in_dim3A_1076, %select_n3A_1045 : vector<8x512xi1>, vector<8x512xf32>
      %reduce_max3A_1078 = vector.shape_cast %select_n3A_1077 : vector<8x512xf32> to vector<1x8x512xf32>
      %reduce_max3A_1079 = arith.constant dense<0xFF800000> : vector<1xf32>
      %reduce_max3A_1080 = vector.multi_reduction <maximumf>, %reduce_max3A_1078, %reduce_max3A_1079 [1, 2] : vector<1x8x512xf32> to vector<1xf32>
      %reduce_max3A_1081 = vector.shape_cast %reduce_max3A_1080 : vector<1xf32> to vector<1x1x1xf32>
      %reduce_max3A_1082 = vector.extract %reduce_max3A_1081[0, 0, 0] : f32 from vector<1x1x1xf32>
      %eq3A_1083 = vector.broadcast %reduce_max3A_1082 : f32 to vector<8x512xf32>
      %eq3A_1084 = arith.cmpf oeq, %select_n3A_1077, %eq3A_1083 : vector<8x512xf32>
      %jit3A_1085 = arith.constant 1073741824 : i32
      %broadcast_in_dim3A_1086 = vector.broadcast %jit3A_1085 : i32 to vector<8x512xi32>
      %select_n3A_1087 = arith.select %eq3A_1084, %add3A_111, %broadcast_in_dim3A_1086 : vector<8x512xi1>, vector<8x512xi32>
      %reduce_min3A_1088 = vector.shape_cast %select_n3A_1087 : vector<8x512xi32> to vector<1x8x512xi32>
      %reduce_min3A_1089 = arith.constant dense<2147483647> : vector<1xi32>
      %reduce_min3A_1090 = vector.multi_reduction <minsi>, %reduce_min3A_1088, %reduce_min3A_1089 [1, 2] : vector<1x8x512xi32> to vector<1xi32>
      %reduce_min3A_1091 = vector.shape_cast %reduce_min3A_1090 : vector<1xi32> to vector<1x1x1xi32>
      %reduce_min3A_1092 = vector.extract %reduce_min3A_1091[0, 0, 0] : i32 from vector<1x1x1xi32>
      %eq3A_1093 = arith.constant 30 : i32
      %eq3A_1094 = vector.broadcast %eq3A_1093 : i32 to vector<1x32xi32>
      %eq3A_1095 = arith.cmpi eq, %iota3A, %eq3A_1094 : vector<1x32xi32>
      %broadcast_in_dim3A_1096 = vector.broadcast %reduce_max3A_1082 : f32 to vector<1x32xf32>
      %select_n3A_1097 = arith.select %eq3A_1095, %broadcast_in_dim3A_1096, %select_n3A_1065 : vector<1x32xi1>, vector<1x32xf32>
      %eq3A_1098 = arith.constant 30 : i32
      %eq3A_1099 = vector.broadcast %eq3A_1098 : i32 to vector<1x32xi32>
      %eq3A_1100 = arith.cmpi eq, %iota3A, %eq3A_1099 : vector<1x32xi32>
      %gt3A_1101 = arith.cmpf ogt, %reduce_max3A_1082, %while3A : f32
      %jit3A_1102 = arith.constant 1073741886 : i32
      %select_n3A_1103 = arith.select %gt3A_1101, %reduce_min3A_1092, %jit3A_1102 : i32
      %broadcast_in_dim3A_1104 = vector.broadcast %select_n3A_1103 : i32 to vector<1x32xi32>
      %select_n3A_1105 = arith.select %eq3A_1100, %broadcast_in_dim3A_1104, %select_n3A_1073 : vector<1x32xi1>, vector<1x32xi32>
      %eq3A_1106 = vector.broadcast %reduce_min3A_1092 : i32 to vector<8x512xi32>
      %eq3A_1107 = arith.cmpi eq, %add3A_111, %eq3A_1106 : vector<8x512xi32>
      %broadcast_in_dim3A_1108 = vector.broadcast %while3A : f32 to vector<8x512xf32>
      %select_n3A_1109 = arith.select %eq3A_1107, %broadcast_in_dim3A_1108, %select_n3A_1077 : vector<8x512xi1>, vector<8x512xf32>
      %reduce_max3A_1110 = vector.shape_cast %select_n3A_1109 : vector<8x512xf32> to vector<1x8x512xf32>
      %reduce_max3A_1111 = arith.constant dense<0xFF800000> : vector<1xf32>
      %reduce_max3A_1112 = vector.multi_reduction <maximumf>, %reduce_max3A_1110, %reduce_max3A_1111 [1, 2] : vector<1x8x512xf32> to vector<1xf32>
      %reduce_max3A_1113 = vector.shape_cast %reduce_max3A_1112 : vector<1xf32> to vector<1x1x1xf32>
      %reduce_max3A_1114 = vector.extract %reduce_max3A_1113[0, 0, 0] : f32 from vector<1x1x1xf32>
      %eq3A_1115 = vector.broadcast %reduce_max3A_1114 : f32 to vector<8x512xf32>
      %eq3A_1116 = arith.cmpf oeq, %select_n3A_1109, %eq3A_1115 : vector<8x512xf32>
      %jit3A_1117 = arith.constant 1073741824 : i32
      %broadcast_in_dim3A_1118 = vector.broadcast %jit3A_1117 : i32 to vector<8x512xi32>
      %select_n3A_1119 = arith.select %eq3A_1116, %add3A_111, %broadcast_in_dim3A_1118 : vector<8x512xi1>, vector<8x512xi32>
      %reduce_min3A_1120 = vector.shape_cast %select_n3A_1119 : vector<8x512xi32> to vector<1x8x512xi32>
      %reduce_min3A_1121 = arith.constant dense<2147483647> : vector<1xi32>
      %reduce_min3A_1122 = vector.multi_reduction <minsi>, %reduce_min3A_1120, %reduce_min3A_1121 [1, 2] : vector<1x8x512xi32> to vector<1xi32>
      %reduce_min3A_1123 = vector.shape_cast %reduce_min3A_1122 : vector<1xi32> to vector<1x1x1xi32>
      %reduce_min3A_1124 = vector.extract %reduce_min3A_1123[0, 0, 0] : i32 from vector<1x1x1xi32>
      %eq3A_1125 = arith.constant 31 : i32
      %eq3A_1126 = vector.broadcast %eq3A_1125 : i32 to vector<1x32xi32>
      %eq3A_1127 = arith.cmpi eq, %iota3A, %eq3A_1126 : vector<1x32xi32>
      %broadcast_in_dim3A_1128 = vector.broadcast %reduce_max3A_1114 : f32 to vector<1x32xf32>
      %select_n3A_1129 = arith.select %eq3A_1127, %broadcast_in_dim3A_1128, %select_n3A_1097 : vector<1x32xi1>, vector<1x32xf32>
      %eq3A_1130 = arith.constant 31 : i32
      %eq3A_1131 = vector.broadcast %eq3A_1130 : i32 to vector<1x32xi32>
      %eq3A_1132 = arith.cmpi eq, %iota3A, %eq3A_1131 : vector<1x32xi32>
      %gt3A_1133 = arith.cmpf ogt, %reduce_max3A_1114, %while3A : f32
      %jit3A_1134 = arith.constant 1073741887 : i32
      %select_n3A_1135 = arith.select %gt3A_1133, %reduce_min3A_1124, %jit3A_1134 : i32
      %broadcast_in_dim3A_1136 = vector.broadcast %select_n3A_1135 : i32 to vector<1x32xi32>
      %select_n3A_1137 = arith.select %eq3A_1132, %broadcast_in_dim3A_1136, %select_n3A_1105 : vector<1x32xi1>, vector<1x32xi32>
      %eq3A_1138 = vector.broadcast %reduce_min3A_1124 : i32 to vector<8x512xi32>
      %eq3A_1139 = arith.cmpi eq, %add3A_111, %eq3A_1138 : vector<8x512xi32>
      %broadcast_in_dim3A_1140 = vector.broadcast %while3A : f32 to vector<8x512xf32>
      %select_n3A_1141 = arith.select %eq3A_1139, %broadcast_in_dim3A_1140, %select_n3A_1109 : vector<8x512xi1>, vector<8x512xf32>
      %concatenate3A = tpu.concatenate %while3A_91, %select_n3A_1129 in 1 : vector<1x32xf32>, vector<1x32xf32> -> vector<1x64xf32>
      %concatenate3A_1142 = tpu.concatenate %while3A_92, %select_n3A_1137 in 1 : vector<1x32xi32>, vector<1x32xi32> -> vector<1x64xi32>
      %broadcast_in_dim3A_1143 = vector.broadcast %while3A : f32 to vector<1x32xf32>
      %add3A_1144 = arith.constant 1073741888 : i32
      %add3A_1145 = vector.broadcast %add3A_1144 : i32 to vector<1x32xi32>
      %add3A_1146 = arith.addi %add3A_1145, %iota3A : vector<1x32xi32>
      %reduce_max3A_1147 = vector.shape_cast %concatenate3A : vector<1x64xf32> to vector<1x1x64xf32>
      %reduce_max3A_1148 = arith.constant dense<0xFF800000> : vector<1xf32>
      %reduce_max3A_1149 = vector.multi_reduction <maximumf>, %reduce_max3A_1147, %reduce_max3A_1148 [1, 2] : vector<1x1x64xf32> to vector<1xf32>
      %reduce_max3A_1150 = vector.shape_cast %reduce_max3A_1149 : vector<1xf32> to vector<1x1x1xf32>
      %reduce_max3A_1151 = vector.extract %reduce_max3A_1150[0, 0, 0] : f32 from vector<1x1x1xf32>
      %eq3A_1152 = vector.broadcast %reduce_max3A_1151 : f32 to vector<1x64xf32>
      %eq3A_1153 = arith.cmpf oeq, %concatenate3A, %eq3A_1152 : vector<1x64xf32>
      %jit3A_1154 = arith.constant 2147483647 : i32
      %broadcast_in_dim3A_1155 = vector.broadcast %jit3A_1154 : i32 to vector<1x64xi32>
      %select_n3A_1156 = arith.select %eq3A_1153, %concatenate3A_1142, %broadcast_in_dim3A_1155 : vector<1x64xi1>, vector<1x64xi32>
      %reduce_min3A_1157 = vector.shape_cast %select_n3A_1156 : vector<1x64xi32> to vector<1x1x64xi32>
      %reduce_min3A_1158 = arith.constant dense<2147483647> : vector<1xi32>
      %reduce_min3A_1159 = vector.multi_reduction <minsi>, %reduce_min3A_1157, %reduce_min3A_1158 [1, 2] : vector<1x1x64xi32> to vector<1xi32>
      %reduce_min3A_1160 = vector.shape_cast %reduce_min3A_1159 : vector<1xi32> to vector<1x1x1xi32>
      %reduce_min3A_1161 = vector.extract %reduce_min3A_1160[0, 0, 0] : i32 from vector<1x1x1xi32>
      %eq3A_1162 = arith.constant 0 : i32
      %eq3A_1163 = vector.broadcast %eq3A_1162 : i32 to vector<1x32xi32>
      %eq3A_1164 = arith.cmpi eq, %iota3A, %eq3A_1163 : vector<1x32xi32>
      %broadcast_in_dim3A_1165 = vector.broadcast %reduce_max3A_1151 : f32 to vector<1x32xf32>
      %select_n3A_1166 = arith.select %eq3A_1164, %broadcast_in_dim3A_1165, %broadcast_in_dim3A_1143 : vector<1x32xi1>, vector<1x32xf32>
      %eq3A_1167 = arith.constant 0 : i32
      %eq3A_1168 = vector.broadcast %eq3A_1167 : i32 to vector<1x32xi32>
      %eq3A_1169 = arith.cmpi eq, %iota3A, %eq3A_1168 : vector<1x32xi32>
      %broadcast_in_dim3A_1170 = vector.broadcast %reduce_min3A_1161 : i32 to vector<1x32xi32>
      %select_n3A_1171 = arith.select %eq3A_1169, %broadcast_in_dim3A_1170, %add3A_1146 : vector<1x32xi1>, vector<1x32xi32>
      %eq3A_1172 = vector.broadcast %reduce_min3A_1161 : i32 to vector<1x64xi32>
      %eq3A_1173 = arith.cmpi eq, %concatenate3A_1142, %eq3A_1172 : vector<1x64xi32>
      %broadcast_in_dim3A_1174 = vector.broadcast %while3A : f32 to vector<1x64xf32>
      %select_n3A_1175 = arith.select %eq3A_1173, %broadcast_in_dim3A_1174, %concatenate3A : vector<1x64xi1>, vector<1x64xf32>
      %reduce_max3A_1176 = vector.shape_cast %select_n3A_1175 : vector<1x64xf32> to vector<1x1x64xf32>
      %reduce_max3A_1177 = arith.constant dense<0xFF800000> : vector<1xf32>
      %reduce_max3A_1178 = vector.multi_reduction <maximumf>, %reduce_max3A_1176, %reduce_max3A_1177 [1, 2] : vector<1x1x64xf32> to vector<1xf32>
      %reduce_max3A_1179 = vector.shape_cast %reduce_max3A_1178 : vector<1xf32> to vector<1x1x1xf32>
      %reduce_max3A_1180 = vector.extract %reduce_max3A_1179[0, 0, 0] : f32 from vector<1x1x1xf32>
      %eq3A_1181 = vector.broadcast %reduce_max3A_1180 : f32 to vector<1x64xf32>
      %eq3A_1182 = arith.cmpf oeq, %select_n3A_1175, %eq3A_1181 : vector<1x64xf32>
      %jit3A_1183 = arith.constant 2147483647 : i32
      %broadcast_in_dim3A_1184 = vector.broadcast %jit3A_1183 : i32 to vector<1x64xi32>
      %select_n3A_1185 = arith.select %eq3A_1182, %concatenate3A_1142, %broadcast_in_dim3A_1184 : vector<1x64xi1>, vector<1x64xi32>
      %reduce_min3A_1186 = vector.shape_cast %select_n3A_1185 : vector<1x64xi32> to vector<1x1x64xi32>
      %reduce_min3A_1187 = arith.constant dense<2147483647> : vector<1xi32>
      %reduce_min3A_1188 = vector.multi_reduction <minsi>, %reduce_min3A_1186, %reduce_min3A_1187 [1, 2] : vector<1x1x64xi32> to vector<1xi32>
      %reduce_min3A_1189 = vector.shape_cast %reduce_min3A_1188 : vector<1xi32> to vector<1x1x1xi32>
      %reduce_min3A_1190 = vector.extract %reduce_min3A_1189[0, 0, 0] : i32 from vector<1x1x1xi32>
      %eq3A_1191 = arith.constant 1 : i32
      %eq3A_1192 = vector.broadcast %eq3A_1191 : i32 to vector<1x32xi32>
      %eq3A_1193 = arith.cmpi eq, %iota3A, %eq3A_1192 : vector<1x32xi32>
      %broadcast_in_dim3A_1194 = vector.broadcast %reduce_max3A_1180 : f32 to vector<1x32xf32>
      %select_n3A_1195 = arith.select %eq3A_1193, %broadcast_in_dim3A_1194, %select_n3A_1166 : vector<1x32xi1>, vector<1x32xf32>
      %eq3A_1196 = arith.constant 1 : i32
      %eq3A_1197 = vector.broadcast %eq3A_1196 : i32 to vector<1x32xi32>
      %eq3A_1198 = arith.cmpi eq, %iota3A, %eq3A_1197 : vector<1x32xi32>
      %broadcast_in_dim3A_1199 = vector.broadcast %reduce_min3A_1190 : i32 to vector<1x32xi32>
      %select_n3A_1200 = arith.select %eq3A_1198, %broadcast_in_dim3A_1199, %select_n3A_1171 : vector<1x32xi1>, vector<1x32xi32>
      %eq3A_1201 = vector.broadcast %reduce_min3A_1190 : i32 to vector<1x64xi32>
      %eq3A_1202 = arith.cmpi eq, %concatenate3A_1142, %eq3A_1201 : vector<1x64xi32>
      %broadcast_in_dim3A_1203 = vector.broadcast %while3A : f32 to vector<1x64xf32>
      %select_n3A_1204 = arith.select %eq3A_1202, %broadcast_in_dim3A_1203, %select_n3A_1175 : vector<1x64xi1>, vector<1x64xf32>
      %reduce_max3A_1205 = vector.shape_cast %select_n3A_1204 : vector<1x64xf32> to vector<1x1x64xf32>
      %reduce_max3A_1206 = arith.constant dense<0xFF800000> : vector<1xf32>
      %reduce_max3A_1207 = vector.multi_reduction <maximumf>, %reduce_max3A_1205, %reduce_max3A_1206 [1, 2] : vector<1x1x64xf32> to vector<1xf32>
      %reduce_max3A_1208 = vector.shape_cast %reduce_max3A_1207 : vector<1xf32> to vector<1x1x1xf32>
      %reduce_max3A_1209 = vector.extract %reduce_max3A_1208[0, 0, 0] : f32 from vector<1x1x1xf32>
      %eq3A_1210 = vector.broadcast %reduce_max3A_1209 : f32 to vector<1x64xf32>
      %eq3A_1211 = arith.cmpf oeq, %select_n3A_1204, %eq3A_1210 : vector<1x64xf32>
      %jit3A_1212 = arith.constant 2147483647 : i32
      %broadcast_in_dim3A_1213 = vector.broadcast %jit3A_1212 : i32 to vector<1x64xi32>
      %select_n3A_1214 = arith.select %eq3A_1211, %concatenate3A_1142, %broadcast_in_dim3A_1213 : vector<1x64xi1>, vector<1x64xi32>
      %reduce_min3A_1215 = vector.shape_cast %select_n3A_1214 : vector<1x64xi32> to vector<1x1x64xi32>
      %reduce_min3A_1216 = arith.constant dense<2147483647> : vector<1xi32>
      %reduce_min3A_1217 = vector.multi_reduction <minsi>, %reduce_min3A_1215, %reduce_min3A_1216 [1, 2] : vector<1x1x64xi32> to vector<1xi32>
      %reduce_min3A_1218 = vector.shape_cast %reduce_min3A_1217 : vector<1xi32> to vector<1x1x1xi32>
      %reduce_min3A_1219 = vector.extract %reduce_min3A_1218[0, 0, 0] : i32 from vector<1x1x1xi32>
      %eq3A_1220 = arith.constant 2 : i32
      %eq3A_1221 = vector.broadcast %eq3A_1220 : i32 to vector<1x32xi32>
      %eq3A_1222 = arith.cmpi eq, %iota3A, %eq3A_1221 : vector<1x32xi32>
      %broadcast_in_dim3A_1223 = vector.broadcast %reduce_max3A_1209 : f32 to vector<1x32xf32>
      %select_n3A_1224 = arith.select %eq3A_1222, %broadcast_in_dim3A_1223, %select_n3A_1195 : vector<1x32xi1>, vector<1x32xf32>
      %eq3A_1225 = arith.constant 2 : i32
      %eq3A_1226 = vector.broadcast %eq3A_1225 : i32 to vector<1x32xi32>
      %eq3A_1227 = arith.cmpi eq, %iota3A, %eq3A_1226 : vector<1x32xi32>
      %broadcast_in_dim3A_1228 = vector.broadcast %reduce_min3A_1219 : i32 to vector<1x32xi32>
      %select_n3A_1229 = arith.select %eq3A_1227, %broadcast_in_dim3A_1228, %select_n3A_1200 : vector<1x32xi1>, vector<1x32xi32>
      %eq3A_1230 = vector.broadcast %reduce_min3A_1219 : i32 to vector<1x64xi32>
      %eq3A_1231 = arith.cmpi eq, %concatenate3A_1142, %eq3A_1230 : vector<1x64xi32>
      %broadcast_in_dim3A_1232 = vector.broadcast %while3A : f32 to vector<1x64xf32>
      %select_n3A_1233 = arith.select %eq3A_1231, %broadcast_in_dim3A_1232, %select_n3A_1204 : vector<1x64xi1>, vector<1x64xf32>
      %reduce_max3A_1234 = vector.shape_cast %select_n3A_1233 : vector<1x64xf32> to vector<1x1x64xf32>
      %reduce_max3A_1235 = arith.constant dense<0xFF800000> : vector<1xf32>
      %reduce_max3A_1236 = vector.multi_reduction <maximumf>, %reduce_max3A_1234, %reduce_max3A_1235 [1, 2] : vector<1x1x64xf32> to vector<1xf32>
      %reduce_max3A_1237 = vector.shape_cast %reduce_max3A_1236 : vector<1xf32> to vector<1x1x1xf32>
      %reduce_max3A_1238 = vector.extract %reduce_max3A_1237[0, 0, 0] : f32 from vector<1x1x1xf32>
      %eq3A_1239 = vector.broadcast %reduce_max3A_1238 : f32 to vector<1x64xf32>
      %eq3A_1240 = arith.cmpf oeq, %select_n3A_1233, %eq3A_1239 : vector<1x64xf32>
      %jit3A_1241 = arith.constant 2147483647 : i32
      %broadcast_in_dim3A_1242 = vector.broadcast %jit3A_1241 : i32 to vector<1x64xi32>
      %select_n3A_1243 = arith.select %eq3A_1240, %concatenate3A_1142, %broadcast_in_dim3A_1242 : vector<1x64xi1>, vector<1x64xi32>
      %reduce_min3A_1244 = vector.shape_cast %select_n3A_1243 : vector<1x64xi32> to vector<1x1x64xi32>
      %reduce_min3A_1245 = arith.constant dense<2147483647> : vector<1xi32>
      %reduce_min3A_1246 = vector.multi_reduction <minsi>, %reduce_min3A_1244, %reduce_min3A_1245 [1, 2] : vector<1x1x64xi32> to vector<1xi32>
      %reduce_min3A_1247 = vector.shape_cast %reduce_min3A_1246 : vector<1xi32> to vector<1x1x1xi32>
      %reduce_min3A_1248 = vector.extract %reduce_min3A_1247[0, 0, 0] : i32 from vector<1x1x1xi32>
      %eq3A_1249 = arith.constant 3 : i32
      %eq3A_1250 = vector.broadcast %eq3A_1249 : i32 to vector<1x32xi32>
      %eq3A_1251 = arith.cmpi eq, %iota3A, %eq3A_1250 : vector<1x32xi32>
      %broadcast_in_dim3A_1252 = vector.broadcast %reduce_max3A_1238 : f32 to vector<1x32xf32>
      %select_n3A_1253 = arith.select %eq3A_1251, %broadcast_in_dim3A_1252, %select_n3A_1224 : vector<1x32xi1>, vector<1x32xf32>
      %eq3A_1254 = arith.constant 3 : i32
      %eq3A_1255 = vector.broadcast %eq3A_1254 : i32 to vector<1x32xi32>
      %eq3A_1256 = arith.cmpi eq, %iota3A, %eq3A_1255 : vector<1x32xi32>
      %broadcast_in_dim3A_1257 = vector.broadcast %reduce_min3A_1248 : i32 to vector<1x32xi32>
      %select_n3A_1258 = arith.select %eq3A_1256, %broadcast_in_dim3A_1257, %select_n3A_1229 : vector<1x32xi1>, vector<1x32xi32>
      %eq3A_1259 = vector.broadcast %reduce_min3A_1248 : i32 to vector<1x64xi32>
      %eq3A_1260 = arith.cmpi eq, %concatenate3A_1142, %eq3A_1259 : vector<1x64xi32>
      %broadcast_in_dim3A_1261 = vector.broadcast %while3A : f32 to vector<1x64xf32>
      %select_n3A_1262 = arith.select %eq3A_1260, %broadcast_in_dim3A_1261, %select_n3A_1233 : vector<1x64xi1>, vector<1x64xf32>
      %reduce_max3A_1263 = vector.shape_cast %select_n3A_1262 : vector<1x64xf32> to vector<1x1x64xf32>
      %reduce_max3A_1264 = arith.constant dense<0xFF800000> : vector<1xf32>
      %reduce_max3A_1265 = vector.multi_reduction <maximumf>, %reduce_max3A_1263, %reduce_max3A_1264 [1, 2] : vector<1x1x64xf32> to vector<1xf32>
      %reduce_max3A_1266 = vector.shape_cast %reduce_max3A_1265 : vector<1xf32> to vector<1x1x1xf32>
      %reduce_max3A_1267 = vector.extract %reduce_max3A_1266[0, 0, 0] : f32 from vector<1x1x1xf32>
      %eq3A_1268 = vector.broadcast %reduce_max3A_1267 : f32 to vector<1x64xf32>
      %eq3A_1269 = arith.cmpf oeq, %select_n3A_1262, %eq3A_1268 : vector<1x64xf32>
      %jit3A_1270 = arith.constant 2147483647 : i32
      %broadcast_in_dim3A_1271 = vector.broadcast %jit3A_1270 : i32 to vector<1x64xi32>
      %select_n3A_1272 = arith.select %eq3A_1269, %concatenate3A_1142, %broadcast_in_dim3A_1271 : vector<1x64xi1>, vector<1x64xi32>
      %reduce_min3A_1273 = vector.shape_cast %select_n3A_1272 : vector<1x64xi32> to vector<1x1x64xi32>
      %reduce_min3A_1274 = arith.constant dense<2147483647> : vector<1xi32>
      %reduce_min3A_1275 = vector.multi_reduction <minsi>, %reduce_min3A_1273, %reduce_min3A_1274 [1, 2] : vector<1x1x64xi32> to vector<1xi32>
      %reduce_min3A_1276 = vector.shape_cast %reduce_min3A_1275 : vector<1xi32> to vector<1x1x1xi32>
      %reduce_min3A_1277 = vector.extract %reduce_min3A_1276[0, 0, 0] : i32 from vector<1x1x1xi32>
      %eq3A_1278 = arith.constant 4 : i32
      %eq3A_1279 = vector.broadcast %eq3A_1278 : i32 to vector<1x32xi32>
      %eq3A_1280 = arith.cmpi eq, %iota3A, %eq3A_1279 : vector<1x32xi32>
      %broadcast_in_dim3A_1281 = vector.broadcast %reduce_max3A_1267 : f32 to vector<1x32xf32>
      %select_n3A_1282 = arith.select %eq3A_1280, %broadcast_in_dim3A_1281, %select_n3A_1253 : vector<1x32xi1>, vector<1x32xf32>
      %eq3A_1283 = arith.constant 4 : i32
      %eq3A_1284 = vector.broadcast %eq3A_1283 : i32 to vector<1x32xi32>
      %eq3A_1285 = arith.cmpi eq, %iota3A, %eq3A_1284 : vector<1x32xi32>
      %broadcast_in_dim3A_1286 = vector.broadcast %reduce_min3A_1277 : i32 to vector<1x32xi32>
      %select_n3A_1287 = arith.select %eq3A_1285, %broadcast_in_dim3A_1286, %select_n3A_1258 : vector<1x32xi1>, vector<1x32xi32>
      %eq3A_1288 = vector.broadcast %reduce_min3A_1277 : i32 to vector<1x64xi32>
      %eq3A_1289 = arith.cmpi eq, %concatenate3A_1142, %eq3A_1288 : vector<1x64xi32>
      %broadcast_in_dim3A_1290 = vector.broadcast %while3A : f32 to vector<1x64xf32>
      %select_n3A_1291 = arith.select %eq3A_1289, %broadcast_in_dim3A_1290, %select_n3A_1262 : vector<1x64xi1>, vector<1x64xf32>
      %reduce_max3A_1292 = vector.shape_cast %select_n3A_1291 : vector<1x64xf32> to vector<1x1x64xf32>
      %reduce_max3A_1293 = arith.constant dense<0xFF800000> : vector<1xf32>
      %reduce_max3A_1294 = vector.multi_reduction <maximumf>, %reduce_max3A_1292, %reduce_max3A_1293 [1, 2] : vector<1x1x64xf32> to vector<1xf32>
      %reduce_max3A_1295 = vector.shape_cast %reduce_max3A_1294 : vector<1xf32> to vector<1x1x1xf32>
      %reduce_max3A_1296 = vector.extract %reduce_max3A_1295[0, 0, 0] : f32 from vector<1x1x1xf32>
      %eq3A_1297 = vector.broadcast %reduce_max3A_1296 : f32 to vector<1x64xf32>
      %eq3A_1298 = arith.cmpf oeq, %select_n3A_1291, %eq3A_1297 : vector<1x64xf32>
      %jit3A_1299 = arith.constant 2147483647 : i32
      %broadcast_in_dim3A_1300 = vector.broadcast %jit3A_1299 : i32 to vector<1x64xi32>
      %select_n3A_1301 = arith.select %eq3A_1298, %concatenate3A_1142, %broadcast_in_dim3A_1300 : vector<1x64xi1>, vector<1x64xi32>
      %reduce_min3A_1302 = vector.shape_cast %select_n3A_1301 : vector<1x64xi32> to vector<1x1x64xi32>
      %reduce_min3A_1303 = arith.constant dense<2147483647> : vector<1xi32>
      %reduce_min3A_1304 = vector.multi_reduction <minsi>, %reduce_min3A_1302, %reduce_min3A_1303 [1, 2] : vector<1x1x64xi32> to vector<1xi32>
      %reduce_min3A_1305 = vector.shape_cast %reduce_min3A_1304 : vector<1xi32> to vector<1x1x1xi32>
      %reduce_min3A_1306 = vector.extract %reduce_min3A_1305[0, 0, 0] : i32 from vector<1x1x1xi32>
      %eq3A_1307 = arith.constant 5 : i32
      %eq3A_1308 = vector.broadcast %eq3A_1307 : i32 to vector<1x32xi32>
      %eq3A_1309 = arith.cmpi eq, %iota3A, %eq3A_1308 : vector<1x32xi32>
      %broadcast_in_dim3A_1310 = vector.broadcast %reduce_max3A_1296 : f32 to vector<1x32xf32>
      %select_n3A_1311 = arith.select %eq3A_1309, %broadcast_in_dim3A_1310, %select_n3A_1282 : vector<1x32xi1>, vector<1x32xf32>
      %eq3A_1312 = arith.constant 5 : i32
      %eq3A_1313 = vector.broadcast %eq3A_1312 : i32 to vector<1x32xi32>
      %eq3A_1314 = arith.cmpi eq, %iota3A, %eq3A_1313 : vector<1x32xi32>
      %broadcast_in_dim3A_1315 = vector.broadcast %reduce_min3A_1306 : i32 to vector<1x32xi32>
      %select_n3A_1316 = arith.select %eq3A_1314, %broadcast_in_dim3A_1315, %select_n3A_1287 : vector<1x32xi1>, vector<1x32xi32>
      %eq3A_1317 = vector.broadcast %reduce_min3A_1306 : i32 to vector<1x64xi32>
      %eq3A_1318 = arith.cmpi eq, %concatenate3A_1142, %eq3A_1317 : vector<1x64xi32>
      %broadcast_in_dim3A_1319 = vector.broadcast %while3A : f32 to vector<1x64xf32>
      %select_n3A_1320 = arith.select %eq3A_1318, %broadcast_in_dim3A_1319, %select_n3A_1291 : vector<1x64xi1>, vector<1x64xf32>
      %reduce_max3A_1321 = vector.shape_cast %select_n3A_1320 : vector<1x64xf32> to vector<1x1x64xf32>
      %reduce_max3A_1322 = arith.constant dense<0xFF800000> : vector<1xf32>
      %reduce_max3A_1323 = vector.multi_reduction <maximumf>, %reduce_max3A_1321, %reduce_max3A_1322 [1, 2] : vector<1x1x64xf32> to vector<1xf32>
      %reduce_max3A_1324 = vector.shape_cast %reduce_max3A_1323 : vector<1xf32> to vector<1x1x1xf32>
      %reduce_max3A_1325 = vector.extract %reduce_max3A_1324[0, 0, 0] : f32 from vector<1x1x1xf32>
      %eq3A_1326 = vector.broadcast %reduce_max3A_1325 : f32 to vector<1x64xf32>
      %eq3A_1327 = arith.cmpf oeq, %select_n3A_1320, %eq3A_1326 : vector<1x64xf32>
      %jit3A_1328 = arith.constant 2147483647 : i32
      %broadcast_in_dim3A_1329 = vector.broadcast %jit3A_1328 : i32 to vector<1x64xi32>
      %select_n3A_1330 = arith.select %eq3A_1327, %concatenate3A_1142, %broadcast_in_dim3A_1329 : vector<1x64xi1>, vector<1x64xi32>
      %reduce_min3A_1331 = vector.shape_cast %select_n3A_1330 : vector<1x64xi32> to vector<1x1x64xi32>
      %reduce_min3A_1332 = arith.constant dense<2147483647> : vector<1xi32>
      %reduce_min3A_1333 = vector.multi_reduction <minsi>, %reduce_min3A_1331, %reduce_min3A_1332 [1, 2] : vector<1x1x64xi32> to vector<1xi32>
      %reduce_min3A_1334 = vector.shape_cast %reduce_min3A_1333 : vector<1xi32> to vector<1x1x1xi32>
      %reduce_min3A_1335 = vector.extract %reduce_min3A_1334[0, 0, 0] : i32 from vector<1x1x1xi32>
      %eq3A_1336 = arith.constant 6 : i32
      %eq3A_1337 = vector.broadcast %eq3A_1336 : i32 to vector<1x32xi32>
      %eq3A_1338 = arith.cmpi eq, %iota3A, %eq3A_1337 : vector<1x32xi32>
      %broadcast_in_dim3A_1339 = vector.broadcast %reduce_max3A_1325 : f32 to vector<1x32xf32>
      %select_n3A_1340 = arith.select %eq3A_1338, %broadcast_in_dim3A_1339, %select_n3A_1311 : vector<1x32xi1>, vector<1x32xf32>
      %eq3A_1341 = arith.constant 6 : i32
      %eq3A_1342 = vector.broadcast %eq3A_1341 : i32 to vector<1x32xi32>
      %eq3A_1343 = arith.cmpi eq, %iota3A, %eq3A_1342 : vector<1x32xi32>
      %broadcast_in_dim3A_1344 = vector.broadcast %reduce_min3A_1335 : i32 to vector<1x32xi32>
      %select_n3A_1345 = arith.select %eq3A_1343, %broadcast_in_dim3A_1344, %select_n3A_1316 : vector<1x32xi1>, vector<1x32xi32>
      %eq3A_1346 = vector.broadcast %reduce_min3A_1335 : i32 to vector<1x64xi32>
      %eq3A_1347 = arith.cmpi eq, %concatenate3A_1142, %eq3A_1346 : vector<1x64xi32>
      %broadcast_in_dim3A_1348 = vector.broadcast %while3A : f32 to vector<1x64xf32>
      %select_n3A_1349 = arith.select %eq3A_1347, %broadcast_in_dim3A_1348, %select_n3A_1320 : vector<1x64xi1>, vector<1x64xf32>
      %reduce_max3A_1350 = vector.shape_cast %select_n3A_1349 : vector<1x64xf32> to vector<1x1x64xf32>
      %reduce_max3A_1351 = arith.constant dense<0xFF800000> : vector<1xf32>
      %reduce_max3A_1352 = vector.multi_reduction <maximumf>, %reduce_max3A_1350, %reduce_max3A_1351 [1, 2] : vector<1x1x64xf32> to vector<1xf32>
      %reduce_max3A_1353 = vector.shape_cast %reduce_max3A_1352 : vector<1xf32> to vector<1x1x1xf32>
      %reduce_max3A_1354 = vector.extract %reduce_max3A_1353[0, 0, 0] : f32 from vector<1x1x1xf32>
      %eq3A_1355 = vector.broadcast %reduce_max3A_1354 : f32 to vector<1x64xf32>
      %eq3A_1356 = arith.cmpf oeq, %select_n3A_1349, %eq3A_1355 : vector<1x64xf32>
      %jit3A_1357 = arith.constant 2147483647 : i32
      %broadcast_in_dim3A_1358 = vector.broadcast %jit3A_1357 : i32 to vector<1x64xi32>
      %select_n3A_1359 = arith.select %eq3A_1356, %concatenate3A_1142, %broadcast_in_dim3A_1358 : vector<1x64xi1>, vector<1x64xi32>
      %reduce_min3A_1360 = vector.shape_cast %select_n3A_1359 : vector<1x64xi32> to vector<1x1x64xi32>
      %reduce_min3A_1361 = arith.constant dense<2147483647> : vector<1xi32>
      %reduce_min3A_1362 = vector.multi_reduction <minsi>, %reduce_min3A_1360, %reduce_min3A_1361 [1, 2] : vector<1x1x64xi32> to vector<1xi32>
      %reduce_min3A_1363 = vector.shape_cast %reduce_min3A_1362 : vector<1xi32> to vector<1x1x1xi32>
      %reduce_min3A_1364 = vector.extract %reduce_min3A_1363[0, 0, 0] : i32 from vector<1x1x1xi32>
      %eq3A_1365 = arith.constant 7 : i32
      %eq3A_1366 = vector.broadcast %eq3A_1365 : i32 to vector<1x32xi32>
      %eq3A_1367 = arith.cmpi eq, %iota3A, %eq3A_1366 : vector<1x32xi32>
      %broadcast_in_dim3A_1368 = vector.broadcast %reduce_max3A_1354 : f32 to vector<1x32xf32>
      %select_n3A_1369 = arith.select %eq3A_1367, %broadcast_in_dim3A_1368, %select_n3A_1340 : vector<1x32xi1>, vector<1x32xf32>
      %eq3A_1370 = arith.constant 7 : i32
      %eq3A_1371 = vector.broadcast %eq3A_1370 : i32 to vector<1x32xi32>
      %eq3A_1372 = arith.cmpi eq, %iota3A, %eq3A_1371 : vector<1x32xi32>
      %broadcast_in_dim3A_1373 = vector.broadcast %reduce_min3A_1364 : i32 to vector<1x32xi32>
      %select_n3A_1374 = arith.select %eq3A_1372, %broadcast_in_dim3A_1373, %select_n3A_1345 : vector<1x32xi1>, vector<1x32xi32>
      %eq3A_1375 = vector.broadcast %reduce_min3A_1364 : i32 to vector<1x64xi32>
      %eq3A_1376 = arith.cmpi eq, %concatenate3A_1142, %eq3A_1375 : vector<1x64xi32>
      %broadcast_in_dim3A_1377 = vector.broadcast %while3A : f32 to vector<1x64xf32>
      %select_n3A_1378 = arith.select %eq3A_1376, %broadcast_in_dim3A_1377, %select_n3A_1349 : vector<1x64xi1>, vector<1x64xf32>
      %reduce_max3A_1379 = vector.shape_cast %select_n3A_1378 : vector<1x64xf32> to vector<1x1x64xf32>
      %reduce_max3A_1380 = arith.constant dense<0xFF800000> : vector<1xf32>
      %reduce_max3A_1381 = vector.multi_reduction <maximumf>, %reduce_max3A_1379, %reduce_max3A_1380 [1, 2] : vector<1x1x64xf32> to vector<1xf32>
      %reduce_max3A_1382 = vector.shape_cast %reduce_max3A_1381 : vector<1xf32> to vector<1x1x1xf32>
      %reduce_max3A_1383 = vector.extract %reduce_max3A_1382[0, 0, 0] : f32 from vector<1x1x1xf32>
      %eq3A_1384 = vector.broadcast %reduce_max3A_1383 : f32 to vector<1x64xf32>
      %eq3A_1385 = arith.cmpf oeq, %select_n3A_1378, %eq3A_1384 : vector<1x64xf32>
      %jit3A_1386 = arith.constant 2147483647 : i32
      %broadcast_in_dim3A_1387 = vector.broadcast %jit3A_1386 : i32 to vector<1x64xi32>
      %select_n3A_1388 = arith.select %eq3A_1385, %concatenate3A_1142, %broadcast_in_dim3A_1387 : vector<1x64xi1>, vector<1x64xi32>
      %reduce_min3A_1389 = vector.shape_cast %select_n3A_1388 : vector<1x64xi32> to vector<1x1x64xi32>
      %reduce_min3A_1390 = arith.constant dense<2147483647> : vector<1xi32>
      %reduce_min3A_1391 = vector.multi_reduction <minsi>, %reduce_min3A_1389, %reduce_min3A_1390 [1, 2] : vector<1x1x64xi32> to vector<1xi32>
      %reduce_min3A_1392 = vector.shape_cast %reduce_min3A_1391 : vector<1xi32> to vector<1x1x1xi32>
      %reduce_min3A_1393 = vector.extract %reduce_min3A_1392[0, 0, 0] : i32 from vector<1x1x1xi32>
      %eq3A_1394 = arith.constant 8 : i32
      %eq3A_1395 = vector.broadcast %eq3A_1394 : i32 to vector<1x32xi32>
      %eq3A_1396 = arith.cmpi eq, %iota3A, %eq3A_1395 : vector<1x32xi32>
      %broadcast_in_dim3A_1397 = vector.broadcast %reduce_max3A_1383 : f32 to vector<1x32xf32>
      %select_n3A_1398 = arith.select %eq3A_1396, %broadcast_in_dim3A_1397, %select_n3A_1369 : vector<1x32xi1>, vector<1x32xf32>
      %eq3A_1399 = arith.constant 8 : i32
      %eq3A_1400 = vector.broadcast %eq3A_1399 : i32 to vector<1x32xi32>
      %eq3A_1401 = arith.cmpi eq, %iota3A, %eq3A_1400 : vector<1x32xi32>
      %broadcast_in_dim3A_1402 = vector.broadcast %reduce_min3A_1393 : i32 to vector<1x32xi32>
      %select_n3A_1403 = arith.select %eq3A_1401, %broadcast_in_dim3A_1402, %select_n3A_1374 : vector<1x32xi1>, vector<1x32xi32>
      %eq3A_1404 = vector.broadcast %reduce_min3A_1393 : i32 to vector<1x64xi32>
      %eq3A_1405 = arith.cmpi eq, %concatenate3A_1142, %eq3A_1404 : vector<1x64xi32>
      %broadcast_in_dim3A_1406 = vector.broadcast %while3A : f32 to vector<1x64xf32>
      %select_n3A_1407 = arith.select %eq3A_1405, %broadcast_in_dim3A_1406, %select_n3A_1378 : vector<1x64xi1>, vector<1x64xf32>
      %reduce_max3A_1408 = vector.shape_cast %select_n3A_1407 : vector<1x64xf32> to vector<1x1x64xf32>
      %reduce_max3A_1409 = arith.constant dense<0xFF800000> : vector<1xf32>
      %reduce_max3A_1410 = vector.multi_reduction <maximumf>, %reduce_max3A_1408, %reduce_max3A_1409 [1, 2] : vector<1x1x64xf32> to vector<1xf32>
      %reduce_max3A_1411 = vector.shape_cast %reduce_max3A_1410 : vector<1xf32> to vector<1x1x1xf32>
      %reduce_max3A_1412 = vector.extract %reduce_max3A_1411[0, 0, 0] : f32 from vector<1x1x1xf32>
      %eq3A_1413 = vector.broadcast %reduce_max3A_1412 : f32 to vector<1x64xf32>
      %eq3A_1414 = arith.cmpf oeq, %select_n3A_1407, %eq3A_1413 : vector<1x64xf32>
      %jit3A_1415 = arith.constant 2147483647 : i32
      %broadcast_in_dim3A_1416 = vector.broadcast %jit3A_1415 : i32 to vector<1x64xi32>
      %select_n3A_1417 = arith.select %eq3A_1414, %concatenate3A_1142, %broadcast_in_dim3A_1416 : vector<1x64xi1>, vector<1x64xi32>
      %reduce_min3A_1418 = vector.shape_cast %select_n3A_1417 : vector<1x64xi32> to vector<1x1x64xi32>
      %reduce_min3A_1419 = arith.constant dense<2147483647> : vector<1xi32>
      %reduce_min3A_1420 = vector.multi_reduction <minsi>, %reduce_min3A_1418, %reduce_min3A_1419 [1, 2] : vector<1x1x64xi32> to vector<1xi32>
      %reduce_min3A_1421 = vector.shape_cast %reduce_min3A_1420 : vector<1xi32> to vector<1x1x1xi32>
      %reduce_min3A_1422 = vector.extract %reduce_min3A_1421[0, 0, 0] : i32 from vector<1x1x1xi32>
      %eq3A_1423 = arith.constant 9 : i32
      %eq3A_1424 = vector.broadcast %eq3A_1423 : i32 to vector<1x32xi32>
      %eq3A_1425 = arith.cmpi eq, %iota3A, %eq3A_1424 : vector<1x32xi32>
      %broadcast_in_dim3A_1426 = vector.broadcast %reduce_max3A_1412 : f32 to vector<1x32xf32>
      %select_n3A_1427 = arith.select %eq3A_1425, %broadcast_in_dim3A_1426, %select_n3A_1398 : vector<1x32xi1>, vector<1x32xf32>
      %eq3A_1428 = arith.constant 9 : i32
      %eq3A_1429 = vector.broadcast %eq3A_1428 : i32 to vector<1x32xi32>
      %eq3A_1430 = arith.cmpi eq, %iota3A, %eq3A_1429 : vector<1x32xi32>
      %broadcast_in_dim3A_1431 = vector.broadcast %reduce_min3A_1422 : i32 to vector<1x32xi32>
      %select_n3A_1432 = arith.select %eq3A_1430, %broadcast_in_dim3A_1431, %select_n3A_1403 : vector<1x32xi1>, vector<1x32xi32>
      %eq3A_1433 = vector.broadcast %reduce_min3A_1422 : i32 to vector<1x64xi32>
      %eq3A_1434 = arith.cmpi eq, %concatenate3A_1142, %eq3A_1433 : vector<1x64xi32>
      %broadcast_in_dim3A_1435 = vector.broadcast %while3A : f32 to vector<1x64xf32>
      %select_n3A_1436 = arith.select %eq3A_1434, %broadcast_in_dim3A_1435, %select_n3A_1407 : vector<1x64xi1>, vector<1x64xf32>
      %reduce_max3A_1437 = vector.shape_cast %select_n3A_1436 : vector<1x64xf32> to vector<1x1x64xf32>
      %reduce_max3A_1438 = arith.constant dense<0xFF800000> : vector<1xf32>
      %reduce_max3A_1439 = vector.multi_reduction <maximumf>, %reduce_max3A_1437, %reduce_max3A_1438 [1, 2] : vector<1x1x64xf32> to vector<1xf32>
      %reduce_max3A_1440 = vector.shape_cast %reduce_max3A_1439 : vector<1xf32> to vector<1x1x1xf32>
      %reduce_max3A_1441 = vector.extract %reduce_max3A_1440[0, 0, 0] : f32 from vector<1x1x1xf32>
      %eq3A_1442 = vector.broadcast %reduce_max3A_1441 : f32 to vector<1x64xf32>
      %eq3A_1443 = arith.cmpf oeq, %select_n3A_1436, %eq3A_1442 : vector<1x64xf32>
      %jit3A_1444 = arith.constant 2147483647 : i32
      %broadcast_in_dim3A_1445 = vector.broadcast %jit3A_1444 : i32 to vector<1x64xi32>
      %select_n3A_1446 = arith.select %eq3A_1443, %concatenate3A_1142, %broadcast_in_dim3A_1445 : vector<1x64xi1>, vector<1x64xi32>
      %reduce_min3A_1447 = vector.shape_cast %select_n3A_1446 : vector<1x64xi32> to vector<1x1x64xi32>
      %reduce_min3A_1448 = arith.constant dense<2147483647> : vector<1xi32>
      %reduce_min3A_1449 = vector.multi_reduction <minsi>, %reduce_min3A_1447, %reduce_min3A_1448 [1, 2] : vector<1x1x64xi32> to vector<1xi32>
      %reduce_min3A_1450 = vector.shape_cast %reduce_min3A_1449 : vector<1xi32> to vector<1x1x1xi32>
      %reduce_min3A_1451 = vector.extract %reduce_min3A_1450[0, 0, 0] : i32 from vector<1x1x1xi32>
      %eq3A_1452 = arith.constant 10 : i32
      %eq3A_1453 = vector.broadcast %eq3A_1452 : i32 to vector<1x32xi32>
      %eq3A_1454 = arith.cmpi eq, %iota3A, %eq3A_1453 : vector<1x32xi32>
      %broadcast_in_dim3A_1455 = vector.broadcast %reduce_max3A_1441 : f32 to vector<1x32xf32>
      %select_n3A_1456 = arith.select %eq3A_1454, %broadcast_in_dim3A_1455, %select_n3A_1427 : vector<1x32xi1>, vector<1x32xf32>
      %eq3A_1457 = arith.constant 10 : i32
      %eq3A_1458 = vector.broadcast %eq3A_1457 : i32 to vector<1x32xi32>
      %eq3A_1459 = arith.cmpi eq, %iota3A, %eq3A_1458 : vector<1x32xi32>
      %broadcast_in_dim3A_1460 = vector.broadcast %reduce_min3A_1451 : i32 to vector<1x32xi32>
      %select_n3A_1461 = arith.select %eq3A_1459, %broadcast_in_dim3A_1460, %select_n3A_1432 : vector<1x32xi1>, vector<1x32xi32>
      %eq3A_1462 = vector.broadcast %reduce_min3A_1451 : i32 to vector<1x64xi32>
      %eq3A_1463 = arith.cmpi eq, %concatenate3A_1142, %eq3A_1462 : vector<1x64xi32>
      %broadcast_in_dim3A_1464 = vector.broadcast %while3A : f32 to vector<1x64xf32>
      %select_n3A_1465 = arith.select %eq3A_1463, %broadcast_in_dim3A_1464, %select_n3A_1436 : vector<1x64xi1>, vector<1x64xf32>
      %reduce_max3A_1466 = vector.shape_cast %select_n3A_1465 : vector<1x64xf32> to vector<1x1x64xf32>
      %reduce_max3A_1467 = arith.constant dense<0xFF800000> : vector<1xf32>
      %reduce_max3A_1468 = vector.multi_reduction <maximumf>, %reduce_max3A_1466, %reduce_max3A_1467 [1, 2] : vector<1x1x64xf32> to vector<1xf32>
      %reduce_max3A_1469 = vector.shape_cast %reduce_max3A_1468 : vector<1xf32> to vector<1x1x1xf32>
      %reduce_max3A_1470 = vector.extract %reduce_max3A_1469[0, 0, 0] : f32 from vector<1x1x1xf32>
      %eq3A_1471 = vector.broadcast %reduce_max3A_1470 : f32 to vector<1x64xf32>
      %eq3A_1472 = arith.cmpf oeq, %select_n3A_1465, %eq3A_1471 : vector<1x64xf32>
      %jit3A_1473 = arith.constant 2147483647 : i32
      %broadcast_in_dim3A_1474 = vector.broadcast %jit3A_1473 : i32 to vector<1x64xi32>
      %select_n3A_1475 = arith.select %eq3A_1472, %concatenate3A_1142, %broadcast_in_dim3A_1474 : vector<1x64xi1>, vector<1x64xi32>
      %reduce_min3A_1476 = vector.shape_cast %select_n3A_1475 : vector<1x64xi32> to vector<1x1x64xi32>
      %reduce_min3A_1477 = arith.constant dense<2147483647> : vector<1xi32>
      %reduce_min3A_1478 = vector.multi_reduction <minsi>, %reduce_min3A_1476, %reduce_min3A_1477 [1, 2] : vector<1x1x64xi32> to vector<1xi32>
      %reduce_min3A_1479 = vector.shape_cast %reduce_min3A_1478 : vector<1xi32> to vector<1x1x1xi32>
      %reduce_min3A_1480 = vector.extract %reduce_min3A_1479[0, 0, 0] : i32 from vector<1x1x1xi32>
      %eq3A_1481 = arith.constant 11 : i32
      %eq3A_1482 = vector.broadcast %eq3A_1481 : i32 to vector<1x32xi32>
      %eq3A_1483 = arith.cmpi eq, %iota3A, %eq3A_1482 : vector<1x32xi32>
      %broadcast_in_dim3A_1484 = vector.broadcast %reduce_max3A_1470 : f32 to vector<1x32xf32>
      %select_n3A_1485 = arith.select %eq3A_1483, %broadcast_in_dim3A_1484, %select_n3A_1456 : vector<1x32xi1>, vector<1x32xf32>
      %eq3A_1486 = arith.constant 11 : i32
      %eq3A_1487 = vector.broadcast %eq3A_1486 : i32 to vector<1x32xi32>
      %eq3A_1488 = arith.cmpi eq, %iota3A, %eq3A_1487 : vector<1x32xi32>
      %broadcast_in_dim3A_1489 = vector.broadcast %reduce_min3A_1480 : i32 to vector<1x32xi32>
      %select_n3A_1490 = arith.select %eq3A_1488, %broadcast_in_dim3A_1489, %select_n3A_1461 : vector<1x32xi1>, vector<1x32xi32>
      %eq3A_1491 = vector.broadcast %reduce_min3A_1480 : i32 to vector<1x64xi32>
      %eq3A_1492 = arith.cmpi eq, %concatenate3A_1142, %eq3A_1491 : vector<1x64xi32>
      %broadcast_in_dim3A_1493 = vector.broadcast %while3A : f32 to vector<1x64xf32>
      %select_n3A_1494 = arith.select %eq3A_1492, %broadcast_in_dim3A_1493, %select_n3A_1465 : vector<1x64xi1>, vector<1x64xf32>
      %reduce_max3A_1495 = vector.shape_cast %select_n3A_1494 : vector<1x64xf32> to vector<1x1x64xf32>
      %reduce_max3A_1496 = arith.constant dense<0xFF800000> : vector<1xf32>
      %reduce_max3A_1497 = vector.multi_reduction <maximumf>, %reduce_max3A_1495, %reduce_max3A_1496 [1, 2] : vector<1x1x64xf32> to vector<1xf32>
      %reduce_max3A_1498 = vector.shape_cast %reduce_max3A_1497 : vector<1xf32> to vector<1x1x1xf32>
      %reduce_max3A_1499 = vector.extract %reduce_max3A_1498[0, 0, 0] : f32 from vector<1x1x1xf32>
      %eq3A_1500 = vector.broadcast %reduce_max3A_1499 : f32 to vector<1x64xf32>
      %eq3A_1501 = arith.cmpf oeq, %select_n3A_1494, %eq3A_1500 : vector<1x64xf32>
      %jit3A_1502 = arith.constant 2147483647 : i32
      %broadcast_in_dim3A_1503 = vector.broadcast %jit3A_1502 : i32 to vector<1x64xi32>
      %select_n3A_1504 = arith.select %eq3A_1501, %concatenate3A_1142, %broadcast_in_dim3A_1503 : vector<1x64xi1>, vector<1x64xi32>
      %reduce_min3A_1505 = vector.shape_cast %select_n3A_1504 : vector<1x64xi32> to vector<1x1x64xi32>
      %reduce_min3A_1506 = arith.constant dense<2147483647> : vector<1xi32>
      %reduce_min3A_1507 = vector.multi_reduction <minsi>, %reduce_min3A_1505, %reduce_min3A_1506 [1, 2] : vector<1x1x64xi32> to vector<1xi32>
      %reduce_min3A_1508 = vector.shape_cast %reduce_min3A_1507 : vector<1xi32> to vector<1x1x1xi32>
      %reduce_min3A_1509 = vector.extract %reduce_min3A_1508[0, 0, 0] : i32 from vector<1x1x1xi32>
      %eq3A_1510 = arith.constant 12 : i32
      %eq3A_1511 = vector.broadcast %eq3A_1510 : i32 to vector<1x32xi32>
      %eq3A_1512 = arith.cmpi eq, %iota3A, %eq3A_1511 : vector<1x32xi32>
      %broadcast_in_dim3A_1513 = vector.broadcast %reduce_max3A_1499 : f32 to vector<1x32xf32>
      %select_n3A_1514 = arith.select %eq3A_1512, %broadcast_in_dim3A_1513, %select_n3A_1485 : vector<1x32xi1>, vector<1x32xf32>
      %eq3A_1515 = arith.constant 12 : i32
      %eq3A_1516 = vector.broadcast %eq3A_1515 : i32 to vector<1x32xi32>
      %eq3A_1517 = arith.cmpi eq, %iota3A, %eq3A_1516 : vector<1x32xi32>
      %broadcast_in_dim3A_1518 = vector.broadcast %reduce_min3A_1509 : i32 to vector<1x32xi32>
      %select_n3A_1519 = arith.select %eq3A_1517, %broadcast_in_dim3A_1518, %select_n3A_1490 : vector<1x32xi1>, vector<1x32xi32>
      %eq3A_1520 = vector.broadcast %reduce_min3A_1509 : i32 to vector<1x64xi32>
      %eq3A_1521 = arith.cmpi eq, %concatenate3A_1142, %eq3A_1520 : vector<1x64xi32>
      %broadcast_in_dim3A_1522 = vector.broadcast %while3A : f32 to vector<1x64xf32>
      %select_n3A_1523 = arith.select %eq3A_1521, %broadcast_in_dim3A_1522, %select_n3A_1494 : vector<1x64xi1>, vector<1x64xf32>
      %reduce_max3A_1524 = vector.shape_cast %select_n3A_1523 : vector<1x64xf32> to vector<1x1x64xf32>
      %reduce_max3A_1525 = arith.constant dense<0xFF800000> : vector<1xf32>
      %reduce_max3A_1526 = vector.multi_reduction <maximumf>, %reduce_max3A_1524, %reduce_max3A_1525 [1, 2] : vector<1x1x64xf32> to vector<1xf32>
      %reduce_max3A_1527 = vector.shape_cast %reduce_max3A_1526 : vector<1xf32> to vector<1x1x1xf32>
      %reduce_max3A_1528 = vector.extract %reduce_max3A_1527[0, 0, 0] : f32 from vector<1x1x1xf32>
      %eq3A_1529 = vector.broadcast %reduce_max3A_1528 : f32 to vector<1x64xf32>
      %eq3A_1530 = arith.cmpf oeq, %select_n3A_1523, %eq3A_1529 : vector<1x64xf32>
      %jit3A_1531 = arith.constant 2147483647 : i32
      %broadcast_in_dim3A_1532 = vector.broadcast %jit3A_1531 : i32 to vector<1x64xi32>
      %select_n3A_1533 = arith.select %eq3A_1530, %concatenate3A_1142, %broadcast_in_dim3A_1532 : vector<1x64xi1>, vector<1x64xi32>
      %reduce_min3A_1534 = vector.shape_cast %select_n3A_1533 : vector<1x64xi32> to vector<1x1x64xi32>
      %reduce_min3A_1535 = arith.constant dense<2147483647> : vector<1xi32>
      %reduce_min3A_1536 = vector.multi_reduction <minsi>, %reduce_min3A_1534, %reduce_min3A_1535 [1, 2] : vector<1x1x64xi32> to vector<1xi32>
      %reduce_min3A_1537 = vector.shape_cast %reduce_min3A_1536 : vector<1xi32> to vector<1x1x1xi32>
      %reduce_min3A_1538 = vector.extract %reduce_min3A_1537[0, 0, 0] : i32 from vector<1x1x1xi32>
      %eq3A_1539 = arith.constant 13 : i32
      %eq3A_1540 = vector.broadcast %eq3A_1539 : i32 to vector<1x32xi32>
      %eq3A_1541 = arith.cmpi eq, %iota3A, %eq3A_1540 : vector<1x32xi32>
      %broadcast_in_dim3A_1542 = vector.broadcast %reduce_max3A_1528 : f32 to vector<1x32xf32>
      %select_n3A_1543 = arith.select %eq3A_1541, %broadcast_in_dim3A_1542, %select_n3A_1514 : vector<1x32xi1>, vector<1x32xf32>
      %eq3A_1544 = arith.constant 13 : i32
      %eq3A_1545 = vector.broadcast %eq3A_1544 : i32 to vector<1x32xi32>
      %eq3A_1546 = arith.cmpi eq, %iota3A, %eq3A_1545 : vector<1x32xi32>
      %broadcast_in_dim3A_1547 = vector.broadcast %reduce_min3A_1538 : i32 to vector<1x32xi32>
      %select_n3A_1548 = arith.select %eq3A_1546, %broadcast_in_dim3A_1547, %select_n3A_1519 : vector<1x32xi1>, vector<1x32xi32>
      %eq3A_1549 = vector.broadcast %reduce_min3A_1538 : i32 to vector<1x64xi32>
      %eq3A_1550 = arith.cmpi eq, %concatenate3A_1142, %eq3A_1549 : vector<1x64xi32>
      %broadcast_in_dim3A_1551 = vector.broadcast %while3A : f32 to vector<1x64xf32>
      %select_n3A_1552 = arith.select %eq3A_1550, %broadcast_in_dim3A_1551, %select_n3A_1523 : vector<1x64xi1>, vector<1x64xf32>
      %reduce_max3A_1553 = vector.shape_cast %select_n3A_1552 : vector<1x64xf32> to vector<1x1x64xf32>
      %reduce_max3A_1554 = arith.constant dense<0xFF800000> : vector<1xf32>
      %reduce_max3A_1555 = vector.multi_reduction <maximumf>, %reduce_max3A_1553, %reduce_max3A_1554 [1, 2] : vector<1x1x64xf32> to vector<1xf32>
      %reduce_max3A_1556 = vector.shape_cast %reduce_max3A_1555 : vector<1xf32> to vector<1x1x1xf32>
      %reduce_max3A_1557 = vector.extract %reduce_max3A_1556[0, 0, 0] : f32 from vector<1x1x1xf32>
      %eq3A_1558 = vector.broadcast %reduce_max3A_1557 : f32 to vector<1x64xf32>
      %eq3A_1559 = arith.cmpf oeq, %select_n3A_1552, %eq3A_1558 : vector<1x64xf32>
      %jit3A_1560 = arith.constant 2147483647 : i32
      %broadcast_in_dim3A_1561 = vector.broadcast %jit3A_1560 : i32 to vector<1x64xi32>
      %select_n3A_1562 = arith.select %eq3A_1559, %concatenate3A_1142, %broadcast_in_dim3A_1561 : vector<1x64xi1>, vector<1x64xi32>
      %reduce_min3A_1563 = vector.shape_cast %select_n3A_1562 : vector<1x64xi32> to vector<1x1x64xi32>
      %reduce_min3A_1564 = arith.constant dense<2147483647> : vector<1xi32>
      %reduce_min3A_1565 = vector.multi_reduction <minsi>, %reduce_min3A_1563, %reduce_min3A_1564 [1, 2] : vector<1x1x64xi32> to vector<1xi32>
      %reduce_min3A_1566 = vector.shape_cast %reduce_min3A_1565 : vector<1xi32> to vector<1x1x1xi32>
      %reduce_min3A_1567 = vector.extract %reduce_min3A_1566[0, 0, 0] : i32 from vector<1x1x1xi32>
      %eq3A_1568 = arith.constant 14 : i32
      %eq3A_1569 = vector.broadcast %eq3A_1568 : i32 to vector<1x32xi32>
      %eq3A_1570 = arith.cmpi eq, %iota3A, %eq3A_1569 : vector<1x32xi32>
      %broadcast_in_dim3A_1571 = vector.broadcast %reduce_max3A_1557 : f32 to vector<1x32xf32>
      %select_n3A_1572 = arith.select %eq3A_1570, %broadcast_in_dim3A_1571, %select_n3A_1543 : vector<1x32xi1>, vector<1x32xf32>
      %eq3A_1573 = arith.constant 14 : i32
      %eq3A_1574 = vector.broadcast %eq3A_1573 : i32 to vector<1x32xi32>
      %eq3A_1575 = arith.cmpi eq, %iota3A, %eq3A_1574 : vector<1x32xi32>
      %broadcast_in_dim3A_1576 = vector.broadcast %reduce_min3A_1567 : i32 to vector<1x32xi32>
      %select_n3A_1577 = arith.select %eq3A_1575, %broadcast_in_dim3A_1576, %select_n3A_1548 : vector<1x32xi1>, vector<1x32xi32>
      %eq3A_1578 = vector.broadcast %reduce_min3A_1567 : i32 to vector<1x64xi32>
      %eq3A_1579 = arith.cmpi eq, %concatenate3A_1142, %eq3A_1578 : vector<1x64xi32>
      %broadcast_in_dim3A_1580 = vector.broadcast %while3A : f32 to vector<1x64xf32>
      %select_n3A_1581 = arith.select %eq3A_1579, %broadcast_in_dim3A_1580, %select_n3A_1552 : vector<1x64xi1>, vector<1x64xf32>
      %reduce_max3A_1582 = vector.shape_cast %select_n3A_1581 : vector<1x64xf32> to vector<1x1x64xf32>
      %reduce_max3A_1583 = arith.constant dense<0xFF800000> : vector<1xf32>
      %reduce_max3A_1584 = vector.multi_reduction <maximumf>, %reduce_max3A_1582, %reduce_max3A_1583 [1, 2] : vector<1x1x64xf32> to vector<1xf32>
      %reduce_max3A_1585 = vector.shape_cast %reduce_max3A_1584 : vector<1xf32> to vector<1x1x1xf32>
      %reduce_max3A_1586 = vector.extract %reduce_max3A_1585[0, 0, 0] : f32 from vector<1x1x1xf32>
      %eq3A_1587 = vector.broadcast %reduce_max3A_1586 : f32 to vector<1x64xf32>
      %eq3A_1588 = arith.cmpf oeq, %select_n3A_1581, %eq3A_1587 : vector<1x64xf32>
      %jit3A_1589 = arith.constant 2147483647 : i32
      %broadcast_in_dim3A_1590 = vector.broadcast %jit3A_1589 : i32 to vector<1x64xi32>
      %select_n3A_1591 = arith.select %eq3A_1588, %concatenate3A_1142, %broadcast_in_dim3A_1590 : vector<1x64xi1>, vector<1x64xi32>
      %reduce_min3A_1592 = vector.shape_cast %select_n3A_1591 : vector<1x64xi32> to vector<1x1x64xi32>
      %reduce_min3A_1593 = arith.constant dense<2147483647> : vector<1xi32>
      %reduce_min3A_1594 = vector.multi_reduction <minsi>, %reduce_min3A_1592, %reduce_min3A_1593 [1, 2] : vector<1x1x64xi32> to vector<1xi32>
      %reduce_min3A_1595 = vector.shape_cast %reduce_min3A_1594 : vector<1xi32> to vector<1x1x1xi32>
      %reduce_min3A_1596 = vector.extract %reduce_min3A_1595[0, 0, 0] : i32 from vector<1x1x1xi32>
      %eq3A_1597 = arith.constant 15 : i32
      %eq3A_1598 = vector.broadcast %eq3A_1597 : i32 to vector<1x32xi32>
      %eq3A_1599 = arith.cmpi eq, %iota3A, %eq3A_1598 : vector<1x32xi32>
      %broadcast_in_dim3A_1600 = vector.broadcast %reduce_max3A_1586 : f32 to vector<1x32xf32>
      %select_n3A_1601 = arith.select %eq3A_1599, %broadcast_in_dim3A_1600, %select_n3A_1572 : vector<1x32xi1>, vector<1x32xf32>
      %eq3A_1602 = arith.constant 15 : i32
      %eq3A_1603 = vector.broadcast %eq3A_1602 : i32 to vector<1x32xi32>
      %eq3A_1604 = arith.cmpi eq, %iota3A, %eq3A_1603 : vector<1x32xi32>
      %broadcast_in_dim3A_1605 = vector.broadcast %reduce_min3A_1596 : i32 to vector<1x32xi32>
      %select_n3A_1606 = arith.select %eq3A_1604, %broadcast_in_dim3A_1605, %select_n3A_1577 : vector<1x32xi1>, vector<1x32xi32>
      %eq3A_1607 = vector.broadcast %reduce_min3A_1596 : i32 to vector<1x64xi32>
      %eq3A_1608 = arith.cmpi eq, %concatenate3A_1142, %eq3A_1607 : vector<1x64xi32>
      %broadcast_in_dim3A_1609 = vector.broadcast %while3A : f32 to vector<1x64xf32>
      %select_n3A_1610 = arith.select %eq3A_1608, %broadcast_in_dim3A_1609, %select_n3A_1581 : vector<1x64xi1>, vector<1x64xf32>
      %reduce_max3A_1611 = vector.shape_cast %select_n3A_1610 : vector<1x64xf32> to vector<1x1x64xf32>
      %reduce_max3A_1612 = arith.constant dense<0xFF800000> : vector<1xf32>
      %reduce_max3A_1613 = vector.multi_reduction <maximumf>, %reduce_max3A_1611, %reduce_max3A_1612 [1, 2] : vector<1x1x64xf32> to vector<1xf32>
      %reduce_max3A_1614 = vector.shape_cast %reduce_max3A_1613 : vector<1xf32> to vector<1x1x1xf32>
      %reduce_max3A_1615 = vector.extract %reduce_max3A_1614[0, 0, 0] : f32 from vector<1x1x1xf32>
      %eq3A_1616 = vector.broadcast %reduce_max3A_1615 : f32 to vector<1x64xf32>
      %eq3A_1617 = arith.cmpf oeq, %select_n3A_1610, %eq3A_1616 : vector<1x64xf32>
      %jit3A_1618 = arith.constant 2147483647 : i32
      %broadcast_in_dim3A_1619 = vector.broadcast %jit3A_1618 : i32 to vector<1x64xi32>
      %select_n3A_1620 = arith.select %eq3A_1617, %concatenate3A_1142, %broadcast_in_dim3A_1619 : vector<1x64xi1>, vector<1x64xi32>
      %reduce_min3A_1621 = vector.shape_cast %select_n3A_1620 : vector<1x64xi32> to vector<1x1x64xi32>
      %reduce_min3A_1622 = arith.constant dense<2147483647> : vector<1xi32>
      %reduce_min3A_1623 = vector.multi_reduction <minsi>, %reduce_min3A_1621, %reduce_min3A_1622 [1, 2] : vector<1x1x64xi32> to vector<1xi32>
      %reduce_min3A_1624 = vector.shape_cast %reduce_min3A_1623 : vector<1xi32> to vector<1x1x1xi32>
      %reduce_min3A_1625 = vector.extract %reduce_min3A_1624[0, 0, 0] : i32 from vector<1x1x1xi32>
      %eq3A_1626 = arith.constant 16 : i32
      %eq3A_1627 = vector.broadcast %eq3A_1626 : i32 to vector<1x32xi32>
      %eq3A_1628 = arith.cmpi eq, %iota3A, %eq3A_1627 : vector<1x32xi32>
      %broadcast_in_dim3A_1629 = vector.broadcast %reduce_max3A_1615 : f32 to vector<1x32xf32>
      %select_n3A_1630 = arith.select %eq3A_1628, %broadcast_in_dim3A_1629, %select_n3A_1601 : vector<1x32xi1>, vector<1x32xf32>
      %eq3A_1631 = arith.constant 16 : i32
      %eq3A_1632 = vector.broadcast %eq3A_1631 : i32 to vector<1x32xi32>
      %eq3A_1633 = arith.cmpi eq, %iota3A, %eq3A_1632 : vector<1x32xi32>
      %broadcast_in_dim3A_1634 = vector.broadcast %reduce_min3A_1625 : i32 to vector<1x32xi32>
      %select_n3A_1635 = arith.select %eq3A_1633, %broadcast_in_dim3A_1634, %select_n3A_1606 : vector<1x32xi1>, vector<1x32xi32>
      %eq3A_1636 = vector.broadcast %reduce_min3A_1625 : i32 to vector<1x64xi32>
      %eq3A_1637 = arith.cmpi eq, %concatenate3A_1142, %eq3A_1636 : vector<1x64xi32>
      %broadcast_in_dim3A_1638 = vector.broadcast %while3A : f32 to vector<1x64xf32>
      %select_n3A_1639 = arith.select %eq3A_1637, %broadcast_in_dim3A_1638, %select_n3A_1610 : vector<1x64xi1>, vector<1x64xf32>
      %reduce_max3A_1640 = vector.shape_cast %select_n3A_1639 : vector<1x64xf32> to vector<1x1x64xf32>
      %reduce_max3A_1641 = arith.constant dense<0xFF800000> : vector<1xf32>
      %reduce_max3A_1642 = vector.multi_reduction <maximumf>, %reduce_max3A_1640, %reduce_max3A_1641 [1, 2] : vector<1x1x64xf32> to vector<1xf32>
      %reduce_max3A_1643 = vector.shape_cast %reduce_max3A_1642 : vector<1xf32> to vector<1x1x1xf32>
      %reduce_max3A_1644 = vector.extract %reduce_max3A_1643[0, 0, 0] : f32 from vector<1x1x1xf32>
      %eq3A_1645 = vector.broadcast %reduce_max3A_1644 : f32 to vector<1x64xf32>
      %eq3A_1646 = arith.cmpf oeq, %select_n3A_1639, %eq3A_1645 : vector<1x64xf32>
      %jit3A_1647 = arith.constant 2147483647 : i32
      %broadcast_in_dim3A_1648 = vector.broadcast %jit3A_1647 : i32 to vector<1x64xi32>
      %select_n3A_1649 = arith.select %eq3A_1646, %concatenate3A_1142, %broadcast_in_dim3A_1648 : vector<1x64xi1>, vector<1x64xi32>
      %reduce_min3A_1650 = vector.shape_cast %select_n3A_1649 : vector<1x64xi32> to vector<1x1x64xi32>
      %reduce_min3A_1651 = arith.constant dense<2147483647> : vector<1xi32>
      %reduce_min3A_1652 = vector.multi_reduction <minsi>, %reduce_min3A_1650, %reduce_min3A_1651 [1, 2] : vector<1x1x64xi32> to vector<1xi32>
      %reduce_min3A_1653 = vector.shape_cast %reduce_min3A_1652 : vector<1xi32> to vector<1x1x1xi32>
      %reduce_min3A_1654 = vector.extract %reduce_min3A_1653[0, 0, 0] : i32 from vector<1x1x1xi32>
      %eq3A_1655 = arith.constant 17 : i32
      %eq3A_1656 = vector.broadcast %eq3A_1655 : i32 to vector<1x32xi32>
      %eq3A_1657 = arith.cmpi eq, %iota3A, %eq3A_1656 : vector<1x32xi32>
      %broadcast_in_dim3A_1658 = vector.broadcast %reduce_max3A_1644 : f32 to vector<1x32xf32>
      %select_n3A_1659 = arith.select %eq3A_1657, %broadcast_in_dim3A_1658, %select_n3A_1630 : vector<1x32xi1>, vector<1x32xf32>
      %eq3A_1660 = arith.constant 17 : i32
      %eq3A_1661 = vector.broadcast %eq3A_1660 : i32 to vector<1x32xi32>
      %eq3A_1662 = arith.cmpi eq, %iota3A, %eq3A_1661 : vector<1x32xi32>
      %broadcast_in_dim3A_1663 = vector.broadcast %reduce_min3A_1654 : i32 to vector<1x32xi32>
      %select_n3A_1664 = arith.select %eq3A_1662, %broadcast_in_dim3A_1663, %select_n3A_1635 : vector<1x32xi1>, vector<1x32xi32>
      %eq3A_1665 = vector.broadcast %reduce_min3A_1654 : i32 to vector<1x64xi32>
      %eq3A_1666 = arith.cmpi eq, %concatenate3A_1142, %eq3A_1665 : vector<1x64xi32>
      %broadcast_in_dim3A_1667 = vector.broadcast %while3A : f32 to vector<1x64xf32>
      %select_n3A_1668 = arith.select %eq3A_1666, %broadcast_in_dim3A_1667, %select_n3A_1639 : vector<1x64xi1>, vector<1x64xf32>
      %reduce_max3A_1669 = vector.shape_cast %select_n3A_1668 : vector<1x64xf32> to vector<1x1x64xf32>
      %reduce_max3A_1670 = arith.constant dense<0xFF800000> : vector<1xf32>
      %reduce_max3A_1671 = vector.multi_reduction <maximumf>, %reduce_max3A_1669, %reduce_max3A_1670 [1, 2] : vector<1x1x64xf32> to vector<1xf32>
      %reduce_max3A_1672 = vector.shape_cast %reduce_max3A_1671 : vector<1xf32> to vector<1x1x1xf32>
      %reduce_max3A_1673 = vector.extract %reduce_max3A_1672[0, 0, 0] : f32 from vector<1x1x1xf32>
      %eq3A_1674 = vector.broadcast %reduce_max3A_1673 : f32 to vector<1x64xf32>
      %eq3A_1675 = arith.cmpf oeq, %select_n3A_1668, %eq3A_1674 : vector<1x64xf32>
      %jit3A_1676 = arith.constant 2147483647 : i32
      %broadcast_in_dim3A_1677 = vector.broadcast %jit3A_1676 : i32 to vector<1x64xi32>
      %select_n3A_1678 = arith.select %eq3A_1675, %concatenate3A_1142, %broadcast_in_dim3A_1677 : vector<1x64xi1>, vector<1x64xi32>
      %reduce_min3A_1679 = vector.shape_cast %select_n3A_1678 : vector<1x64xi32> to vector<1x1x64xi32>
      %reduce_min3A_1680 = arith.constant dense<2147483647> : vector<1xi32>
      %reduce_min3A_1681 = vector.multi_reduction <minsi>, %reduce_min3A_1679, %reduce_min3A_1680 [1, 2] : vector<1x1x64xi32> to vector<1xi32>
      %reduce_min3A_1682 = vector.shape_cast %reduce_min3A_1681 : vector<1xi32> to vector<1x1x1xi32>
      %reduce_min3A_1683 = vector.extract %reduce_min3A_1682[0, 0, 0] : i32 from vector<1x1x1xi32>
      %eq3A_1684 = arith.constant 18 : i32
      %eq3A_1685 = vector.broadcast %eq3A_1684 : i32 to vector<1x32xi32>
      %eq3A_1686 = arith.cmpi eq, %iota3A, %eq3A_1685 : vector<1x32xi32>
      %broadcast_in_dim3A_1687 = vector.broadcast %reduce_max3A_1673 : f32 to vector<1x32xf32>
      %select_n3A_1688 = arith.select %eq3A_1686, %broadcast_in_dim3A_1687, %select_n3A_1659 : vector<1x32xi1>, vector<1x32xf32>
      %eq3A_1689 = arith.constant 18 : i32
      %eq3A_1690 = vector.broadcast %eq3A_1689 : i32 to vector<1x32xi32>
      %eq3A_1691 = arith.cmpi eq, %iota3A, %eq3A_1690 : vector<1x32xi32>
      %broadcast_in_dim3A_1692 = vector.broadcast %reduce_min3A_1683 : i32 to vector<1x32xi32>
      %select_n3A_1693 = arith.select %eq3A_1691, %broadcast_in_dim3A_1692, %select_n3A_1664 : vector<1x32xi1>, vector<1x32xi32>
      %eq3A_1694 = vector.broadcast %reduce_min3A_1683 : i32 to vector<1x64xi32>
      %eq3A_1695 = arith.cmpi eq, %concatenate3A_1142, %eq3A_1694 : vector<1x64xi32>
      %broadcast_in_dim3A_1696 = vector.broadcast %while3A : f32 to vector<1x64xf32>
      %select_n3A_1697 = arith.select %eq3A_1695, %broadcast_in_dim3A_1696, %select_n3A_1668 : vector<1x64xi1>, vector<1x64xf32>
      %reduce_max3A_1698 = vector.shape_cast %select_n3A_1697 : vector<1x64xf32> to vector<1x1x64xf32>
      %reduce_max3A_1699 = arith.constant dense<0xFF800000> : vector<1xf32>
      %reduce_max3A_1700 = vector.multi_reduction <maximumf>, %reduce_max3A_1698, %reduce_max3A_1699 [1, 2] : vector<1x1x64xf32> to vector<1xf32>
      %reduce_max3A_1701 = vector.shape_cast %reduce_max3A_1700 : vector<1xf32> to vector<1x1x1xf32>
      %reduce_max3A_1702 = vector.extract %reduce_max3A_1701[0, 0, 0] : f32 from vector<1x1x1xf32>
      %eq3A_1703 = vector.broadcast %reduce_max3A_1702 : f32 to vector<1x64xf32>
      %eq3A_1704 = arith.cmpf oeq, %select_n3A_1697, %eq3A_1703 : vector<1x64xf32>
      %jit3A_1705 = arith.constant 2147483647 : i32
      %broadcast_in_dim3A_1706 = vector.broadcast %jit3A_1705 : i32 to vector<1x64xi32>
      %select_n3A_1707 = arith.select %eq3A_1704, %concatenate3A_1142, %broadcast_in_dim3A_1706 : vector<1x64xi1>, vector<1x64xi32>
      %reduce_min3A_1708 = vector.shape_cast %select_n3A_1707 : vector<1x64xi32> to vector<1x1x64xi32>
      %reduce_min3A_1709 = arith.constant dense<2147483647> : vector<1xi32>
      %reduce_min3A_1710 = vector.multi_reduction <minsi>, %reduce_min3A_1708, %reduce_min3A_1709 [1, 2] : vector<1x1x64xi32> to vector<1xi32>
      %reduce_min3A_1711 = vector.shape_cast %reduce_min3A_1710 : vector<1xi32> to vector<1x1x1xi32>
      %reduce_min3A_1712 = vector.extract %reduce_min3A_1711[0, 0, 0] : i32 from vector<1x1x1xi32>
      %eq3A_1713 = arith.constant 19 : i32
      %eq3A_1714 = vector.broadcast %eq3A_1713 : i32 to vector<1x32xi32>
      %eq3A_1715 = arith.cmpi eq, %iota3A, %eq3A_1714 : vector<1x32xi32>
      %broadcast_in_dim3A_1716 = vector.broadcast %reduce_max3A_1702 : f32 to vector<1x32xf32>
      %select_n3A_1717 = arith.select %eq3A_1715, %broadcast_in_dim3A_1716, %select_n3A_1688 : vector<1x32xi1>, vector<1x32xf32>
      %eq3A_1718 = arith.constant 19 : i32
      %eq3A_1719 = vector.broadcast %eq3A_1718 : i32 to vector<1x32xi32>
      %eq3A_1720 = arith.cmpi eq, %iota3A, %eq3A_1719 : vector<1x32xi32>
      %broadcast_in_dim3A_1721 = vector.broadcast %reduce_min3A_1712 : i32 to vector<1x32xi32>
      %select_n3A_1722 = arith.select %eq3A_1720, %broadcast_in_dim3A_1721, %select_n3A_1693 : vector<1x32xi1>, vector<1x32xi32>
      %eq3A_1723 = vector.broadcast %reduce_min3A_1712 : i32 to vector<1x64xi32>
      %eq3A_1724 = arith.cmpi eq, %concatenate3A_1142, %eq3A_1723 : vector<1x64xi32>
      %broadcast_in_dim3A_1725 = vector.broadcast %while3A : f32 to vector<1x64xf32>
      %select_n3A_1726 = arith.select %eq3A_1724, %broadcast_in_dim3A_1725, %select_n3A_1697 : vector<1x64xi1>, vector<1x64xf32>
      %reduce_max3A_1727 = vector.shape_cast %select_n3A_1726 : vector<1x64xf32> to vector<1x1x64xf32>
      %reduce_max3A_1728 = arith.constant dense<0xFF800000> : vector<1xf32>
      %reduce_max3A_1729 = vector.multi_reduction <maximumf>, %reduce_max3A_1727, %reduce_max3A_1728 [1, 2] : vector<1x1x64xf32> to vector<1xf32>
      %reduce_max3A_1730 = vector.shape_cast %reduce_max3A_1729 : vector<1xf32> to vector<1x1x1xf32>
      %reduce_max3A_1731 = vector.extract %reduce_max3A_1730[0, 0, 0] : f32 from vector<1x1x1xf32>
      %eq3A_1732 = vector.broadcast %reduce_max3A_1731 : f32 to vector<1x64xf32>
      %eq3A_1733 = arith.cmpf oeq, %select_n3A_1726, %eq3A_1732 : vector<1x64xf32>
      %jit3A_1734 = arith.constant 2147483647 : i32
      %broadcast_in_dim3A_1735 = vector.broadcast %jit3A_1734 : i32 to vector<1x64xi32>
      %select_n3A_1736 = arith.select %eq3A_1733, %concatenate3A_1142, %broadcast_in_dim3A_1735 : vector<1x64xi1>, vector<1x64xi32>
      %reduce_min3A_1737 = vector.shape_cast %select_n3A_1736 : vector<1x64xi32> to vector<1x1x64xi32>
      %reduce_min3A_1738 = arith.constant dense<2147483647> : vector<1xi32>
      %reduce_min3A_1739 = vector.multi_reduction <minsi>, %reduce_min3A_1737, %reduce_min3A_1738 [1, 2] : vector<1x1x64xi32> to vector<1xi32>
      %reduce_min3A_1740 = vector.shape_cast %reduce_min3A_1739 : vector<1xi32> to vector<1x1x1xi32>
      %reduce_min3A_1741 = vector.extract %reduce_min3A_1740[0, 0, 0] : i32 from vector<1x1x1xi32>
      %eq3A_1742 = arith.constant 20 : i32
      %eq3A_1743 = vector.broadcast %eq3A_1742 : i32 to vector<1x32xi32>
      %eq3A_1744 = arith.cmpi eq, %iota3A, %eq3A_1743 : vector<1x32xi32>
      %broadcast_in_dim3A_1745 = vector.broadcast %reduce_max3A_1731 : f32 to vector<1x32xf32>
      %select_n3A_1746 = arith.select %eq3A_1744, %broadcast_in_dim3A_1745, %select_n3A_1717 : vector<1x32xi1>, vector<1x32xf32>
      %eq3A_1747 = arith.constant 20 : i32
      %eq3A_1748 = vector.broadcast %eq3A_1747 : i32 to vector<1x32xi32>
      %eq3A_1749 = arith.cmpi eq, %iota3A, %eq3A_1748 : vector<1x32xi32>
      %broadcast_in_dim3A_1750 = vector.broadcast %reduce_min3A_1741 : i32 to vector<1x32xi32>
      %select_n3A_1751 = arith.select %eq3A_1749, %broadcast_in_dim3A_1750, %select_n3A_1722 : vector<1x32xi1>, vector<1x32xi32>
      %eq3A_1752 = vector.broadcast %reduce_min3A_1741 : i32 to vector<1x64xi32>
      %eq3A_1753 = arith.cmpi eq, %concatenate3A_1142, %eq3A_1752 : vector<1x64xi32>
      %broadcast_in_dim3A_1754 = vector.broadcast %while3A : f32 to vector<1x64xf32>
      %select_n3A_1755 = arith.select %eq3A_1753, %broadcast_in_dim3A_1754, %select_n3A_1726 : vector<1x64xi1>, vector<1x64xf32>
      %reduce_max3A_1756 = vector.shape_cast %select_n3A_1755 : vector<1x64xf32> to vector<1x1x64xf32>
      %reduce_max3A_1757 = arith.constant dense<0xFF800000> : vector<1xf32>
      %reduce_max3A_1758 = vector.multi_reduction <maximumf>, %reduce_max3A_1756, %reduce_max3A_1757 [1, 2] : vector<1x1x64xf32> to vector<1xf32>
      %reduce_max3A_1759 = vector.shape_cast %reduce_max3A_1758 : vector<1xf32> to vector<1x1x1xf32>
      %reduce_max3A_1760 = vector.extract %reduce_max3A_1759[0, 0, 0] : f32 from vector<1x1x1xf32>
      %eq3A_1761 = vector.broadcast %reduce_max3A_1760 : f32 to vector<1x64xf32>
      %eq3A_1762 = arith.cmpf oeq, %select_n3A_1755, %eq3A_1761 : vector<1x64xf32>
      %jit3A_1763 = arith.constant 2147483647 : i32
      %broadcast_in_dim3A_1764 = vector.broadcast %jit3A_1763 : i32 to vector<1x64xi32>
      %select_n3A_1765 = arith.select %eq3A_1762, %concatenate3A_1142, %broadcast_in_dim3A_1764 : vector<1x64xi1>, vector<1x64xi32>
      %reduce_min3A_1766 = vector.shape_cast %select_n3A_1765 : vector<1x64xi32> to vector<1x1x64xi32>
      %reduce_min3A_1767 = arith.constant dense<2147483647> : vector<1xi32>
      %reduce_min3A_1768 = vector.multi_reduction <minsi>, %reduce_min3A_1766, %reduce_min3A_1767 [1, 2] : vector<1x1x64xi32> to vector<1xi32>
      %reduce_min3A_1769 = vector.shape_cast %reduce_min3A_1768 : vector<1xi32> to vector<1x1x1xi32>
      %reduce_min3A_1770 = vector.extract %reduce_min3A_1769[0, 0, 0] : i32 from vector<1x1x1xi32>
      %eq3A_1771 = arith.constant 21 : i32
      %eq3A_1772 = vector.broadcast %eq3A_1771 : i32 to vector<1x32xi32>
      %eq3A_1773 = arith.cmpi eq, %iota3A, %eq3A_1772 : vector<1x32xi32>
      %broadcast_in_dim3A_1774 = vector.broadcast %reduce_max3A_1760 : f32 to vector<1x32xf32>
      %select_n3A_1775 = arith.select %eq3A_1773, %broadcast_in_dim3A_1774, %select_n3A_1746 : vector<1x32xi1>, vector<1x32xf32>
      %eq3A_1776 = arith.constant 21 : i32
      %eq3A_1777 = vector.broadcast %eq3A_1776 : i32 to vector<1x32xi32>
      %eq3A_1778 = arith.cmpi eq, %iota3A, %eq3A_1777 : vector<1x32xi32>
      %broadcast_in_dim3A_1779 = vector.broadcast %reduce_min3A_1770 : i32 to vector<1x32xi32>
      %select_n3A_1780 = arith.select %eq3A_1778, %broadcast_in_dim3A_1779, %select_n3A_1751 : vector<1x32xi1>, vector<1x32xi32>
      %eq3A_1781 = vector.broadcast %reduce_min3A_1770 : i32 to vector<1x64xi32>
      %eq3A_1782 = arith.cmpi eq, %concatenate3A_1142, %eq3A_1781 : vector<1x64xi32>
      %broadcast_in_dim3A_1783 = vector.broadcast %while3A : f32 to vector<1x64xf32>
      %select_n3A_1784 = arith.select %eq3A_1782, %broadcast_in_dim3A_1783, %select_n3A_1755 : vector<1x64xi1>, vector<1x64xf32>
      %reduce_max3A_1785 = vector.shape_cast %select_n3A_1784 : vector<1x64xf32> to vector<1x1x64xf32>
      %reduce_max3A_1786 = arith.constant dense<0xFF800000> : vector<1xf32>
      %reduce_max3A_1787 = vector.multi_reduction <maximumf>, %reduce_max3A_1785, %reduce_max3A_1786 [1, 2] : vector<1x1x64xf32> to vector<1xf32>
      %reduce_max3A_1788 = vector.shape_cast %reduce_max3A_1787 : vector<1xf32> to vector<1x1x1xf32>
      %reduce_max3A_1789 = vector.extract %reduce_max3A_1788[0, 0, 0] : f32 from vector<1x1x1xf32>
      %eq3A_1790 = vector.broadcast %reduce_max3A_1789 : f32 to vector<1x64xf32>
      %eq3A_1791 = arith.cmpf oeq, %select_n3A_1784, %eq3A_1790 : vector<1x64xf32>
      %jit3A_1792 = arith.constant 2147483647 : i32
      %broadcast_in_dim3A_1793 = vector.broadcast %jit3A_1792 : i32 to vector<1x64xi32>
      %select_n3A_1794 = arith.select %eq3A_1791, %concatenate3A_1142, %broadcast_in_dim3A_1793 : vector<1x64xi1>, vector<1x64xi32>
      %reduce_min3A_1795 = vector.shape_cast %select_n3A_1794 : vector<1x64xi32> to vector<1x1x64xi32>
      %reduce_min3A_1796 = arith.constant dense<2147483647> : vector<1xi32>
      %reduce_min3A_1797 = vector.multi_reduction <minsi>, %reduce_min3A_1795, %reduce_min3A_1796 [1, 2] : vector<1x1x64xi32> to vector<1xi32>
      %reduce_min3A_1798 = vector.shape_cast %reduce_min3A_1797 : vector<1xi32> to vector<1x1x1xi32>
      %reduce_min3A_1799 = vector.extract %reduce_min3A_1798[0, 0, 0] : i32 from vector<1x1x1xi32>
      %eq3A_1800 = arith.constant 22 : i32
      %eq3A_1801 = vector.broadcast %eq3A_1800 : i32 to vector<1x32xi32>
      %eq3A_1802 = arith.cmpi eq, %iota3A, %eq3A_1801 : vector<1x32xi32>
      %broadcast_in_dim3A_1803 = vector.broadcast %reduce_max3A_1789 : f32 to vector<1x32xf32>
      %select_n3A_1804 = arith.select %eq3A_1802, %broadcast_in_dim3A_1803, %select_n3A_1775 : vector<1x32xi1>, vector<1x32xf32>
      %eq3A_1805 = arith.constant 22 : i32
      %eq3A_1806 = vector.broadcast %eq3A_1805 : i32 to vector<1x32xi32>
      %eq3A_1807 = arith.cmpi eq, %iota3A, %eq3A_1806 : vector<1x32xi32>
      %broadcast_in_dim3A_1808 = vector.broadcast %reduce_min3A_1799 : i32 to vector<1x32xi32>
      %select_n3A_1809 = arith.select %eq3A_1807, %broadcast_in_dim3A_1808, %select_n3A_1780 : vector<1x32xi1>, vector<1x32xi32>
      %eq3A_1810 = vector.broadcast %reduce_min3A_1799 : i32 to vector<1x64xi32>
      %eq3A_1811 = arith.cmpi eq, %concatenate3A_1142, %eq3A_1810 : vector<1x64xi32>
      %broadcast_in_dim3A_1812 = vector.broadcast %while3A : f32 to vector<1x64xf32>
      %select_n3A_1813 = arith.select %eq3A_1811, %broadcast_in_dim3A_1812, %select_n3A_1784 : vector<1x64xi1>, vector<1x64xf32>
      %reduce_max3A_1814 = vector.shape_cast %select_n3A_1813 : vector<1x64xf32> to vector<1x1x64xf32>
      %reduce_max3A_1815 = arith.constant dense<0xFF800000> : vector<1xf32>
      %reduce_max3A_1816 = vector.multi_reduction <maximumf>, %reduce_max3A_1814, %reduce_max3A_1815 [1, 2] : vector<1x1x64xf32> to vector<1xf32>
      %reduce_max3A_1817 = vector.shape_cast %reduce_max3A_1816 : vector<1xf32> to vector<1x1x1xf32>
      %reduce_max3A_1818 = vector.extract %reduce_max3A_1817[0, 0, 0] : f32 from vector<1x1x1xf32>
      %eq3A_1819 = vector.broadcast %reduce_max3A_1818 : f32 to vector<1x64xf32>
      %eq3A_1820 = arith.cmpf oeq, %select_n3A_1813, %eq3A_1819 : vector<1x64xf32>
      %jit3A_1821 = arith.constant 2147483647 : i32
      %broadcast_in_dim3A_1822 = vector.broadcast %jit3A_1821 : i32 to vector<1x64xi32>
      %select_n3A_1823 = arith.select %eq3A_1820, %concatenate3A_1142, %broadcast_in_dim3A_1822 : vector<1x64xi1>, vector<1x64xi32>
      %reduce_min3A_1824 = vector.shape_cast %select_n3A_1823 : vector<1x64xi32> to vector<1x1x64xi32>
      %reduce_min3A_1825 = arith.constant dense<2147483647> : vector<1xi32>
      %reduce_min3A_1826 = vector.multi_reduction <minsi>, %reduce_min3A_1824, %reduce_min3A_1825 [1, 2] : vector<1x1x64xi32> to vector<1xi32>
      %reduce_min3A_1827 = vector.shape_cast %reduce_min3A_1826 : vector<1xi32> to vector<1x1x1xi32>
      %reduce_min3A_1828 = vector.extract %reduce_min3A_1827[0, 0, 0] : i32 from vector<1x1x1xi32>
      %eq3A_1829 = arith.constant 23 : i32
      %eq3A_1830 = vector.broadcast %eq3A_1829 : i32 to vector<1x32xi32>
      %eq3A_1831 = arith.cmpi eq, %iota3A, %eq3A_1830 : vector<1x32xi32>
      %broadcast_in_dim3A_1832 = vector.broadcast %reduce_max3A_1818 : f32 to vector<1x32xf32>
      %select_n3A_1833 = arith.select %eq3A_1831, %broadcast_in_dim3A_1832, %select_n3A_1804 : vector<1x32xi1>, vector<1x32xf32>
      %eq3A_1834 = arith.constant 23 : i32
      %eq3A_1835 = vector.broadcast %eq3A_1834 : i32 to vector<1x32xi32>
      %eq3A_1836 = arith.cmpi eq, %iota3A, %eq3A_1835 : vector<1x32xi32>
      %broadcast_in_dim3A_1837 = vector.broadcast %reduce_min3A_1828 : i32 to vector<1x32xi32>
      %select_n3A_1838 = arith.select %eq3A_1836, %broadcast_in_dim3A_1837, %select_n3A_1809 : vector<1x32xi1>, vector<1x32xi32>
      %eq3A_1839 = vector.broadcast %reduce_min3A_1828 : i32 to vector<1x64xi32>
      %eq3A_1840 = arith.cmpi eq, %concatenate3A_1142, %eq3A_1839 : vector<1x64xi32>
      %broadcast_in_dim3A_1841 = vector.broadcast %while3A : f32 to vector<1x64xf32>
      %select_n3A_1842 = arith.select %eq3A_1840, %broadcast_in_dim3A_1841, %select_n3A_1813 : vector<1x64xi1>, vector<1x64xf32>
      %reduce_max3A_1843 = vector.shape_cast %select_n3A_1842 : vector<1x64xf32> to vector<1x1x64xf32>
      %reduce_max3A_1844 = arith.constant dense<0xFF800000> : vector<1xf32>
      %reduce_max3A_1845 = vector.multi_reduction <maximumf>, %reduce_max3A_1843, %reduce_max3A_1844 [1, 2] : vector<1x1x64xf32> to vector<1xf32>
      %reduce_max3A_1846 = vector.shape_cast %reduce_max3A_1845 : vector<1xf32> to vector<1x1x1xf32>
      %reduce_max3A_1847 = vector.extract %reduce_max3A_1846[0, 0, 0] : f32 from vector<1x1x1xf32>
      %eq3A_1848 = vector.broadcast %reduce_max3A_1847 : f32 to vector<1x64xf32>
      %eq3A_1849 = arith.cmpf oeq, %select_n3A_1842, %eq3A_1848 : vector<1x64xf32>
      %jit3A_1850 = arith.constant 2147483647 : i32
      %broadcast_in_dim3A_1851 = vector.broadcast %jit3A_1850 : i32 to vector<1x64xi32>
      %select_n3A_1852 = arith.select %eq3A_1849, %concatenate3A_1142, %broadcast_in_dim3A_1851 : vector<1x64xi1>, vector<1x64xi32>
      %reduce_min3A_1853 = vector.shape_cast %select_n3A_1852 : vector<1x64xi32> to vector<1x1x64xi32>
      %reduce_min3A_1854 = arith.constant dense<2147483647> : vector<1xi32>
      %reduce_min3A_1855 = vector.multi_reduction <minsi>, %reduce_min3A_1853, %reduce_min3A_1854 [1, 2] : vector<1x1x64xi32> to vector<1xi32>
      %reduce_min3A_1856 = vector.shape_cast %reduce_min3A_1855 : vector<1xi32> to vector<1x1x1xi32>
      %reduce_min3A_1857 = vector.extract %reduce_min3A_1856[0, 0, 0] : i32 from vector<1x1x1xi32>
      %eq3A_1858 = arith.constant 24 : i32
      %eq3A_1859 = vector.broadcast %eq3A_1858 : i32 to vector<1x32xi32>
      %eq3A_1860 = arith.cmpi eq, %iota3A, %eq3A_1859 : vector<1x32xi32>
      %broadcast_in_dim3A_1861 = vector.broadcast %reduce_max3A_1847 : f32 to vector<1x32xf32>
      %select_n3A_1862 = arith.select %eq3A_1860, %broadcast_in_dim3A_1861, %select_n3A_1833 : vector<1x32xi1>, vector<1x32xf32>
      %eq3A_1863 = arith.constant 24 : i32
      %eq3A_1864 = vector.broadcast %eq3A_1863 : i32 to vector<1x32xi32>
      %eq3A_1865 = arith.cmpi eq, %iota3A, %eq3A_1864 : vector<1x32xi32>
      %broadcast_in_dim3A_1866 = vector.broadcast %reduce_min3A_1857 : i32 to vector<1x32xi32>
      %select_n3A_1867 = arith.select %eq3A_1865, %broadcast_in_dim3A_1866, %select_n3A_1838 : vector<1x32xi1>, vector<1x32xi32>
      %eq3A_1868 = vector.broadcast %reduce_min3A_1857 : i32 to vector<1x64xi32>
      %eq3A_1869 = arith.cmpi eq, %concatenate3A_1142, %eq3A_1868 : vector<1x64xi32>
      %broadcast_in_dim3A_1870 = vector.broadcast %while3A : f32 to vector<1x64xf32>
      %select_n3A_1871 = arith.select %eq3A_1869, %broadcast_in_dim3A_1870, %select_n3A_1842 : vector<1x64xi1>, vector<1x64xf32>
      %reduce_max3A_1872 = vector.shape_cast %select_n3A_1871 : vector<1x64xf32> to vector<1x1x64xf32>
      %reduce_max3A_1873 = arith.constant dense<0xFF800000> : vector<1xf32>
      %reduce_max3A_1874 = vector.multi_reduction <maximumf>, %reduce_max3A_1872, %reduce_max3A_1873 [1, 2] : vector<1x1x64xf32> to vector<1xf32>
      %reduce_max3A_1875 = vector.shape_cast %reduce_max3A_1874 : vector<1xf32> to vector<1x1x1xf32>
      %reduce_max3A_1876 = vector.extract %reduce_max3A_1875[0, 0, 0] : f32 from vector<1x1x1xf32>
      %eq3A_1877 = vector.broadcast %reduce_max3A_1876 : f32 to vector<1x64xf32>
      %eq3A_1878 = arith.cmpf oeq, %select_n3A_1871, %eq3A_1877 : vector<1x64xf32>
      %jit3A_1879 = arith.constant 2147483647 : i32
      %broadcast_in_dim3A_1880 = vector.broadcast %jit3A_1879 : i32 to vector<1x64xi32>
      %select_n3A_1881 = arith.select %eq3A_1878, %concatenate3A_1142, %broadcast_in_dim3A_1880 : vector<1x64xi1>, vector<1x64xi32>
      %reduce_min3A_1882 = vector.shape_cast %select_n3A_1881 : vector<1x64xi32> to vector<1x1x64xi32>
      %reduce_min3A_1883 = arith.constant dense<2147483647> : vector<1xi32>
      %reduce_min3A_1884 = vector.multi_reduction <minsi>, %reduce_min3A_1882, %reduce_min3A_1883 [1, 2] : vector<1x1x64xi32> to vector<1xi32>
      %reduce_min3A_1885 = vector.shape_cast %reduce_min3A_1884 : vector<1xi32> to vector<1x1x1xi32>
      %reduce_min3A_1886 = vector.extract %reduce_min3A_1885[0, 0, 0] : i32 from vector<1x1x1xi32>
      %eq3A_1887 = arith.constant 25 : i32
      %eq3A_1888 = vector.broadcast %eq3A_1887 : i32 to vector<1x32xi32>
      %eq3A_1889 = arith.cmpi eq, %iota3A, %eq3A_1888 : vector<1x32xi32>
      %broadcast_in_dim3A_1890 = vector.broadcast %reduce_max3A_1876 : f32 to vector<1x32xf32>
      %select_n3A_1891 = arith.select %eq3A_1889, %broadcast_in_dim3A_1890, %select_n3A_1862 : vector<1x32xi1>, vector<1x32xf32>
      %eq3A_1892 = arith.constant 25 : i32
      %eq3A_1893 = vector.broadcast %eq3A_1892 : i32 to vector<1x32xi32>
      %eq3A_1894 = arith.cmpi eq, %iota3A, %eq3A_1893 : vector<1x32xi32>
      %broadcast_in_dim3A_1895 = vector.broadcast %reduce_min3A_1886 : i32 to vector<1x32xi32>
      %select_n3A_1896 = arith.select %eq3A_1894, %broadcast_in_dim3A_1895, %select_n3A_1867 : vector<1x32xi1>, vector<1x32xi32>
      %eq3A_1897 = vector.broadcast %reduce_min3A_1886 : i32 to vector<1x64xi32>
      %eq3A_1898 = arith.cmpi eq, %concatenate3A_1142, %eq3A_1897 : vector<1x64xi32>
      %broadcast_in_dim3A_1899 = vector.broadcast %while3A : f32 to vector<1x64xf32>
      %select_n3A_1900 = arith.select %eq3A_1898, %broadcast_in_dim3A_1899, %select_n3A_1871 : vector<1x64xi1>, vector<1x64xf32>
      %reduce_max3A_1901 = vector.shape_cast %select_n3A_1900 : vector<1x64xf32> to vector<1x1x64xf32>
      %reduce_max3A_1902 = arith.constant dense<0xFF800000> : vector<1xf32>
      %reduce_max3A_1903 = vector.multi_reduction <maximumf>, %reduce_max3A_1901, %reduce_max3A_1902 [1, 2] : vector<1x1x64xf32> to vector<1xf32>
      %reduce_max3A_1904 = vector.shape_cast %reduce_max3A_1903 : vector<1xf32> to vector<1x1x1xf32>
      %reduce_max3A_1905 = vector.extract %reduce_max3A_1904[0, 0, 0] : f32 from vector<1x1x1xf32>
      %eq3A_1906 = vector.broadcast %reduce_max3A_1905 : f32 to vector<1x64xf32>
      %eq3A_1907 = arith.cmpf oeq, %select_n3A_1900, %eq3A_1906 : vector<1x64xf32>
      %jit3A_1908 = arith.constant 2147483647 : i32
      %broadcast_in_dim3A_1909 = vector.broadcast %jit3A_1908 : i32 to vector<1x64xi32>
      %select_n3A_1910 = arith.select %eq3A_1907, %concatenate3A_1142, %broadcast_in_dim3A_1909 : vector<1x64xi1>, vector<1x64xi32>
      %reduce_min3A_1911 = vector.shape_cast %select_n3A_1910 : vector<1x64xi32> to vector<1x1x64xi32>
      %reduce_min3A_1912 = arith.constant dense<2147483647> : vector<1xi32>
      %reduce_min3A_1913 = vector.multi_reduction <minsi>, %reduce_min3A_1911, %reduce_min3A_1912 [1, 2] : vector<1x1x64xi32> to vector<1xi32>
      %reduce_min3A_1914 = vector.shape_cast %reduce_min3A_1913 : vector<1xi32> to vector<1x1x1xi32>
      %reduce_min3A_1915 = vector.extract %reduce_min3A_1914[0, 0, 0] : i32 from vector<1x1x1xi32>
      %eq3A_1916 = arith.constant 26 : i32
      %eq3A_1917 = vector.broadcast %eq3A_1916 : i32 to vector<1x32xi32>
      %eq3A_1918 = arith.cmpi eq, %iota3A, %eq3A_1917 : vector<1x32xi32>
      %broadcast_in_dim3A_1919 = vector.broadcast %reduce_max3A_1905 : f32 to vector<1x32xf32>
      %select_n3A_1920 = arith.select %eq3A_1918, %broadcast_in_dim3A_1919, %select_n3A_1891 : vector<1x32xi1>, vector<1x32xf32>
      %eq3A_1921 = arith.constant 26 : i32
      %eq3A_1922 = vector.broadcast %eq3A_1921 : i32 to vector<1x32xi32>
      %eq3A_1923 = arith.cmpi eq, %iota3A, %eq3A_1922 : vector<1x32xi32>
      %broadcast_in_dim3A_1924 = vector.broadcast %reduce_min3A_1915 : i32 to vector<1x32xi32>
      %select_n3A_1925 = arith.select %eq3A_1923, %broadcast_in_dim3A_1924, %select_n3A_1896 : vector<1x32xi1>, vector<1x32xi32>
      %eq3A_1926 = vector.broadcast %reduce_min3A_1915 : i32 to vector<1x64xi32>
      %eq3A_1927 = arith.cmpi eq, %concatenate3A_1142, %eq3A_1926 : vector<1x64xi32>
      %broadcast_in_dim3A_1928 = vector.broadcast %while3A : f32 to vector<1x64xf32>
      %select_n3A_1929 = arith.select %eq3A_1927, %broadcast_in_dim3A_1928, %select_n3A_1900 : vector<1x64xi1>, vector<1x64xf32>
      %reduce_max3A_1930 = vector.shape_cast %select_n3A_1929 : vector<1x64xf32> to vector<1x1x64xf32>
      %reduce_max3A_1931 = arith.constant dense<0xFF800000> : vector<1xf32>
      %reduce_max3A_1932 = vector.multi_reduction <maximumf>, %reduce_max3A_1930, %reduce_max3A_1931 [1, 2] : vector<1x1x64xf32> to vector<1xf32>
      %reduce_max3A_1933 = vector.shape_cast %reduce_max3A_1932 : vector<1xf32> to vector<1x1x1xf32>
      %reduce_max3A_1934 = vector.extract %reduce_max3A_1933[0, 0, 0] : f32 from vector<1x1x1xf32>
      %eq3A_1935 = vector.broadcast %reduce_max3A_1934 : f32 to vector<1x64xf32>
      %eq3A_1936 = arith.cmpf oeq, %select_n3A_1929, %eq3A_1935 : vector<1x64xf32>
      %jit3A_1937 = arith.constant 2147483647 : i32
      %broadcast_in_dim3A_1938 = vector.broadcast %jit3A_1937 : i32 to vector<1x64xi32>
      %select_n3A_1939 = arith.select %eq3A_1936, %concatenate3A_1142, %broadcast_in_dim3A_1938 : vector<1x64xi1>, vector<1x64xi32>
      %reduce_min3A_1940 = vector.shape_cast %select_n3A_1939 : vector<1x64xi32> to vector<1x1x64xi32>
      %reduce_min3A_1941 = arith.constant dense<2147483647> : vector<1xi32>
      %reduce_min3A_1942 = vector.multi_reduction <minsi>, %reduce_min3A_1940, %reduce_min3A_1941 [1, 2] : vector<1x1x64xi32> to vector<1xi32>
      %reduce_min3A_1943 = vector.shape_cast %reduce_min3A_1942 : vector<1xi32> to vector<1x1x1xi32>
      %reduce_min3A_1944 = vector.extract %reduce_min3A_1943[0, 0, 0] : i32 from vector<1x1x1xi32>
      %eq3A_1945 = arith.constant 27 : i32
      %eq3A_1946 = vector.broadcast %eq3A_1945 : i32 to vector<1x32xi32>
      %eq3A_1947 = arith.cmpi eq, %iota3A, %eq3A_1946 : vector<1x32xi32>
      %broadcast_in_dim3A_1948 = vector.broadcast %reduce_max3A_1934 : f32 to vector<1x32xf32>
      %select_n3A_1949 = arith.select %eq3A_1947, %broadcast_in_dim3A_1948, %select_n3A_1920 : vector<1x32xi1>, vector<1x32xf32>
      %eq3A_1950 = arith.constant 27 : i32
      %eq3A_1951 = vector.broadcast %eq3A_1950 : i32 to vector<1x32xi32>
      %eq3A_1952 = arith.cmpi eq, %iota3A, %eq3A_1951 : vector<1x32xi32>
      %broadcast_in_dim3A_1953 = vector.broadcast %reduce_min3A_1944 : i32 to vector<1x32xi32>
      %select_n3A_1954 = arith.select %eq3A_1952, %broadcast_in_dim3A_1953, %select_n3A_1925 : vector<1x32xi1>, vector<1x32xi32>
      %eq3A_1955 = vector.broadcast %reduce_min3A_1944 : i32 to vector<1x64xi32>
      %eq3A_1956 = arith.cmpi eq, %concatenate3A_1142, %eq3A_1955 : vector<1x64xi32>
      %broadcast_in_dim3A_1957 = vector.broadcast %while3A : f32 to vector<1x64xf32>
      %select_n3A_1958 = arith.select %eq3A_1956, %broadcast_in_dim3A_1957, %select_n3A_1929 : vector<1x64xi1>, vector<1x64xf32>
      %reduce_max3A_1959 = vector.shape_cast %select_n3A_1958 : vector<1x64xf32> to vector<1x1x64xf32>
      %reduce_max3A_1960 = arith.constant dense<0xFF800000> : vector<1xf32>
      %reduce_max3A_1961 = vector.multi_reduction <maximumf>, %reduce_max3A_1959, %reduce_max3A_1960 [1, 2] : vector<1x1x64xf32> to vector<1xf32>
      %reduce_max3A_1962 = vector.shape_cast %reduce_max3A_1961 : vector<1xf32> to vector<1x1x1xf32>
      %reduce_max3A_1963 = vector.extract %reduce_max3A_1962[0, 0, 0] : f32 from vector<1x1x1xf32>
      %eq3A_1964 = vector.broadcast %reduce_max3A_1963 : f32 to vector<1x64xf32>
      %eq3A_1965 = arith.cmpf oeq, %select_n3A_1958, %eq3A_1964 : vector<1x64xf32>
      %jit3A_1966 = arith.constant 2147483647 : i32
      %broadcast_in_dim3A_1967 = vector.broadcast %jit3A_1966 : i32 to vector<1x64xi32>
      %select_n3A_1968 = arith.select %eq3A_1965, %concatenate3A_1142, %broadcast_in_dim3A_1967 : vector<1x64xi1>, vector<1x64xi32>
      %reduce_min3A_1969 = vector.shape_cast %select_n3A_1968 : vector<1x64xi32> to vector<1x1x64xi32>
      %reduce_min3A_1970 = arith.constant dense<2147483647> : vector<1xi32>
      %reduce_min3A_1971 = vector.multi_reduction <minsi>, %reduce_min3A_1969, %reduce_min3A_1970 [1, 2] : vector<1x1x64xi32> to vector<1xi32>
      %reduce_min3A_1972 = vector.shape_cast %reduce_min3A_1971 : vector<1xi32> to vector<1x1x1xi32>
      %reduce_min3A_1973 = vector.extract %reduce_min3A_1972[0, 0, 0] : i32 from vector<1x1x1xi32>
      %eq3A_1974 = arith.constant 28 : i32
      %eq3A_1975 = vector.broadcast %eq3A_1974 : i32 to vector<1x32xi32>
      %eq3A_1976 = arith.cmpi eq, %iota3A, %eq3A_1975 : vector<1x32xi32>
      %broadcast_in_dim3A_1977 = vector.broadcast %reduce_max3A_1963 : f32 to vector<1x32xf32>
      %select_n3A_1978 = arith.select %eq3A_1976, %broadcast_in_dim3A_1977, %select_n3A_1949 : vector<1x32xi1>, vector<1x32xf32>
      %eq3A_1979 = arith.constant 28 : i32
      %eq3A_1980 = vector.broadcast %eq3A_1979 : i32 to vector<1x32xi32>
      %eq3A_1981 = arith.cmpi eq, %iota3A, %eq3A_1980 : vector<1x32xi32>
      %broadcast_in_dim3A_1982 = vector.broadcast %reduce_min3A_1973 : i32 to vector<1x32xi32>
      %select_n3A_1983 = arith.select %eq3A_1981, %broadcast_in_dim3A_1982, %select_n3A_1954 : vector<1x32xi1>, vector<1x32xi32>
      %eq3A_1984 = vector.broadcast %reduce_min3A_1973 : i32 to vector<1x64xi32>
      %eq3A_1985 = arith.cmpi eq, %concatenate3A_1142, %eq3A_1984 : vector<1x64xi32>
      %broadcast_in_dim3A_1986 = vector.broadcast %while3A : f32 to vector<1x64xf32>
      %select_n3A_1987 = arith.select %eq3A_1985, %broadcast_in_dim3A_1986, %select_n3A_1958 : vector<1x64xi1>, vector<1x64xf32>
      %reduce_max3A_1988 = vector.shape_cast %select_n3A_1987 : vector<1x64xf32> to vector<1x1x64xf32>
      %reduce_max3A_1989 = arith.constant dense<0xFF800000> : vector<1xf32>
      %reduce_max3A_1990 = vector.multi_reduction <maximumf>, %reduce_max3A_1988, %reduce_max3A_1989 [1, 2] : vector<1x1x64xf32> to vector<1xf32>
      %reduce_max3A_1991 = vector.shape_cast %reduce_max3A_1990 : vector<1xf32> to vector<1x1x1xf32>
      %reduce_max3A_1992 = vector.extract %reduce_max3A_1991[0, 0, 0] : f32 from vector<1x1x1xf32>
      %eq3A_1993 = vector.broadcast %reduce_max3A_1992 : f32 to vector<1x64xf32>
      %eq3A_1994 = arith.cmpf oeq, %select_n3A_1987, %eq3A_1993 : vector<1x64xf32>
      %jit3A_1995 = arith.constant 2147483647 : i32
      %broadcast_in_dim3A_1996 = vector.broadcast %jit3A_1995 : i32 to vector<1x64xi32>
      %select_n3A_1997 = arith.select %eq3A_1994, %concatenate3A_1142, %broadcast_in_dim3A_1996 : vector<1x64xi1>, vector<1x64xi32>
      %reduce_min3A_1998 = vector.shape_cast %select_n3A_1997 : vector<1x64xi32> to vector<1x1x64xi32>
      %reduce_min3A_1999 = arith.constant dense<2147483647> : vector<1xi32>
      %reduce_min3A_2000 = vector.multi_reduction <minsi>, %reduce_min3A_1998, %reduce_min3A_1999 [1, 2] : vector<1x1x64xi32> to vector<1xi32>
      %reduce_min3A_2001 = vector.shape_cast %reduce_min3A_2000 : vector<1xi32> to vector<1x1x1xi32>
      %reduce_min3A_2002 = vector.extract %reduce_min3A_2001[0, 0, 0] : i32 from vector<1x1x1xi32>
      %eq3A_2003 = arith.constant 29 : i32
      %eq3A_2004 = vector.broadcast %eq3A_2003 : i32 to vector<1x32xi32>
      %eq3A_2005 = arith.cmpi eq, %iota3A, %eq3A_2004 : vector<1x32xi32>
      %broadcast_in_dim3A_2006 = vector.broadcast %reduce_max3A_1992 : f32 to vector<1x32xf32>
      %select_n3A_2007 = arith.select %eq3A_2005, %broadcast_in_dim3A_2006, %select_n3A_1978 : vector<1x32xi1>, vector<1x32xf32>
      %eq3A_2008 = arith.constant 29 : i32
      %eq3A_2009 = vector.broadcast %eq3A_2008 : i32 to vector<1x32xi32>
      %eq3A_2010 = arith.cmpi eq, %iota3A, %eq3A_2009 : vector<1x32xi32>
      %broadcast_in_dim3A_2011 = vector.broadcast %reduce_min3A_2002 : i32 to vector<1x32xi32>
      %select_n3A_2012 = arith.select %eq3A_2010, %broadcast_in_dim3A_2011, %select_n3A_1983 : vector<1x32xi1>, vector<1x32xi32>
      %eq3A_2013 = vector.broadcast %reduce_min3A_2002 : i32 to vector<1x64xi32>
      %eq3A_2014 = arith.cmpi eq, %concatenate3A_1142, %eq3A_2013 : vector<1x64xi32>
      %broadcast_in_dim3A_2015 = vector.broadcast %while3A : f32 to vector<1x64xf32>
      %select_n3A_2016 = arith.select %eq3A_2014, %broadcast_in_dim3A_2015, %select_n3A_1987 : vector<1x64xi1>, vector<1x64xf32>
      %reduce_max3A_2017 = vector.shape_cast %select_n3A_2016 : vector<1x64xf32> to vector<1x1x64xf32>
      %reduce_max3A_2018 = arith.constant dense<0xFF800000> : vector<1xf32>
      %reduce_max3A_2019 = vector.multi_reduction <maximumf>, %reduce_max3A_2017, %reduce_max3A_2018 [1, 2] : vector<1x1x64xf32> to vector<1xf32>
      %reduce_max3A_2020 = vector.shape_cast %reduce_max3A_2019 : vector<1xf32> to vector<1x1x1xf32>
      %reduce_max3A_2021 = vector.extract %reduce_max3A_2020[0, 0, 0] : f32 from vector<1x1x1xf32>
      %eq3A_2022 = vector.broadcast %reduce_max3A_2021 : f32 to vector<1x64xf32>
      %eq3A_2023 = arith.cmpf oeq, %select_n3A_2016, %eq3A_2022 : vector<1x64xf32>
      %jit3A_2024 = arith.constant 2147483647 : i32
      %broadcast_in_dim3A_2025 = vector.broadcast %jit3A_2024 : i32 to vector<1x64xi32>
      %select_n3A_2026 = arith.select %eq3A_2023, %concatenate3A_1142, %broadcast_in_dim3A_2025 : vector<1x64xi1>, vector<1x64xi32>
      %reduce_min3A_2027 = vector.shape_cast %select_n3A_2026 : vector<1x64xi32> to vector<1x1x64xi32>
      %reduce_min3A_2028 = arith.constant dense<2147483647> : vector<1xi32>
      %reduce_min3A_2029 = vector.multi_reduction <minsi>, %reduce_min3A_2027, %reduce_min3A_2028 [1, 2] : vector<1x1x64xi32> to vector<1xi32>
      %reduce_min3A_2030 = vector.shape_cast %reduce_min3A_2029 : vector<1xi32> to vector<1x1x1xi32>
      %reduce_min3A_2031 = vector.extract %reduce_min3A_2030[0, 0, 0] : i32 from vector<1x1x1xi32>
      %eq3A_2032 = arith.constant 30 : i32
      %eq3A_2033 = vector.broadcast %eq3A_2032 : i32 to vector<1x32xi32>
      %eq3A_2034 = arith.cmpi eq, %iota3A, %eq3A_2033 : vector<1x32xi32>
      %broadcast_in_dim3A_2035 = vector.broadcast %reduce_max3A_2021 : f32 to vector<1x32xf32>
      %select_n3A_2036 = arith.select %eq3A_2034, %broadcast_in_dim3A_2035, %select_n3A_2007 : vector<1x32xi1>, vector<1x32xf32>
      %eq3A_2037 = arith.constant 30 : i32
      %eq3A_2038 = vector.broadcast %eq3A_2037 : i32 to vector<1x32xi32>
      %eq3A_2039 = arith.cmpi eq, %iota3A, %eq3A_2038 : vector<1x32xi32>
      %broadcast_in_dim3A_2040 = vector.broadcast %reduce_min3A_2031 : i32 to vector<1x32xi32>
      %select_n3A_2041 = arith.select %eq3A_2039, %broadcast_in_dim3A_2040, %select_n3A_2012 : vector<1x32xi1>, vector<1x32xi32>
      %eq3A_2042 = vector.broadcast %reduce_min3A_2031 : i32 to vector<1x64xi32>
      %eq3A_2043 = arith.cmpi eq, %concatenate3A_1142, %eq3A_2042 : vector<1x64xi32>
      %broadcast_in_dim3A_2044 = vector.broadcast %while3A : f32 to vector<1x64xf32>
      %select_n3A_2045 = arith.select %eq3A_2043, %broadcast_in_dim3A_2044, %select_n3A_2016 : vector<1x64xi1>, vector<1x64xf32>
      %reduce_max3A_2046 = vector.shape_cast %select_n3A_2045 : vector<1x64xf32> to vector<1x1x64xf32>
      %reduce_max3A_2047 = arith.constant dense<0xFF800000> : vector<1xf32>
      %reduce_max3A_2048 = vector.multi_reduction <maximumf>, %reduce_max3A_2046, %reduce_max3A_2047 [1, 2] : vector<1x1x64xf32> to vector<1xf32>
      %reduce_max3A_2049 = vector.shape_cast %reduce_max3A_2048 : vector<1xf32> to vector<1x1x1xf32>
      %reduce_max3A_2050 = vector.extract %reduce_max3A_2049[0, 0, 0] : f32 from vector<1x1x1xf32>
      %eq3A_2051 = vector.broadcast %reduce_max3A_2050 : f32 to vector<1x64xf32>
      %eq3A_2052 = arith.cmpf oeq, %select_n3A_2045, %eq3A_2051 : vector<1x64xf32>
      %jit3A_2053 = arith.constant 2147483647 : i32
      %broadcast_in_dim3A_2054 = vector.broadcast %jit3A_2053 : i32 to vector<1x64xi32>
      %select_n3A_2055 = arith.select %eq3A_2052, %concatenate3A_1142, %broadcast_in_dim3A_2054 : vector<1x64xi1>, vector<1x64xi32>
      %reduce_min3A_2056 = vector.shape_cast %select_n3A_2055 : vector<1x64xi32> to vector<1x1x64xi32>
      %reduce_min3A_2057 = arith.constant dense<2147483647> : vector<1xi32>
      %reduce_min3A_2058 = vector.multi_reduction <minsi>, %reduce_min3A_2056, %reduce_min3A_2057 [1, 2] : vector<1x1x64xi32> to vector<1xi32>
      %reduce_min3A_2059 = vector.shape_cast %reduce_min3A_2058 : vector<1xi32> to vector<1x1x1xi32>
      %reduce_min3A_2060 = vector.extract %reduce_min3A_2059[0, 0, 0] : i32 from vector<1x1x1xi32>
      %eq3A_2061 = arith.constant 31 : i32
      %eq3A_2062 = vector.broadcast %eq3A_2061 : i32 to vector<1x32xi32>
      %eq3A_2063 = arith.cmpi eq, %iota3A, %eq3A_2062 : vector<1x32xi32>
      %broadcast_in_dim3A_2064 = vector.broadcast %reduce_max3A_2050 : f32 to vector<1x32xf32>
      %select_n3A_2065 = arith.select %eq3A_2063, %broadcast_in_dim3A_2064, %select_n3A_2036 : vector<1x32xi1>, vector<1x32xf32>
      %eq3A_2066 = arith.constant 31 : i32
      %eq3A_2067 = vector.broadcast %eq3A_2066 : i32 to vector<1x32xi32>
      %eq3A_2068 = arith.cmpi eq, %iota3A, %eq3A_2067 : vector<1x32xi32>
      %broadcast_in_dim3A_2069 = vector.broadcast %reduce_min3A_2060 : i32 to vector<1x32xi32>
      %select_n3A_2070 = arith.select %eq3A_2068, %broadcast_in_dim3A_2069, %select_n3A_2041 : vector<1x32xi1>, vector<1x32xi32>
      %eq3A_2071 = vector.broadcast %reduce_min3A_2060 : i32 to vector<1x64xi32>
      %eq3A_2072 = arith.cmpi eq, %concatenate3A_1142, %eq3A_2071 : vector<1x64xi32>
      %broadcast_in_dim3A_2073 = vector.broadcast %while3A : f32 to vector<1x64xf32>
      %select_n3A_2074 = arith.select %eq3A_2072, %broadcast_in_dim3A_2073, %select_n3A_2045 : vector<1x64xi1>, vector<1x64xf32>
      scf.yield %select_n3A_2065, %select_n3A_2070 : vector<1x32xf32>, vector<1x32xi32>
    }
    %gt3A_69 = arith.constant 0xFF800000 : f32
    %gt3A_70 = vector.broadcast %gt3A_69 : f32 to vector<1x32xf32>
    %gt3A_71 = arith.cmpf ogt, %while3A_68#0, %gt3A_70 : vector<1x32xf32>
    %convert_element_type3A = arith.extui %gt3A_71 : vector<1x32xi1> to vector<1x32xi32>
    %gt3A_72 = arith.constant 0 : i32
    %gt3A_73 = vector.broadcast %gt3A_72 : i32 to vector<1x32xi32>
    %gt3A_74 = arith.cmpi sgt, %convert_element_type3A, %gt3A_73 : vector<1x32xi32>
    %jit3A_75 = arith.constant 0 : i32
    %broadcast_in_dim3A_76 = vector.broadcast %jit3A_75 : i32 to vector<1x32xi32>
    %select_n3A_77 = arith.select %gt3A_74, %while3A_68#1, %broadcast_in_dim3A_76 : vector<1x32xi1>, vector<1x32xi32>
    %squeeze3A = vector.shape_cast %select_n3A_77 : vector<1x32xi32> to vector<32xi32>
    %swap3A = arith.constant 0 : index
    %swap3A_78 = arith.constant 0 : index
    %swap3A_79 = arith.constant 0 : index
    %swap3A_80 = vector.load %arg3[%swap3A, %swap3A_78, %swap3A_79] : memref<1x1x32xi32, #tpu.memory_space<vmem>>, vector<1x1x32xi32>
    %swap3A_81 = vector.shape_cast %swap3A_80 : vector<1x1x32xi32> to vector<32xi32>
    %swap3A_82 = vector.shape_cast %squeeze3A : vector<32xi32> to vector<1x1x32xi32>
    tpu.vector_store %arg3[%swap3A, %swap3A_78, %swap3A_79], %swap3A_82 {strides = array<i32>} : memref<1x1x32xi32, #tpu.memory_space<vmem>>, vector<1x1x32xi32>,
    %squeeze3A_83 = vector.shape_cast %convert_element_type3A : vector<1x32xi32> to vector<32xi32>
    %swap3A_84 = arith.constant 0 : index
    %swap3A_85 = arith.constant 0 : index
    %swap3A_86 = arith.constant 0 : index
    %swap3A_87 = vector.load %arg4[%swap3A_84, %swap3A_85, %swap3A_86] : memref<1x1x32xi32, #tpu.memory_space<vmem>>, vector<1x1x32xi32>
    %swap3A_88 = vector.shape_cast %swap3A_87 : vector<1x1x32xi32> to vector<32xi32>
    %swap3A_89 = vector.shape_cast %squeeze3A_83 : vector<32xi32> to vector<1x1x32xi32>
    tpu.vector_store %arg4[%swap3A_84, %swap3A_85, %swap3A_86], %swap3A_89 {strides = array<i32>} : memref<1x1x32xi32, #tpu.memory_space<vmem>>, vector<1x1x32xi32>,
    return
  }
  func.func @transform_0(%arg0: i32) -> (i32, i32) {
    %c0_i32 = arith.constant 0 : i32
    %c0_i32_0 = arith.constant 0 : i32
    %c0_i32_1 = arith.constant 0 : i32
    return %c0_i32, %c0_i32_0 : i32, i32
  }
  func.func @transform_1(%arg0: i32) -> (i32, i32) {
    %c0_i32 = arith.constant 0 : i32
    %c0_i32_0 = arith.constant 0 : i32
    %c0_i32_1 = arith.constant 0 : i32
    return %c0_i32, %c0_i32_0 : i32, i32
  }
  func.func @transform_2(%arg0: i32) -> (i32, i32, i32) {
    %c0_i32 = arith.constant 0 : i32
    %c0_i32_0 = arith.constant 0 : i32
    %c0_i32_1 = arith.constant 0 : i32
    return %arg0, %c0_i32, %c0_i32_0 : i32, i32, i32
  }
  func.func @transform_3(%arg0: i32) -> (i32, i32, i32) {
    %c0_i32 = arith.constant 0 : i32
    %c0_i32_0 = arith.constant 0 : i32
    %c0_i32_1 = arith.constant 0 : i32
    return %arg0, %c0_i32, %c0_i32_0 : i32, i32, i32
  }
}

</mosaic_0001>

<sc_bundles>
// kernel: kernel.5.cloned.1.call-start
scs
__scs_entry_jumppad:
0x0: {  	(pc) =	sbr.rel $0x88, $3  }
0x1: {  	(tag) =	ssettag $0x0;
	lr =	simm.s32 $0x1  }
0x2: {  	[smem:$0x3F9F] =	sst lr;
	_ =	strace $0xD0000000  }
0x3: {  	_ = 	snop  }
0x4: {  	_ = 	snop  }
0x5: {  	_ = 	snop  }
0x6: {  	_ = 	snop  }
0x7: {  	_ = 	snop  }
__scs_overlays_trampoline_lowered:
0x8: {  	[smem:$0x3FAE] =	sst s0  }
0x9: {  	[smem:$0x3FAF] =	sst s1  }
0xa: {  	[smem:$0x3FB0] =	sst s2  }
0xb: {  	[smem:$0x3FB1] =	sst s3  }
0xc: {  	[smem:$0x3FB2] =	sst s4  }
0xd: {  	[smem:$0x3FB3] =	sst s5  }
0xe: {  	[smem:$0x3FB4] =	sst s6  }
0xf: {  	[smem:$0x3FB5] =	sst s7  }
0x10: {  	[smem:$0x3FB6] =	sst s8  }
0x11: {  	[smem:$0x3FB7] =	sst s9;
	s0 =	simm.s32 @!p0 $0x0  }
0x12: {  	s1 =	sld [smem:$0x3F9D];
	s0 =	simm.s32 @p0 $0x1  }
0x13: {  	[smem:$0x3FB8] =	sst s0;
	s0 =	simm.s32 @!p1 $0x0  }
0x14: {  	s2 =	sld [smem:$0x3F9C];
	s0 =	simm.s32 @p1 $0x1  }
0x15: {  	[smem:$0x3FB9] =	sst s0;
	s0 =	simm.s32 @!p2 $0x0  }
0x16: {  	s3 =	sld [smem:$0x3FDB];
	s0 =	simm.s32 @p2 $0x1  }
0x17: {  	s4 =	simm.s32 $0x1BF5;
	[smem:$0x3FBB] =	sst s0  }
0x18: {  	s0 =	sld [smem:$0x3F9E];
	_ =	swait.ge [sflag:s4], $0x0  }
0x19: {  	s7 =	sld [smem:$0x3F9F]  }
0x1a: {  	s8 =	sadd.s32 $0xFFFFE003, lr  }
0x1b: {  	s9 =	sadd.s32 $0xFFFFFEF7, lr;
	s5 =	simm.s32 $0xFFFFFFFF;
	p2 =	slt.u32 s8, $0xFFFFF086  }
0x1c: {  	p1 =	slt.u32 s9, $0xF7A;
	s5 =	simm.s32 @!p2 $0x0  }
0x1d: {  	s5 =	simm.s32 @p1 $0x1;
	p0 =	seq.s32 s7, s2  }
0x1e: {  	s7 =	smul.u32 @!p0 $0xF7A, s2;
	p2 =	seq.s32 @!p0 s5, $0x0  }
0x1f: {  	s9 =	smul.u32 $0xF7A, s1;
	s8 =	simm.s32 @!p0 $0x1BF5;
	p2 =	por !p2, p0  }
0x20: {  	[sflag:s8] =	ssyncset.s32 @!p0 $0xFFFFF086;
	s6 =	sadd.s32 @!p0 s3, s7;
	s7 =	simm.s32 @!p0 $0x108  }
0x21: {  	s3 =	sadd.s32 s3, s9;
	s6 =	sadd.s32 @!p0 $0x88, s6;
	s7 =	simm.s32 @p2 $0x1082  }
0x22: {  	[simem:s7], [sflag:s8] =	dma.local @!p0 [hbm:s6], $0xF7A  }
0x23: {  	s9 =	sor.u32 $0xD0000000, s2;
	s6 =	simm.s32 $0x108;
	_ =	swait.ge @!p0 [sflag:s8], $0x0  }
0x24: {  	s3 =	sadd.s32 $0x88, s3;
	s6 =	simm.s32 @!p1 $0x1082;
	[sflag:s4] =	ssyncset.s32 $0xFFFFF086  }
0x25: {  	[simem:s6], [sflag:s4] =	dma.local [hbm:s3], $0xF7A  }
0x26: {  	[smem:$0x3F9F] =	sst s1;
	(tag) =	ssettag s2;
	_ =	strace s9  }
0x27: {  	s1 =	sld [smem:$0x3FAF]  }
0x28: {  	s2 =	sld [smem:$0x3FB0]  }
0x29: {  	s4 =	sld [smem:$0x3FB2]  }
0x2a: {  	p0 =	seq.s32 s5, $0x0;
	s5 =	sld [smem:$0x3FB3]  }
0x2b: {  	s6 =	sld [smem:$0x3FB4]  }
0x2c: {  	s7 =	sld [smem:$0x3FB5]  }
0x2d: {  	s3 =	simm.s32 $0x108;
	s8 =	sld [smem:$0x3FB6]  }
0x2e: {  	s3 =	simm.s32 @!p0 $0x1082;
	s9 =	sld [smem:$0x3FB7]  }
0x2f: {  	lr =	sadd.s32 s0, s3;
	s0 =	sld [smem:$0x3FAE]  }
0x30: {  	s3 =	sld [smem:$0x3FB1]  }
0x31: {  	[smem:$0x3FBA] =	sst s10  }
0x32: {  	s10 =	sld [smem:$0x3FB8];
	_ =	sdelay $0x3  }
0x33: {  	p0 =	seq.s32 s10, $0x1;
	s10 =	sld [smem:$0x3FBA];
	_ =	sdelay $0x3  }
0x34: {  	[smem:$0x3FBA] =	sst s10  }
0x35: {  	s10 =	sld [smem:$0x3FB9];
	_ =	sdelay $0x3  }
0x36: {  	p1 =	seq.s32 s10, $0x1;
	s10 =	sld [smem:$0x3FBA];
	_ =	sdelay $0x3  }
0x37: {  	[smem:$0x3FBA] =	sst s10  }
0x38: {  	s10 =	sld [smem:$0x3FBB]  }
0x39: {  	_ = 	snop;
	(pc) =	sbr.ind lr, $3  }
0x3a: {  	_ = 	snop  }
0x3b: {  	_ = 	snop  }
0x3c: {  	p2 =	seq.s32 s10, $0x1;
	s10 =	sld [smem:$0x3FBA]  }
0x3d: {  	_ =	shalt  }
0x3e: {  	_ =	shalt  }
0x3f: {  	_ =	shalt  }
0x40: {  	_ =	shalt  }
0x41: {  	_ =	shalt  }
0x42: {  	_ =	shalt  }
0x43: {  	_ =	shalt  }
0x44: {  	_ =	shalt  }
0x45: {  	_ =	shalt  }
0x46: {  	_ =	shalt  }
0x47: {  	_ =	shalt  }
0x48: {  	_ =	shalt  }
0x49: {  	_ =	shalt  }
0x4a: {  	_ =	shalt  }
0x4b: {  	_ =	shalt  }
0x4c: {  	_ =	shalt  }
0x4d: {  	_ =	shalt  }
0x4e: {  	_ =	shalt  }
0x4f: {  	_ =	shalt  }
0x50: {  	_ =	shalt  }
0x51: {  	_ =	shalt  }
0x52: {  	_ =	shalt  }
0x53: {  	_ =	shalt  }
0x54: {  	_ =	shalt  }
0x55: {  	_ =	shalt  }
0x56: {  	_ =	shalt  }
0x57: {  	_ =	shalt  }
0x58: {  	_ =	shalt  }
0x59: {  	_ =	shalt  }
0x5a: {  	_ =	shalt  }
0x5b: {  	_ =	shalt  }
0x5c: {  	_ =	shalt  }
0x5d: {  	_ =	shalt  }
0x5e: {  	_ =	shalt  }
0x5f: {  	_ =	shalt  }
0x60: {  	_ =	shalt  }
0x61: {  	_ =	shalt  }
0x62: {  	_ =	shalt  }
0x63: {  	_ =	shalt  }
0x64: {  	_ =	shalt  }
0x65: {  	_ =	shalt  }
0x66: {  	_ =	shalt  }
0x67: {  	_ =	shalt  }
0x68: {  	_ =	shalt  }
0x69: {  	_ =	shalt  }
0x6a: {  	_ =	shalt  }
0x6b: {  	_ =	shalt  }
0x6c: {  	_ =	shalt  }
0x6d: {  	_ =	shalt  }
0x6e: {  	_ =	shalt  }
0x6f: {  	_ =	shalt  }
0x70: {  	_ =	shalt  }
0x71: {  	_ =	shalt  }
0x72: {  	_ =	shalt  }
0x73: {  	_ =	shalt  }
0x74: {  	_ =	shalt  }
0x75: {  	_ =	shalt  }
0x76: {  	_ =	shalt  }
0x77: {  	_ =	shalt  }
0x78: {  	_ =	shalt  }
0x79: {  	_ =	shalt  }
0x7a: {  	_ =	shalt  }
0x7b: {  	_ =	shalt  }
0x7c: {  	_ =	shalt  }
0x7d: {  	_ =	shalt  }
0x7e: {  	_ =	shalt  }
0x7f: {  	_ =	shalt  }
0x80: {  	_ =	shalt  }
0x81: {  	_ =	shalt  }
0x82: {  	_ =	shalt  }
0x83: {  	_ =	shalt  }
0x84: {  	_ =	shalt  }
0x85: {  	_ =	shalt  }
0x86: {  	_ =	shalt  }
0x87: {  	_ =	shalt  }
.Lfunc_end0:
.L_simem_size_0:
called_computation.1_lowered:
.L_overlay_start_0:
0x88: {  	s2 =	sld [smem:$0x3FD9]  }
0x89: {  	s3 =	sld [smem:$0x3FFE];
	_ =	sdelay $0x1  }
0x8a: {  	s1 =	srdreg.scid  }
0x8b: {  	s0 =	sand.u32 $0x1, s1  }
0x8c: {  	s17 =	sshll.u32 s0, $0xA;
	s2 =	sadd.s32 s3, s2  }
0x8d: {  	s2 =	sadd.s32 s2, s17  }
0x8e: {  	[smem:$0x3FC6] =	sst s2  }
0x8f: {  	_ = 	snop  }
0x90: {  	s2 =	sld [smem:$0x3FD0];
	(tm) =	ssettm $0x1  }
0x91: {  	s18 =	sld [smem:$0x3FFB];
	_ =	sdelay $0x3  }
0x92: {  	_ =	strace s18  }
0x93: {  	s3 =	sld [smem:$0x3FFC];
	_ =	sdelay $0x3  }
0x94: {  	_ =	strace s3  }
0x95: {  	s3 =	sld [smem:$0x3FFD];
	_ =	sdelay $0x3  }
0x96: {  	_ =	strace s3  }
0x97: {  	_ =	strace $0x8FFFFFFF  }
0x98: {  	s19 =	sld [smem:$0x3FDB];
	_ =	sdelay $0x1  }
0x99: {  	s4 =	simm.s32 $_scs_section_size  }
0x9a: {  	s5 =	simm.s32 $_size__tile_overlayer_lowered;
	s6 =	simm.s32 $_tile_overlayer_lowered  }
0x9b: {  	s22 =	simm.s32 $0x1BFF;
	s21 =	sshll.u32 s6, $0x1;
	s3 =	sadd.s32 s4, s19  }
0x9c: {  	s7 =	simm.s32 $0x0;
	s20 =	sshll.u32 s5, $0x1;
	s5 =	sadd.s32 s21, s3  }
0x9d: {  	[timem:s7], [sflag:s22] =	dma.local [hbm:s5], s20  }
0x9e: {  	_ =	swait.ge [sflag:s22], s20  }
0x9f: {  	s4 =	ssub.s32 $0x0, s20;
	[sflag:s22] =	ssyncset.done $0x0  }
0xa0: {  	[sflag:s22] =	ssyncadd.s32 s4;
	_ =	sdelay $0x1  }
0xa1: {  	s23 =	simm.s32 $0x1B8B  }
0xa2: {  	_ =	swait.ge [sflag:s23], $0x1  }
0xa3: {  	[sflag:s23] =	ssyncset.done $0x0  }
0xa4: {  	s25 =	simm.s32 $0x1B8E;
	s24 =	sld [smem:$0x3FFE];
	[sflag:s23] =	ssyncadd.s32 $0xFFFFFFFF  }
0xa5: {  	s26 =	simm.s32 $execute0_lowered;
	[smem:$0x3FD2] =	sst s25  }
0xa6: {  	s5 =	sshll.u32 s26, $0x1;
	_ =	strace $0x80000049;
	[dreg:$0x1] =	wrdreg $0xFFFFFFFF  }
0xa7: {  	s28 =	simm.s32 $_size_execute0_lowered;
	s3 =	sadd.s32 s3, s5;
	[dreg:$0x0] =	wrdreg $0x0  }
0xa8: {  	s5 =	sshll.u32 s28, $0x1;
	[dreg:$0x2] =	wrdreg s3  }
0xa9: {  	[dreg:$0x3] =	wrdreg s5  }
0xaa: {  	[dreg:$0x4] =	wrdreg $0xC0  }
0xab: {  	_ =	task [dreg:s7], $0x5FFFF  }
0xac: {  	[dreg:$0x1] =	wrdreg $0xFFFFFFFF  }
0xad: {  	[dreg:$0x0] =	wrdreg $0x60  }
0xae: {  	[dreg:$0x2] =	wrdreg s2  }
0xaf: {  	[dreg:$0x3] =	wrdreg s24  }
0xb0: {  	[dreg:$0x4] =	wrdreg $0x9  }
0xb1: {  	_ =	task.clear_ibuf [dreg:s7], $0x5FFFF;
	_ =	strace $0x90000049  }
0xb2: {  	s29 =	simm.s32 $0x9;
	_ =	strace $0x8000004B  }
0xb3: {  	_ =	swait.ge [sflag:s29], $0x1  }
0xb4: {  	[sflag:s29] =	ssyncadd.s32 $0xFFFFFFFF  }
0xb5: {  	_ =	strace $0x9000004B  }
0xb6: {  	_ =	sfence  }
0xb7: {  	s30 =	sld [smem:$0x0];
	_ =	sdelay $0x2  }
0xb8: {  	s31 =	sshll.u32 s1, $0xD;
	s1 =	sshrl.u32 s1, $0x2  }
0xb9: {  	s3 =	sand.u32 $0x4000, s31;
	s1 =	sadd.s32 s1, s30  }
0xba: {  	s0 =	sor.u32 s3, s0;
	s1 =	sshll.u32 s1, $0x11  }
0xbb: {  	s0 =	sor.u32 s1, s0  }
0xbc: {  	s0 =	sadd.s32 $0x8F2B, s0  }
0xbd: {  	[sflag:s0] =	ssyncadd.remote.s32 $0x1  }
0xbe: {  	_ =	sfence.sel $0xFFFF  }
0xbf: {  	[dreg:$0x0] =	wrdreg $0xFFFFFFFF;
	(pc) =	sbr.abs _section_cstart, $3  }
0xc0: {  	[dreg:$0x1] =	wrdreg $0xFFFFFFFF  }
0xc1: {  	_ =	task.clear_ibuf [dreg:s7], $0x2FFFF;
	_ =	strace $0x9FFFFFFF  }
0xc2: {  	(tm) =	ssettm $0x7FFFFFFF  }
0xc3: {  	_ =	shalt  }
tec
execute0_lowered:
.L_overlay_start_1:
0x0: {  	(tag) =	ssettag $0x1  }
0x1: {  	s4 =	rddreg [dreg:$0x0];
	s1 =	srdreg.scid  }
0x2: {  	s0 =	stileid.u32;
	s5 =	rddreg [dreg:$0x1];
	s2 =	simm.s32 $0x0  }
0x3: {  	s12 =	simm.s32 $0x40;
	s13 =	simm.s32 $0x90;
	s14 =	simm.s32 $0x1  }
0x4: {  	s15 =	simm.s32 $0x2090;
	s3 =	sand.u32 $0x1, s1;
	s1 =	rddreg [dreg:$0x2]  }
0x5: {  	s16 =	simm.s32 $0x0;
	s6 =	sshll.u32 s0, $0x1;
	[smem:$0x7FF] =	sst s2  }
0x6: {  	s6 =	sor.u32 s3, s6;
	_ =	strace $0x8000004A;
	s9 =	ssub.s32 $0x2, s3  }
0x7: {  	s3 =	sadd.s32 $0x400, s5;
	s7 =	sshll.u32 s6, $0x3;
	s6 =	sshll.u32 s6, $0xB  }
0x8: {  	s10 =	sshrl.u32 s9, $0x1;
	s8 =	sadd.s32 s7, s5;
	s11 =	sadd.s32 s6, s5  }
0x9: {  	s9 =	ssub.s32 s9, s10;
	s4 =	sadd.s32 s4, s7;
	s10 =	simm.s32 $0x2  }
0xa: {  	s5 =	sadd.s32 $0x4, s4;
	s6 =	sadd.s32 $0x186E00, s8;
	s7 =	sadd.s32 $0x187000, s11  }
0xb: {  	s8 =	sadd.s32 $0x187400, s11;
	s9 =	smax.u32 s9, $0x1;
	s11 =	simm.s32 $0x20  }
.LBB2_1:
0xc: {  	[tilespmem:s2], [sflag:$0x2] =	stream.linear.gather [hbm4b:s4+s2], $0x20, $0x38;
	[tilespmem:$0x4090] =	vst v63  }
0xd: {  	_ =	swait.ge [sflag:s10], $0x20  }
0xe: {  	[sflag:s10] =	ssyncset.done $0x0  }
0xf: {  	[sflag:s10] =	ssyncadd.s32 $0xFFFFFFE0  }
0x10: {  	[tilespmem:s11], [sflag:$0x2] =	stream.linear.gather [hbm4b:s5+s2], $0x20, $0x38;
	[tilespmem:$0x4090] =	vst v63  }
0x11: {  	_ =	swait.ge [sflag:s10], $0x20  }
0x12: {  	[sflag:s10] =	ssyncset.done $0x0  }
0x13: {  	[sflag:s10] =	ssyncadd.s32 $0xFFFFFFE0  }
0x14: {  	[tilespmem:s12], [sflag:$0x2] =	stream.linear.gather [hbm4b:s6+s2], $0x40, $0x38;
	[tilespmem:$0x4090] =	vst v63  }
0x15: {  	_ =	swait.ge [sflag:s10], $0x40  }
0x16: {  	[sflag:s10] =	ssyncset.done $0x0  }
0x17: {  	[sflag:s10] =	ssyncadd.s32 $0xFFFFFFC0  }
0x18: {  	[tilespmem:s13], [sflag:$0x1] =	stream.indirect.gather [hbm4b:s3+s11], $0x100, s2, s11, $0xb8;
	[tilespmem:$0x4090] =	vst v63  }
0x19: {  	_ =	swait.ge [sflag:s14], $0x2000  }
0x1a: {  	[sflag:s14] =	ssyncset.done $0x0  }
0x1b: {  	[sflag:s14] =	ssyncadd.s32 $0xFFFFE000  }
0x1c: {  	[tilespmem:s15], [sflag:$0x1] =	stream.indirect.gather [hbm4b:s3+s11], $0x100, s11, s11, $0xb8;
	[tilespmem:$0x4090] =	vst v63  }
0x1d: {  	_ =	swait.ge [sflag:s14], $0x2000  }
0x1e: {  	[sflag:s14] =	ssyncset.done $0x0  }
0x1f: {  	s17 =	simm.s32 $0x0;
	[sflag:s14] =	ssyncadd.s32 $0xFFFFE000  }
0x20: {  	v0 =	vld [tilespmem:s17+$0x40];
	_ =	sdelay $0x4  }
0x21: {  	(v2sf) =	vpush v0, $0x0;
	_ =	sdelay $0xe  }
0x22: {  	s31 =	spop (v2sf)  }
0x23: {  	p0 =	sne.s32 s31, $0x0  }
0x24: {  	s17 =	simm.s32 $0x110;
	v0 =	vimm.f32 @!p0 $0.0e+00  }
0x25: {  	[tilespmem:s17+$0xFFFFFF80] =	vst @!p0 v0  }
0x26: {  	[tilespmem:s17+$0xFFFFFF90] =	vst @!p0 v0  }
0x27: {  	[tilespmem:s17+$0xFFFFFFA0] =	vst @!p0 v0  }
0x28: {  	[tilespmem:s17+$0xFFFFFFB0] =	vst @!p0 v0  }
0x29: {  	[tilespmem:s17+$0xFFFFFFC0] =	vst @!p0 v0  }
0x2a: {  	[tilespmem:s17+$0xFFFFFFD0] =	vst @!p0 v0  }
0x2b: {  	[tilespmem:s17+$0xFFFFFFE0] =	vst @!p0 v0  }
0x2c: {  	[tilespmem:s17+$0xFFFFFFF0] =	vst @!p0 v0  }
0x2d: {  	[tilespmem:s17+$0x0] =	vst @!p0 v0  }
0x2e: {  	[tilespmem:s17+$0x10] =	vst @!p0 v0  }
0x2f: {  	[tilespmem:s17+$0x20] =	vst @!p0 v0  }
0x30: {  	[tilespmem:s17+$0x30] =	vst @!p0 v0  }
0x31: {  	[tilespmem:s17+$0x40] =	vst @!p0 v0  }
0x32: {  	[tilespmem:s17+$0x50] =	vst @!p0 v0  }
0x33: {  	s18 =	simm.s32 $0x4;
	[tilespmem:s17+$0x60] =	vst @!p0 v0  }
.LBB2_2:
0x34: {  	s19 =	sshra.s32 s18, $0x2;
	s18 =	sadd.s32 $0x4, s18;
	[tilespmem:s17+$0x70] =	vst @!p0 v0  }
0x35: {  	v0 =	vld [tilespmem:s19+$0x40];
	p1 =	sne.s32 s18, $0x80;
	_ =	sdelay $0x4  }
0x36: {  	(v2sf) =	vpush v0, $0x0;
	_ =	sdelay $0xe  }
0x37: {  	s19 =	spop (v2sf)  }
0x38: {  	p0 =	sne.s32 s19, $0x0  }
0x39: {  	s17 =	sadd.s32 $0x100, s17;
	v0 =	vimm.f32 @!p0 $0.0e+00  }
0x3a: {  	[tilespmem:s17+$0xFFFFFF80] =	vst @!p0 v0  }
0x3b: {  	[tilespmem:s17+$0xFFFFFF90] =	vst @!p0 v0  }
0x3c: {  	[tilespmem:s17+$0xFFFFFFA0] =	vst @!p0 v0  }
0x3d: {  	[tilespmem:s17+$0xFFFFFFB0] =	vst @!p0 v0  }
0x3e: {  	[tilespmem:s17+$0xFFFFFFC0] =	vst @!p0 v0  }
0x3f: {  	[tilespmem:s17+$0xFFFFFFD0] =	vst @!p0 v0  }
0x40: {  	[tilespmem:s17+$0xFFFFFFE0] =	vst @!p0 v0  }
0x41: {  	[tilespmem:s17+$0xFFFFFFF0] =	vst @!p0 v0  }
0x42: {  	[tilespmem:s17+$0x0] =	vst @!p0 v0  }
0x43: {  	[tilespmem:s17+$0x10] =	vst @!p0 v0  }
.Ltmp0:
0x44: {  	[tilespmem:s17+$0x20] =	vst @!p0 v0;
	(pc) =	sbr.rel @p1 .LBB2_2-.Ltmp0, $4  }
0x45: {  	[tilespmem:s17+$0x30] =	vst @!p0 v0  }
0x46: {  	[tilespmem:s17+$0x40] =	vst @!p0 v0  }
0x47: {  	[tilespmem:s17+$0x50] =	vst @!p0 v0  }
0x48: {  	[tilespmem:s17+$0x60] =	vst @!p0 v0  }
0x49: {  	s18 =	simm.s32 $0x0  }
0x4a: {  	[tilespmem:s17+$0x70] =	vst @!p0 v0;
	s30 =	sand.u32 $0x1F, s18  }
0x4b: {  	v0 =	vld [tilespmem:s30+$0x60];
	_ =	sdelay $0x4  }
0x4c: {  	(v2sf) =	vpush v0, $0x0;
	_ =	sdelay $0xe  }
0x4d: {  	s31 =	spop (v2sf)  }
0x4e: {  	p0 =	sne.s32 s31, $0x0  }
0x4f: {  	s17 =	simm.s32 $0x2110;
	v0 =	vimm.f32 @!p0 $0.0e+00  }
0x50: {  	[tilespmem:s17+$0xFFFFFF80] =	vst @!p0 v0  }
0x51: {  	[tilespmem:s17+$0xFFFFFF90] =	vst @!p0 v0  }
0x52: {  	[tilespmem:s17+$0xFFFFFFA0] =	vst @!p0 v0  }
0x53: {  	[tilespmem:s17+$0xFFFFFFB0] =	vst @!p0 v0  }
0x54: {  	[tilespmem:s17+$0xFFFFFFC0] =	vst @!p0 v0  }
0x55: {  	[tilespmem:s17+$0xFFFFFFD0] =	vst @!p0 v0  }
0x56: {  	[tilespmem:s17+$0xFFFFFFE0] =	vst @!p0 v0  }
0x57: {  	[tilespmem:s17+$0xFFFFFFF0] =	vst @!p0 v0  }
0x58: {  	[tilespmem:s17+$0x0] =	vst @!p0 v0  }
0x59: {  	[tilespmem:s17+$0x10] =	vst @!p0 v0  }
0x5a: {  	[tilespmem:s17+$0x20] =	vst @!p0 v0  }
0x5b: {  	[tilespmem:s17+$0x30] =	vst @!p0 v0  }
0x5c: {  	[tilespmem:s17+$0x40] =	vst @!p0 v0  }
0x5d: {  	[tilespmem:s17+$0x50] =	vst @!p0 v0  }
0x5e: {  	s18 =	simm.s32 $0x1;
	[tilespmem:s17+$0x60] =	vst @!p0 v0  }
.LBB2_4:
0x5f: {  	s19 =	sand.u32 $0x1F, s18;
	s18 =	sadd.s32 $0x1, s18;
	[tilespmem:s17+$0x70] =	vst @!p0 v0  }
0x60: {  	v0 =	vld [tilespmem:s19+$0x60];
	p1 =	sne.s32 s18, $0x20;
	_ =	sdelay $0x4  }
0x61: {  	(v2sf) =	vpush v0, $0x0;
	_ =	sdelay $0xe  }
0x62: {  	s19 =	spop (v2sf)  }
0x63: {  	p0 =	sne.s32 s19, $0x0  }
0x64: {  	s17 =	sadd.s32 $0x100, s17;
	v0 =	vimm.f32 @!p0 $0.0e+00  }
0x65: {  	[tilespmem:s17+$0xFFFFFF80] =	vst @!p0 v0  }
0x66: {  	[tilespmem:s17+$0xFFFFFF90] =	vst @!p0 v0  }
0x67: {  	[tilespmem:s17+$0xFFFFFFA0] =	vst @!p0 v0  }
0x68: {  	[tilespmem:s17+$0xFFFFFFB0] =	vst @!p0 v0  }
0x69: {  	[tilespmem:s17+$0xFFFFFFC0] =	vst @!p0 v0  }
0x6a: {  	[tilespmem:s17+$0xFFFFFFD0] =	vst @!p0 v0  }
0x6b: {  	[tilespmem:s17+$0xFFFFFFE0] =	vst @!p0 v0  }
0x6c: {  	[tilespmem:s17+$0xFFFFFFF0] =	vst @!p0 v0  }
0x6d: {  	[tilespmem:s17+$0x0] =	vst @!p0 v0  }
0x6e: {  	[tilespmem:s17+$0x10] =	vst @!p0 v0  }
.Ltmp1:
0x6f: {  	[tilespmem:s17+$0x20] =	vst @!p0 v0;
	(pc) =	sbr.rel @p1 .LBB2_4-.Ltmp1, $4  }
0x70: {  	[tilespmem:s17+$0x30] =	vst @!p0 v0  }
0x71: {  	[tilespmem:s17+$0x40] =	vst @!p0 v0  }
0x72: {  	[tilespmem:s17+$0x50] =	vst @!p0 v0  }
0x73: {  	[tilespmem:s17+$0x60] =	vst @!p0 v0  }
0x74: {  	[tilespmem:s17+$0x70] =	vst @!p0 v0  }
0x75: {  	[hbm4b:s7+s2] =	stream.linear.scatter [tilespmem:s13], [sflag:$0x2], $0x2000, $0x38;
	[tilespmem:$0x4090] =	vst v63  }
0x76: {  	s16 =	sadd.s32 $0x1, s16;
	_ =	swait.ge [sflag:s10], $0x2000  }
0x77: {  	p0 =	sne.s32 s16, s9;
	[sflag:s10] =	ssyncset.done $0x0  }
.Ltmp2:
0x78: {  	[sflag:s10] =	ssyncadd.s32 $0xFFFFE000;
	(pc) =	sbr.rel @p0 .LBB2_1-.Ltmp2, $4  }
0x79: {  	[hbm4b:s8+s2] =	stream.linear.scatter [tilespmem:s15], [sflag:$0x2], $0x2000, $0x38;
	[tilespmem:$0x4090] =	vst v63  }
0x7a: {  	_ =	swait.ge [sflag:s10], $0x2000  }
0x7b: {  	[sflag:s10] =	ssyncset.done $0x0  }
0x7c: {  	[sflag:s10] =	ssyncadd.s32 $0xFFFFE000  }
0x7d: {  	_ =	sfence.sel $0x180000  }
0x7e: {  	[bflag:$0x0] =	sbarrier.arrive $0xFFFF  }
0x7f: {  	p0 =	sne.s32 s0, $0x0;
	_ =	strace $0x9000004A  }
0x80: {  	s0 =	sadd.s32 @!p0 $0x100000, s1;
	[bflag:$0x2] =	sbarrier.arrive $0xFFFF  }
0x81: {  	[sflag:s0] =	ssyncadd.tile.s32 @!p0 $0x1;
	_ =	shalt  }
.Lfunc_end2:
_tile_overlayer_lowered:
.L_overlay_start_2:
0x82: {  	(tag) =	ssettag $0x2  }
0x83: {  	s0 =	rddreg [dreg:$0x0];
	s2 =	stileid.u32  }
0x84: {  	s1 =	rddreg [dreg:$0x1];
	p0 =	sne.s32 s2, $0x0  }
0x85: {  	s3 =	rddreg [dreg:$0x2];
	[bflag:$0x3] =	sbarrier.arrive $0xFFFF;
	s2 =	simm.s32 @!p0 $0x1C02  }
0x86: {  	[timem:s3], [sflag:s2] =	dma.local @!p0 [hbm:s0], s1  }
0x87: {  	s0 =	simm.s32 @!p0 $0x2  }
0x88: {  	_ =	swait.ge @!p0 [sflag:s0], s1  }
0x89: {  	s1 =	ssub.s32 @!p0 $0x0, s1;
	[sflag:s0] =	ssyncset.done @!p0 $0x0  }
0x8a: {  	[sflag:s0] =	ssyncadd.s32 @!p0 s1  }
0x8b: {  	[bflag:$0x3] =	sbarrier.arrive $0xFFFF  }
0x8c: {  	_ =	shalt  }

// kernel: sparse-core-data-format-call.cloned.1.call-start
scs
called_computation_lowered:
.L_overlay_start_0:
0x0: {  	s2 =	sld [smem:$0x3FD9]  }
0x1: {  	s3 =	sld [smem:$0x3FFE];
	_ =	sdelay $0x1  }
0x2: {  	s1 =	srdreg.scid  }
0x3: {  	s0 =	sand.u32 $0x1, s1  }
0x4: {  	s18 =	sshll.u32 s0, $0xA;
	s2 =	sadd.s32 s3, s2  }
0x5: {  	s2 =	sadd.s32 s2, s18  }
0x6: {  	[smem:$0x3FC6] =	sst s2  }
0x7: {  	_ = 	snop  }
0x8: {  	s2 =	sld [smem:$0x3FC9];
	(tm) =	ssettm $0x1  }
0x9: {  	s19 =	sld [smem:$0x3FFB];
	_ =	sdelay $0x3  }
0xa: {  	_ =	strace s19  }
0xb: {  	s3 =	sld [smem:$0x3FFC];
	_ =	sdelay $0x3  }
0xc: {  	_ =	strace s3  }
0xd: {  	s3 =	sld [smem:$0x3FFD];
	_ =	sdelay $0x3  }
0xe: {  	_ =	strace s3  }
0xf: {  	_ =	strace $0x8FFFFFFF  }
0x10: {  	s20 =	sld [smem:$0x3FDB];
	_ =	sdelay $0x1  }
0x11: {  	s4 =	simm.s32 $_scs_section_size  }
0x12: {  	s5 =	simm.s32 $_size__tile_overlayer_lowered;
	s6 =	simm.s32 $_tile_overlayer_lowered  }
0x13: {  	s23 =	simm.s32 $0x1BFF;
	s22 =	sshll.u32 s6, $0x1;
	s3 =	sadd.s32 s4, s20  }
0x14: {  	s7 =	simm.s32 $0x0;
	s21 =	sshll.u32 s5, $0x1;
	s5 =	sadd.s32 s22, s3  }
0x15: {  	[timem:s7], [sflag:s23] =	dma.local [hbm:s5], s21  }
0x16: {  	_ =	swait.ge [sflag:s23], s21  }
0x17: {  	s4 =	ssub.s32 $0x0, s21;
	[sflag:s23] =	ssyncset.done $0x0  }
0x18: {  	[sflag:s23] =	ssyncadd.s32 s4;
	_ =	sdelay $0x1  }
0x19: {  	s24 =	simm.s32 $0x1B8B  }
0x1a: {  	_ =	swait.ge [sflag:s24], $0x1  }
0x1b: {  	[sflag:s24] =	ssyncset.done $0x0  }
0x1c: {  	s26 =	simm.s32 $0x1B8E;
	s25 =	sld [smem:$0x3FFE];
	[sflag:s24] =	ssyncadd.s32 $0xFFFFFFFF  }
0x1d: {  	s27 =	simm.s32 $execute0_lowered;
	[smem:$0x3FD2] =	sst s26  }
0x1e: {  	s5 =	sshll.u32 s27, $0x1;
	_ =	strace $0x80000046;
	[dreg:$0x1] =	wrdreg $0xFFFFFFFF  }
0x1f: {  	s28 =	simm.s32 $_size_execute0_lowered;
	s3 =	sadd.s32 s3, s5;
	[dreg:$0x0] =	wrdreg $0x0  }
0x20: {  	s5 =	sshll.u32 s28, $0x1;
	[dreg:$0x2] =	wrdreg s3  }
0x21: {  	[dreg:$0x3] =	wrdreg s5  }
0x22: {  	[dreg:$0x4] =	wrdreg $0xC0  }
0x23: {  	_ =	task [dreg:s7], $0x5FFFF  }
0x24: {  	[dreg:$0x1] =	wrdreg $0xFFFFFFFF  }
0x25: {  	[dreg:$0x0] =	wrdreg $0x60  }
0x26: {  	[dreg:$0x2] =	wrdreg s2  }
0x27: {  	[dreg:$0x3] =	wrdreg s25  }
0x28: {  	[dreg:$0x4] =	wrdreg $0x9  }
0x29: {  	_ =	task.clear_ibuf [dreg:s7], $0x5FFFF;
	_ =	strace $0x90000046  }
0x2a: {  	s29 =	simm.s32 $0x9;
	_ =	strace $0x80000048  }
0x2b: {  	_ =	swait.ge [sflag:s29], $0x1  }
0x2c: {  	[sflag:s29] =	ssyncadd.s32 $0xFFFFFFFF  }
0x2d: {  	_ =	strace $0x90000048  }
0x2e: {  	_ =	sfence  }
0x2f: {  	s30 =	sld [smem:$0x0];
	_ =	sdelay $0x2  }
0x30: {  	s31 =	sshll.u32 s1, $0xD;
	s1 =	sshrl.u32 s1, $0x2  }
0x31: {  	s3 =	sand.u32 $0x4000, s31;
	s1 =	sadd.s32 s1, s30  }
0x32: {  	s0 =	sor.u32 s3, s0;
	s1 =	sshll.u32 s1, $0x11  }
0x33: {  	s0 =	sor.u32 s1, s0  }
0x34: {  	s0 =	sadd.s32 $0x8F2B, s0  }
0x35: {  	[sflag:s0] =	ssyncadd.remote.s32 $0x1  }
0x36: {  	_ =	sfence.sel $0xFFFF  }
0x37: {  	[dreg:$0x0] =	wrdreg $0xFFFFFFFF;
	(pc) =	sbr.abs _section_cstart, $3  }
0x38: {  	[dreg:$0x1] =	wrdreg $0xFFFFFFFF  }
0x39: {  	_ =	task.clear_ibuf [dreg:s7], $0x2FFFF;
	_ =	strace $0x9FFFFFFF  }
0x3a: {  	(tm) =	ssettm $0x7FFFFFFF  }
0x3b: {  	_ =	shalt  }
tec
execute0_lowered:
.L_overlay_start_1:
0x0: {  	(tag) =	ssettag $0x1  }
0x1: {  	s0 =	srdreg.scid;
	s2 =	rddreg [dreg:$0x0]  }
0x2: {  	s5 =	rddreg [dreg:$0x1];
	s1 =	stileid.u32  }
0x3: {  	s4 =	simm.s32 $0x1;
	s6 =	simm.s32 $0x2;
	s0 =	sshll.u32 s0, $0x4  }
0x4: {  	s8 =	simm.s32 $0x0;
	s9 =	simm.s32 $0x0;
	s3 =	sand.u32 $0x10, s0  }
.Ltmp0:
0x5: {  	s13 =	simm.s32 $0x0;
	s3 =	sor.u32 s1, s3;
	(pc) =	sbr.rel .LBB1_1-.Ltmp0, $4  }
0x6: {  	s0 =	rddreg [dreg:$0x2];
	_ =	strace $0x80000047;
	s3 =	sshll.u32 s3, $0x3  }
0x7: {  	s10 =	simm.s32 $0x0;
	[sflag:s4] =	ssyncpa.u1 $0x0;
	s7 =	ssub.s32 $0x1868, s3  }
0x8: {  	s12 =	simm.s32 $0x0;
	[sflag:s6] =	ssyncpa.u1 $0x0;
	s6 =	sshrl.u32 s7, $0x8  }
0x9: {  	s5 =	sadd.s32 $0x400, s5;
	s11 =	smov.u32 s3;
	s7 =	sadd.s32 $0x2, s6  }
.LBB1_9:
0xa: {  	s15 =	sshll.u32 s12, $0xE  }
0xb: {  	s16 =	sshll.u32 s10, $0x8;
	s15 =	sand.u32 $0x4000, s15  }
0xc: {  	s16 =	sadd.s32 s5, s16;
	s15 =	sor.u32 $0x8000, s15  }
0xd: {  	[hbm4b:s16+s8] =	stream.linear.scatter [tilespmem:s15], [sflag:$0x2], s14, $0x38;
	[tilespmem:$0x10000] =	vst v63  }
.LBB1_10:
0xe: {  	p0 =	slt.u32 s12, $0x2  }
0xf: {  	p1 =	sgt.s32 @!p0 s13, $0x1862  }
0x10: {  	s14 =	smov.u32 s13;
	s15 =	sshra.s32 @!p0 s13, $0x1F;
	p1 =	por !p1, p0  }
0x11: {  	s13 =	sand.u32 @!p0 s15, s13;
	s14 =	simm.s32 @p1 $0x1862  }
0x12: {  	s13 =	ssub.s32 @!p0 s14, s13  }
0x13: {  	s13 =	sadd.s32 @!p0 $0xFFFFE79E, s13  }
0x14: {  	s14 =	sshll.u32 @!p0 s13, $0xD  }
0x15: {  	p1 =	sgt.s32 @!p0 s13, $0x7;
	s13 =	ssub.s32 @!p0 $0x10000, s14  }
0x16: {  	s15 =	sadd.s32 $0x100, s11;
	p1 =	por !p1, p0;
	s13 =	sshrl.u32 @!p0 s13, $0x2  }
0x17: {  	s13 =	simm.s32 @!p1 $0x0;
	p1 =	sgt.s32 s15, $0x1869  }
0x18: {  	s15 =	smov.u32 @p1 s3;
	p1 =	sne.s32 s12, s7  }
.Ltmp1:
0x19: {  	_ = 	snop;
	(pc) =	sbr.rel @!p1 .LBB1_11-.Ltmp1, $4  }
0x1a: {  	s14 =	simm.s32 @!p0 $0x2  }
0x1b: {  	s9 =	sadd.s32 $0x4000, s9;
	_ =	swait.ge @!p0 [sflag:s14], s13;
	s16 =	ssub.s32 @!p0 $0x0, s13  }
0x1c: {  	s13 =	smov.u32 s10;
	s12 =	sadd.s32 $0x1, s12;
	[sflag:s14] =	ssyncset.done @!p0 $0x0  }
0x1d: {  	s10 =	smov.u32 s11;
	s11 =	smov.u32 s15;
	[sflag:s14] =	ssyncadd.s32 @!p0 s16  }
.LBB1_1:
0x1e: {  	p0 =	sgt.u32 s12, s6  }
0x1f: {  	p1 =	sgt.s32 @!p0 s11, $0x1862  }
0x20: {  	s14 =	smov.u32 s11;
	s15 =	sshra.s32 @!p0 s11, $0x1F;
	p1 =	por !p1, p0  }
0x21: {  	s15 =	sand.u32 @!p0 s15, s11;
	s14 =	simm.s32 @p1 $0x1862  }
0x22: {  	s14 =	ssub.s32 @!p0 s14, s15  }
0x23: {  	s14 =	sadd.s32 @!p0 $0xFFFFE79E, s14  }
0x24: {  	s17 =	simm.s32 @!p0 $0x0;
	s15 =	sxor.u32 @!p0 $0xFFFFFFFF, s12;
	s16 =	sshll.u32 @!p0 s14, $0xD  }
0x25: {  	s15 =	sshll.u32 @!p0 s15, $0xE;
	p1 =	sgt.s32 @!p0 s14, $0x7;
	s14 =	ssub.s32 @!p0 $0x10000, s16  }
0x26: {  	p1 =	por !p1, p0;
	s16 =	sshll.u32 @!p0 s11, $0x8;
	s14 =	sshrl.u32 @!p0 s14, $0x2  }
0x27: {  	s15 =	sand.u32 @!p0 $0x4000, s15;
	s16 =	sadd.s32 @!p0 s2, s16;
	s14 =	simm.s32 @!p1 $0x0  }
0x28: {  	[tilespmem:s15], [sflag:$0x1] =	stream.linear.gather @!p0 [hbm4b:s16+s17], s14, $0x38;
	[tilespmem:$0x10000] =	vst v63  }
0x29: {  	p0 =	seq.s32 s12, $0x0  }
0x2a: {  	p1 =	sge.u32 @!p0 s12, s7  }
0x2b: {  	p0 =	por p0, p1  }
.Ltmp2:
0x2c: {  	_ = 	snop;
	(pc) =	sbr.rel @p0 .LBB1_10-.Ltmp2, $1  }
0x2d: {  	_ =	sdelay $0x3  }
0x2e: {  	p0 =	sgt.s32 s10, $0x1862;
	s14 =	smov.u32 s10;
	s15 =	sshra.s32 s10, $0x1F  }
0x2f: {  	s14 =	simm.s32 @!p0 $0x1862;
	s15 =	sand.u32 s15, s10  }
0x30: {  	s14 =	ssub.s32 s14, s15  }
0x31: {  	s16 =	sadd.s32 $0x8, s10;
	s14 =	sadd.s32 $0xFFFFE79E, s14  }
0x32: {  	p1 =	slt.s32 s16, $0x186A;
	s30 =	sshll.u32 s14, $0xD  }
0x33: {  	s16 =	simm.s32 @!p1 $0x186A;
	s15 =	ssub.s32 $0x10000, s30  }
0x34: {  	p0 =	sgt.s32 s14, $0x7;
	s14 =	sshrl.u32 s15, $0x2;
	s15 =	ssub.s32 s16, s10  }
0x35: {  	s14 =	simm.s32 @p0 $0x0;
	p0 =	slt.s32 s15, $0x1  }
.Ltmp3:
0x36: {  	_ = 	snop;
	(pc) =	sbr.rel @p0 .LBB1_9-.Ltmp3, $4  }
0x37: {  	_ = 	snop  }
0x38: {  	_ =	swait.ge [sflag:s4], s14  }
0x39: {  	s31 =	ssub.s32 $0x0, s14;
	[sflag:s4] =	ssyncset.done $0x0  }
0x3a: {  	[sflag:s4] =	ssyncadd.s32 s31  }
0x3b: {  	s16 =	sshll.u32 s9, $0x2  }
0x3c: {  	s16 =	sand.u32 $0x10000, s16  }
0x3d: {  	s16 =	sshrl.u32 s16, $0x2  }
0x3e: {  	s18 =	simm.s32 $0x0;
	s19 =	simm.s32 $0x0;
	s17 =	sor.u32 $0x8000, s16  }
.LBB1_4:
0x3f: {  	s20 =	sshra.s32 s18, $0x2  }
0x40: {  	v0 =	vmov s20;
	_ =	sdelay $0x3  }
0x41: {  	p1 =	por $0x1, $0x1;
	s20 =	simm.s32 $0x0  }
.LBB1_5:
0x42: {  	_ = 	snop  }
0x43: {  	s21 =	sshll.u32 s20, $0xA  }
0x44: {  	s21 =	sand.u32 $0x3FFFFC00, s21  }
0x45: {  	s21 =	sadd.s32 s21, s16  }
0x46: {  	v5 =	vld.idx.msk [tilespmem:v0+s21+$0x70 ss:$0x1], $0xffff  }
0x47: {  	v6 =	vld.idx.msk [tilespmem:v0+s21+$0x10 ss:$0x1], $0xffff  }
0x48: {  	v7 =	vld.idx.msk [tilespmem:v0+s21+$0x20 ss:$0x1], $0xffff  }
0x49: {  	s31 =	sshll.u32 s20, $0x7;
	v1 =	vld.idx.msk [tilespmem:v0+s21+$0x30 ss:$0x1], $0xffff  }
0x4a: {  	s20 =	sand.u32 $0x3FFFFF80, s31;
	v2 =	vld.idx.msk [tilespmem:v0+s21+$0x40 ss:$0x1], $0xffff  }
0x4b: {  	s20 =	sadd.s32 s20, s17;
	v3 =	vld.idx.msk [tilespmem:v0+s21+$0x50 ss:$0x1], $0xffff  }
0x4c: {  	v4 =	vld.idx.msk [tilespmem:v0+s21+$0x60 ss:$0x1], $0xffff;
	[tilespmem:v0+s20+$0x70 ss:$0x1] =	vst.idx.msk $0xffff, v5  }
0x4d: {  	v5 =	vld.idx.msk [tilespmem:v0+s21+$0x0 ss:$0x1], $0xffff;
	[tilespmem:v0+s20+$0x10 ss:$0x1] =	vst.idx.msk $0xffff, v6;
	s21 =	sadd.s32 $0x80, s21  }
0x4e: {  	p0 =	por p1, p1;
	s22 =	simm.s32 $0x6;
	[tilespmem:v0+s20+$0x20 ss:$0x1] =	vst.idx.msk $0xffff, v7;
	v6 =	vld.idx.msk [tilespmem:v0+s21+$0x70 ss:$0x1], $0xffff  }
.LBB1_6:
0x4f: {  	p1 =	sne.s32 s22, $0x1;
	v7 =	vld.idx.msk [tilespmem:v0+s21+$0x10 ss:$0x1], $0xffff;
	[tilespmem:v0+s20+$0x30 ss:$0x1] =	vst.idx.msk $0xffff, v1  }
0x50: {  	v8 =	vld.idx.msk [tilespmem:v0+s21+$0x20 ss:$0x1], $0xffff;
	[tilespmem:v0+s20+$0x40 ss:$0x1] =	vst.idx.msk $0xffff, v2  }
0x51: {  	v1 =	vld.idx.msk [tilespmem:v0+s21+$0x30 ss:$0x1], $0xffff;
	[tilespmem:v0+s20+$0x50 ss:$0x1] =	vst.idx.msk $0xffff, v3  }
.Ltmp4:
0x52: {  	v2 =	vld.idx.msk [tilespmem:v0+s21+$0x40 ss:$0x1], $0xffff;
	[tilespmem:v0+s20+$0x60 ss:$0x1] =	vst.idx.msk $0xffff, v4;
	(pc) =	sbr.rel @p1 .LBB1_6-.Ltmp4, $4  }
0x53: {  	v3 =	vld.idx.msk [tilespmem:v0+s21+$0x50 ss:$0x1], $0xffff;
	[tilespmem:v0+s20+$0x0 ss:$0x1] =	vst.idx.msk $0xffff, v5;
	s20 =	sadd.s32 $0x100, s20  }
0x54: {  	v4 =	vld.idx.msk [tilespmem:v0+s21+$0x60 ss:$0x1], $0xffff;
	[tilespmem:v0+s20+$0x70 ss:$0x1] =	vst.idx.msk $0xffff, v6  }
0x55: {  	v5 =	vld.idx.msk [tilespmem:v0+s21+$0x0 ss:$0x1], $0xffff;
	[tilespmem:v0+s20+$0x10 ss:$0x1] =	vst.idx.msk $0xffff, v7;
	s21 =	sadd.s32 $0x80, s21  }
0x56: {  	s22 =	sadd.s32 $0xFFFFFFFF, s22;
	v6 =	vld.idx.msk [tilespmem:v0+s21+$0x70 ss:$0x1], $0xffff;
	[tilespmem:v0+s20+$0x20 ss:$0x1] =	vst.idx.msk $0xffff, v8  }
0x57: {  	_ =	sdelay $0x3  }
0x58: {  	[tilespmem:v0+s20+$0x30 ss:$0x1] =	vst.idx.msk $0xffff, v1  }
0x59: {  	v1 =	vld.idx.msk [tilespmem:v0+s21+$0x10 ss:$0x1], $0xffff;
	[tilespmem:v0+s20+$0x40 ss:$0x1] =	vst.idx.msk $0xffff, v2  }
0x5a: {  	v2 =	vld.idx.msk [tilespmem:v0+s21+$0x20 ss:$0x1], $0xffff;
	[tilespmem:v0+s20+$0x50 ss:$0x1] =	vst.idx.msk $0xffff, v3  }
0x5b: {  	v61 =	vld.idx.msk [tilespmem:v0+s21+$0x40 ss:$0x1], $0xffff;
	[tilespmem:v0+s20+$0x60 ss:$0x1] =	vst.idx.msk $0xffff, v4  }
0x5c: {  	s31 =	sadd.s32 $0x100, s20;
	v62 =	vld.idx.msk [tilespmem:v0+s21+$0x50 ss:$0x1], $0xffff;
	[tilespmem:v0+s20+$0x0 ss:$0x1] =	vst.idx.msk $0xffff, v5  }
0x5d: {  	v63 =	vld.idx.msk [tilespmem:v0+s21+$0x60 ss:$0x1], $0xffff;
	[tilespmem:v0+s31+$0x70 ss:$0x1] =	vst.idx.msk $0xffff, v6  }
0x5e: {  	v3 =	vld.idx.msk [tilespmem:v0+s21+$0x30 ss:$0x1], $0xffff;
	[tilespmem:v0+s31+$0x10 ss:$0x1] =	vst.idx.msk $0xffff, v1  }
0x5f: {  	v1 =	vld.idx.msk [tilespmem:v0+s21+$0x0 ss:$0x1], $0xffff;
	[tilespmem:v0+s31+$0x20 ss:$0x1] =	vst.idx.msk $0xffff, v2  }
.Ltmp5:
0x60: {  	[tilespmem:v0+s31+$0x40 ss:$0x1] =	vst.idx.msk $0xffff, v61;
	(pc) =	sbr.rel @p0 .LBB1_5-.Ltmp5, $4  }
0x61: {  	[tilespmem:v0+s31+$0x50 ss:$0x1] =	vst.idx.msk $0xffff, v62  }
0x62: {  	[tilespmem:v0+s31+$0x60 ss:$0x1] =	vst.idx.msk $0xffff, v63  }
0x63: {  	[tilespmem:v0+s31+$0x30 ss:$0x1] =	vst.idx.msk $0xffff, v3  }
0x64: {  	p1 =	por $0x0, $0x0;
	s20 =	simm.s32 $0x1;
	[tilespmem:v0+s31+$0x0 ss:$0x1] =	vst.idx.msk $0xffff, v1  }
0x65: {  	s19 =	sadd.s32 $0x1, s19  }
0x66: {  	p0 =	sne.s32 s19, s15  }
.Ltmp6:
0x67: {  	_ = 	snop;
	(pc) =	sbr.rel @p0 .LBB1_4-.Ltmp6, $4  }
.Ltmp7:
0x68: {  	_ = 	snop;
	(pc) =	sbr.rel @!p0 .LBB1_9-.Ltmp7, $4  }
0x69: {  	_ = 	snop  }
0x6a: {  	_ = 	snop  }
0x6b: {  	s18 =	sadd.s32 $0x2000, s18  }
0x6c: {  	_ = 	snop  }
.LBB1_11:
0x6d: {  	_ =	sfence.sel $0x180000  }
0x6e: {  	s2 =	simm.s32 $0x1;
	[bflag:$0x0] =	sbarrier.arrive $0xFFFF  }
0x6f: {  	s31 =	simm.s32 $0x2;
	[sflag:s2] =	ssyncpa.u1 $0x1  }
0x70: {  	[sflag:s31] =	ssyncpa.u1 $0x1  }
0x71: {  	p0 =	sne.s32 s1, $0x0;
	_ =	strace $0x90000047  }
0x72: {  	s0 =	sadd.s32 @!p0 $0x100000, s0;
	[bflag:$0x2] =	sbarrier.arrive $0xFFFF  }
0x73: {  	[sflag:s0] =	ssyncadd.tile.s32 @!p0 $0x1;
	_ =	shalt  }
.Lfunc_end1:
_tile_overlayer_lowered:
.L_overlay_start_2:
0x74: {  	(tag) =	ssettag $0x2  }
0x75: {  	s0 =	rddreg [dreg:$0x0];
	s2 =	stileid.u32  }
0x76: {  	s1 =	rddreg [dreg:$0x1];
	p0 =	sne.s32 s2, $0x0  }
0x77: {  	s3 =	rddreg [dreg:$0x2];
	[bflag:$0x3] =	sbarrier.arrive $0xFFFF;
	s2 =	simm.s32 @!p0 $0x1C01  }
0x78: {  	[timem:s3], [sflag:s2] =	dma.local @!p0 [hbm:s0], s1  }
0x79: {  	s0 =	simm.s32 @!p0 $0x1  }
0x7a: {  	_ =	swait.ge @!p0 [sflag:s0], s1  }
0x7b: {  	s1 =	ssub.s32 @!p0 $0x0, s1;
	[sflag:s0] =	ssyncset.done @!p0 $0x0  }
0x7c: {  	[sflag:s0] =	ssyncadd.s32 @!p0 s1  }
0x7d: {  	[bflag:$0x3] =	sbarrier.arrive $0xFFFF  }
0x7e: {  	_ =	shalt  }

</sc_bundles>
